<compile_context>
chip_gen: v7x
topology: tpu7x:2x2x1
jax: 0.10.2.dev20260603
libtpu: 0.0.44.dev20260713+nightly
codegen_flags: <defaults>
</compile_context>

<pallas_src>
import functools

import jax
import jax.numpy as jnp
from jax import lax
from jax.experimental import pallas as pl
from jax.experimental.pallas import tpu as pltpu
from jax.experimental.pallas import tpu_sc as plsc

DIM = 32
LANES = 16
NUM_WORKERS = 32
IDX_ROW = 128
CHUNK_IROWS = 4
CHUNK = IDX_ROW * CHUNK_IROWS
GROUPS = CHUNK // LANES
EPS = 1e-12


def _rsqrt(x):
    bits = lax.bitcast_convert_type(x, jnp.int32)
    y = lax.bitcast_convert_type(0x5F3759DF - (bits >> 1), jnp.float32)
    for _ in range(2):
        y = y * (1.5 - 0.5 * x * y * y)
    return y


def _splat(vec, lane):
    idx = jnp.full((LANES, 1), lane, jnp.int32)
    return lax.gather(
        vec, idx,
        dimension_numbers=lax.GatherDimensionNumbers(
            offset_dims=(), collapsed_slice_dims=(0,), start_index_map=(0,)),
        slice_sizes=(1,),
        mode=lax.GatherScatterMode.PROMISE_IN_BOUNDS)


def _sc_body(seq_hbm, table_hbm, gamma_hbm, beta_hbm, out_hbm,
             idx_v, rows_v, out_v, gb_v, gsem0, gsem1, osem0, osem1):
    cid = lax.axis_index("c")
    sid = lax.axis_index("s")
    wid = sid * 2 + cid
    gsems = (gsem0, gsem1)
    osems = (osem0, osem1)

    iota = lax.iota(jnp.int32, LANES)

    pltpu.sync_copy(gamma_hbm, gb_v.at[0])
    pltpu.sync_copy(beta_hbm, gb_v.at[1])
    g0 = gb_v[0, pl.ds(0, LANES)]
    g1 = gb_v[0, pl.ds(LANES, LANES)]
    b0 = gb_v[1, pl.ds(0, LANES)]
    b1 = gb_v[1, pl.ds(LANES, LANES)]

    total_irows = seq_hbm.shape[0]
    irows_per_worker = total_irows // NUM_WORKERS
    n_chunks = irows_per_worker // CHUNK_IROWS
    irow_base = wid * irows_per_worker

    def fire_chunk(ch, b):
        irow0 = irow_base + ch * CHUNK_IROWS
        pltpu.sync_copy(seq_hbm.at[pl.ds(irow0, CHUNK_IROWS)], idx_v.at[b])
        for j in range(CHUNK_IROWS):
            pltpu.async_copy(
                table_hbm.at[idx_v.at[b, j]],
                rows_v.at[b, pl.ds(j * IDX_ROW, IDX_ROW)],
                gsems[b])

    def wait_gathers(b):
        pltpu.make_async_copy(table_hbm.at[pl.ds(0, CHUNK)],
                              rows_v.at[b], gsems[b]).wait()

    def fire_out(ch, b):
        irow0 = irow_base + ch * CHUNK_IROWS
        pltpu.async_copy(out_v.at[b],
                         out_hbm.at[pl.ds(irow0 * IDX_ROW, CHUNK)],
                         osems[b])

    def wait_out(b):
        pltpu.make_async_copy(out_v.at[b],
                              out_hbm.at[pl.ds(0, CHUNK)], osems[b]).wait()

    def compute(b):
        def group_body(g):
            row0 = g * LANES
            row_idx = row0 + iota
            s = jnp.zeros((LANES,), jnp.float32)
            q = jnp.zeros((LANES,), jnp.float32)
            for d in range(DIM):
                xd = plsc.load_gather(rows_v.at[b],
                                      [row_idx,
                                       jnp.full((LANES,), d, jnp.int32)])
                s = s + xd
                q = q + xd * xd
            mean = s * (1.0 / DIM)
            var = q * (1.0 / DIM) - mean * mean
            a = _rsqrt(jnp.maximum(var, 0.0) + EPS)
            ma = mean * a
            for r0 in range(0, LANES, 8):
                rows = [row0 + r0 + k for k in range(8)]
                vs = []
                for k in range(8):
                    vs.append(rows_v[b, rows[k], pl.ds(0, LANES)])
                    vs.append(rows_v[b, rows[k], pl.ds(LANES, LANES)])
                ys = []
                for k in range(8):
                    ar = _splat(a, r0 + k)
                    mar = _splat(ma, r0 + k)
                    ys.append((vs[2 * k] * ar - mar) * g0 + b0)
                    ys.append((vs[2 * k + 1] * ar - mar) * g1 + b1)
                es = [jnp.exp(y) for y in ys]
                ys = [jnp.where(y > 0.0, y, e - 1.0)
                      for y, e in zip(ys, es)]
                for k in range(8):
                    out_v[b, rows[k], pl.ds(0, LANES)] = ys[2 * k]
                    out_v[b, rows[k], pl.ds(LANES, LANES)] = ys[2 * k + 1]

        plsc.parallel_loop(0, GROUPS, 1, unroll=2)(group_body)

    fire_chunk(0, 0)
    fire_chunk(1, 1)

    def outer(i, carry):
        for b in range(2):
            ch = 2 * i + b

            @pl.when(i >= 1)
            def _wait_prev_out():
                wait_out(b)

            wait_gathers(b)
            compute(b)
            fire_out(ch, b)

            @pl.when(i < (n_chunks // 2) - 1)
            def _prefetch():
                fire_chunk(ch + 2, b)
        return carry

    lax.fori_loop(0, n_chunks // 2, outer, 0)
    wait_out(0)
    wait_out(1)


def _make_sc_call(n_rows):
    return functools.partial(
        pl.kernel,
        out_type=jax.ShapeDtypeStruct((n_rows, DIM), jnp.float32),
        mesh=plsc.VectorSubcoreMesh(core_axis_name="c", subcore_axis_name="s"),
        compiler_params=pltpu.CompilerParams(needs_layout_passes=False,
                                             use_tc_tiling_on_sc=False),
        scratch_types=[
            pltpu.VMEM((2, CHUNK_IROWS, IDX_ROW), jnp.int32),
            pltpu.VMEM((2, CHUNK, DIM), jnp.float32),
            pltpu.VMEM((2, CHUNK, DIM), jnp.float32),
            pltpu.VMEM((2, DIM), jnp.float32),
            pltpu.SemaphoreType.DMA,
            pltpu.SemaphoreType.DMA,
            pltpu.SemaphoreType.DMA,
            pltpu.SemaphoreType.DMA,
        ],
    )(_sc_body)


@jax.jit
def kernel(seq, table, gamma, beta):
    bsz, seqlen = seq.shape
    n_rows = bsz * seqlen
    seq2d = seq.reshape(n_rows // IDX_ROW, IDX_ROW).astype(jnp.int32)
    out = _make_sc_call(n_rows)(seq2d, table, gamma, beta)
    return out.reshape(bsz, seqlen, DIM)

# --- scband reference (transcript-rebuilt; emitter-appended) ---
"""Pipeline reference for scband-simple-embedding-6073083757089 (READ-ONLY COPY).

The authoritative reference and input builder live on the scoring server;
editing this copy changes nothing except your own understanding.
"""

import jax, jax.numpy as jnp
import numpy as np

VOCAB = 1000000
DIM = 32
B = 4096
L = 200
EPS = 1e-12


def setup_inputs(seed: int = 0) -> dict:
    key = jax.random.key(seed)
    k1, k2 = jax.random.split(key, 2)
    seq = jax.random.randint(k1, (B, L), 0, VOCAB, dtype=jnp.int64 if jax.config.jax_enable_x64 else jnp.int32)
    table = jax.random.normal(k2, (VOCAB, DIM), dtype=jnp.float32) * 0.02
    # padding_idx=0: torch zeros out that row
    table = table.at[0].set(0.0)
    gamma = jnp.ones((DIM,), dtype=jnp.float32)
    beta = jnp.zeros((DIM,), dtype=jnp.float32)
    return {"seq": seq, "table": table, "gamma": gamma, "beta": beta}


def reference(seq, table, gamma, beta):
    # embedding lookup (gather)
    emb = jnp.take(table, seq, axis=0)
    # LayerNorm over last dim, eps=1e-12
    mean = jnp.mean(emb, axis=-1, keepdims=True)
    var = jnp.var(emb, axis=-1, keepdims=True)
    normed = (emb - mean) / jnp.sqrt(var + EPS) * gamma + beta
    # dropout in eval mode: identity (dropout p=0.0)
    # ELU activation (alpha=1.0)
    out = jax.nn.elu(normed)
    return out

if __name__ == "__main__":
    import jax
    _d = setup_inputs()
    print(jax.jit(kernel)(*tuple(_d.values())))

</pallas_src>

<mosaic_0001>
#map = affine_map<(d0, d1) -> (0, 0)>
#map1 = affine_map<(d0, d1) -> (0)>
module attributes {stable_mosaic.version = 14 : i64} {
  func.func @_sc_body(%arg0: i32, %arg1: i32, %arg2: memref<6400x128xi32, #tpu.memory_space<hbm>>, %arg3: memref<1000000x32xf32, #tpu.memory_space<hbm>>, %arg4: memref<32xf32, #tpu.memory_space<hbm>>, %arg5: memref<32xf32, #tpu.memory_space<hbm>>, %arg6: memref<819200x32xf32, #tpu.memory_space<hbm>>, %arg7: memref<2x4x128xi32, #tpu.memory_space<vmem>>, %arg8: memref<2x512x32xf32, #tpu.memory_space<vmem>>, %arg9: memref<2x512x32xf32, #tpu.memory_space<vmem>>, %arg10: memref<2x32xf32, #tpu.memory_space<vmem>>, %arg11: memref<!tpu.dma_semaphore, #tpu.memory_space<semaphore_mem>>, %arg12: memref<!tpu.dma_semaphore, #tpu.memory_space<semaphore_mem>>, %arg13: memref<!tpu.dma_semaphore, #tpu.memory_space<semaphore_mem>>, %arg14: memref<!tpu.dma_semaphore, #tpu.memory_space<semaphore_mem>>) attributes {dimension_semantics = [#tpu.dimension_semantics<core_parallel>, #tpu.dimension_semantics<subcore_parallel>], iteration_bounds = array<i64: 2, 16>, scalar_prefetch = 0 : i64, scratch_operands = 8 : i64, tpu.core_type = #tpu.core_type<sc_vector_subcore>, window_params = [{transform_indices = #map}, {transform_indices = #map}, {transform_indices = #map1}, {transform_indices = #map1}, {transform_indices = #map}]} {
    %mul3A = arith.constant 2 : i32
    %mul3A_0 = arith.muli %arg1, %mul3A : i32
    %add3A = arith.addi %mul3A_0, %arg0 : i32
    %iota3A = tpu.iota {dimensions = array<i32: 0>} : vector<16xi32>
    %run_scoped3A = arith.constant 0 : i32
    "tpu.region"() ({
      %run_scoped3A_162 = tpu.sem_alloc : memref<!tpu.dma_semaphore, #tpu.memory_space<semaphore_mem>>
      %dma_start3A_163 = arith.constant 0 : i32
      %dma_start3A_164 = tpu.memref_slice %arg10[%run_scoped3A, %dma_start3A_163] : memref<2x32xf32, #tpu.memory_space<vmem>> -> memref<1x32xf32, #tpu.memory_space<vmem>>
      %dma_start3A_165 = tpu.memref_squeeze %dma_start3A_164 : memref<1x32xf32, #tpu.memory_space<vmem>> -> memref<32xf32, #tpu.memory_space<vmem>>
      %dma_start3A_166 = arith.constant 0 : i32
      %dma_start3A_167 = tpu.memref_slice %arg10[%run_scoped3A, %dma_start3A_166] : memref<2x32xf32, #tpu.memory_space<vmem>> -> memref<1x32xf32, #tpu.memory_space<vmem>>
      %dma_start3A_168 = tpu.memref_squeeze %dma_start3A_167 : memref<1x32xf32, #tpu.memory_space<vmem>> -> memref<32xf32, #tpu.memory_space<vmem>>
      tpu.enqueue_dma source(%arg4 : memref<32xf32, #tpu.memory_space<hbm>>) target(%dma_start3A_168 : memref<32xf32, #tpu.memory_space<vmem>>) target_semaphore(%run_scoped3A_162 : memref<!tpu.dma_semaphore, #tpu.memory_space<semaphore_mem>>)
      %dma_wait3A_169 = arith.constant 0 : i32
      %dma_wait3A_170 = tpu.memref_slice %arg10[%run_scoped3A, %dma_wait3A_169] : memref<2x32xf32, #tpu.memory_space<vmem>> -> memref<1x32xf32, #tpu.memory_space<vmem>>
      %dma_wait3A_171 = tpu.memref_squeeze %dma_wait3A_170 : memref<1x32xf32, #tpu.memory_space<vmem>> -> memref<32xf32, #tpu.memory_space<vmem>>
      %dma_wait3A_172 = arith.constant 0 : i32
      %dma_wait3A_173 = tpu.memref_slice %arg10[%run_scoped3A, %dma_wait3A_172] : memref<2x32xf32, #tpu.memory_space<vmem>> -> memref<1x32xf32, #tpu.memory_space<vmem>>
      %dma_wait3A_174 = tpu.memref_squeeze %dma_wait3A_173 : memref<1x32xf32, #tpu.memory_space<vmem>> -> memref<32xf32, #tpu.memory_space<vmem>>
      tpu.wait_dma2 semaphore(%run_scoped3A_162 : memref<!tpu.dma_semaphore, #tpu.memory_space<semaphore_mem>>) src(%arg4 : memref<32xf32, #tpu.memory_space<hbm>>) dst(%dma_wait3A_174 : memref<32xf32, #tpu.memory_space<vmem>>)
      tpu.yield
    }) : () -> ()
    %run_scoped3A_1 = arith.constant 1 : i32
    "tpu.region"() ({
      %run_scoped3A_162 = tpu.sem_alloc : memref<!tpu.dma_semaphore, #tpu.memory_space<semaphore_mem>>
      %dma_start3A_163 = arith.constant 0 : i32
      %dma_start3A_164 = tpu.memref_slice %arg10[%run_scoped3A_1, %dma_start3A_163] : memref<2x32xf32, #tpu.memory_space<vmem>> -> memref<1x32xf32, #tpu.memory_space<vmem>>
      %dma_start3A_165 = tpu.memref_squeeze %dma_start3A_164 : memref<1x32xf32, #tpu.memory_space<vmem>> -> memref<32xf32, #tpu.memory_space<vmem>>
      %dma_start3A_166 = arith.constant 0 : i32
      %dma_start3A_167 = tpu.memref_slice %arg10[%run_scoped3A_1, %dma_start3A_166] : memref<2x32xf32, #tpu.memory_space<vmem>> -> memref<1x32xf32, #tpu.memory_space<vmem>>
      %dma_start3A_168 = tpu.memref_squeeze %dma_start3A_167 : memref<1x32xf32, #tpu.memory_space<vmem>> -> memref<32xf32, #tpu.memory_space<vmem>>
      tpu.enqueue_dma source(%arg5 : memref<32xf32, #tpu.memory_space<hbm>>) target(%dma_start3A_168 : memref<32xf32, #tpu.memory_space<vmem>>) target_semaphore(%run_scoped3A_162 : memref<!tpu.dma_semaphore, #tpu.memory_space<semaphore_mem>>)
      %dma_wait3A_169 = arith.constant 0 : i32
      %dma_wait3A_170 = tpu.memref_slice %arg10[%run_scoped3A_1, %dma_wait3A_169] : memref<2x32xf32, #tpu.memory_space<vmem>> -> memref<1x32xf32, #tpu.memory_space<vmem>>
      %dma_wait3A_171 = tpu.memref_squeeze %dma_wait3A_170 : memref<1x32xf32, #tpu.memory_space<vmem>> -> memref<32xf32, #tpu.memory_space<vmem>>
      %dma_wait3A_172 = arith.constant 0 : i32
      %dma_wait3A_173 = tpu.memref_slice %arg10[%run_scoped3A_1, %dma_wait3A_172] : memref<2x32xf32, #tpu.memory_space<vmem>> -> memref<1x32xf32, #tpu.memory_space<vmem>>
      %dma_wait3A_174 = tpu.memref_squeeze %dma_wait3A_173 : memref<1x32xf32, #tpu.memory_space<vmem>> -> memref<32xf32, #tpu.memory_space<vmem>>
      tpu.wait_dma2 semaphore(%run_scoped3A_162 : memref<!tpu.dma_semaphore, #tpu.memory_space<semaphore_mem>>) src(%arg5 : memref<32xf32, #tpu.memory_space<hbm>>) dst(%dma_wait3A_174 : memref<32xf32, #tpu.memory_space<vmem>>)
      tpu.yield
    }) : () -> ()
    %get3A = arith.constant 0 : i32
    %get3A_2 = arith.index_cast %get3A : i32 to index
    %get3A_3 = arith.constant 0 : index
    %get3A_4 = tpu.vector_load %arg10[%get3A_2, %get3A_3] {strides = array<i32>} : memref<2x32xf32, #tpu.memory_space<vmem>>, vector<16xf32>,
    %get3A_5 = arith.constant 0 : i32
    %get3A_6 = arith.index_cast %get3A_5 : i32 to index
    %get3A_7 = arith.constant 16 : index
    %get3A_8 = tpu.vector_load %arg10[%get3A_6, %get3A_7] {strides = array<i32>} : memref<2x32xf32, #tpu.memory_space<vmem>>, vector<16xf32>,
    %get3A_9 = arith.constant 1 : i32
    %get3A_10 = arith.index_cast %get3A_9 : i32 to index
    %get3A_11 = arith.constant 0 : index
    %get3A_12 = tpu.vector_load %arg10[%get3A_10, %get3A_11] {strides = array<i32>} : memref<2x32xf32, #tpu.memory_space<vmem>>, vector<16xf32>,
    %get3A_13 = arith.constant 1 : i32
    %get3A_14 = arith.index_cast %get3A_13 : i32 to index
    %get3A_15 = arith.constant 16 : index
    %get3A_16 = tpu.vector_load %arg10[%get3A_14, %get3A_15] {strides = array<i32>} : memref<2x32xf32, #tpu.memory_space<vmem>>, vector<16xf32>,
    %mul3A_17 = arith.constant 200 : i32
    %mul3A_18 = arith.muli %add3A, %mul3A_17 : i32
    %add3A_19 = arith.constant 0 : i32
    %add3A_20 = arith.addi %mul3A_18, %add3A_19 : i32
    %run_scoped3A_21 = arith.constant 0 : i32
    "tpu.region"() ({
      %run_scoped3A_162 = tpu.sem_alloc : memref<!tpu.dma_semaphore, #tpu.memory_space<semaphore_mem>>
      %dma_start3A_163 = arith.constant 0 : i32
      %dma_start3A_164 = arith.constant 0 : i32
      %dma_start3A_165 = tpu.memref_slice %arg7[%run_scoped3A_21, %dma_start3A_163, %dma_start3A_164] : memref<2x4x128xi32, #tpu.memory_space<vmem>> -> memref<1x4x128xi32, #tpu.memory_space<vmem>>
      %dma_start3A_166 = tpu.memref_squeeze %dma_start3A_165 : memref<1x4x128xi32, #tpu.memory_space<vmem>> -> memref<4x128xi32, #tpu.memory_space<vmem>>
      %dma_start3A_167 = arith.constant 0 : i32
      %dma_start3A_168 = tpu.memref_slice %arg2[%add3A_20, %dma_start3A_167] : memref<6400x128xi32, #tpu.memory_space<hbm>> -> memref<4x128xi32, #tpu.memory_space<hbm>>
      %dma_start3A_169 = arith.constant 0 : i32
      %dma_start3A_170 = arith.constant 0 : i32
      %dma_start3A_171 = tpu.memref_slice %arg7[%run_scoped3A_21, %dma_start3A_169, %dma_start3A_170] : memref<2x4x128xi32, #tpu.memory_space<vmem>> -> memref<1x4x128xi32, #tpu.memory_space<vmem>>
      %dma_start3A_172 = tpu.memref_squeeze %dma_start3A_171 : memref<1x4x128xi32, #tpu.memory_space<vmem>> -> memref<4x128xi32, #tpu.memory_space<vmem>>
      %dma_start3A_173 = arith.constant 0 : i32
      %dma_start3A_174 = tpu.memref_slice %arg2[%add3A_20, %dma_start3A_173] : memref<6400x128xi32, #tpu.memory_space<hbm>> -> memref<4x128xi32, #tpu.memory_space<hbm>>
      tpu.enqueue_dma source(%dma_start3A_174 : memref<4x128xi32, #tpu.memory_space<hbm>>) target(%dma_start3A_172 : memref<4x128xi32, #tpu.memory_space<vmem>>) target_semaphore(%run_scoped3A_162 : memref<!tpu.dma_semaphore, #tpu.memory_space<semaphore_mem>>)
      %dma_wait3A_175 = arith.constant 0 : i32
      %dma_wait3A_176 = arith.constant 0 : i32
      %dma_wait3A_177 = tpu.memref_slice %arg7[%run_scoped3A_21, %dma_wait3A_175, %dma_wait3A_176] : memref<2x4x128xi32, #tpu.memory_space<vmem>> -> memref<1x4x128xi32, #tpu.memory_space<vmem>>
      %dma_wait3A_178 = tpu.memref_squeeze %dma_wait3A_177 : memref<1x4x128xi32, #tpu.memory_space<vmem>> -> memref<4x128xi32, #tpu.memory_space<vmem>>
      %dma_wait3A_179 = arith.constant 0 : i32
      %dma_wait3A_180 = tpu.memref_slice %arg2[%add3A_20, %dma_wait3A_179] : memref<6400x128xi32, #tpu.memory_space<hbm>> -> memref<4x128xi32, #tpu.memory_space<hbm>>
      %dma_wait3A_181 = arith.constant 0 : i32
      %dma_wait3A_182 = arith.constant 0 : i32
      %dma_wait3A_183 = tpu.memref_slice %arg7[%run_scoped3A_21, %dma_wait3A_181, %dma_wait3A_182] : memref<2x4x128xi32, #tpu.memory_space<vmem>> -> memref<1x4x128xi32, #tpu.memory_space<vmem>>
      %dma_wait3A_184 = tpu.memref_squeeze %dma_wait3A_183 : memref<1x4x128xi32, #tpu.memory_space<vmem>> -> memref<4x128xi32, #tpu.memory_space<vmem>>
      %dma_wait3A_185 = arith.constant 0 : i32
      %dma_wait3A_186 = tpu.memref_slice %arg2[%add3A_20, %dma_wait3A_185] : memref<6400x128xi32, #tpu.memory_space<hbm>> -> memref<4x128xi32, #tpu.memory_space<hbm>>
      tpu.wait_dma2 semaphore(%run_scoped3A_162 : memref<!tpu.dma_semaphore, #tpu.memory_space<semaphore_mem>>) src(%dma_wait3A_186 : memref<4x128xi32, #tpu.memory_space<hbm>>) dst(%dma_wait3A_184 : memref<4x128xi32, #tpu.memory_space<vmem>>)
      tpu.yield
    }) : () -> ()
    %dma_start3A = arith.constant 0 : i32
    %dma_start3A_22 = arith.constant 0 : i32
    %dma_start3A_23 = arith.constant 0 : i32
    %dma_start3A_24 = arith.constant 0 : i32
    %dma_start3A_25 = arith.constant 0 : i32
    %dma_start3A_26 = tpu.memref_slice %arg8[%dma_start3A_23, %dma_start3A_24, %dma_start3A_25] : memref<2x512x32xf32, #tpu.memory_space<vmem>> -> memref<1x128x32xf32, #tpu.memory_space<vmem>>
    %dma_start3A_27 = tpu.memref_squeeze %dma_start3A_26 : memref<1x128x32xf32, #tpu.memory_space<vmem>> -> memref<128x32xf32, #tpu.memory_space<vmem>>
    %dma_start3A_28 = arith.constant 0 : i32
    %dma_start3A_29 = tpu.memref_slice %arg7[%dma_start3A, %dma_start3A_22, %dma_start3A_28] : memref<2x4x128xi32, #tpu.memory_space<vmem>> -> memref<1x1x128xi32, #tpu.memory_space<vmem>>
    %dma_start3A_30 = tpu.memref_squeeze %dma_start3A_29 : memref<1x1x128xi32, #tpu.memory_space<vmem>> -> memref<128xi32, #tpu.memory_space<vmem>>
    %dma_start3A_31 = arith.constant 0 : i32
    %dma_start3A_32 = arith.constant 0 : i32
    %dma_start3A_33 = tpu.memref_slice %arg3[%dma_start3A_31, %dma_start3A_32] : memref<1000000x32xf32, #tpu.memory_space<hbm>> -> memref<1000000x32xf32, #tpu.memory_space<hbm>>
    tpu.enqueue_indirect_dma source(%dma_start3A_33 : memref<1000000x32xf32, #tpu.memory_space<hbm>>) target(%dma_start3A_27 : memref<128x32xf32, #tpu.memory_space<vmem>>) offsets(%dma_start3A_30 : memref<128xi32, #tpu.memory_space<vmem>>) semaphore(%arg11 : memref<!tpu.dma_semaphore, #tpu.memory_space<semaphore_mem>>)
    %dma_start3A_34 = arith.constant 0 : i32
    %dma_start3A_35 = arith.constant 1 : i32
    %dma_start3A_36 = arith.constant 0 : i32
    %dma_start3A_37 = arith.constant 128 : i32
    %dma_start3A_38 = arith.constant 0 : i32
    %dma_start3A_39 = tpu.memref_slice %arg8[%dma_start3A_36, %dma_start3A_37, %dma_start3A_38] : memref<2x512x32xf32, #tpu.memory_space<vmem>> -> memref<1x128x32xf32, #tpu.memory_space<vmem>>
    %dma_start3A_40 = tpu.memref_squeeze %dma_start3A_39 : memref<1x128x32xf32, #tpu.memory_space<vmem>> -> memref<128x32xf32, #tpu.memory_space<vmem>>
    %dma_start3A_41 = arith.constant 0 : i32
    %dma_start3A_42 = tpu.memref_slice %arg7[%dma_start3A_34, %dma_start3A_35, %dma_start3A_41] : memref<2x4x128xi32, #tpu.memory_space<vmem>> -> memref<1x1x128xi32, #tpu.memory_space<vmem>>
    %dma_start3A_43 = tpu.memref_squeeze %dma_start3A_42 : memref<1x1x128xi32, #tpu.memory_space<vmem>> -> memref<128xi32, #tpu.memory_space<vmem>>
    %dma_start3A_44 = arith.constant 0 : i32
    %dma_start3A_45 = arith.constant 0 : i32
    %dma_start3A_46 = tpu.memref_slice %arg3[%dma_start3A_44, %dma_start3A_45] : memref<1000000x32xf32, #tpu.memory_space<hbm>> -> memref<1000000x32xf32, #tpu.memory_space<hbm>>
    tpu.enqueue_indirect_dma source(%dma_start3A_46 : memref<1000000x32xf32, #tpu.memory_space<hbm>>) target(%dma_start3A_40 : memref<128x32xf32, #tpu.memory_space<vmem>>) offsets(%dma_start3A_43 : memref<128xi32, #tpu.memory_space<vmem>>) semaphore(%arg11 : memref<!tpu.dma_semaphore, #tpu.memory_space<semaphore_mem>>)
    %dma_start3A_47 = arith.constant 0 : i32
    %dma_start3A_48 = arith.constant 2 : i32
    %dma_start3A_49 = arith.constant 0 : i32
    %dma_start3A_50 = arith.constant 256 : i32
    %dma_start3A_51 = arith.constant 0 : i32
    %dma_start3A_52 = tpu.memref_slice %arg8[%dma_start3A_49, %dma_start3A_50, %dma_start3A_51] : memref<2x512x32xf32, #tpu.memory_space<vmem>> -> memref<1x128x32xf32, #tpu.memory_space<vmem>>
    %dma_start3A_53 = tpu.memref_squeeze %dma_start3A_52 : memref<1x128x32xf32, #tpu.memory_space<vmem>> -> memref<128x32xf32, #tpu.memory_space<vmem>>
    %dma_start3A_54 = arith.constant 0 : i32
    %dma_start3A_55 = tpu.memref_slice %arg7[%dma_start3A_47, %dma_start3A_48, %dma_start3A_54] : memref<2x4x128xi32, #tpu.memory_space<vmem>> -> memref<1x1x128xi32, #tpu.memory_space<vmem>>
    %dma_start3A_56 = tpu.memref_squeeze %dma_start3A_55 : memref<1x1x128xi32, #tpu.memory_space<vmem>> -> memref<128xi32, #tpu.memory_space<vmem>>
    %dma_start3A_57 = arith.constant 0 : i32
    %dma_start3A_58 = arith.constant 0 : i32
    %dma_start3A_59 = tpu.memref_slice %arg3[%dma_start3A_57, %dma_start3A_58] : memref<1000000x32xf32, #tpu.memory_space<hbm>> -> memref<1000000x32xf32, #tpu.memory_space<hbm>>
    tpu.enqueue_indirect_dma source(%dma_start3A_59 : memref<1000000x32xf32, #tpu.memory_space<hbm>>) target(%dma_start3A_53 : memref<128x32xf32, #tpu.memory_space<vmem>>) offsets(%dma_start3A_56 : memref<128xi32, #tpu.memory_space<vmem>>) semaphore(%arg11 : memref<!tpu.dma_semaphore, #tpu.memory_space<semaphore_mem>>)
    %dma_start3A_60 = arith.constant 0 : i32
    %dma_start3A_61 = arith.constant 3 : i32
    %dma_start3A_62 = arith.constant 0 : i32
    %dma_start3A_63 = arith.constant 384 : i32
    %dma_start3A_64 = arith.constant 0 : i32
    %dma_start3A_65 = tpu.memref_slice %arg8[%dma_start3A_62, %dma_start3A_63, %dma_start3A_64] : memref<2x512x32xf32, #tpu.memory_space<vmem>> -> memref<1x128x32xf32, #tpu.memory_space<vmem>>
    %dma_start3A_66 = tpu.memref_squeeze %dma_start3A_65 : memref<1x128x32xf32, #tpu.memory_space<vmem>> -> memref<128x32xf32, #tpu.memory_space<vmem>>
    %dma_start3A_67 = arith.constant 0 : i32
    %dma_start3A_68 = tpu.memref_slice %arg7[%dma_start3A_60, %dma_start3A_61, %dma_start3A_67] : memref<2x4x128xi32, #tpu.memory_space<vmem>> -> memref<1x1x128xi32, #tpu.memory_space<vmem>>
    %dma_start3A_69 = tpu.memref_squeeze %dma_start3A_68 : memref<1x1x128xi32, #tpu.memory_space<vmem>> -> memref<128xi32, #tpu.memory_space<vmem>>
    %dma_start3A_70 = arith.constant 0 : i32
    %dma_start3A_71 = arith.constant 0 : i32
    %dma_start3A_72 = tpu.memref_slice %arg3[%dma_start3A_70, %dma_start3A_71] : memref<1000000x32xf32, #tpu.memory_space<hbm>> -> memref<1000000x32xf32, #tpu.memory_space<hbm>>
    tpu.enqueue_indirect_dma source(%dma_start3A_72 : memref<1000000x32xf32, #tpu.memory_space<hbm>>) target(%dma_start3A_66 : memref<128x32xf32, #tpu.memory_space<vmem>>) offsets(%dma_start3A_69 : memref<128xi32, #tpu.memory_space<vmem>>) semaphore(%arg11 : memref<!tpu.dma_semaphore, #tpu.memory_space<semaphore_mem>>)
    %add3A_73 = arith.constant 4 : i32
    %add3A_74 = arith.addi %mul3A_18, %add3A_73 : i32
    %run_scoped3A_75 = arith.constant 1 : i32
    "tpu.region"() ({
      %run_scoped3A_162 = tpu.sem_alloc : memref<!tpu.dma_semaphore, #tpu.memory_space<semaphore_mem>>
      %dma_start3A_163 = arith.constant 0 : i32
      %dma_start3A_164 = arith.constant 0 : i32
      %dma_start3A_165 = tpu.memref_slice %arg7[%run_scoped3A_75, %dma_start3A_163, %dma_start3A_164] : memref<2x4x128xi32, #tpu.memory_space<vmem>> -> memref<1x4x128xi32, #tpu.memory_space<vmem>>
      %dma_start3A_166 = tpu.memref_squeeze %dma_start3A_165 : memref<1x4x128xi32, #tpu.memory_space<vmem>> -> memref<4x128xi32, #tpu.memory_space<vmem>>
      %dma_start3A_167 = arith.constant 0 : i32
      %dma_start3A_168 = tpu.memref_slice %arg2[%add3A_74, %dma_start3A_167] : memref<6400x128xi32, #tpu.memory_space<hbm>> -> memref<4x128xi32, #tpu.memory_space<hbm>>
      %dma_start3A_169 = arith.constant 0 : i32
      %dma_start3A_170 = arith.constant 0 : i32
      %dma_start3A_171 = tpu.memref_slice %arg7[%run_scoped3A_75, %dma_start3A_169, %dma_start3A_170] : memref<2x4x128xi32, #tpu.memory_space<vmem>> -> memref<1x4x128xi32, #tpu.memory_space<vmem>>
      %dma_start3A_172 = tpu.memref_squeeze %dma_start3A_171 : memref<1x4x128xi32, #tpu.memory_space<vmem>> -> memref<4x128xi32, #tpu.memory_space<vmem>>
      %dma_start3A_173 = arith.constant 0 : i32
      %dma_start3A_174 = tpu.memref_slice %arg2[%add3A_74, %dma_start3A_173] : memref<6400x128xi32, #tpu.memory_space<hbm>> -> memref<4x128xi32, #tpu.memory_space<hbm>>
      tpu.enqueue_dma source(%dma_start3A_174 : memref<4x128xi32, #tpu.memory_space<hbm>>) target(%dma_start3A_172 : memref<4x128xi32, #tpu.memory_space<vmem>>) target_semaphore(%run_scoped3A_162 : memref<!tpu.dma_semaphore, #tpu.memory_space<semaphore_mem>>)
      %dma_wait3A_175 = arith.constant 0 : i32
      %dma_wait3A_176 = arith.constant 0 : i32
      %dma_wait3A_177 = tpu.memref_slice %arg7[%run_scoped3A_75, %dma_wait3A_175, %dma_wait3A_176] : memref<2x4x128xi32, #tpu.memory_space<vmem>> -> memref<1x4x128xi32, #tpu.memory_space<vmem>>
      %dma_wait3A_178 = tpu.memref_squeeze %dma_wait3A_177 : memref<1x4x128xi32, #tpu.memory_space<vmem>> -> memref<4x128xi32, #tpu.memory_space<vmem>>
      %dma_wait3A_179 = arith.constant 0 : i32
      %dma_wait3A_180 = tpu.memref_slice %arg2[%add3A_74, %dma_wait3A_179] : memref<6400x128xi32, #tpu.memory_space<hbm>> -> memref<4x128xi32, #tpu.memory_space<hbm>>
      %dma_wait3A_181 = arith.constant 0 : i32
      %dma_wait3A_182 = arith.constant 0 : i32
      %dma_wait3A_183 = tpu.memref_slice %arg7[%run_scoped3A_75, %dma_wait3A_181, %dma_wait3A_182] : memref<2x4x128xi32, #tpu.memory_space<vmem>> -> memref<1x4x128xi32, #tpu.memory_space<vmem>>
      %dma_wait3A_184 = tpu.memref_squeeze %dma_wait3A_183 : memref<1x4x128xi32, #tpu.memory_space<vmem>> -> memref<4x128xi32, #tpu.memory_space<vmem>>
      %dma_wait3A_185 = arith.constant 0 : i32
      %dma_wait3A_186 = tpu.memref_slice %arg2[%add3A_74, %dma_wait3A_185] : memref<6400x128xi32, #tpu.memory_space<hbm>> -> memref<4x128xi32, #tpu.memory_space<hbm>>
      tpu.wait_dma2 semaphore(%run_scoped3A_162 : memref<!tpu.dma_semaphore, #tpu.memory_space<semaphore_mem>>) src(%dma_wait3A_186 : memref<4x128xi32, #tpu.memory_space<hbm>>) dst(%dma_wait3A_184 : memref<4x128xi32, #tpu.memory_space<vmem>>)
      tpu.yield
    }) : () -> ()
    %dma_start3A_76 = arith.constant 1 : i32
    %dma_start3A_77 = arith.constant 0 : i32
    %dma_start3A_78 = arith.constant 1 : i32
    %dma_start3A_79 = arith.constant 0 : i32
    %dma_start3A_80 = arith.constant 0 : i32
    %dma_start3A_81 = tpu.memref_slice %arg8[%dma_start3A_78, %dma_start3A_79, %dma_start3A_80] : memref<2x512x32xf32, #tpu.memory_space<vmem>> -> memref<1x128x32xf32, #tpu.memory_space<vmem>>
    %dma_start3A_82 = tpu.memref_squeeze %dma_start3A_81 : memref<1x128x32xf32, #tpu.memory_space<vmem>> -> memref<128x32xf32, #tpu.memory_space<vmem>>
    %dma_start3A_83 = arith.constant 0 : i32
    %dma_start3A_84 = tpu.memref_slice %arg7[%dma_start3A_76, %dma_start3A_77, %dma_start3A_83] : memref<2x4x128xi32, #tpu.memory_space<vmem>> -> memref<1x1x128xi32, #tpu.memory_space<vmem>>
    %dma_start3A_85 = tpu.memref_squeeze %dma_start3A_84 : memref<1x1x128xi32, #tpu.memory_space<vmem>> -> memref<128xi32, #tpu.memory_space<vmem>>
    %dma_start3A_86 = arith.constant 0 : i32
    %dma_start3A_87 = arith.constant 0 : i32
    %dma_start3A_88 = tpu.memref_slice %arg3[%dma_start3A_86, %dma_start3A_87] : memref<1000000x32xf32, #tpu.memory_space<hbm>> -> memref<1000000x32xf32, #tpu.memory_space<hbm>>
    tpu.enqueue_indirect_dma source(%dma_start3A_88 : memref<1000000x32xf32, #tpu.memory_space<hbm>>) target(%dma_start3A_82 : memref<128x32xf32, #tpu.memory_space<vmem>>) offsets(%dma_start3A_85 : memref<128xi32, #tpu.memory_space<vmem>>) semaphore(%arg12 : memref<!tpu.dma_semaphore, #tpu.memory_space<semaphore_mem>>)
    %dma_start3A_89 = arith.constant 1 : i32
    %dma_start3A_90 = arith.constant 1 : i32
    %dma_start3A_91 = arith.constant 1 : i32
    %dma_start3A_92 = arith.constant 128 : i32
    %dma_start3A_93 = arith.constant 0 : i32
    %dma_start3A_94 = tpu.memref_slice %arg8[%dma_start3A_91, %dma_start3A_92, %dma_start3A_93] : memref<2x512x32xf32, #tpu.memory_space<vmem>> -> memref<1x128x32xf32, #tpu.memory_space<vmem>>
    %dma_start3A_95 = tpu.memref_squeeze %dma_start3A_94 : memref<1x128x32xf32, #tpu.memory_space<vmem>> -> memref<128x32xf32, #tpu.memory_space<vmem>>
    %dma_start3A_96 = arith.constant 0 : i32
    %dma_start3A_97 = tpu.memref_slice %arg7[%dma_start3A_89, %dma_start3A_90, %dma_start3A_96] : memref<2x4x128xi32, #tpu.memory_space<vmem>> -> memref<1x1x128xi32, #tpu.memory_space<vmem>>
    %dma_start3A_98 = tpu.memref_squeeze %dma_start3A_97 : memref<1x1x128xi32, #tpu.memory_space<vmem>> -> memref<128xi32, #tpu.memory_space<vmem>>
    %dma_start3A_99 = arith.constant 0 : i32
    %dma_start3A_100 = arith.constant 0 : i32
    %dma_start3A_101 = tpu.memref_slice %arg3[%dma_start3A_99, %dma_start3A_100] : memref<1000000x32xf32, #tpu.memory_space<hbm>> -> memref<1000000x32xf32, #tpu.memory_space<hbm>>
    tpu.enqueue_indirect_dma source(%dma_start3A_101 : memref<1000000x32xf32, #tpu.memory_space<hbm>>) target(%dma_start3A_95 : memref<128x32xf32, #tpu.memory_space<vmem>>) offsets(%dma_start3A_98 : memref<128xi32, #tpu.memory_space<vmem>>) semaphore(%arg12 : memref<!tpu.dma_semaphore, #tpu.memory_space<semaphore_mem>>)
    %dma_start3A_102 = arith.constant 1 : i32
    %dma_start3A_103 = arith.constant 2 : i32
    %dma_start3A_104 = arith.constant 1 : i32
    %dma_start3A_105 = arith.constant 256 : i32
    %dma_start3A_106 = arith.constant 0 : i32
    %dma_start3A_107 = tpu.memref_slice %arg8[%dma_start3A_104, %dma_start3A_105, %dma_start3A_106] : memref<2x512x32xf32, #tpu.memory_space<vmem>> -> memref<1x128x32xf32, #tpu.memory_space<vmem>>
    %dma_start3A_108 = tpu.memref_squeeze %dma_start3A_107 : memref<1x128x32xf32, #tpu.memory_space<vmem>> -> memref<128x32xf32, #tpu.memory_space<vmem>>
    %dma_start3A_109 = arith.constant 0 : i32
    %dma_start3A_110 = tpu.memref_slice %arg7[%dma_start3A_102, %dma_start3A_103, %dma_start3A_109] : memref<2x4x128xi32, #tpu.memory_space<vmem>> -> memref<1x1x128xi32, #tpu.memory_space<vmem>>
    %dma_start3A_111 = tpu.memref_squeeze %dma_start3A_110 : memref<1x1x128xi32, #tpu.memory_space<vmem>> -> memref<128xi32, #tpu.memory_space<vmem>>
    %dma_start3A_112 = arith.constant 0 : i32
    %dma_start3A_113 = arith.constant 0 : i32
    %dma_start3A_114 = tpu.memref_slice %arg3[%dma_start3A_112, %dma_start3A_113] : memref<1000000x32xf32, #tpu.memory_space<hbm>> -> memref<1000000x32xf32, #tpu.memory_space<hbm>>
    tpu.enqueue_indirect_dma source(%dma_start3A_114 : memref<1000000x32xf32, #tpu.memory_space<hbm>>) target(%dma_start3A_108 : memref<128x32xf32, #tpu.memory_space<vmem>>) offsets(%dma_start3A_111 : memref<128xi32, #tpu.memory_space<vmem>>) semaphore(%arg12 : memref<!tpu.dma_semaphore, #tpu.memory_space<semaphore_mem>>)
    %dma_start3A_115 = arith.constant 1 : i32
    %dma_start3A_116 = arith.constant 3 : i32
    %dma_start3A_117 = arith.constant 1 : i32
    %dma_start3A_118 = arith.constant 384 : i32
    %dma_start3A_119 = arith.constant 0 : i32
    %dma_start3A_120 = tpu.memref_slice %arg8[%dma_start3A_117, %dma_start3A_118, %dma_start3A_119] : memref<2x512x32xf32, #tpu.memory_space<vmem>> -> memref<1x128x32xf32, #tpu.memory_space<vmem>>
    %dma_start3A_121 = tpu.memref_squeeze %dma_start3A_120 : memref<1x128x32xf32, #tpu.memory_space<vmem>> -> memref<128x32xf32, #tpu.memory_space<vmem>>
    %dma_start3A_122 = arith.constant 0 : i32
    %dma_start3A_123 = tpu.memref_slice %arg7[%dma_start3A_115, %dma_start3A_116, %dma_start3A_122] : memref<2x4x128xi32, #tpu.memory_space<vmem>> -> memref<1x1x128xi32, #tpu.memory_space<vmem>>
    %dma_start3A_124 = tpu.memref_squeeze %dma_start3A_123 : memref<1x1x128xi32, #tpu.memory_space<vmem>> -> memref<128xi32, #tpu.memory_space<vmem>>
    %dma_start3A_125 = arith.constant 0 : i32
    %dma_start3A_126 = arith.constant 0 : i32
    %dma_start3A_127 = tpu.memref_slice %arg3[%dma_start3A_125, %dma_start3A_126] : memref<1000000x32xf32, #tpu.memory_space<hbm>> -> memref<1000000x32xf32, #tpu.memory_space<hbm>>
    tpu.enqueue_indirect_dma source(%dma_start3A_127 : memref<1000000x32xf32, #tpu.memory_space<hbm>>) target(%dma_start3A_121 : memref<128x32xf32, #tpu.memory_space<vmem>>) offsets(%dma_start3A_124 : memref<128xi32, #tpu.memory_space<vmem>>) semaphore(%arg12 : memref<!tpu.dma_semaphore, #tpu.memory_space<semaphore_mem>>)
    %scan3A = arith.constant 0 : i32
    %scan3A_128 = arith.constant 0 : i32
    %scan3A_129 = arith.constant 25 : i32
    %scan3A_130 = arith.addi %scan3A_128, %scan3A_129 : i32
    %scan3A_131 = arith.constant 1 : i32
    scf.for %scan3A_162 = %scan3A_128 to %scan3A_130 step %scan3A_131  : i32 {
      %mul3A_163 = arith.constant 2 : i32
      %mul3A_164 = arith.muli %mul3A_163, %scan3A_162 : i32
      %add3A_165 = arith.constant 0 : i32
      %add3A_166 = arith.addi %mul3A_164, %add3A_165 : i32
      %ge3A = arith.constant 1 : i32
      %ge3A_167 = arith.cmpi sge, %scan3A_162, %ge3A : i32
      %convert_element_type3A = arith.extui %ge3A_167 : i1 to i32
      %cond3A = arith.constant 0 : i32
      %cond3A_168 = arith.cmpi ne, %convert_element_type3A, %cond3A : i32
      scf.if %cond3A_168 {
        %dma_wait3A_258 = arith.constant 0 : i32
        %dma_wait3A_259 = arith.constant 0 : i32
        %dma_wait3A_260 = arith.constant 0 : i32
        %dma_wait3A_261 = tpu.memref_slice %arg9[%dma_wait3A_258, %dma_wait3A_259, %dma_wait3A_260] : memref<2x512x32xf32, #tpu.memory_space<vmem>> -> memref<1x512x32xf32, #tpu.memory_space<vmem>>
        %dma_wait3A_262 = tpu.memref_squeeze %dma_wait3A_261 : memref<1x512x32xf32, #tpu.memory_space<vmem>> -> memref<512x32xf32, #tpu.memory_space<vmem>>
        %dma_wait3A_263 = arith.constant 0 : i32
        %dma_wait3A_264 = arith.constant 0 : i32
        %dma_wait3A_265 = tpu.memref_slice %arg6[%dma_wait3A_263, %dma_wait3A_264] : memref<819200x32xf32, #tpu.memory_space<hbm>> -> memref<512x32xf32, #tpu.memory_space<hbm>>
        %dma_wait3A_266 = arith.constant 0 : i32
        %dma_wait3A_267 = arith.constant 0 : i32
        %dma_wait3A_268 = tpu.memref_slice %arg6[%dma_wait3A_266, %dma_wait3A_267] : memref<819200x32xf32, #tpu.memory_space<hbm>> -> memref<512x32xf32, #tpu.memory_space<hbm>>
        %dma_wait3A_269 = arith.constant 0 : i32
        %dma_wait3A_270 = arith.constant 0 : i32
        %dma_wait3A_271 = tpu.memref_slice %arg9[%dma_wait3A_258, %dma_wait3A_269, %dma_wait3A_270] : memref<2x512x32xf32, #tpu.memory_space<vmem>> -> memref<1x512x32xf32, #tpu.memory_space<vmem>>
        %dma_wait3A_272 = tpu.memref_squeeze %dma_wait3A_271 : memref<1x512x32xf32, #tpu.memory_space<vmem>> -> memref<512x32xf32, #tpu.memory_space<vmem>>
        tpu.wait_dma2 semaphore(%arg13 : memref<!tpu.dma_semaphore, #tpu.memory_space<semaphore_mem>>) src(%dma_wait3A_272 : memref<512x32xf32, #tpu.memory_space<vmem>>) dst(%dma_wait3A_268 : memref<512x32xf32, #tpu.memory_space<hbm>>)
      } else {
      }
      %dma_wait3A_169 = arith.constant 0 : i32
      %dma_wait3A_170 = arith.constant 0 : i32
      %dma_wait3A_171 = arith.constant 0 : i32
      %dma_wait3A_172 = tpu.memref_slice %arg8[%dma_wait3A_169, %dma_wait3A_170, %dma_wait3A_171] : memref<2x512x32xf32, #tpu.memory_space<vmem>> -> memref<1x512x32xf32, #tpu.memory_space<vmem>>
      %dma_wait3A_173 = tpu.memref_squeeze %dma_wait3A_172 : memref<1x512x32xf32, #tpu.memory_space<vmem>> -> memref<512x32xf32, #tpu.memory_space<vmem>>
      %dma_wait3A_174 = arith.constant 0 : i32
      %dma_wait3A_175 = arith.constant 0 : i32
      %dma_wait3A_176 = tpu.memref_slice %arg3[%dma_wait3A_174, %dma_wait3A_175] : memref<1000000x32xf32, #tpu.memory_space<hbm>> -> memref<512x32xf32, #tpu.memory_space<hbm>>
      %dma_wait3A_177 = arith.constant 0 : i32
      %dma_wait3A_178 = arith.constant 0 : i32
      %dma_wait3A_179 = tpu.memref_slice %arg8[%dma_wait3A_169, %dma_wait3A_177, %dma_wait3A_178] : memref<2x512x32xf32, #tpu.memory_space<vmem>> -> memref<1x512x32xf32, #tpu.memory_space<vmem>>
      %dma_wait3A_180 = tpu.memref_squeeze %dma_wait3A_179 : memref<1x512x32xf32, #tpu.memory_space<vmem>> -> memref<512x32xf32, #tpu.memory_space<vmem>>
      %dma_wait3A_181 = arith.constant 0 : i32
      %dma_wait3A_182 = arith.constant 0 : i32
      %dma_wait3A_183 = tpu.memref_slice %arg3[%dma_wait3A_181, %dma_wait3A_182] : memref<1000000x32xf32, #tpu.memory_space<hbm>> -> memref<512x32xf32, #tpu.memory_space<hbm>>
      tpu.wait_dma2 semaphore(%arg11 : memref<!tpu.dma_semaphore, #tpu.memory_space<semaphore_mem>>) src(%dma_wait3A_183 : memref<512x32xf32, #tpu.memory_space<hbm>>) dst(%dma_wait3A_180 : memref<512x32xf32, #tpu.memory_space<vmem>>)
      %parallel_loop3A = arith.constant 0 : i32
      %parallel_loop3A_184 = arith.constant 32 : i32
      %parallel_loop3A_185 = arith.constant 1 : i32
      scf.for %parallel_loop3A_258 = %parallel_loop3A to %parallel_loop3A_184 step %parallel_loop3A_185  : i32 {
        %parallel_loop3A_259 = arith.constant 16 : i32
        %parallel_loop3A_260 = arith.muli %parallel_loop3A_258, %parallel_loop3A_259 : i32
        %parallel_loop3A_261 = vector.broadcast %parallel_loop3A_260 : i32 to vector<16xi32>
        %parallel_loop3A_262 = arith.addi %parallel_loop3A_261, %iota3A : vector<16xi32>
        %parallel_loop3A_263 = arith.constant 0.000000e+00 : f32
        %parallel_loop3A_264 = vector.broadcast %parallel_loop3A_263 : f32 to vector<16xf32>
        %parallel_loop3A_265 = arith.constant 0.000000e+00 : f32
        %parallel_loop3A_266 = vector.broadcast %parallel_loop3A_265 : f32 to vector<16xf32>
        %parallel_loop3A_267 = arith.constant 0 : i32
        %parallel_loop3A_268 = vector.broadcast %parallel_loop3A_267 : i32 to vector<16xi32>
        %parallel_loop3A_269 = arith.constant 0 : i32
        %parallel_loop3A_270 = arith.constant 0 : i32
        %parallel_loop3A_271 = arith.constant 0 : i32
        %parallel_loop3A_272 = tpu.memref_slice %arg8[%parallel_loop3A_269, %parallel_loop3A_270, %parallel_loop3A_271] : memref<2x512x32xf32, #tpu.memory_space<vmem>> -> memref<1x512x32xf32, #tpu.memory_space<vmem>>
        %parallel_loop3A_273 = tpu.memref_squeeze %parallel_loop3A_272 : memref<1x512x32xf32, #tpu.memory_space<vmem>> -> memref<512x32xf32, #tpu.memory_space<vmem>>
        %parallel_loop3A_274 = tpu.vector_load_idx %parallel_loop3A_273[%parallel_loop3A_262, %parallel_loop3A_268] : memref<512x32xf32, #tpu.memory_space<vmem>>[vector<16xi32>, vector<16xi32>], vector<16xf32>,
        %parallel_loop3A_275 = arith.addf %parallel_loop3A_264, %parallel_loop3A_274 : vector<16xf32>
        %parallel_loop3A_276 = arith.mulf %parallel_loop3A_274, %parallel_loop3A_274 : vector<16xf32>
        %parallel_loop3A_277 = arith.addf %parallel_loop3A_266, %parallel_loop3A_276 : vector<16xf32>
        %parallel_loop3A_278 = arith.constant 1 : i32
        %parallel_loop3A_279 = vector.broadcast %parallel_loop3A_278 : i32 to vector<16xi32>
        %parallel_loop3A_280 = arith.constant 0 : i32
        %parallel_loop3A_281 = arith.constant 0 : i32
        %parallel_loop3A_282 = arith.constant 0 : i32
        %parallel_loop3A_283 = tpu.memref_slice %arg8[%parallel_loop3A_280, %parallel_loop3A_281, %parallel_loop3A_282] : memref<2x512x32xf32, #tpu.memory_space<vmem>> -> memref<1x512x32xf32, #tpu.memory_space<vmem>>
        %parallel_loop3A_284 = tpu.memref_squeeze %parallel_loop3A_283 : memref<1x512x32xf32, #tpu.memory_space<vmem>> -> memref<512x32xf32, #tpu.memory_space<vmem>>
        %parallel_loop3A_285 = tpu.vector_load_idx %parallel_loop3A_284[%parallel_loop3A_262, %parallel_loop3A_279] : memref<512x32xf32, #tpu.memory_space<vmem>>[vector<16xi32>, vector<16xi32>], vector<16xf32>,
        %parallel_loop3A_286 = arith.addf %parallel_loop3A_275, %parallel_loop3A_285 : vector<16xf32>
        %parallel_loop3A_287 = arith.mulf %parallel_loop3A_285, %parallel_loop3A_285 : vector<16xf32>
        %parallel_loop3A_288 = arith.addf %parallel_loop3A_277, %parallel_loop3A_287 : vector<16xf32>
        %parallel_loop3A_289 = arith.constant 2 : i32
        %parallel_loop3A_290 = vector.broadcast %parallel_loop3A_289 : i32 to vector<16xi32>
        %parallel_loop3A_291 = arith.constant 0 : i32
        %parallel_loop3A_292 = arith.constant 0 : i32
        %parallel_loop3A_293 = arith.constant 0 : i32
        %parallel_loop3A_294 = tpu.memref_slice %arg8[%parallel_loop3A_291, %parallel_loop3A_292, %parallel_loop3A_293] : memref<2x512x32xf32, #tpu.memory_space<vmem>> -> memref<1x512x32xf32, #tpu.memory_space<vmem>>
        %parallel_loop3A_295 = tpu.memref_squeeze %parallel_loop3A_294 : memref<1x512x32xf32, #tpu.memory_space<vmem>> -> memref<512x32xf32, #tpu.memory_space<vmem>>
        %parallel_loop3A_296 = tpu.vector_load_idx %parallel_loop3A_295[%parallel_loop3A_262, %parallel_loop3A_290] : memref<512x32xf32, #tpu.memory_space<vmem>>[vector<16xi32>, vector<16xi32>], vector<16xf32>,
        %parallel_loop3A_297 = arith.addf %parallel_loop3A_286, %parallel_loop3A_296 : vector<16xf32>
        %parallel_loop3A_298 = arith.mulf %parallel_loop3A_296, %parallel_loop3A_296 : vector<16xf32>
        %parallel_loop3A_299 = arith.addf %parallel_loop3A_288, %parallel_loop3A_298 : vector<16xf32>
        %parallel_loop3A_300 = arith.constant 3 : i32
        %parallel_loop3A_301 = vector.broadcast %parallel_loop3A_300 : i32 to vector<16xi32>
        %parallel_loop3A_302 = arith.constant 0 : i32
        %parallel_loop3A_303 = arith.constant 0 : i32
        %parallel_loop3A_304 = arith.constant 0 : i32
        %parallel_loop3A_305 = tpu.memref_slice %arg8[%parallel_loop3A_302, %parallel_loop3A_303, %parallel_loop3A_304] : memref<2x512x32xf32, #tpu.memory_space<vmem>> -> memref<1x512x32xf32, #tpu.memory_space<vmem>>
        %parallel_loop3A_306 = tpu.memref_squeeze %parallel_loop3A_305 : memref<1x512x32xf32, #tpu.memory_space<vmem>> -> memref<512x32xf32, #tpu.memory_space<vmem>>
        %parallel_loop3A_307 = tpu.vector_load_idx %parallel_loop3A_306[%parallel_loop3A_262, %parallel_loop3A_301] : memref<512x32xf32, #tpu.memory_space<vmem>>[vector<16xi32>, vector<16xi32>], vector<16xf32>,
        %parallel_loop3A_308 = arith.addf %parallel_loop3A_297, %parallel_loop3A_307 : vector<16xf32>
        %parallel_loop3A_309 = arith.mulf %parallel_loop3A_307, %parallel_loop3A_307 : vector<16xf32>
        %parallel_loop3A_310 = arith.addf %parallel_loop3A_299, %parallel_loop3A_309 : vector<16xf32>
        %parallel_loop3A_311 = arith.constant 4 : i32
        %parallel_loop3A_312 = vector.broadcast %parallel_loop3A_311 : i32 to vector<16xi32>
        %parallel_loop3A_313 = arith.constant 0 : i32
        %parallel_loop3A_314 = arith.constant 0 : i32
        %parallel_loop3A_315 = arith.constant 0 : i32
        %parallel_loop3A_316 = tpu.memref_slice %arg8[%parallel_loop3A_313, %parallel_loop3A_314, %parallel_loop3A_315] : memref<2x512x32xf32, #tpu.memory_space<vmem>> -> memref<1x512x32xf32, #tpu.memory_space<vmem>>
        %parallel_loop3A_317 = tpu.memref_squeeze %parallel_loop3A_316 : memref<1x512x32xf32, #tpu.memory_space<vmem>> -> memref<512x32xf32, #tpu.memory_space<vmem>>
        %parallel_loop3A_318 = tpu.vector_load_idx %parallel_loop3A_317[%parallel_loop3A_262, %parallel_loop3A_312] : memref<512x32xf32, #tpu.memory_space<vmem>>[vector<16xi32>, vector<16xi32>], vector<16xf32>,
        %parallel_loop3A_319 = arith.addf %parallel_loop3A_308, %parallel_loop3A_318 : vector<16xf32>
        %parallel_loop3A_320 = arith.mulf %parallel_loop3A_318, %parallel_loop3A_318 : vector<16xf32>
        %parallel_loop3A_321 = arith.addf %parallel_loop3A_310, %parallel_loop3A_320 : vector<16xf32>
        %parallel_loop3A_322 = arith.constant 5 : i32
        %parallel_loop3A_323 = vector.broadcast %parallel_loop3A_322 : i32 to vector<16xi32>
        %parallel_loop3A_324 = arith.constant 0 : i32
        %parallel_loop3A_325 = arith.constant 0 : i32
        %parallel_loop3A_326 = arith.constant 0 : i32
        %parallel_loop3A_327 = tpu.memref_slice %arg8[%parallel_loop3A_324, %parallel_loop3A_325, %parallel_loop3A_326] : memref<2x512x32xf32, #tpu.memory_space<vmem>> -> memref<1x512x32xf32, #tpu.memory_space<vmem>>
        %parallel_loop3A_328 = tpu.memref_squeeze %parallel_loop3A_327 : memref<1x512x32xf32, #tpu.memory_space<vmem>> -> memref<512x32xf32, #tpu.memory_space<vmem>>
        %parallel_loop3A_329 = tpu.vector_load_idx %parallel_loop3A_328[%parallel_loop3A_262, %parallel_loop3A_323] : memref<512x32xf32, #tpu.memory_space<vmem>>[vector<16xi32>, vector<16xi32>], vector<16xf32>,
        %parallel_loop3A_330 = arith.addf %parallel_loop3A_319, %parallel_loop3A_329 : vector<16xf32>
        %parallel_loop3A_331 = arith.mulf %parallel_loop3A_329, %parallel_loop3A_329 : vector<16xf32>
        %parallel_loop3A_332 = arith.addf %parallel_loop3A_321, %parallel_loop3A_331 : vector<16xf32>
        %parallel_loop3A_333 = arith.constant 6 : i32
        %parallel_loop3A_334 = vector.broadcast %parallel_loop3A_333 : i32 to vector<16xi32>
        %parallel_loop3A_335 = arith.constant 0 : i32
        %parallel_loop3A_336 = arith.constant 0 : i32
        %parallel_loop3A_337 = arith.constant 0 : i32
        %parallel_loop3A_338 = tpu.memref_slice %arg8[%parallel_loop3A_335, %parallel_loop3A_336, %parallel_loop3A_337] : memref<2x512x32xf32, #tpu.memory_space<vmem>> -> memref<1x512x32xf32, #tpu.memory_space<vmem>>
        %parallel_loop3A_339 = tpu.memref_squeeze %parallel_loop3A_338 : memref<1x512x32xf32, #tpu.memory_space<vmem>> -> memref<512x32xf32, #tpu.memory_space<vmem>>
        %parallel_loop3A_340 = tpu.vector_load_idx %parallel_loop3A_339[%parallel_loop3A_262, %parallel_loop3A_334] : memref<512x32xf32, #tpu.memory_space<vmem>>[vector<16xi32>, vector<16xi32>], vector<16xf32>,
        %parallel_loop3A_341 = arith.addf %parallel_loop3A_330, %parallel_loop3A_340 : vector<16xf32>
        %parallel_loop3A_342 = arith.mulf %parallel_loop3A_340, %parallel_loop3A_340 : vector<16xf32>
        %parallel_loop3A_343 = arith.addf %parallel_loop3A_332, %parallel_loop3A_342 : vector<16xf32>
        %parallel_loop3A_344 = arith.constant 7 : i32
        %parallel_loop3A_345 = vector.broadcast %parallel_loop3A_344 : i32 to vector<16xi32>
        %parallel_loop3A_346 = arith.constant 0 : i32
        %parallel_loop3A_347 = arith.constant 0 : i32
        %parallel_loop3A_348 = arith.constant 0 : i32
        %parallel_loop3A_349 = tpu.memref_slice %arg8[%parallel_loop3A_346, %parallel_loop3A_347, %parallel_loop3A_348] : memref<2x512x32xf32, #tpu.memory_space<vmem>> -> memref<1x512x32xf32, #tpu.memory_space<vmem>>
        %parallel_loop3A_350 = tpu.memref_squeeze %parallel_loop3A_349 : memref<1x512x32xf32, #tpu.memory_space<vmem>> -> memref<512x32xf32, #tpu.memory_space<vmem>>
        %parallel_loop3A_351 = tpu.vector_load_idx %parallel_loop3A_350[%parallel_loop3A_262, %parallel_loop3A_345] : memref<512x32xf32, #tpu.memory_space<vmem>>[vector<16xi32>, vector<16xi32>], vector<16xf32>,
        %parallel_loop3A_352 = arith.addf %parallel_loop3A_341, %parallel_loop3A_351 : vector<16xf32>
        %parallel_loop3A_353 = arith.mulf %parallel_loop3A_351, %parallel_loop3A_351 : vector<16xf32>
        %parallel_loop3A_354 = arith.addf %parallel_loop3A_343, %parallel_loop3A_353 : vector<16xf32>
        %parallel_loop3A_355 = arith.constant 8 : i32
        %parallel_loop3A_356 = vector.broadcast %parallel_loop3A_355 : i32 to vector<16xi32>
        %parallel_loop3A_357 = arith.constant 0 : i32
        %parallel_loop3A_358 = arith.constant 0 : i32
        %parallel_loop3A_359 = arith.constant 0 : i32
        %parallel_loop3A_360 = tpu.memref_slice %arg8[%parallel_loop3A_357, %parallel_loop3A_358, %parallel_loop3A_359] : memref<2x512x32xf32, #tpu.memory_space<vmem>> -> memref<1x512x32xf32, #tpu.memory_space<vmem>>
        %parallel_loop3A_361 = tpu.memref_squeeze %parallel_loop3A_360 : memref<1x512x32xf32, #tpu.memory_space<vmem>> -> memref<512x32xf32, #tpu.memory_space<vmem>>
        %parallel_loop3A_362 = tpu.vector_load_idx %parallel_loop3A_361[%parallel_loop3A_262, %parallel_loop3A_356] : memref<512x32xf32, #tpu.memory_space<vmem>>[vector<16xi32>, vector<16xi32>], vector<16xf32>,
        %parallel_loop3A_363 = arith.addf %parallel_loop3A_352, %parallel_loop3A_362 : vector<16xf32>
        %parallel_loop3A_364 = arith.mulf %parallel_loop3A_362, %parallel_loop3A_362 : vector<16xf32>
        %parallel_loop3A_365 = arith.addf %parallel_loop3A_354, %parallel_loop3A_364 : vector<16xf32>
        %parallel_loop3A_366 = arith.constant 9 : i32
        %parallel_loop3A_367 = vector.broadcast %parallel_loop3A_366 : i32 to vector<16xi32>
        %parallel_loop3A_368 = arith.constant 0 : i32
        %parallel_loop3A_369 = arith.constant 0 : i32
        %parallel_loop3A_370 = arith.constant 0 : i32
        %parallel_loop3A_371 = tpu.memref_slice %arg8[%parallel_loop3A_368, %parallel_loop3A_369, %parallel_loop3A_370] : memref<2x512x32xf32, #tpu.memory_space<vmem>> -> memref<1x512x32xf32, #tpu.memory_space<vmem>>
        %parallel_loop3A_372 = tpu.memref_squeeze %parallel_loop3A_371 : memref<1x512x32xf32, #tpu.memory_space<vmem>> -> memref<512x32xf32, #tpu.memory_space<vmem>>
        %parallel_loop3A_373 = tpu.vector_load_idx %parallel_loop3A_372[%parallel_loop3A_262, %parallel_loop3A_367] : memref<512x32xf32, #tpu.memory_space<vmem>>[vector<16xi32>, vector<16xi32>], vector<16xf32>,
        %parallel_loop3A_374 = arith.addf %parallel_loop3A_363, %parallel_loop3A_373 : vector<16xf32>
        %parallel_loop3A_375 = arith.mulf %parallel_loop3A_373, %parallel_loop3A_373 : vector<16xf32>
        %parallel_loop3A_376 = arith.addf %parallel_loop3A_365, %parallel_loop3A_375 : vector<16xf32>
        %parallel_loop3A_377 = arith.constant 10 : i32
        %parallel_loop3A_378 = vector.broadcast %parallel_loop3A_377 : i32 to vector<16xi32>
        %parallel_loop3A_379 = arith.constant 0 : i32
        %parallel_loop3A_380 = arith.constant 0 : i32
        %parallel_loop3A_381 = arith.constant 0 : i32
        %parallel_loop3A_382 = tpu.memref_slice %arg8[%parallel_loop3A_379, %parallel_loop3A_380, %parallel_loop3A_381] : memref<2x512x32xf32, #tpu.memory_space<vmem>> -> memref<1x512x32xf32, #tpu.memory_space<vmem>>
        %parallel_loop3A_383 = tpu.memref_squeeze %parallel_loop3A_382 : memref<1x512x32xf32, #tpu.memory_space<vmem>> -> memref<512x32xf32, #tpu.memory_space<vmem>>
        %parallel_loop3A_384 = tpu.vector_load_idx %parallel_loop3A_383[%parallel_loop3A_262, %parallel_loop3A_378] : memref<512x32xf32, #tpu.memory_space<vmem>>[vector<16xi32>, vector<16xi32>], vector<16xf32>,
        %parallel_loop3A_385 = arith.addf %parallel_loop3A_374, %parallel_loop3A_384 : vector<16xf32>
        %parallel_loop3A_386 = arith.mulf %parallel_loop3A_384, %parallel_loop3A_384 : vector<16xf32>
        %parallel_loop3A_387 = arith.addf %parallel_loop3A_376, %parallel_loop3A_386 : vector<16xf32>
        %parallel_loop3A_388 = arith.constant 11 : i32
        %parallel_loop3A_389 = vector.broadcast %parallel_loop3A_388 : i32 to vector<16xi32>
        %parallel_loop3A_390 = arith.constant 0 : i32
        %parallel_loop3A_391 = arith.constant 0 : i32
        %parallel_loop3A_392 = arith.constant 0 : i32
        %parallel_loop3A_393 = tpu.memref_slice %arg8[%parallel_loop3A_390, %parallel_loop3A_391, %parallel_loop3A_392] : memref<2x512x32xf32, #tpu.memory_space<vmem>> -> memref<1x512x32xf32, #tpu.memory_space<vmem>>
        %parallel_loop3A_394 = tpu.memref_squeeze %parallel_loop3A_393 : memref<1x512x32xf32, #tpu.memory_space<vmem>> -> memref<512x32xf32, #tpu.memory_space<vmem>>
        %parallel_loop3A_395 = tpu.vector_load_idx %parallel_loop3A_394[%parallel_loop3A_262, %parallel_loop3A_389] : memref<512x32xf32, #tpu.memory_space<vmem>>[vector<16xi32>, vector<16xi32>], vector<16xf32>,
        %parallel_loop3A_396 = arith.addf %parallel_loop3A_385, %parallel_loop3A_395 : vector<16xf32>
        %parallel_loop3A_397 = arith.mulf %parallel_loop3A_395, %parallel_loop3A_395 : vector<16xf32>
        %parallel_loop3A_398 = arith.addf %parallel_loop3A_387, %parallel_loop3A_397 : vector<16xf32>
        %parallel_loop3A_399 = arith.constant 12 : i32
        %parallel_loop3A_400 = vector.broadcast %parallel_loop3A_399 : i32 to vector<16xi32>
        %parallel_loop3A_401 = arith.constant 0 : i32
        %parallel_loop3A_402 = arith.constant 0 : i32
        %parallel_loop3A_403 = arith.constant 0 : i32
        %parallel_loop3A_404 = tpu.memref_slice %arg8[%parallel_loop3A_401, %parallel_loop3A_402, %parallel_loop3A_403] : memref<2x512x32xf32, #tpu.memory_space<vmem>> -> memref<1x512x32xf32, #tpu.memory_space<vmem>>
        %parallel_loop3A_405 = tpu.memref_squeeze %parallel_loop3A_404 : memref<1x512x32xf32, #tpu.memory_space<vmem>> -> memref<512x32xf32, #tpu.memory_space<vmem>>
        %parallel_loop3A_406 = tpu.vector_load_idx %parallel_loop3A_405[%parallel_loop3A_262, %parallel_loop3A_400] : memref<512x32xf32, #tpu.memory_space<vmem>>[vector<16xi32>, vector<16xi32>], vector<16xf32>,
        %parallel_loop3A_407 = arith.addf %parallel_loop3A_396, %parallel_loop3A_406 : vector<16xf32>
        %parallel_loop3A_408 = arith.mulf %parallel_loop3A_406, %parallel_loop3A_406 : vector<16xf32>
        %parallel_loop3A_409 = arith.addf %parallel_loop3A_398, %parallel_loop3A_408 : vector<16xf32>
        %parallel_loop3A_410 = arith.constant 13 : i32
        %parallel_loop3A_411 = vector.broadcast %parallel_loop3A_410 : i32 to vector<16xi32>
        %parallel_loop3A_412 = arith.constant 0 : i32
        %parallel_loop3A_413 = arith.constant 0 : i32
        %parallel_loop3A_414 = arith.constant 0 : i32
        %parallel_loop3A_415 = tpu.memref_slice %arg8[%parallel_loop3A_412, %parallel_loop3A_413, %parallel_loop3A_414] : memref<2x512x32xf32, #tpu.memory_space<vmem>> -> memref<1x512x32xf32, #tpu.memory_space<vmem>>
        %parallel_loop3A_416 = tpu.memref_squeeze %parallel_loop3A_415 : memref<1x512x32xf32, #tpu.memory_space<vmem>> -> memref<512x32xf32, #tpu.memory_space<vmem>>
        %parallel_loop3A_417 = tpu.vector_load_idx %parallel_loop3A_416[%parallel_loop3A_262, %parallel_loop3A_411] : memref<512x32xf32, #tpu.memory_space<vmem>>[vector<16xi32>, vector<16xi32>], vector<16xf32>,
        %parallel_loop3A_418 = arith.addf %parallel_loop3A_407, %parallel_loop3A_417 : vector<16xf32>
        %parallel_loop3A_419 = arith.mulf %parallel_loop3A_417, %parallel_loop3A_417 : vector<16xf32>
        %parallel_loop3A_420 = arith.addf %parallel_loop3A_409, %parallel_loop3A_419 : vector<16xf32>
        %parallel_loop3A_421 = arith.constant 14 : i32
        %parallel_loop3A_422 = vector.broadcast %parallel_loop3A_421 : i32 to vector<16xi32>
        %parallel_loop3A_423 = arith.constant 0 : i32
        %parallel_loop3A_424 = arith.constant 0 : i32
        %parallel_loop3A_425 = arith.constant 0 : i32
        %parallel_loop3A_426 = tpu.memref_slice %arg8[%parallel_loop3A_423, %parallel_loop3A_424, %parallel_loop3A_425] : memref<2x512x32xf32, #tpu.memory_space<vmem>> -> memref<1x512x32xf32, #tpu.memory_space<vmem>>
        %parallel_loop3A_427 = tpu.memref_squeeze %parallel_loop3A_426 : memref<1x512x32xf32, #tpu.memory_space<vmem>> -> memref<512x32xf32, #tpu.memory_space<vmem>>
        %parallel_loop3A_428 = tpu.vector_load_idx %parallel_loop3A_427[%parallel_loop3A_262, %parallel_loop3A_422] : memref<512x32xf32, #tpu.memory_space<vmem>>[vector<16xi32>, vector<16xi32>], vector<16xf32>,
        %parallel_loop3A_429 = arith.addf %parallel_loop3A_418, %parallel_loop3A_428 : vector<16xf32>
        %parallel_loop3A_430 = arith.mulf %parallel_loop3A_428, %parallel_loop3A_428 : vector<16xf32>
        %parallel_loop3A_431 = arith.addf %parallel_loop3A_420, %parallel_loop3A_430 : vector<16xf32>
        %parallel_loop3A_432 = arith.constant 15 : i32
        %parallel_loop3A_433 = vector.broadcast %parallel_loop3A_432 : i32 to vector<16xi32>
        %parallel_loop3A_434 = arith.constant 0 : i32
        %parallel_loop3A_435 = arith.constant 0 : i32
        %parallel_loop3A_436 = arith.constant 0 : i32
        %parallel_loop3A_437 = tpu.memref_slice %arg8[%parallel_loop3A_434, %parallel_loop3A_435, %parallel_loop3A_436] : memref<2x512x32xf32, #tpu.memory_space<vmem>> -> memref<1x512x32xf32, #tpu.memory_space<vmem>>
        %parallel_loop3A_438 = tpu.memref_squeeze %parallel_loop3A_437 : memref<1x512x32xf32, #tpu.memory_space<vmem>> -> memref<512x32xf32, #tpu.memory_space<vmem>>
        %parallel_loop3A_439 = tpu.vector_load_idx %parallel_loop3A_438[%parallel_loop3A_262, %parallel_loop3A_433] : memref<512x32xf32, #tpu.memory_space<vmem>>[vector<16xi32>, vector<16xi32>], vector<16xf32>,
        %parallel_loop3A_440 = arith.addf %parallel_loop3A_429, %parallel_loop3A_439 : vector<16xf32>
        %parallel_loop3A_441 = arith.mulf %parallel_loop3A_439, %parallel_loop3A_439 : vector<16xf32>
        %parallel_loop3A_442 = arith.addf %parallel_loop3A_431, %parallel_loop3A_441 : vector<16xf32>
        %parallel_loop3A_443 = arith.constant 16 : i32
        %parallel_loop3A_444 = vector.broadcast %parallel_loop3A_443 : i32 to vector<16xi32>
        %parallel_loop3A_445 = arith.constant 0 : i32
        %parallel_loop3A_446 = arith.constant 0 : i32
        %parallel_loop3A_447 = arith.constant 0 : i32
        %parallel_loop3A_448 = tpu.memref_slice %arg8[%parallel_loop3A_445, %parallel_loop3A_446, %parallel_loop3A_447] : memref<2x512x32xf32, #tpu.memory_space<vmem>> -> memref<1x512x32xf32, #tpu.memory_space<vmem>>
        %parallel_loop3A_449 = tpu.memref_squeeze %parallel_loop3A_448 : memref<1x512x32xf32, #tpu.memory_space<vmem>> -> memref<512x32xf32, #tpu.memory_space<vmem>>
        %parallel_loop3A_450 = tpu.vector_load_idx %parallel_loop3A_449[%parallel_loop3A_262, %parallel_loop3A_444] : memref<512x32xf32, #tpu.memory_space<vmem>>[vector<16xi32>, vector<16xi32>], vector<16xf32>,
        %parallel_loop3A_451 = arith.addf %parallel_loop3A_440, %parallel_loop3A_450 : vector<16xf32>
        %parallel_loop3A_452 = arith.mulf %parallel_loop3A_450, %parallel_loop3A_450 : vector<16xf32>
        %parallel_loop3A_453 = arith.addf %parallel_loop3A_442, %parallel_loop3A_452 : vector<16xf32>
        %parallel_loop3A_454 = arith.constant 17 : i32
        %parallel_loop3A_455 = vector.broadcast %parallel_loop3A_454 : i32 to vector<16xi32>
        %parallel_loop3A_456 = arith.constant 0 : i32
        %parallel_loop3A_457 = arith.constant 0 : i32
        %parallel_loop3A_458 = arith.constant 0 : i32
        %parallel_loop3A_459 = tpu.memref_slice %arg8[%parallel_loop3A_456, %parallel_loop3A_457, %parallel_loop3A_458] : memref<2x512x32xf32, #tpu.memory_space<vmem>> -> memref<1x512x32xf32, #tpu.memory_space<vmem>>
        %parallel_loop3A_460 = tpu.memref_squeeze %parallel_loop3A_459 : memref<1x512x32xf32, #tpu.memory_space<vmem>> -> memref<512x32xf32, #tpu.memory_space<vmem>>
        %parallel_loop3A_461 = tpu.vector_load_idx %parallel_loop3A_460[%parallel_loop3A_262, %parallel_loop3A_455] : memref<512x32xf32, #tpu.memory_space<vmem>>[vector<16xi32>, vector<16xi32>], vector<16xf32>,
        %parallel_loop3A_462 = arith.addf %parallel_loop3A_451, %parallel_loop3A_461 : vector<16xf32>
        %parallel_loop3A_463 = arith.mulf %parallel_loop3A_461, %parallel_loop3A_461 : vector<16xf32>
        %parallel_loop3A_464 = arith.addf %parallel_loop3A_453, %parallel_loop3A_463 : vector<16xf32>
        %parallel_loop3A_465 = arith.constant 18 : i32
        %parallel_loop3A_466 = vector.broadcast %parallel_loop3A_465 : i32 to vector<16xi32>
        %parallel_loop3A_467 = arith.constant 0 : i32
        %parallel_loop3A_468 = arith.constant 0 : i32
        %parallel_loop3A_469 = arith.constant 0 : i32
        %parallel_loop3A_470 = tpu.memref_slice %arg8[%parallel_loop3A_467, %parallel_loop3A_468, %parallel_loop3A_469] : memref<2x512x32xf32, #tpu.memory_space<vmem>> -> memref<1x512x32xf32, #tpu.memory_space<vmem>>
        %parallel_loop3A_471 = tpu.memref_squeeze %parallel_loop3A_470 : memref<1x512x32xf32, #tpu.memory_space<vmem>> -> memref<512x32xf32, #tpu.memory_space<vmem>>
        %parallel_loop3A_472 = tpu.vector_load_idx %parallel_loop3A_471[%parallel_loop3A_262, %parallel_loop3A_466] : memref<512x32xf32, #tpu.memory_space<vmem>>[vector<16xi32>, vector<16xi32>], vector<16xf32>,
        %parallel_loop3A_473 = arith.addf %parallel_loop3A_462, %parallel_loop3A_472 : vector<16xf32>
        %parallel_loop3A_474 = arith.mulf %parallel_loop3A_472, %parallel_loop3A_472 : vector<16xf32>
        %parallel_loop3A_475 = arith.addf %parallel_loop3A_464, %parallel_loop3A_474 : vector<16xf32>
        %parallel_loop3A_476 = arith.constant 19 : i32
        %parallel_loop3A_477 = vector.broadcast %parallel_loop3A_476 : i32 to vector<16xi32>
        %parallel_loop3A_478 = arith.constant 0 : i32
        %parallel_loop3A_479 = arith.constant 0 : i32
        %parallel_loop3A_480 = arith.constant 0 : i32
        %parallel_loop3A_481 = tpu.memref_slice %arg8[%parallel_loop3A_478, %parallel_loop3A_479, %parallel_loop3A_480] : memref<2x512x32xf32, #tpu.memory_space<vmem>> -> memref<1x512x32xf32, #tpu.memory_space<vmem>>
        %parallel_loop3A_482 = tpu.memref_squeeze %parallel_loop3A_481 : memref<1x512x32xf32, #tpu.memory_space<vmem>> -> memref<512x32xf32, #tpu.memory_space<vmem>>
        %parallel_loop3A_483 = tpu.vector_load_idx %parallel_loop3A_482[%parallel_loop3A_262, %parallel_loop3A_477] : memref<512x32xf32, #tpu.memory_space<vmem>>[vector<16xi32>, vector<16xi32>], vector<16xf32>,
        %parallel_loop3A_484 = arith.addf %parallel_loop3A_473, %parallel_loop3A_483 : vector<16xf32>
        %parallel_loop3A_485 = arith.mulf %parallel_loop3A_483, %parallel_loop3A_483 : vector<16xf32>
        %parallel_loop3A_486 = arith.addf %parallel_loop3A_475, %parallel_loop3A_485 : vector<16xf32>
        %parallel_loop3A_487 = arith.constant 20 : i32
        %parallel_loop3A_488 = vector.broadcast %parallel_loop3A_487 : i32 to vector<16xi32>
        %parallel_loop3A_489 = arith.constant 0 : i32
        %parallel_loop3A_490 = arith.constant 0 : i32
        %parallel_loop3A_491 = arith.constant 0 : i32
        %parallel_loop3A_492 = tpu.memref_slice %arg8[%parallel_loop3A_489, %parallel_loop3A_490, %parallel_loop3A_491] : memref<2x512x32xf32, #tpu.memory_space<vmem>> -> memref<1x512x32xf32, #tpu.memory_space<vmem>>
        %parallel_loop3A_493 = tpu.memref_squeeze %parallel_loop3A_492 : memref<1x512x32xf32, #tpu.memory_space<vmem>> -> memref<512x32xf32, #tpu.memory_space<vmem>>
        %parallel_loop3A_494 = tpu.vector_load_idx %parallel_loop3A_493[%parallel_loop3A_262, %parallel_loop3A_488] : memref<512x32xf32, #tpu.memory_space<vmem>>[vector<16xi32>, vector<16xi32>], vector<16xf32>,
        %parallel_loop3A_495 = arith.addf %parallel_loop3A_484, %parallel_loop3A_494 : vector<16xf32>
        %parallel_loop3A_496 = arith.mulf %parallel_loop3A_494, %parallel_loop3A_494 : vector<16xf32>
        %parallel_loop3A_497 = arith.addf %parallel_loop3A_486, %parallel_loop3A_496 : vector<16xf32>
        %parallel_loop3A_498 = arith.constant 21 : i32
        %parallel_loop3A_499 = vector.broadcast %parallel_loop3A_498 : i32 to vector<16xi32>
        %parallel_loop3A_500 = arith.constant 0 : i32
        %parallel_loop3A_501 = arith.constant 0 : i32
        %parallel_loop3A_502 = arith.constant 0 : i32
        %parallel_loop3A_503 = tpu.memref_slice %arg8[%parallel_loop3A_500, %parallel_loop3A_501, %parallel_loop3A_502] : memref<2x512x32xf32, #tpu.memory_space<vmem>> -> memref<1x512x32xf32, #tpu.memory_space<vmem>>
        %parallel_loop3A_504 = tpu.memref_squeeze %parallel_loop3A_503 : memref<1x512x32xf32, #tpu.memory_space<vmem>> -> memref<512x32xf32, #tpu.memory_space<vmem>>
        %parallel_loop3A_505 = tpu.vector_load_idx %parallel_loop3A_504[%parallel_loop3A_262, %parallel_loop3A_499] : memref<512x32xf32, #tpu.memory_space<vmem>>[vector<16xi32>, vector<16xi32>], vector<16xf32>,
        %parallel_loop3A_506 = arith.addf %parallel_loop3A_495, %parallel_loop3A_505 : vector<16xf32>
        %parallel_loop3A_507 = arith.mulf %parallel_loop3A_505, %parallel_loop3A_505 : vector<16xf32>
        %parallel_loop3A_508 = arith.addf %parallel_loop3A_497, %parallel_loop3A_507 : vector<16xf32>
        %parallel_loop3A_509 = arith.constant 22 : i32
        %parallel_loop3A_510 = vector.broadcast %parallel_loop3A_509 : i32 to vector<16xi32>
        %parallel_loop3A_511 = arith.constant 0 : i32
        %parallel_loop3A_512 = arith.constant 0 : i32
        %parallel_loop3A_513 = arith.constant 0 : i32
        %parallel_loop3A_514 = tpu.memref_slice %arg8[%parallel_loop3A_511, %parallel_loop3A_512, %parallel_loop3A_513] : memref<2x512x32xf32, #tpu.memory_space<vmem>> -> memref<1x512x32xf32, #tpu.memory_space<vmem>>
        %parallel_loop3A_515 = tpu.memref_squeeze %parallel_loop3A_514 : memref<1x512x32xf32, #tpu.memory_space<vmem>> -> memref<512x32xf32, #tpu.memory_space<vmem>>
        %parallel_loop3A_516 = tpu.vector_load_idx %parallel_loop3A_515[%parallel_loop3A_262, %parallel_loop3A_510] : memref<512x32xf32, #tpu.memory_space<vmem>>[vector<16xi32>, vector<16xi32>], vector<16xf32>,
        %parallel_loop3A_517 = arith.addf %parallel_loop3A_506, %parallel_loop3A_516 : vector<16xf32>
        %parallel_loop3A_518 = arith.mulf %parallel_loop3A_516, %parallel_loop3A_516 : vector<16xf32>
        %parallel_loop3A_519 = arith.addf %parallel_loop3A_508, %parallel_loop3A_518 : vector<16xf32>
        %parallel_loop3A_520 = arith.constant 23 : i32
        %parallel_loop3A_521 = vector.broadcast %parallel_loop3A_520 : i32 to vector<16xi32>
        %parallel_loop3A_522 = arith.constant 0 : i32
        %parallel_loop3A_523 = arith.constant 0 : i32
        %parallel_loop3A_524 = arith.constant 0 : i32
        %parallel_loop3A_525 = tpu.memref_slice %arg8[%parallel_loop3A_522, %parallel_loop3A_523, %parallel_loop3A_524] : memref<2x512x32xf32, #tpu.memory_space<vmem>> -> memref<1x512x32xf32, #tpu.memory_space<vmem>>
        %parallel_loop3A_526 = tpu.memref_squeeze %parallel_loop3A_525 : memref<1x512x32xf32, #tpu.memory_space<vmem>> -> memref<512x32xf32, #tpu.memory_space<vmem>>
        %parallel_loop3A_527 = tpu.vector_load_idx %parallel_loop3A_526[%parallel_loop3A_262, %parallel_loop3A_521] : memref<512x32xf32, #tpu.memory_space<vmem>>[vector<16xi32>, vector<16xi32>], vector<16xf32>,
        %parallel_loop3A_528 = arith.addf %parallel_loop3A_517, %parallel_loop3A_527 : vector<16xf32>
        %parallel_loop3A_529 = arith.mulf %parallel_loop3A_527, %parallel_loop3A_527 : vector<16xf32>
        %parallel_loop3A_530 = arith.addf %parallel_loop3A_519, %parallel_loop3A_529 : vector<16xf32>
        %parallel_loop3A_531 = arith.constant 24 : i32
        %parallel_loop3A_532 = vector.broadcast %parallel_loop3A_531 : i32 to vector<16xi32>
        %parallel_loop3A_533 = arith.constant 0 : i32
        %parallel_loop3A_534 = arith.constant 0 : i32
        %parallel_loop3A_535 = arith.constant 0 : i32
        %parallel_loop3A_536 = tpu.memref_slice %arg8[%parallel_loop3A_533, %parallel_loop3A_534, %parallel_loop3A_535] : memref<2x512x32xf32, #tpu.memory_space<vmem>> -> memref<1x512x32xf32, #tpu.memory_space<vmem>>
        %parallel_loop3A_537 = tpu.memref_squeeze %parallel_loop3A_536 : memref<1x512x32xf32, #tpu.memory_space<vmem>> -> memref<512x32xf32, #tpu.memory_space<vmem>>
        %parallel_loop3A_538 = tpu.vector_load_idx %parallel_loop3A_537[%parallel_loop3A_262, %parallel_loop3A_532] : memref<512x32xf32, #tpu.memory_space<vmem>>[vector<16xi32>, vector<16xi32>], vector<16xf32>,
        %parallel_loop3A_539 = arith.addf %parallel_loop3A_528, %parallel_loop3A_538 : vector<16xf32>
        %parallel_loop3A_540 = arith.mulf %parallel_loop3A_538, %parallel_loop3A_538 : vector<16xf32>
        %parallel_loop3A_541 = arith.addf %parallel_loop3A_530, %parallel_loop3A_540 : vector<16xf32>
        %parallel_loop3A_542 = arith.constant 25 : i32
        %parallel_loop3A_543 = vector.broadcast %parallel_loop3A_542 : i32 to vector<16xi32>
        %parallel_loop3A_544 = arith.constant 0 : i32
        %parallel_loop3A_545 = arith.constant 0 : i32
        %parallel_loop3A_546 = arith.constant 0 : i32
        %parallel_loop3A_547 = tpu.memref_slice %arg8[%parallel_loop3A_544, %parallel_loop3A_545, %parallel_loop3A_546] : memref<2x512x32xf32, #tpu.memory_space<vmem>> -> memref<1x512x32xf32, #tpu.memory_space<vmem>>
        %parallel_loop3A_548 = tpu.memref_squeeze %parallel_loop3A_547 : memref<1x512x32xf32, #tpu.memory_space<vmem>> -> memref<512x32xf32, #tpu.memory_space<vmem>>
        %parallel_loop3A_549 = tpu.vector_load_idx %parallel_loop3A_548[%parallel_loop3A_262, %parallel_loop3A_543] : memref<512x32xf32, #tpu.memory_space<vmem>>[vector<16xi32>, vector<16xi32>], vector<16xf32>,
        %parallel_loop3A_550 = arith.addf %parallel_loop3A_539, %parallel_loop3A_549 : vector<16xf32>
        %parallel_loop3A_551 = arith.mulf %parallel_loop3A_549, %parallel_loop3A_549 : vector<16xf32>
        %parallel_loop3A_552 = arith.addf %parallel_loop3A_541, %parallel_loop3A_551 : vector<16xf32>
        %parallel_loop3A_553 = arith.constant 26 : i32
        %parallel_loop3A_554 = vector.broadcast %parallel_loop3A_553 : i32 to vector<16xi32>
        %parallel_loop3A_555 = arith.constant 0 : i32
        %parallel_loop3A_556 = arith.constant 0 : i32
        %parallel_loop3A_557 = arith.constant 0 : i32
        %parallel_loop3A_558 = tpu.memref_slice %arg8[%parallel_loop3A_555, %parallel_loop3A_556, %parallel_loop3A_557] : memref<2x512x32xf32, #tpu.memory_space<vmem>> -> memref<1x512x32xf32, #tpu.memory_space<vmem>>
        %parallel_loop3A_559 = tpu.memref_squeeze %parallel_loop3A_558 : memref<1x512x32xf32, #tpu.memory_space<vmem>> -> memref<512x32xf32, #tpu.memory_space<vmem>>
        %parallel_loop3A_560 = tpu.vector_load_idx %parallel_loop3A_559[%parallel_loop3A_262, %parallel_loop3A_554] : memref<512x32xf32, #tpu.memory_space<vmem>>[vector<16xi32>, vector<16xi32>], vector<16xf32>,
        %parallel_loop3A_561 = arith.addf %parallel_loop3A_550, %parallel_loop3A_560 : vector<16xf32>
        %parallel_loop3A_562 = arith.mulf %parallel_loop3A_560, %parallel_loop3A_560 : vector<16xf32>
        %parallel_loop3A_563 = arith.addf %parallel_loop3A_552, %parallel_loop3A_562 : vector<16xf32>
        %parallel_loop3A_564 = arith.constant 27 : i32
        %parallel_loop3A_565 = vector.broadcast %parallel_loop3A_564 : i32 to vector<16xi32>
        %parallel_loop3A_566 = arith.constant 0 : i32
        %parallel_loop3A_567 = arith.constant 0 : i32
        %parallel_loop3A_568 = arith.constant 0 : i32
        %parallel_loop3A_569 = tpu.memref_slice %arg8[%parallel_loop3A_566, %parallel_loop3A_567, %parallel_loop3A_568] : memref<2x512x32xf32, #tpu.memory_space<vmem>> -> memref<1x512x32xf32, #tpu.memory_space<vmem>>
        %parallel_loop3A_570 = tpu.memref_squeeze %parallel_loop3A_569 : memref<1x512x32xf32, #tpu.memory_space<vmem>> -> memref<512x32xf32, #tpu.memory_space<vmem>>
        %parallel_loop3A_571 = tpu.vector_load_idx %parallel_loop3A_570[%parallel_loop3A_262, %parallel_loop3A_565] : memref<512x32xf32, #tpu.memory_space<vmem>>[vector<16xi32>, vector<16xi32>], vector<16xf32>,
        %parallel_loop3A_572 = arith.addf %parallel_loop3A_561, %parallel_loop3A_571 : vector<16xf32>
        %parallel_loop3A_573 = arith.mulf %parallel_loop3A_571, %parallel_loop3A_571 : vector<16xf32>
        %parallel_loop3A_574 = arith.addf %parallel_loop3A_563, %parallel_loop3A_573 : vector<16xf32>
        %parallel_loop3A_575 = arith.constant 28 : i32
        %parallel_loop3A_576 = vector.broadcast %parallel_loop3A_575 : i32 to vector<16xi32>
        %parallel_loop3A_577 = arith.constant 0 : i32
        %parallel_loop3A_578 = arith.constant 0 : i32
        %parallel_loop3A_579 = arith.constant 0 : i32
        %parallel_loop3A_580 = tpu.memref_slice %arg8[%parallel_loop3A_577, %parallel_loop3A_578, %parallel_loop3A_579] : memref<2x512x32xf32, #tpu.memory_space<vmem>> -> memref<1x512x32xf32, #tpu.memory_space<vmem>>
        %parallel_loop3A_581 = tpu.memref_squeeze %parallel_loop3A_580 : memref<1x512x32xf32, #tpu.memory_space<vmem>> -> memref<512x32xf32, #tpu.memory_space<vmem>>
        %parallel_loop3A_582 = tpu.vector_load_idx %parallel_loop3A_581[%parallel_loop3A_262, %parallel_loop3A_576] : memref<512x32xf32, #tpu.memory_space<vmem>>[vector<16xi32>, vector<16xi32>], vector<16xf32>,
        %parallel_loop3A_583 = arith.addf %parallel_loop3A_572, %parallel_loop3A_582 : vector<16xf32>
        %parallel_loop3A_584 = arith.mulf %parallel_loop3A_582, %parallel_loop3A_582 : vector<16xf32>
        %parallel_loop3A_585 = arith.addf %parallel_loop3A_574, %parallel_loop3A_584 : vector<16xf32>
        %parallel_loop3A_586 = arith.constant 29 : i32
        %parallel_loop3A_587 = vector.broadcast %parallel_loop3A_586 : i32 to vector<16xi32>
        %parallel_loop3A_588 = arith.constant 0 : i32
        %parallel_loop3A_589 = arith.constant 0 : i32
        %parallel_loop3A_590 = arith.constant 0 : i32
        %parallel_loop3A_591 = tpu.memref_slice %arg8[%parallel_loop3A_588, %parallel_loop3A_589, %parallel_loop3A_590] : memref<2x512x32xf32, #tpu.memory_space<vmem>> -> memref<1x512x32xf32, #tpu.memory_space<vmem>>
        %parallel_loop3A_592 = tpu.memref_squeeze %parallel_loop3A_591 : memref<1x512x32xf32, #tpu.memory_space<vmem>> -> memref<512x32xf32, #tpu.memory_space<vmem>>
        %parallel_loop3A_593 = tpu.vector_load_idx %parallel_loop3A_592[%parallel_loop3A_262, %parallel_loop3A_587] : memref<512x32xf32, #tpu.memory_space<vmem>>[vector<16xi32>, vector<16xi32>], vector<16xf32>,
        %parallel_loop3A_594 = arith.addf %parallel_loop3A_583, %parallel_loop3A_593 : vector<16xf32>
        %parallel_loop3A_595 = arith.mulf %parallel_loop3A_593, %parallel_loop3A_593 : vector<16xf32>
        %parallel_loop3A_596 = arith.addf %parallel_loop3A_585, %parallel_loop3A_595 : vector<16xf32>
        %parallel_loop3A_597 = arith.constant 30 : i32
        %parallel_loop3A_598 = vector.broadcast %parallel_loop3A_597 : i32 to vector<16xi32>
        %parallel_loop3A_599 = arith.constant 0 : i32
        %parallel_loop3A_600 = arith.constant 0 : i32
        %parallel_loop3A_601 = arith.constant 0 : i32
        %parallel_loop3A_602 = tpu.memref_slice %arg8[%parallel_loop3A_599, %parallel_loop3A_600, %parallel_loop3A_601] : memref<2x512x32xf32, #tpu.memory_space<vmem>> -> memref<1x512x32xf32, #tpu.memory_space<vmem>>
        %parallel_loop3A_603 = tpu.memref_squeeze %parallel_loop3A_602 : memref<1x512x32xf32, #tpu.memory_space<vmem>> -> memref<512x32xf32, #tpu.memory_space<vmem>>
        %parallel_loop3A_604 = tpu.vector_load_idx %parallel_loop3A_603[%parallel_loop3A_262, %parallel_loop3A_598] : memref<512x32xf32, #tpu.memory_space<vmem>>[vector<16xi32>, vector<16xi32>], vector<16xf32>,
        %parallel_loop3A_605 = arith.addf %parallel_loop3A_594, %parallel_loop3A_604 : vector<16xf32>
        %parallel_loop3A_606 = arith.mulf %parallel_loop3A_604, %parallel_loop3A_604 : vector<16xf32>
        %parallel_loop3A_607 = arith.addf %parallel_loop3A_596, %parallel_loop3A_606 : vector<16xf32>
        %parallel_loop3A_608 = arith.constant 31 : i32
        %parallel_loop3A_609 = vector.broadcast %parallel_loop3A_608 : i32 to vector<16xi32>
        %parallel_loop3A_610 = arith.constant 0 : i32
        %parallel_loop3A_611 = arith.constant 0 : i32
        %parallel_loop3A_612 = arith.constant 0 : i32
        %parallel_loop3A_613 = tpu.memref_slice %arg8[%parallel_loop3A_610, %parallel_loop3A_611, %parallel_loop3A_612] : memref<2x512x32xf32, #tpu.memory_space<vmem>> -> memref<1x512x32xf32, #tpu.memory_space<vmem>>
        %parallel_loop3A_614 = tpu.memref_squeeze %parallel_loop3A_613 : memref<1x512x32xf32, #tpu.memory_space<vmem>> -> memref<512x32xf32, #tpu.memory_space<vmem>>
        %parallel_loop3A_615 = tpu.vector_load_idx %parallel_loop3A_614[%parallel_loop3A_262, %parallel_loop3A_609] : memref<512x32xf32, #tpu.memory_space<vmem>>[vector<16xi32>, vector<16xi32>], vector<16xf32>,
        %parallel_loop3A_616 = arith.addf %parallel_loop3A_605, %parallel_loop3A_615 : vector<16xf32>
        %parallel_loop3A_617 = arith.mulf %parallel_loop3A_615, %parallel_loop3A_615 : vector<16xf32>
        %parallel_loop3A_618 = arith.addf %parallel_loop3A_607, %parallel_loop3A_617 : vector<16xf32>
        %parallel_loop3A_619 = arith.constant 3.125000e-02 : f32
        %parallel_loop3A_620 = vector.broadcast %parallel_loop3A_619 : f32 to vector<16xf32>
        %parallel_loop3A_621 = arith.mulf %parallel_loop3A_616, %parallel_loop3A_620 : vector<16xf32>
        %parallel_loop3A_622 = arith.constant 3.125000e-02 : f32
        %parallel_loop3A_623 = vector.broadcast %parallel_loop3A_622 : f32 to vector<16xf32>
        %parallel_loop3A_624 = arith.mulf %parallel_loop3A_618, %parallel_loop3A_623 : vector<16xf32>
        %parallel_loop3A_625 = arith.mulf %parallel_loop3A_621, %parallel_loop3A_621 : vector<16xf32>
        %parallel_loop3A_626 = arith.subf %parallel_loop3A_624, %parallel_loop3A_625 : vector<16xf32>
        %parallel_loop3A_627 = arith.constant 0.000000e+00 : f32
        %parallel_loop3A_628 = vector.broadcast %parallel_loop3A_627 : f32 to vector<16xf32>
        %parallel_loop3A_629 = arith.maximumf %parallel_loop3A_626, %parallel_loop3A_628 : vector<16xf32>
        %parallel_loop3A_630 = arith.constant 9.99999996E-13 : f32
        %parallel_loop3A_631 = vector.broadcast %parallel_loop3A_630 : f32 to vector<16xf32>
        %parallel_loop3A_632 = arith.addf %parallel_loop3A_629, %parallel_loop3A_631 : vector<16xf32>
        %parallel_loop3A_633 = tpu.bitcast %parallel_loop3A_632 : vector<16xf32> -> vector<16xi32>
        %parallel_loop3A_634 = arith.constant 1 : i32
        %parallel_loop3A_635 = vector.broadcast %parallel_loop3A_634 : i32 to vector<16xi32>
        %parallel_loop3A_636 = arith.shrsi %parallel_loop3A_633, %parallel_loop3A_635 : vector<16xi32>
        %parallel_loop3A_637 = arith.constant 1597463007 : i32
        %parallel_loop3A_638 = vector.broadcast %parallel_loop3A_637 : i32 to vector<16xi32>
        %parallel_loop3A_639 = arith.subi %parallel_loop3A_638, %parallel_loop3A_636 : vector<16xi32>
        %parallel_loop3A_640 = tpu.bitcast %parallel_loop3A_639 : vector<16xi32> -> vector<16xf32>
        %parallel_loop3A_641 = arith.constant 5.000000e-01 : f32
        %parallel_loop3A_642 = vector.broadcast %parallel_loop3A_641 : f32 to vector<16xf32>
        %parallel_loop3A_643 = arith.mulf %parallel_loop3A_642, %parallel_loop3A_632 : vector<16xf32>
        %parallel_loop3A_644 = arith.mulf %parallel_loop3A_643, %parallel_loop3A_640 : vector<16xf32>
        %parallel_loop3A_645 = arith.mulf %parallel_loop3A_644, %parallel_loop3A_640 : vector<16xf32>
        %parallel_loop3A_646 = arith.constant 1.500000e+00 : f32
        %parallel_loop3A_647 = vector.broadcast %parallel_loop3A_646 : f32 to vector<16xf32>
        %parallel_loop3A_648 = arith.subf %parallel_loop3A_647, %parallel_loop3A_645 : vector<16xf32>
        %parallel_loop3A_649 = arith.mulf %parallel_loop3A_640, %parallel_loop3A_648 : vector<16xf32>
        %parallel_loop3A_650 = arith.constant 5.000000e-01 : f32
        %parallel_loop3A_651 = vector.broadcast %parallel_loop3A_650 : f32 to vector<16xf32>
        %parallel_loop3A_652 = arith.mulf %parallel_loop3A_651, %parallel_loop3A_632 : vector<16xf32>
        %parallel_loop3A_653 = arith.mulf %parallel_loop3A_652, %parallel_loop3A_649 : vector<16xf32>
        %parallel_loop3A_654 = arith.mulf %parallel_loop3A_653, %parallel_loop3A_649 : vector<16xf32>
        %parallel_loop3A_655 = arith.constant 1.500000e+00 : f32
        %parallel_loop3A_656 = vector.broadcast %parallel_loop3A_655 : f32 to vector<16xf32>
        %parallel_loop3A_657 = arith.subf %parallel_loop3A_656, %parallel_loop3A_654 : vector<16xf32>
        %parallel_loop3A_658 = arith.mulf %parallel_loop3A_649, %parallel_loop3A_657 : vector<16xf32>
        %parallel_loop3A_659 = arith.mulf %parallel_loop3A_621, %parallel_loop3A_658 : vector<16xf32>
        %parallel_loop3A_660 = arith.constant 0 : i32
        %parallel_loop3A_661 = arith.addi %parallel_loop3A_260, %parallel_loop3A_660 : i32
        %parallel_loop3A_662 = arith.constant 0 : i32
        %parallel_loop3A_663 = arith.addi %parallel_loop3A_661, %parallel_loop3A_662 : i32
        %parallel_loop3A_664 = arith.constant 0 : i32
        %parallel_loop3A_665 = arith.addi %parallel_loop3A_260, %parallel_loop3A_664 : i32
        %parallel_loop3A_666 = arith.constant 1 : i32
        %parallel_loop3A_667 = arith.addi %parallel_loop3A_665, %parallel_loop3A_666 : i32
        %parallel_loop3A_668 = arith.constant 0 : i32
        %parallel_loop3A_669 = arith.addi %parallel_loop3A_260, %parallel_loop3A_668 : i32
        %parallel_loop3A_670 = arith.constant 2 : i32
        %parallel_loop3A_671 = arith.addi %parallel_loop3A_669, %parallel_loop3A_670 : i32
        %parallel_loop3A_672 = arith.constant 0 : i32
        %parallel_loop3A_673 = arith.addi %parallel_loop3A_260, %parallel_loop3A_672 : i32
        %parallel_loop3A_674 = arith.constant 3 : i32
        %parallel_loop3A_675 = arith.addi %parallel_loop3A_673, %parallel_loop3A_674 : i32
        %parallel_loop3A_676 = arith.constant 0 : i32
        %parallel_loop3A_677 = arith.addi %parallel_loop3A_260, %parallel_loop3A_676 : i32
        %parallel_loop3A_678 = arith.constant 4 : i32
        %parallel_loop3A_679 = arith.addi %parallel_loop3A_677, %parallel_loop3A_678 : i32
        %parallel_loop3A_680 = arith.constant 0 : i32
        %parallel_loop3A_681 = arith.addi %parallel_loop3A_260, %parallel_loop3A_680 : i32
        %parallel_loop3A_682 = arith.constant 5 : i32
        %parallel_loop3A_683 = arith.addi %parallel_loop3A_681, %parallel_loop3A_682 : i32
        %parallel_loop3A_684 = arith.constant 0 : i32
        %parallel_loop3A_685 = arith.addi %parallel_loop3A_260, %parallel_loop3A_684 : i32
        %parallel_loop3A_686 = arith.constant 6 : i32
        %parallel_loop3A_687 = arith.addi %parallel_loop3A_685, %parallel_loop3A_686 : i32
        %parallel_loop3A_688 = arith.constant 0 : i32
        %parallel_loop3A_689 = arith.addi %parallel_loop3A_260, %parallel_loop3A_688 : i32
        %parallel_loop3A_690 = arith.constant 7 : i32
        %parallel_loop3A_691 = arith.addi %parallel_loop3A_689, %parallel_loop3A_690 : i32
        %parallel_loop3A_692 = arith.constant 0 : i32
        %parallel_loop3A_693 = arith.index_cast %parallel_loop3A_692 : i32 to index
        %parallel_loop3A_694 = arith.index_cast %parallel_loop3A_663 : i32 to index
        %parallel_loop3A_695 = arith.constant 0 : index
        %parallel_loop3A_696 = tpu.vector_load %arg8[%parallel_loop3A_693, %parallel_loop3A_694, %parallel_loop3A_695] {strides = array<i32>} : memref<2x512x32xf32, #tpu.memory_space<vmem>>, vector<16xf32>,
        %parallel_loop3A_697 = arith.constant 0 : i32
        %parallel_loop3A_698 = arith.index_cast %parallel_loop3A_697 : i32 to index
        %parallel_loop3A_699 = arith.index_cast %parallel_loop3A_663 : i32 to index
        %parallel_loop3A_700 = arith.constant 16 : index
        %parallel_loop3A_701 = tpu.vector_load %arg8[%parallel_loop3A_698, %parallel_loop3A_699, %parallel_loop3A_700] {strides = array<i32>} : memref<2x512x32xf32, #tpu.memory_space<vmem>>, vector<16xf32>,
        %parallel_loop3A_702 = arith.constant 0 : i32
        %parallel_loop3A_703 = arith.index_cast %parallel_loop3A_702 : i32 to index
        %parallel_loop3A_704 = arith.index_cast %parallel_loop3A_667 : i32 to index
        %parallel_loop3A_705 = arith.constant 0 : index
        %parallel_loop3A_706 = tpu.vector_load %arg8[%parallel_loop3A_703, %parallel_loop3A_704, %parallel_loop3A_705] {strides = array<i32>} : memref<2x512x32xf32, #tpu.memory_space<vmem>>, vector<16xf32>,
        %parallel_loop3A_707 = arith.constant 0 : i32
        %parallel_loop3A_708 = arith.index_cast %parallel_loop3A_707 : i32 to index
        %parallel_loop3A_709 = arith.index_cast %parallel_loop3A_667 : i32 to index
        %parallel_loop3A_710 = arith.constant 16 : index
        %parallel_loop3A_711 = tpu.vector_load %arg8[%parallel_loop3A_708, %parallel_loop3A_709, %parallel_loop3A_710] {strides = array<i32>} : memref<2x512x32xf32, #tpu.memory_space<vmem>>, vector<16xf32>,
        %parallel_loop3A_712 = arith.constant 0 : i32
        %parallel_loop3A_713 = arith.index_cast %parallel_loop3A_712 : i32 to index
        %parallel_loop3A_714 = arith.index_cast %parallel_loop3A_671 : i32 to index
        %parallel_loop3A_715 = arith.constant 0 : index
        %parallel_loop3A_716 = tpu.vector_load %arg8[%parallel_loop3A_713, %parallel_loop3A_714, %parallel_loop3A_715] {strides = array<i32>} : memref<2x512x32xf32, #tpu.memory_space<vmem>>, vector<16xf32>,
        %parallel_loop3A_717 = arith.constant 0 : i32
        %parallel_loop3A_718 = arith.index_cast %parallel_loop3A_717 : i32 to index
        %parallel_loop3A_719 = arith.index_cast %parallel_loop3A_671 : i32 to index
        %parallel_loop3A_720 = arith.constant 16 : index
        %parallel_loop3A_721 = tpu.vector_load %arg8[%parallel_loop3A_718, %parallel_loop3A_719, %parallel_loop3A_720] {strides = array<i32>} : memref<2x512x32xf32, #tpu.memory_space<vmem>>, vector<16xf32>,
        %parallel_loop3A_722 = arith.constant 0 : i32
        %parallel_loop3A_723 = arith.index_cast %parallel_loop3A_722 : i32 to index
        %parallel_loop3A_724 = arith.index_cast %parallel_loop3A_675 : i32 to index
        %parallel_loop3A_725 = arith.constant 0 : index
        %parallel_loop3A_726 = tpu.vector_load %arg8[%parallel_loop3A_723, %parallel_loop3A_724, %parallel_loop3A_725] {strides = array<i32>} : memref<2x512x32xf32, #tpu.memory_space<vmem>>, vector<16xf32>,
        %parallel_loop3A_727 = arith.constant 0 : i32
        %parallel_loop3A_728 = arith.index_cast %parallel_loop3A_727 : i32 to index
        %parallel_loop3A_729 = arith.index_cast %parallel_loop3A_675 : i32 to index
        %parallel_loop3A_730 = arith.constant 16 : index
        %parallel_loop3A_731 = tpu.vector_load %arg8[%parallel_loop3A_728, %parallel_loop3A_729, %parallel_loop3A_730] {strides = array<i32>} : memref<2x512x32xf32, #tpu.memory_space<vmem>>, vector<16xf32>,
        %parallel_loop3A_732 = arith.constant 0 : i32
        %parallel_loop3A_733 = arith.index_cast %parallel_loop3A_732 : i32 to index
        %parallel_loop3A_734 = arith.index_cast %parallel_loop3A_679 : i32 to index
        %parallel_loop3A_735 = arith.constant 0 : index
        %parallel_loop3A_736 = tpu.vector_load %arg8[%parallel_loop3A_733, %parallel_loop3A_734, %parallel_loop3A_735] {strides = array<i32>} : memref<2x512x32xf32, #tpu.memory_space<vmem>>, vector<16xf32>,
        %parallel_loop3A_737 = arith.constant 0 : i32
        %parallel_loop3A_738 = arith.index_cast %parallel_loop3A_737 : i32 to index
        %parallel_loop3A_739 = arith.index_cast %parallel_loop3A_679 : i32 to index
        %parallel_loop3A_740 = arith.constant 16 : index
        %parallel_loop3A_741 = tpu.vector_load %arg8[%parallel_loop3A_738, %parallel_loop3A_739, %parallel_loop3A_740] {strides = array<i32>} : memref<2x512x32xf32, #tpu.memory_space<vmem>>, vector<16xf32>,
        %parallel_loop3A_742 = arith.constant 0 : i32
        %parallel_loop3A_743 = arith.index_cast %parallel_loop3A_742 : i32 to index
        %parallel_loop3A_744 = arith.index_cast %parallel_loop3A_683 : i32 to index
        %parallel_loop3A_745 = arith.constant 0 : index
        %parallel_loop3A_746 = tpu.vector_load %arg8[%parallel_loop3A_743, %parallel_loop3A_744, %parallel_loop3A_745] {strides = array<i32>} : memref<2x512x32xf32, #tpu.memory_space<vmem>>, vector<16xf32>,
        %parallel_loop3A_747 = arith.constant 0 : i32
        %parallel_loop3A_748 = arith.index_cast %parallel_loop3A_747 : i32 to index
        %parallel_loop3A_749 = arith.index_cast %parallel_loop3A_683 : i32 to index
        %parallel_loop3A_750 = arith.constant 16 : index
        %parallel_loop3A_751 = tpu.vector_load %arg8[%parallel_loop3A_748, %parallel_loop3A_749, %parallel_loop3A_750] {strides = array<i32>} : memref<2x512x32xf32, #tpu.memory_space<vmem>>, vector<16xf32>,
        %parallel_loop3A_752 = arith.constant 0 : i32
        %parallel_loop3A_753 = arith.index_cast %parallel_loop3A_752 : i32 to index
        %parallel_loop3A_754 = arith.index_cast %parallel_loop3A_687 : i32 to index
        %parallel_loop3A_755 = arith.constant 0 : index
        %parallel_loop3A_756 = tpu.vector_load %arg8[%parallel_loop3A_753, %parallel_loop3A_754, %parallel_loop3A_755] {strides = array<i32>} : memref<2x512x32xf32, #tpu.memory_space<vmem>>, vector<16xf32>,
        %parallel_loop3A_757 = arith.constant 0 : i32
        %parallel_loop3A_758 = arith.index_cast %parallel_loop3A_757 : i32 to index
        %parallel_loop3A_759 = arith.index_cast %parallel_loop3A_687 : i32 to index
        %parallel_loop3A_760 = arith.constant 16 : index
        %parallel_loop3A_761 = tpu.vector_load %arg8[%parallel_loop3A_758, %parallel_loop3A_759, %parallel_loop3A_760] {strides = array<i32>} : memref<2x512x32xf32, #tpu.memory_space<vmem>>, vector<16xf32>,
        %parallel_loop3A_762 = arith.constant 0 : i32
        %parallel_loop3A_763 = arith.index_cast %parallel_loop3A_762 : i32 to index
        %parallel_loop3A_764 = arith.index_cast %parallel_loop3A_691 : i32 to index
        %parallel_loop3A_765 = arith.constant 0 : index
        %parallel_loop3A_766 = tpu.vector_load %arg8[%parallel_loop3A_763, %parallel_loop3A_764, %parallel_loop3A_765] {strides = array<i32>} : memref<2x512x32xf32, #tpu.memory_space<vmem>>, vector<16xf32>,
        %parallel_loop3A_767 = arith.constant 0 : i32
        %parallel_loop3A_768 = arith.index_cast %parallel_loop3A_767 : i32 to index
        %parallel_loop3A_769 = arith.index_cast %parallel_loop3A_691 : i32 to index
        %parallel_loop3A_770 = arith.constant 16 : index
        %parallel_loop3A_771 = tpu.vector_load %arg8[%parallel_loop3A_768, %parallel_loop3A_769, %parallel_loop3A_770] {strides = array<i32>} : memref<2x512x32xf32, #tpu.memory_space<vmem>>, vector<16xf32>,
        %parallel_loop3A_772 = arith.constant 0 : i32
        %parallel_loop3A_773 = vector.broadcast %parallel_loop3A_772 : i32 to vector<16x1xi32>
        %parallel_loop3A_774 = vector.shape_cast %parallel_loop3A_773 : vector<16x1xi32> to vector<16xi32>
        %parallel_loop3A_775 = tpu.dynamic_gather %parallel_loop3A_658[%parallel_loop3A_774] in [0] : vector<16xf32>, vector<16xi32> -> vector<16xf32>
        %parallel_loop3A_776 = arith.constant 0 : i32
        %parallel_loop3A_777 = vector.broadcast %parallel_loop3A_776 : i32 to vector<16x1xi32>
        %parallel_loop3A_778 = vector.shape_cast %parallel_loop3A_777 : vector<16x1xi32> to vector<16xi32>
        %parallel_loop3A_779 = tpu.dynamic_gather %parallel_loop3A_659[%parallel_loop3A_778] in [0] : vector<16xf32>, vector<16xi32> -> vector<16xf32>
        %parallel_loop3A_780 = arith.mulf %parallel_loop3A_696, %parallel_loop3A_775 : vector<16xf32>
        %parallel_loop3A_781 = arith.subf %parallel_loop3A_780, %parallel_loop3A_779 : vector<16xf32>
        %parallel_loop3A_782 = arith.mulf %parallel_loop3A_781, %get3A_4 : vector<16xf32>
        %parallel_loop3A_783 = arith.addf %parallel_loop3A_782, %get3A_12 : vector<16xf32>
        %parallel_loop3A_784 = arith.mulf %parallel_loop3A_701, %parallel_loop3A_775 : vector<16xf32>
        %parallel_loop3A_785 = arith.subf %parallel_loop3A_784, %parallel_loop3A_779 : vector<16xf32>
        %parallel_loop3A_786 = arith.mulf %parallel_loop3A_785, %get3A_8 : vector<16xf32>
        %parallel_loop3A_787 = arith.addf %parallel_loop3A_786, %get3A_16 : vector<16xf32>
        %parallel_loop3A_788 = arith.constant 1 : i32
        %parallel_loop3A_789 = vector.broadcast %parallel_loop3A_788 : i32 to vector<16x1xi32>
        %parallel_loop3A_790 = vector.shape_cast %parallel_loop3A_789 : vector<16x1xi32> to vector<16xi32>
        %parallel_loop3A_791 = tpu.dynamic_gather %parallel_loop3A_658[%parallel_loop3A_790] in [0] : vector<16xf32>, vector<16xi32> -> vector<16xf32>
        %parallel_loop3A_792 = arith.constant 1 : i32
        %parallel_loop3A_793 = vector.broadcast %parallel_loop3A_792 : i32 to vector<16x1xi32>
        %parallel_loop3A_794 = vector.shape_cast %parallel_loop3A_793 : vector<16x1xi32> to vector<16xi32>
        %parallel_loop3A_795 = tpu.dynamic_gather %parallel_loop3A_659[%parallel_loop3A_794] in [0] : vector<16xf32>, vector<16xi32> -> vector<16xf32>
        %parallel_loop3A_796 = arith.mulf %parallel_loop3A_706, %parallel_loop3A_791 : vector<16xf32>
        %parallel_loop3A_797 = arith.subf %parallel_loop3A_796, %parallel_loop3A_795 : vector<16xf32>
        %parallel_loop3A_798 = arith.mulf %parallel_loop3A_797, %get3A_4 : vector<16xf32>
        %parallel_loop3A_799 = arith.addf %parallel_loop3A_798, %get3A_12 : vector<16xf32>
        %parallel_loop3A_800 = arith.mulf %parallel_loop3A_711, %parallel_loop3A_791 : vector<16xf32>
        %parallel_loop3A_801 = arith.subf %parallel_loop3A_800, %parallel_loop3A_795 : vector<16xf32>
        %parallel_loop3A_802 = arith.mulf %parallel_loop3A_801, %get3A_8 : vector<16xf32>
        %parallel_loop3A_803 = arith.addf %parallel_loop3A_802, %get3A_16 : vector<16xf32>
        %parallel_loop3A_804 = arith.constant 2 : i32
        %parallel_loop3A_805 = vector.broadcast %parallel_loop3A_804 : i32 to vector<16x1xi32>
        %parallel_loop3A_806 = vector.shape_cast %parallel_loop3A_805 : vector<16x1xi32> to vector<16xi32>
        %parallel_loop3A_807 = tpu.dynamic_gather %parallel_loop3A_658[%parallel_loop3A_806] in [0] : vector<16xf32>, vector<16xi32> -> vector<16xf32>
        %parallel_loop3A_808 = arith.constant 2 : i32
        %parallel_loop3A_809 = vector.broadcast %parallel_loop3A_808 : i32 to vector<16x1xi32>
        %parallel_loop3A_810 = vector.shape_cast %parallel_loop3A_809 : vector<16x1xi32> to vector<16xi32>
        %parallel_loop3A_811 = tpu.dynamic_gather %parallel_loop3A_659[%parallel_loop3A_810] in [0] : vector<16xf32>, vector<16xi32> -> vector<16xf32>
        %parallel_loop3A_812 = arith.mulf %parallel_loop3A_716, %parallel_loop3A_807 : vector<16xf32>
        %parallel_loop3A_813 = arith.subf %parallel_loop3A_812, %parallel_loop3A_811 : vector<16xf32>
        %parallel_loop3A_814 = arith.mulf %parallel_loop3A_813, %get3A_4 : vector<16xf32>
        %parallel_loop3A_815 = arith.addf %parallel_loop3A_814, %get3A_12 : vector<16xf32>
        %parallel_loop3A_816 = arith.mulf %parallel_loop3A_721, %parallel_loop3A_807 : vector<16xf32>
        %parallel_loop3A_817 = arith.subf %parallel_loop3A_816, %parallel_loop3A_811 : vector<16xf32>
        %parallel_loop3A_818 = arith.mulf %parallel_loop3A_817, %get3A_8 : vector<16xf32>
        %parallel_loop3A_819 = arith.addf %parallel_loop3A_818, %get3A_16 : vector<16xf32>
        %parallel_loop3A_820 = arith.constant 3 : i32
        %parallel_loop3A_821 = vector.broadcast %parallel_loop3A_820 : i32 to vector<16x1xi32>
        %parallel_loop3A_822 = vector.shape_cast %parallel_loop3A_821 : vector<16x1xi32> to vector<16xi32>
        %parallel_loop3A_823 = tpu.dynamic_gather %parallel_loop3A_658[%parallel_loop3A_822] in [0] : vector<16xf32>, vector<16xi32> -> vector<16xf32>
        %parallel_loop3A_824 = arith.constant 3 : i32
        %parallel_loop3A_825 = vector.broadcast %parallel_loop3A_824 : i32 to vector<16x1xi32>
        %parallel_loop3A_826 = vector.shape_cast %parallel_loop3A_825 : vector<16x1xi32> to vector<16xi32>
        %parallel_loop3A_827 = tpu.dynamic_gather %parallel_loop3A_659[%parallel_loop3A_826] in [0] : vector<16xf32>, vector<16xi32> -> vector<16xf32>
        %parallel_loop3A_828 = arith.mulf %parallel_loop3A_726, %parallel_loop3A_823 : vector<16xf32>
        %parallel_loop3A_829 = arith.subf %parallel_loop3A_828, %parallel_loop3A_827 : vector<16xf32>
        %parallel_loop3A_830 = arith.mulf %parallel_loop3A_829, %get3A_4 : vector<16xf32>
        %parallel_loop3A_831 = arith.addf %parallel_loop3A_830, %get3A_12 : vector<16xf32>
        %parallel_loop3A_832 = arith.mulf %parallel_loop3A_731, %parallel_loop3A_823 : vector<16xf32>
        %parallel_loop3A_833 = arith.subf %parallel_loop3A_832, %parallel_loop3A_827 : vector<16xf32>
        %parallel_loop3A_834 = arith.mulf %parallel_loop3A_833, %get3A_8 : vector<16xf32>
        %parallel_loop3A_835 = arith.addf %parallel_loop3A_834, %get3A_16 : vector<16xf32>
        %parallel_loop3A_836 = arith.constant 4 : i32
        %parallel_loop3A_837 = vector.broadcast %parallel_loop3A_836 : i32 to vector<16x1xi32>
        %parallel_loop3A_838 = vector.shape_cast %parallel_loop3A_837 : vector<16x1xi32> to vector<16xi32>
        %parallel_loop3A_839 = tpu.dynamic_gather %parallel_loop3A_658[%parallel_loop3A_838] in [0] : vector<16xf32>, vector<16xi32> -> vector<16xf32>
        %parallel_loop3A_840 = arith.constant 4 : i32
        %parallel_loop3A_841 = vector.broadcast %parallel_loop3A_840 : i32 to vector<16x1xi32>
        %parallel_loop3A_842 = vector.shape_cast %parallel_loop3A_841 : vector<16x1xi32> to vector<16xi32>
        %parallel_loop3A_843 = tpu.dynamic_gather %parallel_loop3A_659[%parallel_loop3A_842] in [0] : vector<16xf32>, vector<16xi32> -> vector<16xf32>
        %parallel_loop3A_844 = arith.mulf %parallel_loop3A_736, %parallel_loop3A_839 : vector<16xf32>
        %parallel_loop3A_845 = arith.subf %parallel_loop3A_844, %parallel_loop3A_843 : vector<16xf32>
        %parallel_loop3A_846 = arith.mulf %parallel_loop3A_845, %get3A_4 : vector<16xf32>
        %parallel_loop3A_847 = arith.addf %parallel_loop3A_846, %get3A_12 : vector<16xf32>
        %parallel_loop3A_848 = arith.mulf %parallel_loop3A_741, %parallel_loop3A_839 : vector<16xf32>
        %parallel_loop3A_849 = arith.subf %parallel_loop3A_848, %parallel_loop3A_843 : vector<16xf32>
        %parallel_loop3A_850 = arith.mulf %parallel_loop3A_849, %get3A_8 : vector<16xf32>
        %parallel_loop3A_851 = arith.addf %parallel_loop3A_850, %get3A_16 : vector<16xf32>
        %parallel_loop3A_852 = arith.constant 5 : i32
        %parallel_loop3A_853 = vector.broadcast %parallel_loop3A_852 : i32 to vector<16x1xi32>
        %parallel_loop3A_854 = vector.shape_cast %parallel_loop3A_853 : vector<16x1xi32> to vector<16xi32>
        %parallel_loop3A_855 = tpu.dynamic_gather %parallel_loop3A_658[%parallel_loop3A_854] in [0] : vector<16xf32>, vector<16xi32> -> vector<16xf32>
        %parallel_loop3A_856 = arith.constant 5 : i32
        %parallel_loop3A_857 = vector.broadcast %parallel_loop3A_856 : i32 to vector<16x1xi32>
        %parallel_loop3A_858 = vector.shape_cast %parallel_loop3A_857 : vector<16x1xi32> to vector<16xi32>
        %parallel_loop3A_859 = tpu.dynamic_gather %parallel_loop3A_659[%parallel_loop3A_858] in [0] : vector<16xf32>, vector<16xi32> -> vector<16xf32>
        %parallel_loop3A_860 = arith.mulf %parallel_loop3A_746, %parallel_loop3A_855 : vector<16xf32>
        %parallel_loop3A_861 = arith.subf %parallel_loop3A_860, %parallel_loop3A_859 : vector<16xf32>
        %parallel_loop3A_862 = arith.mulf %parallel_loop3A_861, %get3A_4 : vector<16xf32>
        %parallel_loop3A_863 = arith.addf %parallel_loop3A_862, %get3A_12 : vector<16xf32>
        %parallel_loop3A_864 = arith.mulf %parallel_loop3A_751, %parallel_loop3A_855 : vector<16xf32>
        %parallel_loop3A_865 = arith.subf %parallel_loop3A_864, %parallel_loop3A_859 : vector<16xf32>
        %parallel_loop3A_866 = arith.mulf %parallel_loop3A_865, %get3A_8 : vector<16xf32>
        %parallel_loop3A_867 = arith.addf %parallel_loop3A_866, %get3A_16 : vector<16xf32>
        %parallel_loop3A_868 = arith.constant 6 : i32
        %parallel_loop3A_869 = vector.broadcast %parallel_loop3A_868 : i32 to vector<16x1xi32>
        %parallel_loop3A_870 = vector.shape_cast %parallel_loop3A_869 : vector<16x1xi32> to vector<16xi32>
        %parallel_loop3A_871 = tpu.dynamic_gather %parallel_loop3A_658[%parallel_loop3A_870] in [0] : vector<16xf32>, vector<16xi32> -> vector<16xf32>
        %parallel_loop3A_872 = arith.constant 6 : i32
        %parallel_loop3A_873 = vector.broadcast %parallel_loop3A_872 : i32 to vector<16x1xi32>
        %parallel_loop3A_874 = vector.shape_cast %parallel_loop3A_873 : vector<16x1xi32> to vector<16xi32>
        %parallel_loop3A_875 = tpu.dynamic_gather %parallel_loop3A_659[%parallel_loop3A_874] in [0] : vector<16xf32>, vector<16xi32> -> vector<16xf32>
        %parallel_loop3A_876 = arith.mulf %parallel_loop3A_756, %parallel_loop3A_871 : vector<16xf32>
        %parallel_loop3A_877 = arith.subf %parallel_loop3A_876, %parallel_loop3A_875 : vector<16xf32>
        %parallel_loop3A_878 = arith.mulf %parallel_loop3A_877, %get3A_4 : vector<16xf32>
        %parallel_loop3A_879 = arith.addf %parallel_loop3A_878, %get3A_12 : vector<16xf32>
        %parallel_loop3A_880 = arith.mulf %parallel_loop3A_761, %parallel_loop3A_871 : vector<16xf32>
        %parallel_loop3A_881 = arith.subf %parallel_loop3A_880, %parallel_loop3A_875 : vector<16xf32>
        %parallel_loop3A_882 = arith.mulf %parallel_loop3A_881, %get3A_8 : vector<16xf32>
        %parallel_loop3A_883 = arith.addf %parallel_loop3A_882, %get3A_16 : vector<16xf32>
        %parallel_loop3A_884 = arith.constant 7 : i32
        %parallel_loop3A_885 = vector.broadcast %parallel_loop3A_884 : i32 to vector<16x1xi32>
        %parallel_loop3A_886 = vector.shape_cast %parallel_loop3A_885 : vector<16x1xi32> to vector<16xi32>
        %parallel_loop3A_887 = tpu.dynamic_gather %parallel_loop3A_658[%parallel_loop3A_886] in [0] : vector<16xf32>, vector<16xi32> -> vector<16xf32>
        %parallel_loop3A_888 = arith.constant 7 : i32
        %parallel_loop3A_889 = vector.broadcast %parallel_loop3A_888 : i32 to vector<16x1xi32>
        %parallel_loop3A_890 = vector.shape_cast %parallel_loop3A_889 : vector<16x1xi32> to vector<16xi32>
        %parallel_loop3A_891 = tpu.dynamic_gather %parallel_loop3A_659[%parallel_loop3A_890] in [0] : vector<16xf32>, vector<16xi32> -> vector<16xf32>
        %parallel_loop3A_892 = arith.mulf %parallel_loop3A_766, %parallel_loop3A_887 : vector<16xf32>
        %parallel_loop3A_893 = arith.subf %parallel_loop3A_892, %parallel_loop3A_891 : vector<16xf32>
        %parallel_loop3A_894 = arith.mulf %parallel_loop3A_893, %get3A_4 : vector<16xf32>
        %parallel_loop3A_895 = arith.addf %parallel_loop3A_894, %get3A_12 : vector<16xf32>
        %parallel_loop3A_896 = arith.mulf %parallel_loop3A_771, %parallel_loop3A_887 : vector<16xf32>
        %parallel_loop3A_897 = arith.subf %parallel_loop3A_896, %parallel_loop3A_891 : vector<16xf32>
        %parallel_loop3A_898 = arith.mulf %parallel_loop3A_897, %get3A_8 : vector<16xf32>
        %parallel_loop3A_899 = arith.addf %parallel_loop3A_898, %get3A_16 : vector<16xf32>
        %parallel_loop3A_900 = math.exp %parallel_loop3A_783 : vector<16xf32>
        %parallel_loop3A_901 = math.exp %parallel_loop3A_787 : vector<16xf32>
        %parallel_loop3A_902 = math.exp %parallel_loop3A_799 : vector<16xf32>
        %parallel_loop3A_903 = math.exp %parallel_loop3A_803 : vector<16xf32>
        %parallel_loop3A_904 = math.exp %parallel_loop3A_815 : vector<16xf32>
        %parallel_loop3A_905 = math.exp %parallel_loop3A_819 : vector<16xf32>
        %parallel_loop3A_906 = math.exp %parallel_loop3A_831 : vector<16xf32>
        %parallel_loop3A_907 = math.exp %parallel_loop3A_835 : vector<16xf32>
        %parallel_loop3A_908 = math.exp %parallel_loop3A_847 : vector<16xf32>
        %parallel_loop3A_909 = math.exp %parallel_loop3A_851 : vector<16xf32>
        %parallel_loop3A_910 = math.exp %parallel_loop3A_863 : vector<16xf32>
        %parallel_loop3A_911 = math.exp %parallel_loop3A_867 : vector<16xf32>
        %parallel_loop3A_912 = math.exp %parallel_loop3A_879 : vector<16xf32>
        %parallel_loop3A_913 = math.exp %parallel_loop3A_883 : vector<16xf32>
        %parallel_loop3A_914 = math.exp %parallel_loop3A_895 : vector<16xf32>
        %parallel_loop3A_915 = math.exp %parallel_loop3A_899 : vector<16xf32>
        %parallel_loop3A_916 = arith.constant 0.000000e+00 : f32
        %parallel_loop3A_917 = vector.broadcast %parallel_loop3A_916 : f32 to vector<16xf32>
        %parallel_loop3A_918 = arith.cmpf ogt, %parallel_loop3A_783, %parallel_loop3A_917 : vector<16xf32>
        %parallel_loop3A_919 = arith.constant 1.000000e+00 : f32
        %parallel_loop3A_920 = vector.broadcast %parallel_loop3A_919 : f32 to vector<16xf32>
        %parallel_loop3A_921 = arith.subf %parallel_loop3A_900, %parallel_loop3A_920 : vector<16xf32>
        %parallel_loop3A_922 = arith.select %parallel_loop3A_918, %parallel_loop3A_783, %parallel_loop3A_921 : vector<16xi1>, vector<16xf32>
        %parallel_loop3A_923 = arith.constant 0.000000e+00 : f32
        %parallel_loop3A_924 = vector.broadcast %parallel_loop3A_923 : f32 to vector<16xf32>
        %parallel_loop3A_925 = arith.cmpf ogt, %parallel_loop3A_787, %parallel_loop3A_924 : vector<16xf32>
        %parallel_loop3A_926 = arith.constant 1.000000e+00 : f32
        %parallel_loop3A_927 = vector.broadcast %parallel_loop3A_926 : f32 to vector<16xf32>
        %parallel_loop3A_928 = arith.subf %parallel_loop3A_901, %parallel_loop3A_927 : vector<16xf32>
        %parallel_loop3A_929 = arith.select %parallel_loop3A_925, %parallel_loop3A_787, %parallel_loop3A_928 : vector<16xi1>, vector<16xf32>
        %parallel_loop3A_930 = arith.constant 0.000000e+00 : f32
        %parallel_loop3A_931 = vector.broadcast %parallel_loop3A_930 : f32 to vector<16xf32>
        %parallel_loop3A_932 = arith.cmpf ogt, %parallel_loop3A_799, %parallel_loop3A_931 : vector<16xf32>
        %parallel_loop3A_933 = arith.constant 1.000000e+00 : f32
        %parallel_loop3A_934 = vector.broadcast %parallel_loop3A_933 : f32 to vector<16xf32>
        %parallel_loop3A_935 = arith.subf %parallel_loop3A_902, %parallel_loop3A_934 : vector<16xf32>
        %parallel_loop3A_936 = arith.select %parallel_loop3A_932, %parallel_loop3A_799, %parallel_loop3A_935 : vector<16xi1>, vector<16xf32>
        %parallel_loop3A_937 = arith.constant 0.000000e+00 : f32
        %parallel_loop3A_938 = vector.broadcast %parallel_loop3A_937 : f32 to vector<16xf32>
        %parallel_loop3A_939 = arith.cmpf ogt, %parallel_loop3A_803, %parallel_loop3A_938 : vector<16xf32>
        %parallel_loop3A_940 = arith.constant 1.000000e+00 : f32
        %parallel_loop3A_941 = vector.broadcast %parallel_loop3A_940 : f32 to vector<16xf32>
        %parallel_loop3A_942 = arith.subf %parallel_loop3A_903, %parallel_loop3A_941 : vector<16xf32>
        %parallel_loop3A_943 = arith.select %parallel_loop3A_939, %parallel_loop3A_803, %parallel_loop3A_942 : vector<16xi1>, vector<16xf32>
        %parallel_loop3A_944 = arith.constant 0.000000e+00 : f32
        %parallel_loop3A_945 = vector.broadcast %parallel_loop3A_944 : f32 to vector<16xf32>
        %parallel_loop3A_946 = arith.cmpf ogt, %parallel_loop3A_815, %parallel_loop3A_945 : vector<16xf32>
        %parallel_loop3A_947 = arith.constant 1.000000e+00 : f32
        %parallel_loop3A_948 = vector.broadcast %parallel_loop3A_947 : f32 to vector<16xf32>
        %parallel_loop3A_949 = arith.subf %parallel_loop3A_904, %parallel_loop3A_948 : vector<16xf32>
        %parallel_loop3A_950 = arith.select %parallel_loop3A_946, %parallel_loop3A_815, %parallel_loop3A_949 : vector<16xi1>, vector<16xf32>
        %parallel_loop3A_951 = arith.constant 0.000000e+00 : f32
        %parallel_loop3A_952 = vector.broadcast %parallel_loop3A_951 : f32 to vector<16xf32>
        %parallel_loop3A_953 = arith.cmpf ogt, %parallel_loop3A_819, %parallel_loop3A_952 : vector<16xf32>
        %parallel_loop3A_954 = arith.constant 1.000000e+00 : f32
        %parallel_loop3A_955 = vector.broadcast %parallel_loop3A_954 : f32 to vector<16xf32>
        %parallel_loop3A_956 = arith.subf %parallel_loop3A_905, %parallel_loop3A_955 : vector<16xf32>
        %parallel_loop3A_957 = arith.select %parallel_loop3A_953, %parallel_loop3A_819, %parallel_loop3A_956 : vector<16xi1>, vector<16xf32>
        %parallel_loop3A_958 = arith.constant 0.000000e+00 : f32
        %parallel_loop3A_959 = vector.broadcast %parallel_loop3A_958 : f32 to vector<16xf32>
        %parallel_loop3A_960 = arith.cmpf ogt, %parallel_loop3A_831, %parallel_loop3A_959 : vector<16xf32>
        %parallel_loop3A_961 = arith.constant 1.000000e+00 : f32
        %parallel_loop3A_962 = vector.broadcast %parallel_loop3A_961 : f32 to vector<16xf32>
        %parallel_loop3A_963 = arith.subf %parallel_loop3A_906, %parallel_loop3A_962 : vector<16xf32>
        %parallel_loop3A_964 = arith.select %parallel_loop3A_960, %parallel_loop3A_831, %parallel_loop3A_963 : vector<16xi1>, vector<16xf32>
        %parallel_loop3A_965 = arith.constant 0.000000e+00 : f32
        %parallel_loop3A_966 = vector.broadcast %parallel_loop3A_965 : f32 to vector<16xf32>
        %parallel_loop3A_967 = arith.cmpf ogt, %parallel_loop3A_835, %parallel_loop3A_966 : vector<16xf32>
        %parallel_loop3A_968 = arith.constant 1.000000e+00 : f32
        %parallel_loop3A_969 = vector.broadcast %parallel_loop3A_968 : f32 to vector<16xf32>
        %parallel_loop3A_970 = arith.subf %parallel_loop3A_907, %parallel_loop3A_969 : vector<16xf32>
        %parallel_loop3A_971 = arith.select %parallel_loop3A_967, %parallel_loop3A_835, %parallel_loop3A_970 : vector<16xi1>, vector<16xf32>
        %parallel_loop3A_972 = arith.constant 0.000000e+00 : f32
        %parallel_loop3A_973 = vector.broadcast %parallel_loop3A_972 : f32 to vector<16xf32>
        %parallel_loop3A_974 = arith.cmpf ogt, %parallel_loop3A_847, %parallel_loop3A_973 : vector<16xf32>
        %parallel_loop3A_975 = arith.constant 1.000000e+00 : f32
        %parallel_loop3A_976 = vector.broadcast %parallel_loop3A_975 : f32 to vector<16xf32>
        %parallel_loop3A_977 = arith.subf %parallel_loop3A_908, %parallel_loop3A_976 : vector<16xf32>
        %parallel_loop3A_978 = arith.select %parallel_loop3A_974, %parallel_loop3A_847, %parallel_loop3A_977 : vector<16xi1>, vector<16xf32>
        %parallel_loop3A_979 = arith.constant 0.000000e+00 : f32
        %parallel_loop3A_980 = vector.broadcast %parallel_loop3A_979 : f32 to vector<16xf32>
        %parallel_loop3A_981 = arith.cmpf ogt, %parallel_loop3A_851, %parallel_loop3A_980 : vector<16xf32>
        %parallel_loop3A_982 = arith.constant 1.000000e+00 : f32
        %parallel_loop3A_983 = vector.broadcast %parallel_loop3A_982 : f32 to vector<16xf32>
        %parallel_loop3A_984 = arith.subf %parallel_loop3A_909, %parallel_loop3A_983 : vector<16xf32>
        %parallel_loop3A_985 = arith.select %parallel_loop3A_981, %parallel_loop3A_851, %parallel_loop3A_984 : vector<16xi1>, vector<16xf32>
        %parallel_loop3A_986 = arith.constant 0.000000e+00 : f32
        %parallel_loop3A_987 = vector.broadcast %parallel_loop3A_986 : f32 to vector<16xf32>
        %parallel_loop3A_988 = arith.cmpf ogt, %parallel_loop3A_863, %parallel_loop3A_987 : vector<16xf32>
        %parallel_loop3A_989 = arith.constant 1.000000e+00 : f32
        %parallel_loop3A_990 = vector.broadcast %parallel_loop3A_989 : f32 to vector<16xf32>
        %parallel_loop3A_991 = arith.subf %parallel_loop3A_910, %parallel_loop3A_990 : vector<16xf32>
        %parallel_loop3A_992 = arith.select %parallel_loop3A_988, %parallel_loop3A_863, %parallel_loop3A_991 : vector<16xi1>, vector<16xf32>
        %parallel_loop3A_993 = arith.constant 0.000000e+00 : f32
        %parallel_loop3A_994 = vector.broadcast %parallel_loop3A_993 : f32 to vector<16xf32>
        %parallel_loop3A_995 = arith.cmpf ogt, %parallel_loop3A_867, %parallel_loop3A_994 : vector<16xf32>
        %parallel_loop3A_996 = arith.constant 1.000000e+00 : f32
        %parallel_loop3A_997 = vector.broadcast %parallel_loop3A_996 : f32 to vector<16xf32>
        %parallel_loop3A_998 = arith.subf %parallel_loop3A_911, %parallel_loop3A_997 : vector<16xf32>
        %parallel_loop3A_999 = arith.select %parallel_loop3A_995, %parallel_loop3A_867, %parallel_loop3A_998 : vector<16xi1>, vector<16xf32>
        %parallel_loop3A_1000 = arith.constant 0.000000e+00 : f32
        %parallel_loop3A_1001 = vector.broadcast %parallel_loop3A_1000 : f32 to vector<16xf32>
        %parallel_loop3A_1002 = arith.cmpf ogt, %parallel_loop3A_879, %parallel_loop3A_1001 : vector<16xf32>
        %parallel_loop3A_1003 = arith.constant 1.000000e+00 : f32
        %parallel_loop3A_1004 = vector.broadcast %parallel_loop3A_1003 : f32 to vector<16xf32>
        %parallel_loop3A_1005 = arith.subf %parallel_loop3A_912, %parallel_loop3A_1004 : vector<16xf32>
        %parallel_loop3A_1006 = arith.select %parallel_loop3A_1002, %parallel_loop3A_879, %parallel_loop3A_1005 : vector<16xi1>, vector<16xf32>
        %parallel_loop3A_1007 = arith.constant 0.000000e+00 : f32
        %parallel_loop3A_1008 = vector.broadcast %parallel_loop3A_1007 : f32 to vector<16xf32>
        %parallel_loop3A_1009 = arith.cmpf ogt, %parallel_loop3A_883, %parallel_loop3A_1008 : vector<16xf32>
        %parallel_loop3A_1010 = arith.constant 1.000000e+00 : f32
        %parallel_loop3A_1011 = vector.broadcast %parallel_loop3A_1010 : f32 to vector<16xf32>
        %parallel_loop3A_1012 = arith.subf %parallel_loop3A_913, %parallel_loop3A_1011 : vector<16xf32>
        %parallel_loop3A_1013 = arith.select %parallel_loop3A_1009, %parallel_loop3A_883, %parallel_loop3A_1012 : vector<16xi1>, vector<16xf32>
        %parallel_loop3A_1014 = arith.constant 0.000000e+00 : f32
        %parallel_loop3A_1015 = vector.broadcast %parallel_loop3A_1014 : f32 to vector<16xf32>
        %parallel_loop3A_1016 = arith.cmpf ogt, %parallel_loop3A_895, %parallel_loop3A_1015 : vector<16xf32>
        %parallel_loop3A_1017 = arith.constant 1.000000e+00 : f32
        %parallel_loop3A_1018 = vector.broadcast %parallel_loop3A_1017 : f32 to vector<16xf32>
        %parallel_loop3A_1019 = arith.subf %parallel_loop3A_914, %parallel_loop3A_1018 : vector<16xf32>
        %parallel_loop3A_1020 = arith.select %parallel_loop3A_1016, %parallel_loop3A_895, %parallel_loop3A_1019 : vector<16xi1>, vector<16xf32>
        %parallel_loop3A_1021 = arith.constant 0.000000e+00 : f32
        %parallel_loop3A_1022 = vector.broadcast %parallel_loop3A_1021 : f32 to vector<16xf32>
        %parallel_loop3A_1023 = arith.cmpf ogt, %parallel_loop3A_899, %parallel_loop3A_1022 : vector<16xf32>
        %parallel_loop3A_1024 = arith.constant 1.000000e+00 : f32
        %parallel_loop3A_1025 = vector.broadcast %parallel_loop3A_1024 : f32 to vector<16xf32>
        %parallel_loop3A_1026 = arith.subf %parallel_loop3A_915, %parallel_loop3A_1025 : vector<16xf32>
        %parallel_loop3A_1027 = arith.select %parallel_loop3A_1023, %parallel_loop3A_899, %parallel_loop3A_1026 : vector<16xi1>, vector<16xf32>
        %parallel_loop3A_1028 = arith.constant 0 : i32
        %parallel_loop3A_1029 = arith.index_cast %parallel_loop3A_1028 : i32 to index
        %parallel_loop3A_1030 = arith.index_cast %parallel_loop3A_663 : i32 to index
        %parallel_loop3A_1031 = arith.constant 0 : index
        %parallel_loop3A_1032 = tpu.vector_load %arg9[%parallel_loop3A_1029, %parallel_loop3A_1030, %parallel_loop3A_1031] {strides = array<i32>} : memref<2x512x32xf32, #tpu.memory_space<vmem>>, vector<16xf32>,
        tpu.vector_store %arg9[%parallel_loop3A_1029, %parallel_loop3A_1030, %parallel_loop3A_1031], %parallel_loop3A_922 {strides = array<i32>} : memref<2x512x32xf32, #tpu.memory_space<vmem>>, vector<16xf32>,
        %parallel_loop3A_1033 = arith.constant 0 : i32
        %parallel_loop3A_1034 = arith.index_cast %parallel_loop3A_1033 : i32 to index
        %parallel_loop3A_1035 = arith.index_cast %parallel_loop3A_663 : i32 to index
        %parallel_loop3A_1036 = arith.constant 16 : index
        %parallel_loop3A_1037 = tpu.vector_load %arg9[%parallel_loop3A_1034, %parallel_loop3A_1035, %parallel_loop3A_1036] {strides = array<i32>} : memref<2x512x32xf32, #tpu.memory_space<vmem>>, vector<16xf32>,
        tpu.vector_store %arg9[%parallel_loop3A_1034, %parallel_loop3A_1035, %parallel_loop3A_1036], %parallel_loop3A_929 {strides = array<i32>} : memref<2x512x32xf32, #tpu.memory_space<vmem>>, vector<16xf32>,
        %parallel_loop3A_1038 = arith.constant 0 : i32
        %parallel_loop3A_1039 = arith.index_cast %parallel_loop3A_1038 : i32 to index
        %parallel_loop3A_1040 = arith.index_cast %parallel_loop3A_667 : i32 to index
        %parallel_loop3A_1041 = arith.constant 0 : index
        %parallel_loop3A_1042 = tpu.vector_load %arg9[%parallel_loop3A_1039, %parallel_loop3A_1040, %parallel_loop3A_1041] {strides = array<i32>} : memref<2x512x32xf32, #tpu.memory_space<vmem>>, vector<16xf32>,
        tpu.vector_store %arg9[%parallel_loop3A_1039, %parallel_loop3A_1040, %parallel_loop3A_1041], %parallel_loop3A_936 {strides = array<i32>} : memref<2x512x32xf32, #tpu.memory_space<vmem>>, vector<16xf32>,
        %parallel_loop3A_1043 = arith.constant 0 : i32
        %parallel_loop3A_1044 = arith.index_cast %parallel_loop3A_1043 : i32 to index
        %parallel_loop3A_1045 = arith.index_cast %parallel_loop3A_667 : i32 to index
        %parallel_loop3A_1046 = arith.constant 16 : index
        %parallel_loop3A_1047 = tpu.vector_load %arg9[%parallel_loop3A_1044, %parallel_loop3A_1045, %parallel_loop3A_1046] {strides = array<i32>} : memref<2x512x32xf32, #tpu.memory_space<vmem>>, vector<16xf32>,
        tpu.vector_store %arg9[%parallel_loop3A_1044, %parallel_loop3A_1045, %parallel_loop3A_1046], %parallel_loop3A_943 {strides = array<i32>} : memref<2x512x32xf32, #tpu.memory_space<vmem>>, vector<16xf32>,
        %parallel_loop3A_1048 = arith.constant 0 : i32
        %parallel_loop3A_1049 = arith.index_cast %parallel_loop3A_1048 : i32 to index
        %parallel_loop3A_1050 = arith.index_cast %parallel_loop3A_671 : i32 to index
        %parallel_loop3A_1051 = arith.constant 0 : index
        %parallel_loop3A_1052 = tpu.vector_load %arg9[%parallel_loop3A_1049, %parallel_loop3A_1050, %parallel_loop3A_1051] {strides = array<i32>} : memref<2x512x32xf32, #tpu.memory_space<vmem>>, vector<16xf32>,
        tpu.vector_store %arg9[%parallel_loop3A_1049, %parallel_loop3A_1050, %parallel_loop3A_1051], %parallel_loop3A_950 {strides = array<i32>} : memref<2x512x32xf32, #tpu.memory_space<vmem>>, vector<16xf32>,
        %parallel_loop3A_1053 = arith.constant 0 : i32
        %parallel_loop3A_1054 = arith.index_cast %parallel_loop3A_1053 : i32 to index
        %parallel_loop3A_1055 = arith.index_cast %parallel_loop3A_671 : i32 to index
        %parallel_loop3A_1056 = arith.constant 16 : index
        %parallel_loop3A_1057 = tpu.vector_load %arg9[%parallel_loop3A_1054, %parallel_loop3A_1055, %parallel_loop3A_1056] {strides = array<i32>} : memref<2x512x32xf32, #tpu.memory_space<vmem>>, vector<16xf32>,
        tpu.vector_store %arg9[%parallel_loop3A_1054, %parallel_loop3A_1055, %parallel_loop3A_1056], %parallel_loop3A_957 {strides = array<i32>} : memref<2x512x32xf32, #tpu.memory_space<vmem>>, vector<16xf32>,
        %parallel_loop3A_1058 = arith.constant 0 : i32
        %parallel_loop3A_1059 = arith.index_cast %parallel_loop3A_1058 : i32 to index
        %parallel_loop3A_1060 = arith.index_cast %parallel_loop3A_675 : i32 to index
        %parallel_loop3A_1061 = arith.constant 0 : index
        %parallel_loop3A_1062 = tpu.vector_load %arg9[%parallel_loop3A_1059, %parallel_loop3A_1060, %parallel_loop3A_1061] {strides = array<i32>} : memref<2x512x32xf32, #tpu.memory_space<vmem>>, vector<16xf32>,
        tpu.vector_store %arg9[%parallel_loop3A_1059, %parallel_loop3A_1060, %parallel_loop3A_1061], %parallel_loop3A_964 {strides = array<i32>} : memref<2x512x32xf32, #tpu.memory_space<vmem>>, vector<16xf32>,
        %parallel_loop3A_1063 = arith.constant 0 : i32
        %parallel_loop3A_1064 = arith.index_cast %parallel_loop3A_1063 : i32 to index
        %parallel_loop3A_1065 = arith.index_cast %parallel_loop3A_675 : i32 to index
        %parallel_loop3A_1066 = arith.constant 16 : index
        %parallel_loop3A_1067 = tpu.vector_load %arg9[%parallel_loop3A_1064, %parallel_loop3A_1065, %parallel_loop3A_1066] {strides = array<i32>} : memref<2x512x32xf32, #tpu.memory_space<vmem>>, vector<16xf32>,
        tpu.vector_store %arg9[%parallel_loop3A_1064, %parallel_loop3A_1065, %parallel_loop3A_1066], %parallel_loop3A_971 {strides = array<i32>} : memref<2x512x32xf32, #tpu.memory_space<vmem>>, vector<16xf32>,
        %parallel_loop3A_1068 = arith.constant 0 : i32
        %parallel_loop3A_1069 = arith.index_cast %parallel_loop3A_1068 : i32 to index
        %parallel_loop3A_1070 = arith.index_cast %parallel_loop3A_679 : i32 to index
        %parallel_loop3A_1071 = arith.constant 0 : index
        %parallel_loop3A_1072 = tpu.vector_load %arg9[%parallel_loop3A_1069, %parallel_loop3A_1070, %parallel_loop3A_1071] {strides = array<i32>} : memref<2x512x32xf32, #tpu.memory_space<vmem>>, vector<16xf32>,
        tpu.vector_store %arg9[%parallel_loop3A_1069, %parallel_loop3A_1070, %parallel_loop3A_1071], %parallel_loop3A_978 {strides = array<i32>} : memref<2x512x32xf32, #tpu.memory_space<vmem>>, vector<16xf32>,
        %parallel_loop3A_1073 = arith.constant 0 : i32
        %parallel_loop3A_1074 = arith.index_cast %parallel_loop3A_1073 : i32 to index
        %parallel_loop3A_1075 = arith.index_cast %parallel_loop3A_679 : i32 to index
        %parallel_loop3A_1076 = arith.constant 16 : index
        %parallel_loop3A_1077 = tpu.vector_load %arg9[%parallel_loop3A_1074, %parallel_loop3A_1075, %parallel_loop3A_1076] {strides = array<i32>} : memref<2x512x32xf32, #tpu.memory_space<vmem>>, vector<16xf32>,
        tpu.vector_store %arg9[%parallel_loop3A_1074, %parallel_loop3A_1075, %parallel_loop3A_1076], %parallel_loop3A_985 {strides = array<i32>} : memref<2x512x32xf32, #tpu.memory_space<vmem>>, vector<16xf32>,
        %parallel_loop3A_1078 = arith.constant 0 : i32
        %parallel_loop3A_1079 = arith.index_cast %parallel_loop3A_1078 : i32 to index
        %parallel_loop3A_1080 = arith.index_cast %parallel_loop3A_683 : i32 to index
        %parallel_loop3A_1081 = arith.constant 0 : index
        %parallel_loop3A_1082 = tpu.vector_load %arg9[%parallel_loop3A_1079, %parallel_loop3A_1080, %parallel_loop3A_1081] {strides = array<i32>} : memref<2x512x32xf32, #tpu.memory_space<vmem>>, vector<16xf32>,
        tpu.vector_store %arg9[%parallel_loop3A_1079, %parallel_loop3A_1080, %parallel_loop3A_1081], %parallel_loop3A_992 {strides = array<i32>} : memref<2x512x32xf32, #tpu.memory_space<vmem>>, vector<16xf32>,
        %parallel_loop3A_1083 = arith.constant 0 : i32
        %parallel_loop3A_1084 = arith.index_cast %parallel_loop3A_1083 : i32 to index
        %parallel_loop3A_1085 = arith.index_cast %parallel_loop3A_683 : i32 to index
        %parallel_loop3A_1086 = arith.constant 16 : index
        %parallel_loop3A_1087 = tpu.vector_load %arg9[%parallel_loop3A_1084, %parallel_loop3A_1085, %parallel_loop3A_1086] {strides = array<i32>} : memref<2x512x32xf32, #tpu.memory_space<vmem>>, vector<16xf32>,
        tpu.vector_store %arg9[%parallel_loop3A_1084, %parallel_loop3A_1085, %parallel_loop3A_1086], %parallel_loop3A_999 {strides = array<i32>} : memref<2x512x32xf32, #tpu.memory_space<vmem>>, vector<16xf32>,
        %parallel_loop3A_1088 = arith.constant 0 : i32
        %parallel_loop3A_1089 = arith.index_cast %parallel_loop3A_1088 : i32 to index
        %parallel_loop3A_1090 = arith.index_cast %parallel_loop3A_687 : i32 to index
        %parallel_loop3A_1091 = arith.constant 0 : index
        %parallel_loop3A_1092 = tpu.vector_load %arg9[%parallel_loop3A_1089, %parallel_loop3A_1090, %parallel_loop3A_1091] {strides = array<i32>} : memref<2x512x32xf32, #tpu.memory_space<vmem>>, vector<16xf32>,
        tpu.vector_store %arg9[%parallel_loop3A_1089, %parallel_loop3A_1090, %parallel_loop3A_1091], %parallel_loop3A_1006 {strides = array<i32>} : memref<2x512x32xf32, #tpu.memory_space<vmem>>, vector<16xf32>,
        %parallel_loop3A_1093 = arith.constant 0 : i32
        %parallel_loop3A_1094 = arith.index_cast %parallel_loop3A_1093 : i32 to index
        %parallel_loop3A_1095 = arith.index_cast %parallel_loop3A_687 : i32 to index
        %parallel_loop3A_1096 = arith.constant 16 : index
        %parallel_loop3A_1097 = tpu.vector_load %arg9[%parallel_loop3A_1094, %parallel_loop3A_1095, %parallel_loop3A_1096] {strides = array<i32>} : memref<2x512x32xf32, #tpu.memory_space<vmem>>, vector<16xf32>,
        tpu.vector_store %arg9[%parallel_loop3A_1094, %parallel_loop3A_1095, %parallel_loop3A_1096], %parallel_loop3A_1013 {strides = array<i32>} : memref<2x512x32xf32, #tpu.memory_space<vmem>>, vector<16xf32>,
        %parallel_loop3A_1098 = arith.constant 0 : i32
        %parallel_loop3A_1099 = arith.index_cast %parallel_loop3A_1098 : i32 to index
        %parallel_loop3A_1100 = arith.index_cast %parallel_loop3A_691 : i32 to index
        %parallel_loop3A_1101 = arith.constant 0 : index
        %parallel_loop3A_1102 = tpu.vector_load %arg9[%parallel_loop3A_1099, %parallel_loop3A_1100, %parallel_loop3A_1101] {strides = array<i32>} : memref<2x512x32xf32, #tpu.memory_space<vmem>>, vector<16xf32>,
        tpu.vector_store %arg9[%parallel_loop3A_1099, %parallel_loop3A_1100, %parallel_loop3A_1101], %parallel_loop3A_1020 {strides = array<i32>} : memref<2x512x32xf32, #tpu.memory_space<vmem>>, vector<16xf32>,
        %parallel_loop3A_1103 = arith.constant 0 : i32
        %parallel_loop3A_1104 = arith.index_cast %parallel_loop3A_1103 : i32 to index
        %parallel_loop3A_1105 = arith.index_cast %parallel_loop3A_691 : i32 to index
        %parallel_loop3A_1106 = arith.constant 16 : index
        %parallel_loop3A_1107 = tpu.vector_load %arg9[%parallel_loop3A_1104, %parallel_loop3A_1105, %parallel_loop3A_1106] {strides = array<i32>} : memref<2x512x32xf32, #tpu.memory_space<vmem>>, vector<16xf32>,
        tpu.vector_store %arg9[%parallel_loop3A_1104, %parallel_loop3A_1105, %parallel_loop3A_1106], %parallel_loop3A_1027 {strides = array<i32>} : memref<2x512x32xf32, #tpu.memory_space<vmem>>, vector<16xf32>,
        %parallel_loop3A_1108 = arith.constant 8 : i32
        %parallel_loop3A_1109 = arith.addi %parallel_loop3A_260, %parallel_loop3A_1108 : i32
        %parallel_loop3A_1110 = arith.constant 0 : i32
        %parallel_loop3A_1111 = arith.addi %parallel_loop3A_1109, %parallel_loop3A_1110 : i32
        %parallel_loop3A_1112 = arith.constant 8 : i32
        %parallel_loop3A_1113 = arith.addi %parallel_loop3A_260, %parallel_loop3A_1112 : i32
        %parallel_loop3A_1114 = arith.constant 1 : i32
        %parallel_loop3A_1115 = arith.addi %parallel_loop3A_1113, %parallel_loop3A_1114 : i32
        %parallel_loop3A_1116 = arith.constant 8 : i32
        %parallel_loop3A_1117 = arith.addi %parallel_loop3A_260, %parallel_loop3A_1116 : i32
        %parallel_loop3A_1118 = arith.constant 2 : i32
        %parallel_loop3A_1119 = arith.addi %parallel_loop3A_1117, %parallel_loop3A_1118 : i32
        %parallel_loop3A_1120 = arith.constant 8 : i32
        %parallel_loop3A_1121 = arith.addi %parallel_loop3A_260, %parallel_loop3A_1120 : i32
        %parallel_loop3A_1122 = arith.constant 3 : i32
        %parallel_loop3A_1123 = arith.addi %parallel_loop3A_1121, %parallel_loop3A_1122 : i32
        %parallel_loop3A_1124 = arith.constant 8 : i32
        %parallel_loop3A_1125 = arith.addi %parallel_loop3A_260, %parallel_loop3A_1124 : i32
        %parallel_loop3A_1126 = arith.constant 4 : i32
        %parallel_loop3A_1127 = arith.addi %parallel_loop3A_1125, %parallel_loop3A_1126 : i32
        %parallel_loop3A_1128 = arith.constant 8 : i32
        %parallel_loop3A_1129 = arith.addi %parallel_loop3A_260, %parallel_loop3A_1128 : i32
        %parallel_loop3A_1130 = arith.constant 5 : i32
        %parallel_loop3A_1131 = arith.addi %parallel_loop3A_1129, %parallel_loop3A_1130 : i32
        %parallel_loop3A_1132 = arith.constant 8 : i32
        %parallel_loop3A_1133 = arith.addi %parallel_loop3A_260, %parallel_loop3A_1132 : i32
        %parallel_loop3A_1134 = arith.constant 6 : i32
        %parallel_loop3A_1135 = arith.addi %parallel_loop3A_1133, %parallel_loop3A_1134 : i32
        %parallel_loop3A_1136 = arith.constant 8 : i32
        %parallel_loop3A_1137 = arith.addi %parallel_loop3A_260, %parallel_loop3A_1136 : i32
        %parallel_loop3A_1138 = arith.constant 7 : i32
        %parallel_loop3A_1139 = arith.addi %parallel_loop3A_1137, %parallel_loop3A_1138 : i32
        %parallel_loop3A_1140 = arith.constant 0 : i32
        %parallel_loop3A_1141 = arith.index_cast %parallel_loop3A_1140 : i32 to index
        %parallel_loop3A_1142 = arith.index_cast %parallel_loop3A_1111 : i32 to index
        %parallel_loop3A_1143 = arith.constant 0 : index
        %parallel_loop3A_1144 = tpu.vector_load %arg8[%parallel_loop3A_1141, %parallel_loop3A_1142, %parallel_loop3A_1143] {strides = array<i32>} : memref<2x512x32xf32, #tpu.memory_space<vmem>>, vector<16xf32>,
        %parallel_loop3A_1145 = arith.constant 0 : i32
        %parallel_loop3A_1146 = arith.index_cast %parallel_loop3A_1145 : i32 to index
        %parallel_loop3A_1147 = arith.index_cast %parallel_loop3A_1111 : i32 to index
        %parallel_loop3A_1148 = arith.constant 16 : index
        %parallel_loop3A_1149 = tpu.vector_load %arg8[%parallel_loop3A_1146, %parallel_loop3A_1147, %parallel_loop3A_1148] {strides = array<i32>} : memref<2x512x32xf32, #tpu.memory_space<vmem>>, vector<16xf32>,
        %parallel_loop3A_1150 = arith.constant 0 : i32
        %parallel_loop3A_1151 = arith.index_cast %parallel_loop3A_1150 : i32 to index
        %parallel_loop3A_1152 = arith.index_cast %parallel_loop3A_1115 : i32 to index
        %parallel_loop3A_1153 = arith.constant 0 : index
        %parallel_loop3A_1154 = tpu.vector_load %arg8[%parallel_loop3A_1151, %parallel_loop3A_1152, %parallel_loop3A_1153] {strides = array<i32>} : memref<2x512x32xf32, #tpu.memory_space<vmem>>, vector<16xf32>,
        %parallel_loop3A_1155 = arith.constant 0 : i32
        %parallel_loop3A_1156 = arith.index_cast %parallel_loop3A_1155 : i32 to index
        %parallel_loop3A_1157 = arith.index_cast %parallel_loop3A_1115 : i32 to index
        %parallel_loop3A_1158 = arith.constant 16 : index
        %parallel_loop3A_1159 = tpu.vector_load %arg8[%parallel_loop3A_1156, %parallel_loop3A_1157, %parallel_loop3A_1158] {strides = array<i32>} : memref<2x512x32xf32, #tpu.memory_space<vmem>>, vector<16xf32>,
        %parallel_loop3A_1160 = arith.constant 0 : i32
        %parallel_loop3A_1161 = arith.index_cast %parallel_loop3A_1160 : i32 to index
        %parallel_loop3A_1162 = arith.index_cast %parallel_loop3A_1119 : i32 to index
        %parallel_loop3A_1163 = arith.constant 0 : index
        %parallel_loop3A_1164 = tpu.vector_load %arg8[%parallel_loop3A_1161, %parallel_loop3A_1162, %parallel_loop3A_1163] {strides = array<i32>} : memref<2x512x32xf32, #tpu.memory_space<vmem>>, vector<16xf32>,
        %parallel_loop3A_1165 = arith.constant 0 : i32
        %parallel_loop3A_1166 = arith.index_cast %parallel_loop3A_1165 : i32 to index
        %parallel_loop3A_1167 = arith.index_cast %parallel_loop3A_1119 : i32 to index
        %parallel_loop3A_1168 = arith.constant 16 : index
        %parallel_loop3A_1169 = tpu.vector_load %arg8[%parallel_loop3A_1166, %parallel_loop3A_1167, %parallel_loop3A_1168] {strides = array<i32>} : memref<2x512x32xf32, #tpu.memory_space<vmem>>, vector<16xf32>,
        %parallel_loop3A_1170 = arith.constant 0 : i32
        %parallel_loop3A_1171 = arith.index_cast %parallel_loop3A_1170 : i32 to index
        %parallel_loop3A_1172 = arith.index_cast %parallel_loop3A_1123 : i32 to index
        %parallel_loop3A_1173 = arith.constant 0 : index
        %parallel_loop3A_1174 = tpu.vector_load %arg8[%parallel_loop3A_1171, %parallel_loop3A_1172, %parallel_loop3A_1173] {strides = array<i32>} : memref<2x512x32xf32, #tpu.memory_space<vmem>>, vector<16xf32>,
        %parallel_loop3A_1175 = arith.constant 0 : i32
        %parallel_loop3A_1176 = arith.index_cast %parallel_loop3A_1175 : i32 to index
        %parallel_loop3A_1177 = arith.index_cast %parallel_loop3A_1123 : i32 to index
        %parallel_loop3A_1178 = arith.constant 16 : index
        %parallel_loop3A_1179 = tpu.vector_load %arg8[%parallel_loop3A_1176, %parallel_loop3A_1177, %parallel_loop3A_1178] {strides = array<i32>} : memref<2x512x32xf32, #tpu.memory_space<vmem>>, vector<16xf32>,
        %parallel_loop3A_1180 = arith.constant 0 : i32
        %parallel_loop3A_1181 = arith.index_cast %parallel_loop3A_1180 : i32 to index
        %parallel_loop3A_1182 = arith.index_cast %parallel_loop3A_1127 : i32 to index
        %parallel_loop3A_1183 = arith.constant 0 : index
        %parallel_loop3A_1184 = tpu.vector_load %arg8[%parallel_loop3A_1181, %parallel_loop3A_1182, %parallel_loop3A_1183] {strides = array<i32>} : memref<2x512x32xf32, #tpu.memory_space<vmem>>, vector<16xf32>,
        %parallel_loop3A_1185 = arith.constant 0 : i32
        %parallel_loop3A_1186 = arith.index_cast %parallel_loop3A_1185 : i32 to index
        %parallel_loop3A_1187 = arith.index_cast %parallel_loop3A_1127 : i32 to index
        %parallel_loop3A_1188 = arith.constant 16 : index
        %parallel_loop3A_1189 = tpu.vector_load %arg8[%parallel_loop3A_1186, %parallel_loop3A_1187, %parallel_loop3A_1188] {strides = array<i32>} : memref<2x512x32xf32, #tpu.memory_space<vmem>>, vector<16xf32>,
        %parallel_loop3A_1190 = arith.constant 0 : i32
        %parallel_loop3A_1191 = arith.index_cast %parallel_loop3A_1190 : i32 to index
        %parallel_loop3A_1192 = arith.index_cast %parallel_loop3A_1131 : i32 to index
        %parallel_loop3A_1193 = arith.constant 0 : index
        %parallel_loop3A_1194 = tpu.vector_load %arg8[%parallel_loop3A_1191, %parallel_loop3A_1192, %parallel_loop3A_1193] {strides = array<i32>} : memref<2x512x32xf32, #tpu.memory_space<vmem>>, vector<16xf32>,
        %parallel_loop3A_1195 = arith.constant 0 : i32
        %parallel_loop3A_1196 = arith.index_cast %parallel_loop3A_1195 : i32 to index
        %parallel_loop3A_1197 = arith.index_cast %parallel_loop3A_1131 : i32 to index
        %parallel_loop3A_1198 = arith.constant 16 : index
        %parallel_loop3A_1199 = tpu.vector_load %arg8[%parallel_loop3A_1196, %parallel_loop3A_1197, %parallel_loop3A_1198] {strides = array<i32>} : memref<2x512x32xf32, #tpu.memory_space<vmem>>, vector<16xf32>,
        %parallel_loop3A_1200 = arith.constant 0 : i32
        %parallel_loop3A_1201 = arith.index_cast %parallel_loop3A_1200 : i32 to index
        %parallel_loop3A_1202 = arith.index_cast %parallel_loop3A_1135 : i32 to index
        %parallel_loop3A_1203 = arith.constant 0 : index
        %parallel_loop3A_1204 = tpu.vector_load %arg8[%parallel_loop3A_1201, %parallel_loop3A_1202, %parallel_loop3A_1203] {strides = array<i32>} : memref<2x512x32xf32, #tpu.memory_space<vmem>>, vector<16xf32>,
        %parallel_loop3A_1205 = arith.constant 0 : i32
        %parallel_loop3A_1206 = arith.index_cast %parallel_loop3A_1205 : i32 to index
        %parallel_loop3A_1207 = arith.index_cast %parallel_loop3A_1135 : i32 to index
        %parallel_loop3A_1208 = arith.constant 16 : index
        %parallel_loop3A_1209 = tpu.vector_load %arg8[%parallel_loop3A_1206, %parallel_loop3A_1207, %parallel_loop3A_1208] {strides = array<i32>} : memref<2x512x32xf32, #tpu.memory_space<vmem>>, vector<16xf32>,
        %parallel_loop3A_1210 = arith.constant 0 : i32
        %parallel_loop3A_1211 = arith.index_cast %parallel_loop3A_1210 : i32 to index
        %parallel_loop3A_1212 = arith.index_cast %parallel_loop3A_1139 : i32 to index
        %parallel_loop3A_1213 = arith.constant 0 : index
        %parallel_loop3A_1214 = tpu.vector_load %arg8[%parallel_loop3A_1211, %parallel_loop3A_1212, %parallel_loop3A_1213] {strides = array<i32>} : memref<2x512x32xf32, #tpu.memory_space<vmem>>, vector<16xf32>,
        %parallel_loop3A_1215 = arith.constant 0 : i32
        %parallel_loop3A_1216 = arith.index_cast %parallel_loop3A_1215 : i32 to index
        %parallel_loop3A_1217 = arith.index_cast %parallel_loop3A_1139 : i32 to index
        %parallel_loop3A_1218 = arith.constant 16 : index
        %parallel_loop3A_1219 = tpu.vector_load %arg8[%parallel_loop3A_1216, %parallel_loop3A_1217, %parallel_loop3A_1218] {strides = array<i32>} : memref<2x512x32xf32, #tpu.memory_space<vmem>>, vector<16xf32>,
        %parallel_loop3A_1220 = arith.constant 8 : i32
        %parallel_loop3A_1221 = vector.broadcast %parallel_loop3A_1220 : i32 to vector<16x1xi32>
        %parallel_loop3A_1222 = vector.shape_cast %parallel_loop3A_1221 : vector<16x1xi32> to vector<16xi32>
        %parallel_loop3A_1223 = tpu.dynamic_gather %parallel_loop3A_658[%parallel_loop3A_1222] in [0] : vector<16xf32>, vector<16xi32> -> vector<16xf32>
        %parallel_loop3A_1224 = arith.constant 8 : i32
        %parallel_loop3A_1225 = vector.broadcast %parallel_loop3A_1224 : i32 to vector<16x1xi32>
        %parallel_loop3A_1226 = vector.shape_cast %parallel_loop3A_1225 : vector<16x1xi32> to vector<16xi32>
        %parallel_loop3A_1227 = tpu.dynamic_gather %parallel_loop3A_659[%parallel_loop3A_1226] in [0] : vector<16xf32>, vector<16xi32> -> vector<16xf32>
        %parallel_loop3A_1228 = arith.mulf %parallel_loop3A_1144, %parallel_loop3A_1223 : vector<16xf32>
        %parallel_loop3A_1229 = arith.subf %parallel_loop3A_1228, %parallel_loop3A_1227 : vector<16xf32>
        %parallel_loop3A_1230 = arith.mulf %parallel_loop3A_1229, %get3A_4 : vector<16xf32>
        %parallel_loop3A_1231 = arith.addf %parallel_loop3A_1230, %get3A_12 : vector<16xf32>
        %parallel_loop3A_1232 = arith.mulf %parallel_loop3A_1149, %parallel_loop3A_1223 : vector<16xf32>
        %parallel_loop3A_1233 = arith.subf %parallel_loop3A_1232, %parallel_loop3A_1227 : vector<16xf32>
        %parallel_loop3A_1234 = arith.mulf %parallel_loop3A_1233, %get3A_8 : vector<16xf32>
        %parallel_loop3A_1235 = arith.addf %parallel_loop3A_1234, %get3A_16 : vector<16xf32>
        %parallel_loop3A_1236 = arith.constant 9 : i32
        %parallel_loop3A_1237 = vector.broadcast %parallel_loop3A_1236 : i32 to vector<16x1xi32>
        %parallel_loop3A_1238 = vector.shape_cast %parallel_loop3A_1237 : vector<16x1xi32> to vector<16xi32>
        %parallel_loop3A_1239 = tpu.dynamic_gather %parallel_loop3A_658[%parallel_loop3A_1238] in [0] : vector<16xf32>, vector<16xi32> -> vector<16xf32>
        %parallel_loop3A_1240 = arith.constant 9 : i32
        %parallel_loop3A_1241 = vector.broadcast %parallel_loop3A_1240 : i32 to vector<16x1xi32>
        %parallel_loop3A_1242 = vector.shape_cast %parallel_loop3A_1241 : vector<16x1xi32> to vector<16xi32>
        %parallel_loop3A_1243 = tpu.dynamic_gather %parallel_loop3A_659[%parallel_loop3A_1242] in [0] : vector<16xf32>, vector<16xi32> -> vector<16xf32>
        %parallel_loop3A_1244 = arith.mulf %parallel_loop3A_1154, %parallel_loop3A_1239 : vector<16xf32>
        %parallel_loop3A_1245 = arith.subf %parallel_loop3A_1244, %parallel_loop3A_1243 : vector<16xf32>
        %parallel_loop3A_1246 = arith.mulf %parallel_loop3A_1245, %get3A_4 : vector<16xf32>
        %parallel_loop3A_1247 = arith.addf %parallel_loop3A_1246, %get3A_12 : vector<16xf32>
        %parallel_loop3A_1248 = arith.mulf %parallel_loop3A_1159, %parallel_loop3A_1239 : vector<16xf32>
        %parallel_loop3A_1249 = arith.subf %parallel_loop3A_1248, %parallel_loop3A_1243 : vector<16xf32>
        %parallel_loop3A_1250 = arith.mulf %parallel_loop3A_1249, %get3A_8 : vector<16xf32>
        %parallel_loop3A_1251 = arith.addf %parallel_loop3A_1250, %get3A_16 : vector<16xf32>
        %parallel_loop3A_1252 = arith.constant 10 : i32
        %parallel_loop3A_1253 = vector.broadcast %parallel_loop3A_1252 : i32 to vector<16x1xi32>
        %parallel_loop3A_1254 = vector.shape_cast %parallel_loop3A_1253 : vector<16x1xi32> to vector<16xi32>
        %parallel_loop3A_1255 = tpu.dynamic_gather %parallel_loop3A_658[%parallel_loop3A_1254] in [0] : vector<16xf32>, vector<16xi32> -> vector<16xf32>
        %parallel_loop3A_1256 = arith.constant 10 : i32
        %parallel_loop3A_1257 = vector.broadcast %parallel_loop3A_1256 : i32 to vector<16x1xi32>
        %parallel_loop3A_1258 = vector.shape_cast %parallel_loop3A_1257 : vector<16x1xi32> to vector<16xi32>
        %parallel_loop3A_1259 = tpu.dynamic_gather %parallel_loop3A_659[%parallel_loop3A_1258] in [0] : vector<16xf32>, vector<16xi32> -> vector<16xf32>
        %parallel_loop3A_1260 = arith.mulf %parallel_loop3A_1164, %parallel_loop3A_1255 : vector<16xf32>
        %parallel_loop3A_1261 = arith.subf %parallel_loop3A_1260, %parallel_loop3A_1259 : vector<16xf32>
        %parallel_loop3A_1262 = arith.mulf %parallel_loop3A_1261, %get3A_4 : vector<16xf32>
        %parallel_loop3A_1263 = arith.addf %parallel_loop3A_1262, %get3A_12 : vector<16xf32>
        %parallel_loop3A_1264 = arith.mulf %parallel_loop3A_1169, %parallel_loop3A_1255 : vector<16xf32>
        %parallel_loop3A_1265 = arith.subf %parallel_loop3A_1264, %parallel_loop3A_1259 : vector<16xf32>
        %parallel_loop3A_1266 = arith.mulf %parallel_loop3A_1265, %get3A_8 : vector<16xf32>
        %parallel_loop3A_1267 = arith.addf %parallel_loop3A_1266, %get3A_16 : vector<16xf32>
        %parallel_loop3A_1268 = arith.constant 11 : i32
        %parallel_loop3A_1269 = vector.broadcast %parallel_loop3A_1268 : i32 to vector<16x1xi32>
        %parallel_loop3A_1270 = vector.shape_cast %parallel_loop3A_1269 : vector<16x1xi32> to vector<16xi32>
        %parallel_loop3A_1271 = tpu.dynamic_gather %parallel_loop3A_658[%parallel_loop3A_1270] in [0] : vector<16xf32>, vector<16xi32> -> vector<16xf32>
        %parallel_loop3A_1272 = arith.constant 11 : i32
        %parallel_loop3A_1273 = vector.broadcast %parallel_loop3A_1272 : i32 to vector<16x1xi32>
        %parallel_loop3A_1274 = vector.shape_cast %parallel_loop3A_1273 : vector<16x1xi32> to vector<16xi32>
        %parallel_loop3A_1275 = tpu.dynamic_gather %parallel_loop3A_659[%parallel_loop3A_1274] in [0] : vector<16xf32>, vector<16xi32> -> vector<16xf32>
        %parallel_loop3A_1276 = arith.mulf %parallel_loop3A_1174, %parallel_loop3A_1271 : vector<16xf32>
        %parallel_loop3A_1277 = arith.subf %parallel_loop3A_1276, %parallel_loop3A_1275 : vector<16xf32>
        %parallel_loop3A_1278 = arith.mulf %parallel_loop3A_1277, %get3A_4 : vector<16xf32>
        %parallel_loop3A_1279 = arith.addf %parallel_loop3A_1278, %get3A_12 : vector<16xf32>
        %parallel_loop3A_1280 = arith.mulf %parallel_loop3A_1179, %parallel_loop3A_1271 : vector<16xf32>
        %parallel_loop3A_1281 = arith.subf %parallel_loop3A_1280, %parallel_loop3A_1275 : vector<16xf32>
        %parallel_loop3A_1282 = arith.mulf %parallel_loop3A_1281, %get3A_8 : vector<16xf32>
        %parallel_loop3A_1283 = arith.addf %parallel_loop3A_1282, %get3A_16 : vector<16xf32>
        %parallel_loop3A_1284 = arith.constant 12 : i32
        %parallel_loop3A_1285 = vector.broadcast %parallel_loop3A_1284 : i32 to vector<16x1xi32>
        %parallel_loop3A_1286 = vector.shape_cast %parallel_loop3A_1285 : vector<16x1xi32> to vector<16xi32>
        %parallel_loop3A_1287 = tpu.dynamic_gather %parallel_loop3A_658[%parallel_loop3A_1286] in [0] : vector<16xf32>, vector<16xi32> -> vector<16xf32>
        %parallel_loop3A_1288 = arith.constant 12 : i32
        %parallel_loop3A_1289 = vector.broadcast %parallel_loop3A_1288 : i32 to vector<16x1xi32>
        %parallel_loop3A_1290 = vector.shape_cast %parallel_loop3A_1289 : vector<16x1xi32> to vector<16xi32>
        %parallel_loop3A_1291 = tpu.dynamic_gather %parallel_loop3A_659[%parallel_loop3A_1290] in [0] : vector<16xf32>, vector<16xi32> -> vector<16xf32>
        %parallel_loop3A_1292 = arith.mulf %parallel_loop3A_1184, %parallel_loop3A_1287 : vector<16xf32>
        %parallel_loop3A_1293 = arith.subf %parallel_loop3A_1292, %parallel_loop3A_1291 : vector<16xf32>
        %parallel_loop3A_1294 = arith.mulf %parallel_loop3A_1293, %get3A_4 : vector<16xf32>
        %parallel_loop3A_1295 = arith.addf %parallel_loop3A_1294, %get3A_12 : vector<16xf32>
        %parallel_loop3A_1296 = arith.mulf %parallel_loop3A_1189, %parallel_loop3A_1287 : vector<16xf32>
        %parallel_loop3A_1297 = arith.subf %parallel_loop3A_1296, %parallel_loop3A_1291 : vector<16xf32>
        %parallel_loop3A_1298 = arith.mulf %parallel_loop3A_1297, %get3A_8 : vector<16xf32>
        %parallel_loop3A_1299 = arith.addf %parallel_loop3A_1298, %get3A_16 : vector<16xf32>
        %parallel_loop3A_1300 = arith.constant 13 : i32
        %parallel_loop3A_1301 = vector.broadcast %parallel_loop3A_1300 : i32 to vector<16x1xi32>
        %parallel_loop3A_1302 = vector.shape_cast %parallel_loop3A_1301 : vector<16x1xi32> to vector<16xi32>
        %parallel_loop3A_1303 = tpu.dynamic_gather %parallel_loop3A_658[%parallel_loop3A_1302] in [0] : vector<16xf32>, vector<16xi32> -> vector<16xf32>
        %parallel_loop3A_1304 = arith.constant 13 : i32
        %parallel_loop3A_1305 = vector.broadcast %parallel_loop3A_1304 : i32 to vector<16x1xi32>
        %parallel_loop3A_1306 = vector.shape_cast %parallel_loop3A_1305 : vector<16x1xi32> to vector<16xi32>
        %parallel_loop3A_1307 = tpu.dynamic_gather %parallel_loop3A_659[%parallel_loop3A_1306] in [0] : vector<16xf32>, vector<16xi32> -> vector<16xf32>
        %parallel_loop3A_1308 = arith.mulf %parallel_loop3A_1194, %parallel_loop3A_1303 : vector<16xf32>
        %parallel_loop3A_1309 = arith.subf %parallel_loop3A_1308, %parallel_loop3A_1307 : vector<16xf32>
        %parallel_loop3A_1310 = arith.mulf %parallel_loop3A_1309, %get3A_4 : vector<16xf32>
        %parallel_loop3A_1311 = arith.addf %parallel_loop3A_1310, %get3A_12 : vector<16xf32>
        %parallel_loop3A_1312 = arith.mulf %parallel_loop3A_1199, %parallel_loop3A_1303 : vector<16xf32>
        %parallel_loop3A_1313 = arith.subf %parallel_loop3A_1312, %parallel_loop3A_1307 : vector<16xf32>
        %parallel_loop3A_1314 = arith.mulf %parallel_loop3A_1313, %get3A_8 : vector<16xf32>
        %parallel_loop3A_1315 = arith.addf %parallel_loop3A_1314, %get3A_16 : vector<16xf32>
        %parallel_loop3A_1316 = arith.constant 14 : i32
        %parallel_loop3A_1317 = vector.broadcast %parallel_loop3A_1316 : i32 to vector<16x1xi32>
        %parallel_loop3A_1318 = vector.shape_cast %parallel_loop3A_1317 : vector<16x1xi32> to vector<16xi32>
        %parallel_loop3A_1319 = tpu.dynamic_gather %parallel_loop3A_658[%parallel_loop3A_1318] in [0] : vector<16xf32>, vector<16xi32> -> vector<16xf32>
        %parallel_loop3A_1320 = arith.constant 14 : i32
        %parallel_loop3A_1321 = vector.broadcast %parallel_loop3A_1320 : i32 to vector<16x1xi32>
        %parallel_loop3A_1322 = vector.shape_cast %parallel_loop3A_1321 : vector<16x1xi32> to vector<16xi32>
        %parallel_loop3A_1323 = tpu.dynamic_gather %parallel_loop3A_659[%parallel_loop3A_1322] in [0] : vector<16xf32>, vector<16xi32> -> vector<16xf32>
        %parallel_loop3A_1324 = arith.mulf %parallel_loop3A_1204, %parallel_loop3A_1319 : vector<16xf32>
        %parallel_loop3A_1325 = arith.subf %parallel_loop3A_1324, %parallel_loop3A_1323 : vector<16xf32>
        %parallel_loop3A_1326 = arith.mulf %parallel_loop3A_1325, %get3A_4 : vector<16xf32>
        %parallel_loop3A_1327 = arith.addf %parallel_loop3A_1326, %get3A_12 : vector<16xf32>
        %parallel_loop3A_1328 = arith.mulf %parallel_loop3A_1209, %parallel_loop3A_1319 : vector<16xf32>
        %parallel_loop3A_1329 = arith.subf %parallel_loop3A_1328, %parallel_loop3A_1323 : vector<16xf32>
        %parallel_loop3A_1330 = arith.mulf %parallel_loop3A_1329, %get3A_8 : vector<16xf32>
        %parallel_loop3A_1331 = arith.addf %parallel_loop3A_1330, %get3A_16 : vector<16xf32>
        %parallel_loop3A_1332 = arith.constant 15 : i32
        %parallel_loop3A_1333 = vector.broadcast %parallel_loop3A_1332 : i32 to vector<16x1xi32>
        %parallel_loop3A_1334 = vector.shape_cast %parallel_loop3A_1333 : vector<16x1xi32> to vector<16xi32>
        %parallel_loop3A_1335 = tpu.dynamic_gather %parallel_loop3A_658[%parallel_loop3A_1334] in [0] : vector<16xf32>, vector<16xi32> -> vector<16xf32>
        %parallel_loop3A_1336 = arith.constant 15 : i32
        %parallel_loop3A_1337 = vector.broadcast %parallel_loop3A_1336 : i32 to vector<16x1xi32>
        %parallel_loop3A_1338 = vector.shape_cast %parallel_loop3A_1337 : vector<16x1xi32> to vector<16xi32>
        %parallel_loop3A_1339 = tpu.dynamic_gather %parallel_loop3A_659[%parallel_loop3A_1338] in [0] : vector<16xf32>, vector<16xi32> -> vector<16xf32>
        %parallel_loop3A_1340 = arith.mulf %parallel_loop3A_1214, %parallel_loop3A_1335 : vector<16xf32>
        %parallel_loop3A_1341 = arith.subf %parallel_loop3A_1340, %parallel_loop3A_1339 : vector<16xf32>
        %parallel_loop3A_1342 = arith.mulf %parallel_loop3A_1341, %get3A_4 : vector<16xf32>
        %parallel_loop3A_1343 = arith.addf %parallel_loop3A_1342, %get3A_12 : vector<16xf32>
        %parallel_loop3A_1344 = arith.mulf %parallel_loop3A_1219, %parallel_loop3A_1335 : vector<16xf32>
        %parallel_loop3A_1345 = arith.subf %parallel_loop3A_1344, %parallel_loop3A_1339 : vector<16xf32>
        %parallel_loop3A_1346 = arith.mulf %parallel_loop3A_1345, %get3A_8 : vector<16xf32>
        %parallel_loop3A_1347 = arith.addf %parallel_loop3A_1346, %get3A_16 : vector<16xf32>
        %parallel_loop3A_1348 = math.exp %parallel_loop3A_1231 : vector<16xf32>
        %parallel_loop3A_1349 = math.exp %parallel_loop3A_1235 : vector<16xf32>
        %parallel_loop3A_1350 = math.exp %parallel_loop3A_1247 : vector<16xf32>
        %parallel_loop3A_1351 = math.exp %parallel_loop3A_1251 : vector<16xf32>
        %parallel_loop3A_1352 = math.exp %parallel_loop3A_1263 : vector<16xf32>
        %parallel_loop3A_1353 = math.exp %parallel_loop3A_1267 : vector<16xf32>
        %parallel_loop3A_1354 = math.exp %parallel_loop3A_1279 : vector<16xf32>
        %parallel_loop3A_1355 = math.exp %parallel_loop3A_1283 : vector<16xf32>
        %parallel_loop3A_1356 = math.exp %parallel_loop3A_1295 : vector<16xf32>
        %parallel_loop3A_1357 = math.exp %parallel_loop3A_1299 : vector<16xf32>
        %parallel_loop3A_1358 = math.exp %parallel_loop3A_1311 : vector<16xf32>
        %parallel_loop3A_1359 = math.exp %parallel_loop3A_1315 : vector<16xf32>
        %parallel_loop3A_1360 = math.exp %parallel_loop3A_1327 : vector<16xf32>
        %parallel_loop3A_1361 = math.exp %parallel_loop3A_1331 : vector<16xf32>
        %parallel_loop3A_1362 = math.exp %parallel_loop3A_1343 : vector<16xf32>
        %parallel_loop3A_1363 = math.exp %parallel_loop3A_1347 : vector<16xf32>
        %parallel_loop3A_1364 = arith.constant 0.000000e+00 : f32
        %parallel_loop3A_1365 = vector.broadcast %parallel_loop3A_1364 : f32 to vector<16xf32>
        %parallel_loop3A_1366 = arith.cmpf ogt, %parallel_loop3A_1231, %parallel_loop3A_1365 : vector<16xf32>
        %parallel_loop3A_1367 = arith.constant 1.000000e+00 : f32
        %parallel_loop3A_1368 = vector.broadcast %parallel_loop3A_1367 : f32 to vector<16xf32>
        %parallel_loop3A_1369 = arith.subf %parallel_loop3A_1348, %parallel_loop3A_1368 : vector<16xf32>
        %parallel_loop3A_1370 = arith.select %parallel_loop3A_1366, %parallel_loop3A_1231, %parallel_loop3A_1369 : vector<16xi1>, vector<16xf32>
        %parallel_loop3A_1371 = arith.constant 0.000000e+00 : f32
        %parallel_loop3A_1372 = vector.broadcast %parallel_loop3A_1371 : f32 to vector<16xf32>
        %parallel_loop3A_1373 = arith.cmpf ogt, %parallel_loop3A_1235, %parallel_loop3A_1372 : vector<16xf32>
        %parallel_loop3A_1374 = arith.constant 1.000000e+00 : f32
        %parallel_loop3A_1375 = vector.broadcast %parallel_loop3A_1374 : f32 to vector<16xf32>
        %parallel_loop3A_1376 = arith.subf %parallel_loop3A_1349, %parallel_loop3A_1375 : vector<16xf32>
        %parallel_loop3A_1377 = arith.select %parallel_loop3A_1373, %parallel_loop3A_1235, %parallel_loop3A_1376 : vector<16xi1>, vector<16xf32>
        %parallel_loop3A_1378 = arith.constant 0.000000e+00 : f32
        %parallel_loop3A_1379 = vector.broadcast %parallel_loop3A_1378 : f32 to vector<16xf32>
        %parallel_loop3A_1380 = arith.cmpf ogt, %parallel_loop3A_1247, %parallel_loop3A_1379 : vector<16xf32>
        %parallel_loop3A_1381 = arith.constant 1.000000e+00 : f32
        %parallel_loop3A_1382 = vector.broadcast %parallel_loop3A_1381 : f32 to vector<16xf32>
        %parallel_loop3A_1383 = arith.subf %parallel_loop3A_1350, %parallel_loop3A_1382 : vector<16xf32>
        %parallel_loop3A_1384 = arith.select %parallel_loop3A_1380, %parallel_loop3A_1247, %parallel_loop3A_1383 : vector<16xi1>, vector<16xf32>
        %parallel_loop3A_1385 = arith.constant 0.000000e+00 : f32
        %parallel_loop3A_1386 = vector.broadcast %parallel_loop3A_1385 : f32 to vector<16xf32>
        %parallel_loop3A_1387 = arith.cmpf ogt, %parallel_loop3A_1251, %parallel_loop3A_1386 : vector<16xf32>
        %parallel_loop3A_1388 = arith.constant 1.000000e+00 : f32
        %parallel_loop3A_1389 = vector.broadcast %parallel_loop3A_1388 : f32 to vector<16xf32>
        %parallel_loop3A_1390 = arith.subf %parallel_loop3A_1351, %parallel_loop3A_1389 : vector<16xf32>
        %parallel_loop3A_1391 = arith.select %parallel_loop3A_1387, %parallel_loop3A_1251, %parallel_loop3A_1390 : vector<16xi1>, vector<16xf32>
        %parallel_loop3A_1392 = arith.constant 0.000000e+00 : f32
        %parallel_loop3A_1393 = vector.broadcast %parallel_loop3A_1392 : f32 to vector<16xf32>
        %parallel_loop3A_1394 = arith.cmpf ogt, %parallel_loop3A_1263, %parallel_loop3A_1393 : vector<16xf32>
        %parallel_loop3A_1395 = arith.constant 1.000000e+00 : f32
        %parallel_loop3A_1396 = vector.broadcast %parallel_loop3A_1395 : f32 to vector<16xf32>
        %parallel_loop3A_1397 = arith.subf %parallel_loop3A_1352, %parallel_loop3A_1396 : vector<16xf32>
        %parallel_loop3A_1398 = arith.select %parallel_loop3A_1394, %parallel_loop3A_1263, %parallel_loop3A_1397 : vector<16xi1>, vector<16xf32>
        %parallel_loop3A_1399 = arith.constant 0.000000e+00 : f32
        %parallel_loop3A_1400 = vector.broadcast %parallel_loop3A_1399 : f32 to vector<16xf32>
        %parallel_loop3A_1401 = arith.cmpf ogt, %parallel_loop3A_1267, %parallel_loop3A_1400 : vector<16xf32>
        %parallel_loop3A_1402 = arith.constant 1.000000e+00 : f32
        %parallel_loop3A_1403 = vector.broadcast %parallel_loop3A_1402 : f32 to vector<16xf32>
        %parallel_loop3A_1404 = arith.subf %parallel_loop3A_1353, %parallel_loop3A_1403 : vector<16xf32>
        %parallel_loop3A_1405 = arith.select %parallel_loop3A_1401, %parallel_loop3A_1267, %parallel_loop3A_1404 : vector<16xi1>, vector<16xf32>
        %parallel_loop3A_1406 = arith.constant 0.000000e+00 : f32
        %parallel_loop3A_1407 = vector.broadcast %parallel_loop3A_1406 : f32 to vector<16xf32>
        %parallel_loop3A_1408 = arith.cmpf ogt, %parallel_loop3A_1279, %parallel_loop3A_1407 : vector<16xf32>
        %parallel_loop3A_1409 = arith.constant 1.000000e+00 : f32
        %parallel_loop3A_1410 = vector.broadcast %parallel_loop3A_1409 : f32 to vector<16xf32>
        %parallel_loop3A_1411 = arith.subf %parallel_loop3A_1354, %parallel_loop3A_1410 : vector<16xf32>
        %parallel_loop3A_1412 = arith.select %parallel_loop3A_1408, %parallel_loop3A_1279, %parallel_loop3A_1411 : vector<16xi1>, vector<16xf32>
        %parallel_loop3A_1413 = arith.constant 0.000000e+00 : f32
        %parallel_loop3A_1414 = vector.broadcast %parallel_loop3A_1413 : f32 to vector<16xf32>
        %parallel_loop3A_1415 = arith.cmpf ogt, %parallel_loop3A_1283, %parallel_loop3A_1414 : vector<16xf32>
        %parallel_loop3A_1416 = arith.constant 1.000000e+00 : f32
        %parallel_loop3A_1417 = vector.broadcast %parallel_loop3A_1416 : f32 to vector<16xf32>
        %parallel_loop3A_1418 = arith.subf %parallel_loop3A_1355, %parallel_loop3A_1417 : vector<16xf32>
        %parallel_loop3A_1419 = arith.select %parallel_loop3A_1415, %parallel_loop3A_1283, %parallel_loop3A_1418 : vector<16xi1>, vector<16xf32>
        %parallel_loop3A_1420 = arith.constant 0.000000e+00 : f32
        %parallel_loop3A_1421 = vector.broadcast %parallel_loop3A_1420 : f32 to vector<16xf32>
        %parallel_loop3A_1422 = arith.cmpf ogt, %parallel_loop3A_1295, %parallel_loop3A_1421 : vector<16xf32>
        %parallel_loop3A_1423 = arith.constant 1.000000e+00 : f32
        %parallel_loop3A_1424 = vector.broadcast %parallel_loop3A_1423 : f32 to vector<16xf32>
        %parallel_loop3A_1425 = arith.subf %parallel_loop3A_1356, %parallel_loop3A_1424 : vector<16xf32>
        %parallel_loop3A_1426 = arith.select %parallel_loop3A_1422, %parallel_loop3A_1295, %parallel_loop3A_1425 : vector<16xi1>, vector<16xf32>
        %parallel_loop3A_1427 = arith.constant 0.000000e+00 : f32
        %parallel_loop3A_1428 = vector.broadcast %parallel_loop3A_1427 : f32 to vector<16xf32>
        %parallel_loop3A_1429 = arith.cmpf ogt, %parallel_loop3A_1299, %parallel_loop3A_1428 : vector<16xf32>
        %parallel_loop3A_1430 = arith.constant 1.000000e+00 : f32
        %parallel_loop3A_1431 = vector.broadcast %parallel_loop3A_1430 : f32 to vector<16xf32>
        %parallel_loop3A_1432 = arith.subf %parallel_loop3A_1357, %parallel_loop3A_1431 : vector<16xf32>
        %parallel_loop3A_1433 = arith.select %parallel_loop3A_1429, %parallel_loop3A_1299, %parallel_loop3A_1432 : vector<16xi1>, vector<16xf32>
        %parallel_loop3A_1434 = arith.constant 0.000000e+00 : f32
        %parallel_loop3A_1435 = vector.broadcast %parallel_loop3A_1434 : f32 to vector<16xf32>
        %parallel_loop3A_1436 = arith.cmpf ogt, %parallel_loop3A_1311, %parallel_loop3A_1435 : vector<16xf32>
        %parallel_loop3A_1437 = arith.constant 1.000000e+00 : f32
        %parallel_loop3A_1438 = vector.broadcast %parallel_loop3A_1437 : f32 to vector<16xf32>
        %parallel_loop3A_1439 = arith.subf %parallel_loop3A_1358, %parallel_loop3A_1438 : vector<16xf32>
        %parallel_loop3A_1440 = arith.select %parallel_loop3A_1436, %parallel_loop3A_1311, %parallel_loop3A_1439 : vector<16xi1>, vector<16xf32>
        %parallel_loop3A_1441 = arith.constant 0.000000e+00 : f32
        %parallel_loop3A_1442 = vector.broadcast %parallel_loop3A_1441 : f32 to vector<16xf32>
        %parallel_loop3A_1443 = arith.cmpf ogt, %parallel_loop3A_1315, %parallel_loop3A_1442 : vector<16xf32>
        %parallel_loop3A_1444 = arith.constant 1.000000e+00 : f32
        %parallel_loop3A_1445 = vector.broadcast %parallel_loop3A_1444 : f32 to vector<16xf32>
        %parallel_loop3A_1446 = arith.subf %parallel_loop3A_1359, %parallel_loop3A_1445 : vector<16xf32>
        %parallel_loop3A_1447 = arith.select %parallel_loop3A_1443, %parallel_loop3A_1315, %parallel_loop3A_1446 : vector<16xi1>, vector<16xf32>
        %parallel_loop3A_1448 = arith.constant 0.000000e+00 : f32
        %parallel_loop3A_1449 = vector.broadcast %parallel_loop3A_1448 : f32 to vector<16xf32>
        %parallel_loop3A_1450 = arith.cmpf ogt, %parallel_loop3A_1327, %parallel_loop3A_1449 : vector<16xf32>
        %parallel_loop3A_1451 = arith.constant 1.000000e+00 : f32
        %parallel_loop3A_1452 = vector.broadcast %parallel_loop3A_1451 : f32 to vector<16xf32>
        %parallel_loop3A_1453 = arith.subf %parallel_loop3A_1360, %parallel_loop3A_1452 : vector<16xf32>
        %parallel_loop3A_1454 = arith.select %parallel_loop3A_1450, %parallel_loop3A_1327, %parallel_loop3A_1453 : vector<16xi1>, vector<16xf32>
        %parallel_loop3A_1455 = arith.constant 0.000000e+00 : f32
        %parallel_loop3A_1456 = vector.broadcast %parallel_loop3A_1455 : f32 to vector<16xf32>
        %parallel_loop3A_1457 = arith.cmpf ogt, %parallel_loop3A_1331, %parallel_loop3A_1456 : vector<16xf32>
        %parallel_loop3A_1458 = arith.constant 1.000000e+00 : f32
        %parallel_loop3A_1459 = vector.broadcast %parallel_loop3A_1458 : f32 to vector<16xf32>
        %parallel_loop3A_1460 = arith.subf %parallel_loop3A_1361, %parallel_loop3A_1459 : vector<16xf32>
        %parallel_loop3A_1461 = arith.select %parallel_loop3A_1457, %parallel_loop3A_1331, %parallel_loop3A_1460 : vector<16xi1>, vector<16xf32>
        %parallel_loop3A_1462 = arith.constant 0.000000e+00 : f32
        %parallel_loop3A_1463 = vector.broadcast %parallel_loop3A_1462 : f32 to vector<16xf32>
        %parallel_loop3A_1464 = arith.cmpf ogt, %parallel_loop3A_1343, %parallel_loop3A_1463 : vector<16xf32>
        %parallel_loop3A_1465 = arith.constant 1.000000e+00 : f32
        %parallel_loop3A_1466 = vector.broadcast %parallel_loop3A_1465 : f32 to vector<16xf32>
        %parallel_loop3A_1467 = arith.subf %parallel_loop3A_1362, %parallel_loop3A_1466 : vector<16xf32>
        %parallel_loop3A_1468 = arith.select %parallel_loop3A_1464, %parallel_loop3A_1343, %parallel_loop3A_1467 : vector<16xi1>, vector<16xf32>
        %parallel_loop3A_1469 = arith.constant 0.000000e+00 : f32
        %parallel_loop3A_1470 = vector.broadcast %parallel_loop3A_1469 : f32 to vector<16xf32>
        %parallel_loop3A_1471 = arith.cmpf ogt, %parallel_loop3A_1347, %parallel_loop3A_1470 : vector<16xf32>
        %parallel_loop3A_1472 = arith.constant 1.000000e+00 : f32
        %parallel_loop3A_1473 = vector.broadcast %parallel_loop3A_1472 : f32 to vector<16xf32>
        %parallel_loop3A_1474 = arith.subf %parallel_loop3A_1363, %parallel_loop3A_1473 : vector<16xf32>
        %parallel_loop3A_1475 = arith.select %parallel_loop3A_1471, %parallel_loop3A_1347, %parallel_loop3A_1474 : vector<16xi1>, vector<16xf32>
        %parallel_loop3A_1476 = arith.constant 0 : i32
        %parallel_loop3A_1477 = arith.index_cast %parallel_loop3A_1476 : i32 to index
        %parallel_loop3A_1478 = arith.index_cast %parallel_loop3A_1111 : i32 to index
        %parallel_loop3A_1479 = arith.constant 0 : index
        %parallel_loop3A_1480 = tpu.vector_load %arg9[%parallel_loop3A_1477, %parallel_loop3A_1478, %parallel_loop3A_1479] {strides = array<i32>} : memref<2x512x32xf32, #tpu.memory_space<vmem>>, vector<16xf32>,
        tpu.vector_store %arg9[%parallel_loop3A_1477, %parallel_loop3A_1478, %parallel_loop3A_1479], %parallel_loop3A_1370 {strides = array<i32>} : memref<2x512x32xf32, #tpu.memory_space<vmem>>, vector<16xf32>,
        %parallel_loop3A_1481 = arith.constant 0 : i32
        %parallel_loop3A_1482 = arith.index_cast %parallel_loop3A_1481 : i32 to index
        %parallel_loop3A_1483 = arith.index_cast %parallel_loop3A_1111 : i32 to index
        %parallel_loop3A_1484 = arith.constant 16 : index
        %parallel_loop3A_1485 = tpu.vector_load %arg9[%parallel_loop3A_1482, %parallel_loop3A_1483, %parallel_loop3A_1484] {strides = array<i32>} : memref<2x512x32xf32, #tpu.memory_space<vmem>>, vector<16xf32>,
        tpu.vector_store %arg9[%parallel_loop3A_1482, %parallel_loop3A_1483, %parallel_loop3A_1484], %parallel_loop3A_1377 {strides = array<i32>} : memref<2x512x32xf32, #tpu.memory_space<vmem>>, vector<16xf32>,
        %parallel_loop3A_1486 = arith.constant 0 : i32
        %parallel_loop3A_1487 = arith.index_cast %parallel_loop3A_1486 : i32 to index
        %parallel_loop3A_1488 = arith.index_cast %parallel_loop3A_1115 : i32 to index
        %parallel_loop3A_1489 = arith.constant 0 : index
        %parallel_loop3A_1490 = tpu.vector_load %arg9[%parallel_loop3A_1487, %parallel_loop3A_1488, %parallel_loop3A_1489] {strides = array<i32>} : memref<2x512x32xf32, #tpu.memory_space<vmem>>, vector<16xf32>,
        tpu.vector_store %arg9[%parallel_loop3A_1487, %parallel_loop3A_1488, %parallel_loop3A_1489], %parallel_loop3A_1384 {strides = array<i32>} : memref<2x512x32xf32, #tpu.memory_space<vmem>>, vector<16xf32>,
        %parallel_loop3A_1491 = arith.constant 0 : i32
        %parallel_loop3A_1492 = arith.index_cast %parallel_loop3A_1491 : i32 to index
        %parallel_loop3A_1493 = arith.index_cast %parallel_loop3A_1115 : i32 to index
        %parallel_loop3A_1494 = arith.constant 16 : index
        %parallel_loop3A_1495 = tpu.vector_load %arg9[%parallel_loop3A_1492, %parallel_loop3A_1493, %parallel_loop3A_1494] {strides = array<i32>} : memref<2x512x32xf32, #tpu.memory_space<vmem>>, vector<16xf32>,
        tpu.vector_store %arg9[%parallel_loop3A_1492, %parallel_loop3A_1493, %parallel_loop3A_1494], %parallel_loop3A_1391 {strides = array<i32>} : memref<2x512x32xf32, #tpu.memory_space<vmem>>, vector<16xf32>,
        %parallel_loop3A_1496 = arith.constant 0 : i32
        %parallel_loop3A_1497 = arith.index_cast %parallel_loop3A_1496 : i32 to index
        %parallel_loop3A_1498 = arith.index_cast %parallel_loop3A_1119 : i32 to index
        %parallel_loop3A_1499 = arith.constant 0 : index
        %parallel_loop3A_1500 = tpu.vector_load %arg9[%parallel_loop3A_1497, %parallel_loop3A_1498, %parallel_loop3A_1499] {strides = array<i32>} : memref<2x512x32xf32, #tpu.memory_space<vmem>>, vector<16xf32>,
        tpu.vector_store %arg9[%parallel_loop3A_1497, %parallel_loop3A_1498, %parallel_loop3A_1499], %parallel_loop3A_1398 {strides = array<i32>} : memref<2x512x32xf32, #tpu.memory_space<vmem>>, vector<16xf32>,
        %parallel_loop3A_1501 = arith.constant 0 : i32
        %parallel_loop3A_1502 = arith.index_cast %parallel_loop3A_1501 : i32 to index
        %parallel_loop3A_1503 = arith.index_cast %parallel_loop3A_1119 : i32 to index
        %parallel_loop3A_1504 = arith.constant 16 : index
        %parallel_loop3A_1505 = tpu.vector_load %arg9[%parallel_loop3A_1502, %parallel_loop3A_1503, %parallel_loop3A_1504] {strides = array<i32>} : memref<2x512x32xf32, #tpu.memory_space<vmem>>, vector<16xf32>,
        tpu.vector_store %arg9[%parallel_loop3A_1502, %parallel_loop3A_1503, %parallel_loop3A_1504], %parallel_loop3A_1405 {strides = array<i32>} : memref<2x512x32xf32, #tpu.memory_space<vmem>>, vector<16xf32>,
        %parallel_loop3A_1506 = arith.constant 0 : i32
        %parallel_loop3A_1507 = arith.index_cast %parallel_loop3A_1506 : i32 to index
        %parallel_loop3A_1508 = arith.index_cast %parallel_loop3A_1123 : i32 to index
        %parallel_loop3A_1509 = arith.constant 0 : index
        %parallel_loop3A_1510 = tpu.vector_load %arg9[%parallel_loop3A_1507, %parallel_loop3A_1508, %parallel_loop3A_1509] {strides = array<i32>} : memref<2x512x32xf32, #tpu.memory_space<vmem>>, vector<16xf32>,
        tpu.vector_store %arg9[%parallel_loop3A_1507, %parallel_loop3A_1508, %parallel_loop3A_1509], %parallel_loop3A_1412 {strides = array<i32>} : memref<2x512x32xf32, #tpu.memory_space<vmem>>, vector<16xf32>,
        %parallel_loop3A_1511 = arith.constant 0 : i32
        %parallel_loop3A_1512 = arith.index_cast %parallel_loop3A_1511 : i32 to index
        %parallel_loop3A_1513 = arith.index_cast %parallel_loop3A_1123 : i32 to index
        %parallel_loop3A_1514 = arith.constant 16 : index
        %parallel_loop3A_1515 = tpu.vector_load %arg9[%parallel_loop3A_1512, %parallel_loop3A_1513, %parallel_loop3A_1514] {strides = array<i32>} : memref<2x512x32xf32, #tpu.memory_space<vmem>>, vector<16xf32>,
        tpu.vector_store %arg9[%parallel_loop3A_1512, %parallel_loop3A_1513, %parallel_loop3A_1514], %parallel_loop3A_1419 {strides = array<i32>} : memref<2x512x32xf32, #tpu.memory_space<vmem>>, vector<16xf32>,
        %parallel_loop3A_1516 = arith.constant 0 : i32
        %parallel_loop3A_1517 = arith.index_cast %parallel_loop3A_1516 : i32 to index
        %parallel_loop3A_1518 = arith.index_cast %parallel_loop3A_1127 : i32 to index
        %parallel_loop3A_1519 = arith.constant 0 : index
        %parallel_loop3A_1520 = tpu.vector_load %arg9[%parallel_loop3A_1517, %parallel_loop3A_1518, %parallel_loop3A_1519] {strides = array<i32>} : memref<2x512x32xf32, #tpu.memory_space<vmem>>, vector<16xf32>,
        tpu.vector_store %arg9[%parallel_loop3A_1517, %parallel_loop3A_1518, %parallel_loop3A_1519], %parallel_loop3A_1426 {strides = array<i32>} : memref<2x512x32xf32, #tpu.memory_space<vmem>>, vector<16xf32>,
        %parallel_loop3A_1521 = arith.constant 0 : i32
        %parallel_loop3A_1522 = arith.index_cast %parallel_loop3A_1521 : i32 to index
        %parallel_loop3A_1523 = arith.index_cast %parallel_loop3A_1127 : i32 to index
        %parallel_loop3A_1524 = arith.constant 16 : index
        %parallel_loop3A_1525 = tpu.vector_load %arg9[%parallel_loop3A_1522, %parallel_loop3A_1523, %parallel_loop3A_1524] {strides = array<i32>} : memref<2x512x32xf32, #tpu.memory_space<vmem>>, vector<16xf32>,
        tpu.vector_store %arg9[%parallel_loop3A_1522, %parallel_loop3A_1523, %parallel_loop3A_1524], %parallel_loop3A_1433 {strides = array<i32>} : memref<2x512x32xf32, #tpu.memory_space<vmem>>, vector<16xf32>,
        %parallel_loop3A_1526 = arith.constant 0 : i32
        %parallel_loop3A_1527 = arith.index_cast %parallel_loop3A_1526 : i32 to index
        %parallel_loop3A_1528 = arith.index_cast %parallel_loop3A_1131 : i32 to index
        %parallel_loop3A_1529 = arith.constant 0 : index
        %parallel_loop3A_1530 = tpu.vector_load %arg9[%parallel_loop3A_1527, %parallel_loop3A_1528, %parallel_loop3A_1529] {strides = array<i32>} : memref<2x512x32xf32, #tpu.memory_space<vmem>>, vector<16xf32>,
        tpu.vector_store %arg9[%parallel_loop3A_1527, %parallel_loop3A_1528, %parallel_loop3A_1529], %parallel_loop3A_1440 {strides = array<i32>} : memref<2x512x32xf32, #tpu.memory_space<vmem>>, vector<16xf32>,
        %parallel_loop3A_1531 = arith.constant 0 : i32
        %parallel_loop3A_1532 = arith.index_cast %parallel_loop3A_1531 : i32 to index
        %parallel_loop3A_1533 = arith.index_cast %parallel_loop3A_1131 : i32 to index
        %parallel_loop3A_1534 = arith.constant 16 : index
        %parallel_loop3A_1535 = tpu.vector_load %arg9[%parallel_loop3A_1532, %parallel_loop3A_1533, %parallel_loop3A_1534] {strides = array<i32>} : memref<2x512x32xf32, #tpu.memory_space<vmem>>, vector<16xf32>,
        tpu.vector_store %arg9[%parallel_loop3A_1532, %parallel_loop3A_1533, %parallel_loop3A_1534], %parallel_loop3A_1447 {strides = array<i32>} : memref<2x512x32xf32, #tpu.memory_space<vmem>>, vector<16xf32>,
        %parallel_loop3A_1536 = arith.constant 0 : i32
        %parallel_loop3A_1537 = arith.index_cast %parallel_loop3A_1536 : i32 to index
        %parallel_loop3A_1538 = arith.index_cast %parallel_loop3A_1135 : i32 to index
        %parallel_loop3A_1539 = arith.constant 0 : index
        %parallel_loop3A_1540 = tpu.vector_load %arg9[%parallel_loop3A_1537, %parallel_loop3A_1538, %parallel_loop3A_1539] {strides = array<i32>} : memref<2x512x32xf32, #tpu.memory_space<vmem>>, vector<16xf32>,
        tpu.vector_store %arg9[%parallel_loop3A_1537, %parallel_loop3A_1538, %parallel_loop3A_1539], %parallel_loop3A_1454 {strides = array<i32>} : memref<2x512x32xf32, #tpu.memory_space<vmem>>, vector<16xf32>,
        %parallel_loop3A_1541 = arith.constant 0 : i32
        %parallel_loop3A_1542 = arith.index_cast %parallel_loop3A_1541 : i32 to index
        %parallel_loop3A_1543 = arith.index_cast %parallel_loop3A_1135 : i32 to index
        %parallel_loop3A_1544 = arith.constant 16 : index
        %parallel_loop3A_1545 = tpu.vector_load %arg9[%parallel_loop3A_1542, %parallel_loop3A_1543, %parallel_loop3A_1544] {strides = array<i32>} : memref<2x512x32xf32, #tpu.memory_space<vmem>>, vector<16xf32>,
        tpu.vector_store %arg9[%parallel_loop3A_1542, %parallel_loop3A_1543, %parallel_loop3A_1544], %parallel_loop3A_1461 {strides = array<i32>} : memref<2x512x32xf32, #tpu.memory_space<vmem>>, vector<16xf32>,
        %parallel_loop3A_1546 = arith.constant 0 : i32
        %parallel_loop3A_1547 = arith.index_cast %parallel_loop3A_1546 : i32 to index
        %parallel_loop3A_1548 = arith.index_cast %parallel_loop3A_1139 : i32 to index
        %parallel_loop3A_1549 = arith.constant 0 : index
        %parallel_loop3A_1550 = tpu.vector_load %arg9[%parallel_loop3A_1547, %parallel_loop3A_1548, %parallel_loop3A_1549] {strides = array<i32>} : memref<2x512x32xf32, #tpu.memory_space<vmem>>, vector<16xf32>,
        tpu.vector_store %arg9[%parallel_loop3A_1547, %parallel_loop3A_1548, %parallel_loop3A_1549], %parallel_loop3A_1468 {strides = array<i32>} : memref<2x512x32xf32, #tpu.memory_space<vmem>>, vector<16xf32>,
        %parallel_loop3A_1551 = arith.constant 0 : i32
        %parallel_loop3A_1552 = arith.index_cast %parallel_loop3A_1551 : i32 to index
        %parallel_loop3A_1553 = arith.index_cast %parallel_loop3A_1139 : i32 to index
        %parallel_loop3A_1554 = arith.constant 16 : index
        %parallel_loop3A_1555 = tpu.vector_load %arg9[%parallel_loop3A_1552, %parallel_loop3A_1553, %parallel_loop3A_1554] {strides = array<i32>} : memref<2x512x32xf32, #tpu.memory_space<vmem>>, vector<16xf32>,
        tpu.vector_store %arg9[%parallel_loop3A_1552, %parallel_loop3A_1553, %parallel_loop3A_1554], %parallel_loop3A_1475 {strides = array<i32>} : memref<2x512x32xf32, #tpu.memory_space<vmem>>, vector<16xf32>,
      } {sc.loop_unroll_factor = 2 : i64, sc.parallel_access}
      %mul3A_186 = arith.constant 4 : i32
      %mul3A_187 = arith.muli %add3A_166, %mul3A_186 : i32
      %add3A_188 = arith.addi %mul3A_18, %mul3A_187 : i32
      %mul3A_189 = arith.constant 128 : i32
      %mul3A_190 = arith.muli %add3A_188, %mul3A_189 : i32
      %dma_start3A_191 = arith.constant 0 : i32
      %dma_start3A_192 = arith.constant 0 : i32
      %dma_start3A_193 = arith.constant 0 : i32
      %dma_start3A_194 = tpu.memref_slice %arg9[%dma_start3A_191, %dma_start3A_192, %dma_start3A_193] : memref<2x512x32xf32, #tpu.memory_space<vmem>> -> memref<1x512x32xf32, #tpu.memory_space<vmem>>
      %dma_start3A_195 = tpu.memref_squeeze %dma_start3A_194 : memref<1x512x32xf32, #tpu.memory_space<vmem>> -> memref<512x32xf32, #tpu.memory_space<vmem>>
      %dma_start3A_196 = arith.constant 0 : i32
      %dma_start3A_197 = tpu.memref_slice %arg6[%mul3A_190, %dma_start3A_196] : memref<819200x32xf32, #tpu.memory_space<hbm>> -> memref<512x32xf32, #tpu.memory_space<hbm>>
      %dma_start3A_198 = arith.constant 0 : i32
      %dma_start3A_199 = tpu.memref_slice %arg6[%mul3A_190, %dma_start3A_198] : memref<819200x32xf32, #tpu.memory_space<hbm>> -> memref<512x32xf32, #tpu.memory_space<hbm>>
      %dma_start3A_200 = arith.constant 0 : i32
      %dma_start3A_201 = arith.constant 0 : i32
      %dma_start3A_202 = tpu.memref_slice %arg9[%dma_start3A_191, %dma_start3A_200, %dma_start3A_201] : memref<2x512x32xf32, #tpu.memory_space<vmem>> -> memref<1x512x32xf32, #tpu.memory_space<vmem>>
      %dma_start3A_203 = tpu.memref_squeeze %dma_start3A_202 : memref<1x512x32xf32, #tpu.memory_space<vmem>> -> memref<512x32xf32, #tpu.memory_space<vmem>>
      tpu.enqueue_dma source(%dma_start3A_203 : memref<512x32xf32, #tpu.memory_space<vmem>>) target(%dma_start3A_199 : memref<512x32xf32, #tpu.memory_space<hbm>>) target_semaphore(%arg13 : memref<!tpu.dma_semaphore, #tpu.memory_space<semaphore_mem>>)
      %lt3A = arith.constant 24 : i32
      %lt3A_204 = arith.cmpi slt, %scan3A_162, %lt3A : i32
      %convert_element_type3A_205 = arith.extui %lt3A_204 : i1 to i32
      %cond3A_206 = arith.constant 0 : i32
      %cond3A_207 = arith.cmpi ne, %convert_element_type3A_205, %cond3A_206 : i32
      scf.if %cond3A_207 {
        %add3A_258 = arith.constant 2 : i32
        %add3A_259 = arith.addi %add3A_166, %add3A_258 : i32
        %mul3A_260 = arith.constant 4 : i32
        %mul3A_261 = arith.muli %add3A_259, %mul3A_260 : i32
        %add3A_262 = arith.addi %mul3A_18, %mul3A_261 : i32
        %run_scoped3A_263 = arith.constant 0 : i32
        "tpu.region"() ({
          %run_scoped3A_316 = tpu.sem_alloc : memref<!tpu.dma_semaphore, #tpu.memory_space<semaphore_mem>>
          %dma_start3A_317 = arith.constant 0 : i32
          %dma_start3A_318 = arith.constant 0 : i32
          %dma_start3A_319 = tpu.memref_slice %arg7[%run_scoped3A_263, %dma_start3A_317, %dma_start3A_318] : memref<2x4x128xi32, #tpu.memory_space<vmem>> -> memref<1x4x128xi32, #tpu.memory_space<vmem>>
          %dma_start3A_320 = tpu.memref_squeeze %dma_start3A_319 : memref<1x4x128xi32, #tpu.memory_space<vmem>> -> memref<4x128xi32, #tpu.memory_space<vmem>>
          %dma_start3A_321 = arith.constant 0 : i32
          %dma_start3A_322 = tpu.memref_slice %arg2[%add3A_262, %dma_start3A_321] : memref<6400x128xi32, #tpu.memory_space<hbm>> -> memref<4x128xi32, #tpu.memory_space<hbm>>
          %dma_start3A_323 = arith.constant 0 : i32
          %dma_start3A_324 = arith.constant 0 : i32
          %dma_start3A_325 = tpu.memref_slice %arg7[%run_scoped3A_263, %dma_start3A_323, %dma_start3A_324] : memref<2x4x128xi32, #tpu.memory_space<vmem>> -> memref<1x4x128xi32, #tpu.memory_space<vmem>>
          %dma_start3A_326 = tpu.memref_squeeze %dma_start3A_325 : memref<1x4x128xi32, #tpu.memory_space<vmem>> -> memref<4x128xi32, #tpu.memory_space<vmem>>
          %dma_start3A_327 = arith.constant 0 : i32
          %dma_start3A_328 = tpu.memref_slice %arg2[%add3A_262, %dma_start3A_327] : memref<6400x128xi32, #tpu.memory_space<hbm>> -> memref<4x128xi32, #tpu.memory_space<hbm>>
          tpu.enqueue_dma source(%dma_start3A_328 : memref<4x128xi32, #tpu.memory_space<hbm>>) target(%dma_start3A_326 : memref<4x128xi32, #tpu.memory_space<vmem>>) target_semaphore(%run_scoped3A_316 : memref<!tpu.dma_semaphore, #tpu.memory_space<semaphore_mem>>)
          %dma_wait3A_329 = arith.constant 0 : i32
          %dma_wait3A_330 = arith.constant 0 : i32
          %dma_wait3A_331 = tpu.memref_slice %arg7[%run_scoped3A_263, %dma_wait3A_329, %dma_wait3A_330] : memref<2x4x128xi32, #tpu.memory_space<vmem>> -> memref<1x4x128xi32, #tpu.memory_space<vmem>>
          %dma_wait3A_332 = tpu.memref_squeeze %dma_wait3A_331 : memref<1x4x128xi32, #tpu.memory_space<vmem>> -> memref<4x128xi32, #tpu.memory_space<vmem>>
          %dma_wait3A_333 = arith.constant 0 : i32
          %dma_wait3A_334 = tpu.memref_slice %arg2[%add3A_262, %dma_wait3A_333] : memref<6400x128xi32, #tpu.memory_space<hbm>> -> memref<4x128xi32, #tpu.memory_space<hbm>>
          %dma_wait3A_335 = arith.constant 0 : i32
          %dma_wait3A_336 = arith.constant 0 : i32
          %dma_wait3A_337 = tpu.memref_slice %arg7[%run_scoped3A_263, %dma_wait3A_335, %dma_wait3A_336] : memref<2x4x128xi32, #tpu.memory_space<vmem>> -> memref<1x4x128xi32, #tpu.memory_space<vmem>>
          %dma_wait3A_338 = tpu.memref_squeeze %dma_wait3A_337 : memref<1x4x128xi32, #tpu.memory_space<vmem>> -> memref<4x128xi32, #tpu.memory_space<vmem>>
          %dma_wait3A_339 = arith.constant 0 : i32
          %dma_wait3A_340 = tpu.memref_slice %arg2[%add3A_262, %dma_wait3A_339] : memref<6400x128xi32, #tpu.memory_space<hbm>> -> memref<4x128xi32, #tpu.memory_space<hbm>>
          tpu.wait_dma2 semaphore(%run_scoped3A_316 : memref<!tpu.dma_semaphore, #tpu.memory_space<semaphore_mem>>) src(%dma_wait3A_340 : memref<4x128xi32, #tpu.memory_space<hbm>>) dst(%dma_wait3A_338 : memref<4x128xi32, #tpu.memory_space<vmem>>)
          tpu.yield
        }) : () -> ()
        %dma_start3A_264 = arith.constant 0 : i32
        %dma_start3A_265 = arith.constant 0 : i32
        %dma_start3A_266 = arith.constant 0 : i32
        %dma_start3A_267 = arith.constant 0 : i32
        %dma_start3A_268 = arith.constant 0 : i32
        %dma_start3A_269 = tpu.memref_slice %arg8[%dma_start3A_266, %dma_start3A_267, %dma_start3A_268] : memref<2x512x32xf32, #tpu.memory_space<vmem>> -> memref<1x128x32xf32, #tpu.memory_space<vmem>>
        %dma_start3A_270 = tpu.memref_squeeze %dma_start3A_269 : memref<1x128x32xf32, #tpu.memory_space<vmem>> -> memref<128x32xf32, #tpu.memory_space<vmem>>
        %dma_start3A_271 = arith.constant 0 : i32
        %dma_start3A_272 = tpu.memref_slice %arg7[%dma_start3A_264, %dma_start3A_265, %dma_start3A_271] : memref<2x4x128xi32, #tpu.memory_space<vmem>> -> memref<1x1x128xi32, #tpu.memory_space<vmem>>
        %dma_start3A_273 = tpu.memref_squeeze %dma_start3A_272 : memref<1x1x128xi32, #tpu.memory_space<vmem>> -> memref<128xi32, #tpu.memory_space<vmem>>
        %dma_start3A_274 = arith.constant 0 : i32
        %dma_start3A_275 = arith.constant 0 : i32
        %dma_start3A_276 = tpu.memref_slice %arg3[%dma_start3A_274, %dma_start3A_275] : memref<1000000x32xf32, #tpu.memory_space<hbm>> -> memref<1000000x32xf32, #tpu.memory_space<hbm>>
        tpu.enqueue_indirect_dma source(%dma_start3A_276 : memref<1000000x32xf32, #tpu.memory_space<hbm>>) target(%dma_start3A_270 : memref<128x32xf32, #tpu.memory_space<vmem>>) offsets(%dma_start3A_273 : memref<128xi32, #tpu.memory_space<vmem>>) semaphore(%arg11 : memref<!tpu.dma_semaphore, #tpu.memory_space<semaphore_mem>>)
        %dma_start3A_277 = arith.constant 0 : i32
        %dma_start3A_278 = arith.constant 1 : i32
        %dma_start3A_279 = arith.constant 0 : i32
        %dma_start3A_280 = arith.constant 128 : i32
        %dma_start3A_281 = arith.constant 0 : i32
        %dma_start3A_282 = tpu.memref_slice %arg8[%dma_start3A_279, %dma_start3A_280, %dma_start3A_281] : memref<2x512x32xf32, #tpu.memory_space<vmem>> -> memref<1x128x32xf32, #tpu.memory_space<vmem>>
        %dma_start3A_283 = tpu.memref_squeeze %dma_start3A_282 : memref<1x128x32xf32, #tpu.memory_space<vmem>> -> memref<128x32xf32, #tpu.memory_space<vmem>>
        %dma_start3A_284 = arith.constant 0 : i32
        %dma_start3A_285 = tpu.memref_slice %arg7[%dma_start3A_277, %dma_start3A_278, %dma_start3A_284] : memref<2x4x128xi32, #tpu.memory_space<vmem>> -> memref<1x1x128xi32, #tpu.memory_space<vmem>>
        %dma_start3A_286 = tpu.memref_squeeze %dma_start3A_285 : memref<1x1x128xi32, #tpu.memory_space<vmem>> -> memref<128xi32, #tpu.memory_space<vmem>>
        %dma_start3A_287 = arith.constant 0 : i32
        %dma_start3A_288 = arith.constant 0 : i32
        %dma_start3A_289 = tpu.memref_slice %arg3[%dma_start3A_287, %dma_start3A_288] : memref<1000000x32xf32, #tpu.memory_space<hbm>> -> memref<1000000x32xf32, #tpu.memory_space<hbm>>
        tpu.enqueue_indirect_dma source(%dma_start3A_289 : memref<1000000x32xf32, #tpu.memory_space<hbm>>) target(%dma_start3A_283 : memref<128x32xf32, #tpu.memory_space<vmem>>) offsets(%dma_start3A_286 : memref<128xi32, #tpu.memory_space<vmem>>) semaphore(%arg11 : memref<!tpu.dma_semaphore, #tpu.memory_space<semaphore_mem>>)
        %dma_start3A_290 = arith.constant 0 : i32
        %dma_start3A_291 = arith.constant 2 : i32
        %dma_start3A_292 = arith.constant 0 : i32
        %dma_start3A_293 = arith.constant 256 : i32
        %dma_start3A_294 = arith.constant 0 : i32
        %dma_start3A_295 = tpu.memref_slice %arg8[%dma_start3A_292, %dma_start3A_293, %dma_start3A_294] : memref<2x512x32xf32, #tpu.memory_space<vmem>> -> memref<1x128x32xf32, #tpu.memory_space<vmem>>
        %dma_start3A_296 = tpu.memref_squeeze %dma_start3A_295 : memref<1x128x32xf32, #tpu.memory_space<vmem>> -> memref<128x32xf32, #tpu.memory_space<vmem>>
        %dma_start3A_297 = arith.constant 0 : i32
        %dma_start3A_298 = tpu.memref_slice %arg7[%dma_start3A_290, %dma_start3A_291, %dma_start3A_297] : memref<2x4x128xi32, #tpu.memory_space<vmem>> -> memref<1x1x128xi32, #tpu.memory_space<vmem>>
        %dma_start3A_299 = tpu.memref_squeeze %dma_start3A_298 : memref<1x1x128xi32, #tpu.memory_space<vmem>> -> memref<128xi32, #tpu.memory_space<vmem>>
        %dma_start3A_300 = arith.constant 0 : i32
        %dma_start3A_301 = arith.constant 0 : i32
        %dma_start3A_302 = tpu.memref_slice %arg3[%dma_start3A_300, %dma_start3A_301] : memref<1000000x32xf32, #tpu.memory_space<hbm>> -> memref<1000000x32xf32, #tpu.memory_space<hbm>>
        tpu.enqueue_indirect_dma source(%dma_start3A_302 : memref<1000000x32xf32, #tpu.memory_space<hbm>>) target(%dma_start3A_296 : memref<128x32xf32, #tpu.memory_space<vmem>>) offsets(%dma_start3A_299 : memref<128xi32, #tpu.memory_space<vmem>>) semaphore(%arg11 : memref<!tpu.dma_semaphore, #tpu.memory_space<semaphore_mem>>)
        %dma_start3A_303 = arith.constant 0 : i32
        %dma_start3A_304 = arith.constant 3 : i32
        %dma_start3A_305 = arith.constant 0 : i32
        %dma_start3A_306 = arith.constant 384 : i32
        %dma_start3A_307 = arith.constant 0 : i32
        %dma_start3A_308 = tpu.memref_slice %arg8[%dma_start3A_305, %dma_start3A_306, %dma_start3A_307] : memref<2x512x32xf32, #tpu.memory_space<vmem>> -> memref<1x128x32xf32, #tpu.memory_space<vmem>>
        %dma_start3A_309 = tpu.memref_squeeze %dma_start3A_308 : memref<1x128x32xf32, #tpu.memory_space<vmem>> -> memref<128x32xf32, #tpu.memory_space<vmem>>
        %dma_start3A_310 = arith.constant 0 : i32
        %dma_start3A_311 = tpu.memref_slice %arg7[%dma_start3A_303, %dma_start3A_304, %dma_start3A_310] : memref<2x4x128xi32, #tpu.memory_space<vmem>> -> memref<1x1x128xi32, #tpu.memory_space<vmem>>
        %dma_start3A_312 = tpu.memref_squeeze %dma_start3A_311 : memref<1x1x128xi32, #tpu.memory_space<vmem>> -> memref<128xi32, #tpu.memory_space<vmem>>
        %dma_start3A_313 = arith.constant 0 : i32
        %dma_start3A_314 = arith.constant 0 : i32
        %dma_start3A_315 = tpu.memref_slice %arg3[%dma_start3A_313, %dma_start3A_314] : memref<1000000x32xf32, #tpu.memory_space<hbm>> -> memref<1000000x32xf32, #tpu.memory_space<hbm>>
        tpu.enqueue_indirect_dma source(%dma_start3A_315 : memref<1000000x32xf32, #tpu.memory_space<hbm>>) target(%dma_start3A_309 : memref<128x32xf32, #tpu.memory_space<vmem>>) offsets(%dma_start3A_312 : memref<128xi32, #tpu.memory_space<vmem>>) semaphore(%arg11 : memref<!tpu.dma_semaphore, #tpu.memory_space<semaphore_mem>>)
      } else {
      }
      %mul3A_208 = arith.constant 2 : i32
      %mul3A_209 = arith.muli %mul3A_208, %scan3A_162 : i32
      %add3A_210 = arith.constant 1 : i32
      %add3A_211 = arith.addi %mul3A_209, %add3A_210 : i32
      %ge3A_212 = arith.constant 1 : i32
      %ge3A_213 = arith.cmpi sge, %scan3A_162, %ge3A_212 : i32
      %convert_element_type3A_214 = arith.extui %ge3A_213 : i1 to i32
      %cond3A_215 = arith.constant 0 : i32
      %cond3A_216 = arith.cmpi ne, %convert_element_type3A_214, %cond3A_215 : i32
      scf.if %cond3A_216 {
        %dma_wait3A_258 = arith.constant 1 : i32
        %dma_wait3A_259 = arith.constant 0 : i32
        %dma_wait3A_260 = arith.constant 0 : i32
        %dma_wait3A_261 = tpu.memref_slice %arg9[%dma_wait3A_258, %dma_wait3A_259, %dma_wait3A_260] : memref<2x512x32xf32, #tpu.memory_space<vmem>> -> memref<1x512x32xf32, #tpu.memory_space<vmem>>
        %dma_wait3A_262 = tpu.memref_squeeze %dma_wait3A_261 : memref<1x512x32xf32, #tpu.memory_space<vmem>> -> memref<512x32xf32, #tpu.memory_space<vmem>>
        %dma_wait3A_263 = arith.constant 0 : i32
        %dma_wait3A_264 = arith.constant 0 : i32
        %dma_wait3A_265 = tpu.memref_slice %arg6[%dma_wait3A_263, %dma_wait3A_264] : memref<819200x32xf32, #tpu.memory_space<hbm>> -> memref<512x32xf32, #tpu.memory_space<hbm>>
        %dma_wait3A_266 = arith.constant 0 : i32
        %dma_wait3A_267 = arith.constant 0 : i32
        %dma_wait3A_268 = tpu.memref_slice %arg6[%dma_wait3A_266, %dma_wait3A_267] : memref<819200x32xf32, #tpu.memory_space<hbm>> -> memref<512x32xf32, #tpu.memory_space<hbm>>
        %dma_wait3A_269 = arith.constant 0 : i32
        %dma_wait3A_270 = arith.constant 0 : i32
        %dma_wait3A_271 = tpu.memref_slice %arg9[%dma_wait3A_258, %dma_wait3A_269, %dma_wait3A_270] : memref<2x512x32xf32, #tpu.memory_space<vmem>> -> memref<1x512x32xf32, #tpu.memory_space<vmem>>
        %dma_wait3A_272 = tpu.memref_squeeze %dma_wait3A_271 : memref<1x512x32xf32, #tpu.memory_space<vmem>> -> memref<512x32xf32, #tpu.memory_space<vmem>>
        tpu.wait_dma2 semaphore(%arg14 : memref<!tpu.dma_semaphore, #tpu.memory_space<semaphore_mem>>) src(%dma_wait3A_272 : memref<512x32xf32, #tpu.memory_space<vmem>>) dst(%dma_wait3A_268 : memref<512x32xf32, #tpu.memory_space<hbm>>)
      } else {
      }
      %dma_wait3A_217 = arith.constant 1 : i32
      %dma_wait3A_218 = arith.constant 0 : i32
      %dma_wait3A_219 = arith.constant 0 : i32
      %dma_wait3A_220 = tpu.memref_slice %arg8[%dma_wait3A_217, %dma_wait3A_218, %dma_wait3A_219] : memref<2x512x32xf32, #tpu.memory_space<vmem>> -> memref<1x512x32xf32, #tpu.memory_space<vmem>>
      %dma_wait3A_221 = tpu.memref_squeeze %dma_wait3A_220 : memref<1x512x32xf32, #tpu.memory_space<vmem>> -> memref<512x32xf32, #tpu.memory_space<vmem>>
      %dma_wait3A_222 = arith.constant 0 : i32
      %dma_wait3A_223 = arith.constant 0 : i32
      %dma_wait3A_224 = tpu.memref_slice %arg3[%dma_wait3A_222, %dma_wait3A_223] : memref<1000000x32xf32, #tpu.memory_space<hbm>> -> memref<512x32xf32, #tpu.memory_space<hbm>>
      %dma_wait3A_225 = arith.constant 0 : i32
      %dma_wait3A_226 = arith.constant 0 : i32
      %dma_wait3A_227 = tpu.memref_slice %arg8[%dma_wait3A_217, %dma_wait3A_225, %dma_wait3A_226] : memref<2x512x32xf32, #tpu.memory_space<vmem>> -> memref<1x512x32xf32, #tpu.memory_space<vmem>>
      %dma_wait3A_228 = tpu.memref_squeeze %dma_wait3A_227 : memref<1x512x32xf32, #tpu.memory_space<vmem>> -> memref<512x32xf32, #tpu.memory_space<vmem>>
      %dma_wait3A_229 = arith.constant 0 : i32
      %dma_wait3A_230 = arith.constant 0 : i32
      %dma_wait3A_231 = tpu.memref_slice %arg3[%dma_wait3A_229, %dma_wait3A_230] : memref<1000000x32xf32, #tpu.memory_space<hbm>> -> memref<512x32xf32, #tpu.memory_space<hbm>>
      tpu.wait_dma2 semaphore(%arg12 : memref<!tpu.dma_semaphore, #tpu.memory_space<semaphore_mem>>) src(%dma_wait3A_231 : memref<512x32xf32, #tpu.memory_space<hbm>>) dst(%dma_wait3A_228 : memref<512x32xf32, #tpu.memory_space<vmem>>)
      %parallel_loop3A_232 = arith.constant 0 : i32
      %parallel_loop3A_233 = arith.constant 32 : i32
      %parallel_loop3A_234 = arith.constant 1 : i32
      scf.for %parallel_loop3A_258 = %parallel_loop3A_232 to %parallel_loop3A_233 step %parallel_loop3A_234  : i32 {
        %parallel_loop3A_259 = arith.constant 16 : i32
        %parallel_loop3A_260 = arith.muli %parallel_loop3A_258, %parallel_loop3A_259 : i32
        %parallel_loop3A_261 = vector.broadcast %parallel_loop3A_260 : i32 to vector<16xi32>
        %parallel_loop3A_262 = arith.addi %parallel_loop3A_261, %iota3A : vector<16xi32>
        %parallel_loop3A_263 = arith.constant 0.000000e+00 : f32
        %parallel_loop3A_264 = vector.broadcast %parallel_loop3A_263 : f32 to vector<16xf32>
        %parallel_loop3A_265 = arith.constant 0.000000e+00 : f32
        %parallel_loop3A_266 = vector.broadcast %parallel_loop3A_265 : f32 to vector<16xf32>
        %parallel_loop3A_267 = arith.constant 0 : i32
        %parallel_loop3A_268 = vector.broadcast %parallel_loop3A_267 : i32 to vector<16xi32>
        %parallel_loop3A_269 = arith.constant 1 : i32
        %parallel_loop3A_270 = arith.constant 0 : i32
        %parallel_loop3A_271 = arith.constant 0 : i32
        %parallel_loop3A_272 = tpu.memref_slice %arg8[%parallel_loop3A_269, %parallel_loop3A_270, %parallel_loop3A_271] : memref<2x512x32xf32, #tpu.memory_space<vmem>> -> memref<1x512x32xf32, #tpu.memory_space<vmem>>
        %parallel_loop3A_273 = tpu.memref_squeeze %parallel_loop3A_272 : memref<1x512x32xf32, #tpu.memory_space<vmem>> -> memref<512x32xf32, #tpu.memory_space<vmem>>
        %parallel_loop3A_274 = tpu.vector_load_idx %parallel_loop3A_273[%parallel_loop3A_262, %parallel_loop3A_268] : memref<512x32xf32, #tpu.memory_space<vmem>>[vector<16xi32>, vector<16xi32>], vector<16xf32>,
        %parallel_loop3A_275 = arith.addf %parallel_loop3A_264, %parallel_loop3A_274 : vector<16xf32>
        %parallel_loop3A_276 = arith.mulf %parallel_loop3A_274, %parallel_loop3A_274 : vector<16xf32>
        %parallel_loop3A_277 = arith.addf %parallel_loop3A_266, %parallel_loop3A_276 : vector<16xf32>
        %parallel_loop3A_278 = arith.constant 1 : i32
        %parallel_loop3A_279 = vector.broadcast %parallel_loop3A_278 : i32 to vector<16xi32>
        %parallel_loop3A_280 = arith.constant 1 : i32
        %parallel_loop3A_281 = arith.constant 0 : i32
        %parallel_loop3A_282 = arith.constant 0 : i32
        %parallel_loop3A_283 = tpu.memref_slice %arg8[%parallel_loop3A_280, %parallel_loop3A_281, %parallel_loop3A_282] : memref<2x512x32xf32, #tpu.memory_space<vmem>> -> memref<1x512x32xf32, #tpu.memory_space<vmem>>
        %parallel_loop3A_284 = tpu.memref_squeeze %parallel_loop3A_283 : memref<1x512x32xf32, #tpu.memory_space<vmem>> -> memref<512x32xf32, #tpu.memory_space<vmem>>
        %parallel_loop3A_285 = tpu.vector_load_idx %parallel_loop3A_284[%parallel_loop3A_262, %parallel_loop3A_279] : memref<512x32xf32, #tpu.memory_space<vmem>>[vector<16xi32>, vector<16xi32>], vector<16xf32>,
        %parallel_loop3A_286 = arith.addf %parallel_loop3A_275, %parallel_loop3A_285 : vector<16xf32>
        %parallel_loop3A_287 = arith.mulf %parallel_loop3A_285, %parallel_loop3A_285 : vector<16xf32>
        %parallel_loop3A_288 = arith.addf %parallel_loop3A_277, %parallel_loop3A_287 : vector<16xf32>
        %parallel_loop3A_289 = arith.constant 2 : i32
        %parallel_loop3A_290 = vector.broadcast %parallel_loop3A_289 : i32 to vector<16xi32>
        %parallel_loop3A_291 = arith.constant 1 : i32
        %parallel_loop3A_292 = arith.constant 0 : i32
        %parallel_loop3A_293 = arith.constant 0 : i32
        %parallel_loop3A_294 = tpu.memref_slice %arg8[%parallel_loop3A_291, %parallel_loop3A_292, %parallel_loop3A_293] : memref<2x512x32xf32, #tpu.memory_space<vmem>> -> memref<1x512x32xf32, #tpu.memory_space<vmem>>
        %parallel_loop3A_295 = tpu.memref_squeeze %parallel_loop3A_294 : memref<1x512x32xf32, #tpu.memory_space<vmem>> -> memref<512x32xf32, #tpu.memory_space<vmem>>
        %parallel_loop3A_296 = tpu.vector_load_idx %parallel_loop3A_295[%parallel_loop3A_262, %parallel_loop3A_290] : memref<512x32xf32, #tpu.memory_space<vmem>>[vector<16xi32>, vector<16xi32>], vector<16xf32>,
        %parallel_loop3A_297 = arith.addf %parallel_loop3A_286, %parallel_loop3A_296 : vector<16xf32>
        %parallel_loop3A_298 = arith.mulf %parallel_loop3A_296, %parallel_loop3A_296 : vector<16xf32>
        %parallel_loop3A_299 = arith.addf %parallel_loop3A_288, %parallel_loop3A_298 : vector<16xf32>
        %parallel_loop3A_300 = arith.constant 3 : i32
        %parallel_loop3A_301 = vector.broadcast %parallel_loop3A_300 : i32 to vector<16xi32>
        %parallel_loop3A_302 = arith.constant 1 : i32
        %parallel_loop3A_303 = arith.constant 0 : i32
        %parallel_loop3A_304 = arith.constant 0 : i32
        %parallel_loop3A_305 = tpu.memref_slice %arg8[%parallel_loop3A_302, %parallel_loop3A_303, %parallel_loop3A_304] : memref<2x512x32xf32, #tpu.memory_space<vmem>> -> memref<1x512x32xf32, #tpu.memory_space<vmem>>
        %parallel_loop3A_306 = tpu.memref_squeeze %parallel_loop3A_305 : memref<1x512x32xf32, #tpu.memory_space<vmem>> -> memref<512x32xf32, #tpu.memory_space<vmem>>
        %parallel_loop3A_307 = tpu.vector_load_idx %parallel_loop3A_306[%parallel_loop3A_262, %parallel_loop3A_301] : memref<512x32xf32, #tpu.memory_space<vmem>>[vector<16xi32>, vector<16xi32>], vector<16xf32>,
        %parallel_loop3A_308 = arith.addf %parallel_loop3A_297, %parallel_loop3A_307 : vector<16xf32>
        %parallel_loop3A_309 = arith.mulf %parallel_loop3A_307, %parallel_loop3A_307 : vector<16xf32>
        %parallel_loop3A_310 = arith.addf %parallel_loop3A_299, %parallel_loop3A_309 : vector<16xf32>
        %parallel_loop3A_311 = arith.constant 4 : i32
        %parallel_loop3A_312 = vector.broadcast %parallel_loop3A_311 : i32 to vector<16xi32>
        %parallel_loop3A_313 = arith.constant 1 : i32
        %parallel_loop3A_314 = arith.constant 0 : i32
        %parallel_loop3A_315 = arith.constant 0 : i32
        %parallel_loop3A_316 = tpu.memref_slice %arg8[%parallel_loop3A_313, %parallel_loop3A_314, %parallel_loop3A_315] : memref<2x512x32xf32, #tpu.memory_space<vmem>> -> memref<1x512x32xf32, #tpu.memory_space<vmem>>
        %parallel_loop3A_317 = tpu.memref_squeeze %parallel_loop3A_316 : memref<1x512x32xf32, #tpu.memory_space<vmem>> -> memref<512x32xf32, #tpu.memory_space<vmem>>
        %parallel_loop3A_318 = tpu.vector_load_idx %parallel_loop3A_317[%parallel_loop3A_262, %parallel_loop3A_312] : memref<512x32xf32, #tpu.memory_space<vmem>>[vector<16xi32>, vector<16xi32>], vector<16xf32>,
        %parallel_loop3A_319 = arith.addf %parallel_loop3A_308, %parallel_loop3A_318 : vector<16xf32>
        %parallel_loop3A_320 = arith.mulf %parallel_loop3A_318, %parallel_loop3A_318 : vector<16xf32>
        %parallel_loop3A_321 = arith.addf %parallel_loop3A_310, %parallel_loop3A_320 : vector<16xf32>
        %parallel_loop3A_322 = arith.constant 5 : i32
        %parallel_loop3A_323 = vector.broadcast %parallel_loop3A_322 : i32 to vector<16xi32>
        %parallel_loop3A_324 = arith.constant 1 : i32
        %parallel_loop3A_325 = arith.constant 0 : i32
        %parallel_loop3A_326 = arith.constant 0 : i32
        %parallel_loop3A_327 = tpu.memref_slice %arg8[%parallel_loop3A_324, %parallel_loop3A_325, %parallel_loop3A_326] : memref<2x512x32xf32, #tpu.memory_space<vmem>> -> memref<1x512x32xf32, #tpu.memory_space<vmem>>
        %parallel_loop3A_328 = tpu.memref_squeeze %parallel_loop3A_327 : memref<1x512x32xf32, #tpu.memory_space<vmem>> -> memref<512x32xf32, #tpu.memory_space<vmem>>
        %parallel_loop3A_329 = tpu.vector_load_idx %parallel_loop3A_328[%parallel_loop3A_262, %parallel_loop3A_323] : memref<512x32xf32, #tpu.memory_space<vmem>>[vector<16xi32>, vector<16xi32>], vector<16xf32>,
        %parallel_loop3A_330 = arith.addf %parallel_loop3A_319, %parallel_loop3A_329 : vector<16xf32>
        %parallel_loop3A_331 = arith.mulf %parallel_loop3A_329, %parallel_loop3A_329 : vector<16xf32>
        %parallel_loop3A_332 = arith.addf %parallel_loop3A_321, %parallel_loop3A_331 : vector<16xf32>
        %parallel_loop3A_333 = arith.constant 6 : i32
        %parallel_loop3A_334 = vector.broadcast %parallel_loop3A_333 : i32 to vector<16xi32>
        %parallel_loop3A_335 = arith.constant 1 : i32
        %parallel_loop3A_336 = arith.constant 0 : i32
        %parallel_loop3A_337 = arith.constant 0 : i32
        %parallel_loop3A_338 = tpu.memref_slice %arg8[%parallel_loop3A_335, %parallel_loop3A_336, %parallel_loop3A_337] : memref<2x512x32xf32, #tpu.memory_space<vmem>> -> memref<1x512x32xf32, #tpu.memory_space<vmem>>
        %parallel_loop3A_339 = tpu.memref_squeeze %parallel_loop3A_338 : memref<1x512x32xf32, #tpu.memory_space<vmem>> -> memref<512x32xf32, #tpu.memory_space<vmem>>
        %parallel_loop3A_340 = tpu.vector_load_idx %parallel_loop3A_339[%parallel_loop3A_262, %parallel_loop3A_334] : memref<512x32xf32, #tpu.memory_space<vmem>>[vector<16xi32>, vector<16xi32>], vector<16xf32>,
        %parallel_loop3A_341 = arith.addf %parallel_loop3A_330, %parallel_loop3A_340 : vector<16xf32>
        %parallel_loop3A_342 = arith.mulf %parallel_loop3A_340, %parallel_loop3A_340 : vector<16xf32>
        %parallel_loop3A_343 = arith.addf %parallel_loop3A_332, %parallel_loop3A_342 : vector<16xf32>
        %parallel_loop3A_344 = arith.constant 7 : i32
        %parallel_loop3A_345 = vector.broadcast %parallel_loop3A_344 : i32 to vector<16xi32>
        %parallel_loop3A_346 = arith.constant 1 : i32
        %parallel_loop3A_347 = arith.constant 0 : i32
        %parallel_loop3A_348 = arith.constant 0 : i32
        %parallel_loop3A_349 = tpu.memref_slice %arg8[%parallel_loop3A_346, %parallel_loop3A_347, %parallel_loop3A_348] : memref<2x512x32xf32, #tpu.memory_space<vmem>> -> memref<1x512x32xf32, #tpu.memory_space<vmem>>
        %parallel_loop3A_350 = tpu.memref_squeeze %parallel_loop3A_349 : memref<1x512x32xf32, #tpu.memory_space<vmem>> -> memref<512x32xf32, #tpu.memory_space<vmem>>
        %parallel_loop3A_351 = tpu.vector_load_idx %parallel_loop3A_350[%parallel_loop3A_262, %parallel_loop3A_345] : memref<512x32xf32, #tpu.memory_space<vmem>>[vector<16xi32>, vector<16xi32>], vector<16xf32>,
        %parallel_loop3A_352 = arith.addf %parallel_loop3A_341, %parallel_loop3A_351 : vector<16xf32>
        %parallel_loop3A_353 = arith.mulf %parallel_loop3A_351, %parallel_loop3A_351 : vector<16xf32>
        %parallel_loop3A_354 = arith.addf %parallel_loop3A_343, %parallel_loop3A_353 : vector<16xf32>
        %parallel_loop3A_355 = arith.constant 8 : i32
        %parallel_loop3A_356 = vector.broadcast %parallel_loop3A_355 : i32 to vector<16xi32>
        %parallel_loop3A_357 = arith.constant 1 : i32
        %parallel_loop3A_358 = arith.constant 0 : i32
        %parallel_loop3A_359 = arith.constant 0 : i32
        %parallel_loop3A_360 = tpu.memref_slice %arg8[%parallel_loop3A_357, %parallel_loop3A_358, %parallel_loop3A_359] : memref<2x512x32xf32, #tpu.memory_space<vmem>> -> memref<1x512x32xf32, #tpu.memory_space<vmem>>
        %parallel_loop3A_361 = tpu.memref_squeeze %parallel_loop3A_360 : memref<1x512x32xf32, #tpu.memory_space<vmem>> -> memref<512x32xf32, #tpu.memory_space<vmem>>
        %parallel_loop3A_362 = tpu.vector_load_idx %parallel_loop3A_361[%parallel_loop3A_262, %parallel_loop3A_356] : memref<512x32xf32, #tpu.memory_space<vmem>>[vector<16xi32>, vector<16xi32>], vector<16xf32>,
        %parallel_loop3A_363 = arith.addf %parallel_loop3A_352, %parallel_loop3A_362 : vector<16xf32>
        %parallel_loop3A_364 = arith.mulf %parallel_loop3A_362, %parallel_loop3A_362 : vector<16xf32>
        %parallel_loop3A_365 = arith.addf %parallel_loop3A_354, %parallel_loop3A_364 : vector<16xf32>
        %parallel_loop3A_366 = arith.constant 9 : i32
        %parallel_loop3A_367 = vector.broadcast %parallel_loop3A_366 : i32 to vector<16xi32>
        %parallel_loop3A_368 = arith.constant 1 : i32
        %parallel_loop3A_369 = arith.constant 0 : i32
        %parallel_loop3A_370 = arith.constant 0 : i32
        %parallel_loop3A_371 = tpu.memref_slice %arg8[%parallel_loop3A_368, %parallel_loop3A_369, %parallel_loop3A_370] : memref<2x512x32xf32, #tpu.memory_space<vmem>> -> memref<1x512x32xf32, #tpu.memory_space<vmem>>
        %parallel_loop3A_372 = tpu.memref_squeeze %parallel_loop3A_371 : memref<1x512x32xf32, #tpu.memory_space<vmem>> -> memref<512x32xf32, #tpu.memory_space<vmem>>
        %parallel_loop3A_373 = tpu.vector_load_idx %parallel_loop3A_372[%parallel_loop3A_262, %parallel_loop3A_367] : memref<512x32xf32, #tpu.memory_space<vmem>>[vector<16xi32>, vector<16xi32>], vector<16xf32>,
        %parallel_loop3A_374 = arith.addf %parallel_loop3A_363, %parallel_loop3A_373 : vector<16xf32>
        %parallel_loop3A_375 = arith.mulf %parallel_loop3A_373, %parallel_loop3A_373 : vector<16xf32>
        %parallel_loop3A_376 = arith.addf %parallel_loop3A_365, %parallel_loop3A_375 : vector<16xf32>
        %parallel_loop3A_377 = arith.constant 10 : i32
        %parallel_loop3A_378 = vector.broadcast %parallel_loop3A_377 : i32 to vector<16xi32>
        %parallel_loop3A_379 = arith.constant 1 : i32
        %parallel_loop3A_380 = arith.constant 0 : i32
        %parallel_loop3A_381 = arith.constant 0 : i32
        %parallel_loop3A_382 = tpu.memref_slice %arg8[%parallel_loop3A_379, %parallel_loop3A_380, %parallel_loop3A_381] : memref<2x512x32xf32, #tpu.memory_space<vmem>> -> memref<1x512x32xf32, #tpu.memory_space<vmem>>
        %parallel_loop3A_383 = tpu.memref_squeeze %parallel_loop3A_382 : memref<1x512x32xf32, #tpu.memory_space<vmem>> -> memref<512x32xf32, #tpu.memory_space<vmem>>
        %parallel_loop3A_384 = tpu.vector_load_idx %parallel_loop3A_383[%parallel_loop3A_262, %parallel_loop3A_378] : memref<512x32xf32, #tpu.memory_space<vmem>>[vector<16xi32>, vector<16xi32>], vector<16xf32>,
        %parallel_loop3A_385 = arith.addf %parallel_loop3A_374, %parallel_loop3A_384 : vector<16xf32>
        %parallel_loop3A_386 = arith.mulf %parallel_loop3A_384, %parallel_loop3A_384 : vector<16xf32>
        %parallel_loop3A_387 = arith.addf %parallel_loop3A_376, %parallel_loop3A_386 : vector<16xf32>
        %parallel_loop3A_388 = arith.constant 11 : i32
        %parallel_loop3A_389 = vector.broadcast %parallel_loop3A_388 : i32 to vector<16xi32>
        %parallel_loop3A_390 = arith.constant 1 : i32
        %parallel_loop3A_391 = arith.constant 0 : i32
        %parallel_loop3A_392 = arith.constant 0 : i32
        %parallel_loop3A_393 = tpu.memref_slice %arg8[%parallel_loop3A_390, %parallel_loop3A_391, %parallel_loop3A_392] : memref<2x512x32xf32, #tpu.memory_space<vmem>> -> memref<1x512x32xf32, #tpu.memory_space<vmem>>
        %parallel_loop3A_394 = tpu.memref_squeeze %parallel_loop3A_393 : memref<1x512x32xf32, #tpu.memory_space<vmem>> -> memref<512x32xf32, #tpu.memory_space<vmem>>
        %parallel_loop3A_395 = tpu.vector_load_idx %parallel_loop3A_394[%parallel_loop3A_262, %parallel_loop3A_389] : memref<512x32xf32, #tpu.memory_space<vmem>>[vector<16xi32>, vector<16xi32>], vector<16xf32>,
        %parallel_loop3A_396 = arith.addf %parallel_loop3A_385, %parallel_loop3A_395 : vector<16xf32>
        %parallel_loop3A_397 = arith.mulf %parallel_loop3A_395, %parallel_loop3A_395 : vector<16xf32>
        %parallel_loop3A_398 = arith.addf %parallel_loop3A_387, %parallel_loop3A_397 : vector<16xf32>
        %parallel_loop3A_399 = arith.constant 12 : i32
        %parallel_loop3A_400 = vector.broadcast %parallel_loop3A_399 : i32 to vector<16xi32>
        %parallel_loop3A_401 = arith.constant 1 : i32
        %parallel_loop3A_402 = arith.constant 0 : i32
        %parallel_loop3A_403 = arith.constant 0 : i32
        %parallel_loop3A_404 = tpu.memref_slice %arg8[%parallel_loop3A_401, %parallel_loop3A_402, %parallel_loop3A_403] : memref<2x512x32xf32, #tpu.memory_space<vmem>> -> memref<1x512x32xf32, #tpu.memory_space<vmem>>
        %parallel_loop3A_405 = tpu.memref_squeeze %parallel_loop3A_404 : memref<1x512x32xf32, #tpu.memory_space<vmem>> -> memref<512x32xf32, #tpu.memory_space<vmem>>
        %parallel_loop3A_406 = tpu.vector_load_idx %parallel_loop3A_405[%parallel_loop3A_262, %parallel_loop3A_400] : memref<512x32xf32, #tpu.memory_space<vmem>>[vector<16xi32>, vector<16xi32>], vector<16xf32>,
        %parallel_loop3A_407 = arith.addf %parallel_loop3A_396, %parallel_loop3A_406 : vector<16xf32>
        %parallel_loop3A_408 = arith.mulf %parallel_loop3A_406, %parallel_loop3A_406 : vector<16xf32>
        %parallel_loop3A_409 = arith.addf %parallel_loop3A_398, %parallel_loop3A_408 : vector<16xf32>
        %parallel_loop3A_410 = arith.constant 13 : i32
        %parallel_loop3A_411 = vector.broadcast %parallel_loop3A_410 : i32 to vector<16xi32>
        %parallel_loop3A_412 = arith.constant 1 : i32
        %parallel_loop3A_413 = arith.constant 0 : i32
        %parallel_loop3A_414 = arith.constant 0 : i32
        %parallel_loop3A_415 = tpu.memref_slice %arg8[%parallel_loop3A_412, %parallel_loop3A_413, %parallel_loop3A_414] : memref<2x512x32xf32, #tpu.memory_space<vmem>> -> memref<1x512x32xf32, #tpu.memory_space<vmem>>
        %parallel_loop3A_416 = tpu.memref_squeeze %parallel_loop3A_415 : memref<1x512x32xf32, #tpu.memory_space<vmem>> -> memref<512x32xf32, #tpu.memory_space<vmem>>
        %parallel_loop3A_417 = tpu.vector_load_idx %parallel_loop3A_416[%parallel_loop3A_262, %parallel_loop3A_411] : memref<512x32xf32, #tpu.memory_space<vmem>>[vector<16xi32>, vector<16xi32>], vector<16xf32>,
        %parallel_loop3A_418 = arith.addf %parallel_loop3A_407, %parallel_loop3A_417 : vector<16xf32>
        %parallel_loop3A_419 = arith.mulf %parallel_loop3A_417, %parallel_loop3A_417 : vector<16xf32>
        %parallel_loop3A_420 = arith.addf %parallel_loop3A_409, %parallel_loop3A_419 : vector<16xf32>
        %parallel_loop3A_421 = arith.constant 14 : i32
        %parallel_loop3A_422 = vector.broadcast %parallel_loop3A_421 : i32 to vector<16xi32>
        %parallel_loop3A_423 = arith.constant 1 : i32
        %parallel_loop3A_424 = arith.constant 0 : i32
        %parallel_loop3A_425 = arith.constant 0 : i32
        %parallel_loop3A_426 = tpu.memref_slice %arg8[%parallel_loop3A_423, %parallel_loop3A_424, %parallel_loop3A_425] : memref<2x512x32xf32, #tpu.memory_space<vmem>> -> memref<1x512x32xf32, #tpu.memory_space<vmem>>
        %parallel_loop3A_427 = tpu.memref_squeeze %parallel_loop3A_426 : memref<1x512x32xf32, #tpu.memory_space<vmem>> -> memref<512x32xf32, #tpu.memory_space<vmem>>
        %parallel_loop3A_428 = tpu.vector_load_idx %parallel_loop3A_427[%parallel_loop3A_262, %parallel_loop3A_422] : memref<512x32xf32, #tpu.memory_space<vmem>>[vector<16xi32>, vector<16xi32>], vector<16xf32>,
        %parallel_loop3A_429 = arith.addf %parallel_loop3A_418, %parallel_loop3A_428 : vector<16xf32>
        %parallel_loop3A_430 = arith.mulf %parallel_loop3A_428, %parallel_loop3A_428 : vector<16xf32>
        %parallel_loop3A_431 = arith.addf %parallel_loop3A_420, %parallel_loop3A_430 : vector<16xf32>
        %parallel_loop3A_432 = arith.constant 15 : i32
        %parallel_loop3A_433 = vector.broadcast %parallel_loop3A_432 : i32 to vector<16xi32>
        %parallel_loop3A_434 = arith.constant 1 : i32
        %parallel_loop3A_435 = arith.constant 0 : i32
        %parallel_loop3A_436 = arith.constant 0 : i32
        %parallel_loop3A_437 = tpu.memref_slice %arg8[%parallel_loop3A_434, %parallel_loop3A_435, %parallel_loop3A_436] : memref<2x512x32xf32, #tpu.memory_space<vmem>> -> memref<1x512x32xf32, #tpu.memory_space<vmem>>
        %parallel_loop3A_438 = tpu.memref_squeeze %parallel_loop3A_437 : memref<1x512x32xf32, #tpu.memory_space<vmem>> -> memref<512x32xf32, #tpu.memory_space<vmem>>
        %parallel_loop3A_439 = tpu.vector_load_idx %parallel_loop3A_438[%parallel_loop3A_262, %parallel_loop3A_433] : memref<512x32xf32, #tpu.memory_space<vmem>>[vector<16xi32>, vector<16xi32>], vector<16xf32>,
        %parallel_loop3A_440 = arith.addf %parallel_loop3A_429, %parallel_loop3A_439 : vector<16xf32>
        %parallel_loop3A_441 = arith.mulf %parallel_loop3A_439, %parallel_loop3A_439 : vector<16xf32>
        %parallel_loop3A_442 = arith.addf %parallel_loop3A_431, %parallel_loop3A_441 : vector<16xf32>
        %parallel_loop3A_443 = arith.constant 16 : i32
        %parallel_loop3A_444 = vector.broadcast %parallel_loop3A_443 : i32 to vector<16xi32>
        %parallel_loop3A_445 = arith.constant 1 : i32
        %parallel_loop3A_446 = arith.constant 0 : i32
        %parallel_loop3A_447 = arith.constant 0 : i32
        %parallel_loop3A_448 = tpu.memref_slice %arg8[%parallel_loop3A_445, %parallel_loop3A_446, %parallel_loop3A_447] : memref<2x512x32xf32, #tpu.memory_space<vmem>> -> memref<1x512x32xf32, #tpu.memory_space<vmem>>
        %parallel_loop3A_449 = tpu.memref_squeeze %parallel_loop3A_448 : memref<1x512x32xf32, #tpu.memory_space<vmem>> -> memref<512x32xf32, #tpu.memory_space<vmem>>
        %parallel_loop3A_450 = tpu.vector_load_idx %parallel_loop3A_449[%parallel_loop3A_262, %parallel_loop3A_444] : memref<512x32xf32, #tpu.memory_space<vmem>>[vector<16xi32>, vector<16xi32>], vector<16xf32>,
        %parallel_loop3A_451 = arith.addf %parallel_loop3A_440, %parallel_loop3A_450 : vector<16xf32>
        %parallel_loop3A_452 = arith.mulf %parallel_loop3A_450, %parallel_loop3A_450 : vector<16xf32>
        %parallel_loop3A_453 = arith.addf %parallel_loop3A_442, %parallel_loop3A_452 : vector<16xf32>
        %parallel_loop3A_454 = arith.constant 17 : i32
        %parallel_loop3A_455 = vector.broadcast %parallel_loop3A_454 : i32 to vector<16xi32>
        %parallel_loop3A_456 = arith.constant 1 : i32
        %parallel_loop3A_457 = arith.constant 0 : i32
        %parallel_loop3A_458 = arith.constant 0 : i32
        %parallel_loop3A_459 = tpu.memref_slice %arg8[%parallel_loop3A_456, %parallel_loop3A_457, %parallel_loop3A_458] : memref<2x512x32xf32, #tpu.memory_space<vmem>> -> memref<1x512x32xf32, #tpu.memory_space<vmem>>
        %parallel_loop3A_460 = tpu.memref_squeeze %parallel_loop3A_459 : memref<1x512x32xf32, #tpu.memory_space<vmem>> -> memref<512x32xf32, #tpu.memory_space<vmem>>
        %parallel_loop3A_461 = tpu.vector_load_idx %parallel_loop3A_460[%parallel_loop3A_262, %parallel_loop3A_455] : memref<512x32xf32, #tpu.memory_space<vmem>>[vector<16xi32>, vector<16xi32>], vector<16xf32>,
        %parallel_loop3A_462 = arith.addf %parallel_loop3A_451, %parallel_loop3A_461 : vector<16xf32>
        %parallel_loop3A_463 = arith.mulf %parallel_loop3A_461, %parallel_loop3A_461 : vector<16xf32>
        %parallel_loop3A_464 = arith.addf %parallel_loop3A_453, %parallel_loop3A_463 : vector<16xf32>
        %parallel_loop3A_465 = arith.constant 18 : i32
        %parallel_loop3A_466 = vector.broadcast %parallel_loop3A_465 : i32 to vector<16xi32>
        %parallel_loop3A_467 = arith.constant 1 : i32
        %parallel_loop3A_468 = arith.constant 0 : i32
        %parallel_loop3A_469 = arith.constant 0 : i32
        %parallel_loop3A_470 = tpu.memref_slice %arg8[%parallel_loop3A_467, %parallel_loop3A_468, %parallel_loop3A_469] : memref<2x512x32xf32, #tpu.memory_space<vmem>> -> memref<1x512x32xf32, #tpu.memory_space<vmem>>
        %parallel_loop3A_471 = tpu.memref_squeeze %parallel_loop3A_470 : memref<1x512x32xf32, #tpu.memory_space<vmem>> -> memref<512x32xf32, #tpu.memory_space<vmem>>
        %parallel_loop3A_472 = tpu.vector_load_idx %parallel_loop3A_471[%parallel_loop3A_262, %parallel_loop3A_466] : memref<512x32xf32, #tpu.memory_space<vmem>>[vector<16xi32>, vector<16xi32>], vector<16xf32>,
        %parallel_loop3A_473 = arith.addf %parallel_loop3A_462, %parallel_loop3A_472 : vector<16xf32>
        %parallel_loop3A_474 = arith.mulf %parallel_loop3A_472, %parallel_loop3A_472 : vector<16xf32>
        %parallel_loop3A_475 = arith.addf %parallel_loop3A_464, %parallel_loop3A_474 : vector<16xf32>
        %parallel_loop3A_476 = arith.constant 19 : i32
        %parallel_loop3A_477 = vector.broadcast %parallel_loop3A_476 : i32 to vector<16xi32>
        %parallel_loop3A_478 = arith.constant 1 : i32
        %parallel_loop3A_479 = arith.constant 0 : i32
        %parallel_loop3A_480 = arith.constant 0 : i32
        %parallel_loop3A_481 = tpu.memref_slice %arg8[%parallel_loop3A_478, %parallel_loop3A_479, %parallel_loop3A_480] : memref<2x512x32xf32, #tpu.memory_space<vmem>> -> memref<1x512x32xf32, #tpu.memory_space<vmem>>
        %parallel_loop3A_482 = tpu.memref_squeeze %parallel_loop3A_481 : memref<1x512x32xf32, #tpu.memory_space<vmem>> -> memref<512x32xf32, #tpu.memory_space<vmem>>
        %parallel_loop3A_483 = tpu.vector_load_idx %parallel_loop3A_482[%parallel_loop3A_262, %parallel_loop3A_477] : memref<512x32xf32, #tpu.memory_space<vmem>>[vector<16xi32>, vector<16xi32>], vector<16xf32>,
        %parallel_loop3A_484 = arith.addf %parallel_loop3A_473, %parallel_loop3A_483 : vector<16xf32>
        %parallel_loop3A_485 = arith.mulf %parallel_loop3A_483, %parallel_loop3A_483 : vector<16xf32>
        %parallel_loop3A_486 = arith.addf %parallel_loop3A_475, %parallel_loop3A_485 : vector<16xf32>
        %parallel_loop3A_487 = arith.constant 20 : i32
        %parallel_loop3A_488 = vector.broadcast %parallel_loop3A_487 : i32 to vector<16xi32>
        %parallel_loop3A_489 = arith.constant 1 : i32
        %parallel_loop3A_490 = arith.constant 0 : i32
        %parallel_loop3A_491 = arith.constant 0 : i32
        %parallel_loop3A_492 = tpu.memref_slice %arg8[%parallel_loop3A_489, %parallel_loop3A_490, %parallel_loop3A_491] : memref<2x512x32xf32, #tpu.memory_space<vmem>> -> memref<1x512x32xf32, #tpu.memory_space<vmem>>
        %parallel_loop3A_493 = tpu.memref_squeeze %parallel_loop3A_492 : memref<1x512x32xf32, #tpu.memory_space<vmem>> -> memref<512x32xf32, #tpu.memory_space<vmem>>
        %parallel_loop3A_494 = tpu.vector_load_idx %parallel_loop3A_493[%parallel_loop3A_262, %parallel_loop3A_488] : memref<512x32xf32, #tpu.memory_space<vmem>>[vector<16xi32>, vector<16xi32>], vector<16xf32>,
        %parallel_loop3A_495 = arith.addf %parallel_loop3A_484, %parallel_loop3A_494 : vector<16xf32>
        %parallel_loop3A_496 = arith.mulf %parallel_loop3A_494, %parallel_loop3A_494 : vector<16xf32>
        %parallel_loop3A_497 = arith.addf %parallel_loop3A_486, %parallel_loop3A_496 : vector<16xf32>
        %parallel_loop3A_498 = arith.constant 21 : i32
        %parallel_loop3A_499 = vector.broadcast %parallel_loop3A_498 : i32 to vector<16xi32>
        %parallel_loop3A_500 = arith.constant 1 : i32
        %parallel_loop3A_501 = arith.constant 0 : i32
        %parallel_loop3A_502 = arith.constant 0 : i32
        %parallel_loop3A_503 = tpu.memref_slice %arg8[%parallel_loop3A_500, %parallel_loop3A_501, %parallel_loop3A_502] : memref<2x512x32xf32, #tpu.memory_space<vmem>> -> memref<1x512x32xf32, #tpu.memory_space<vmem>>
        %parallel_loop3A_504 = tpu.memref_squeeze %parallel_loop3A_503 : memref<1x512x32xf32, #tpu.memory_space<vmem>> -> memref<512x32xf32, #tpu.memory_space<vmem>>
        %parallel_loop3A_505 = tpu.vector_load_idx %parallel_loop3A_504[%parallel_loop3A_262, %parallel_loop3A_499] : memref<512x32xf32, #tpu.memory_space<vmem>>[vector<16xi32>, vector<16xi32>], vector<16xf32>,
        %parallel_loop3A_506 = arith.addf %parallel_loop3A_495, %parallel_loop3A_505 : vector<16xf32>
        %parallel_loop3A_507 = arith.mulf %parallel_loop3A_505, %parallel_loop3A_505 : vector<16xf32>
        %parallel_loop3A_508 = arith.addf %parallel_loop3A_497, %parallel_loop3A_507 : vector<16xf32>
        %parallel_loop3A_509 = arith.constant 22 : i32
        %parallel_loop3A_510 = vector.broadcast %parallel_loop3A_509 : i32 to vector<16xi32>
        %parallel_loop3A_511 = arith.constant 1 : i32
        %parallel_loop3A_512 = arith.constant 0 : i32
        %parallel_loop3A_513 = arith.constant 0 : i32
        %parallel_loop3A_514 = tpu.memref_slice %arg8[%parallel_loop3A_511, %parallel_loop3A_512, %parallel_loop3A_513] : memref<2x512x32xf32, #tpu.memory_space<vmem>> -> memref<1x512x32xf32, #tpu.memory_space<vmem>>
        %parallel_loop3A_515 = tpu.memref_squeeze %parallel_loop3A_514 : memref<1x512x32xf32, #tpu.memory_space<vmem>> -> memref<512x32xf32, #tpu.memory_space<vmem>>
        %parallel_loop3A_516 = tpu.vector_load_idx %parallel_loop3A_515[%parallel_loop3A_262, %parallel_loop3A_510] : memref<512x32xf32, #tpu.memory_space<vmem>>[vector<16xi32>, vector<16xi32>], vector<16xf32>,
        %parallel_loop3A_517 = arith.addf %parallel_loop3A_506, %parallel_loop3A_516 : vector<16xf32>
        %parallel_loop3A_518 = arith.mulf %parallel_loop3A_516, %parallel_loop3A_516 : vector<16xf32>
        %parallel_loop3A_519 = arith.addf %parallel_loop3A_508, %parallel_loop3A_518 : vector<16xf32>
        %parallel_loop3A_520 = arith.constant 23 : i32
        %parallel_loop3A_521 = vector.broadcast %parallel_loop3A_520 : i32 to vector<16xi32>
        %parallel_loop3A_522 = arith.constant 1 : i32
        %parallel_loop3A_523 = arith.constant 0 : i32
        %parallel_loop3A_524 = arith.constant 0 : i32
        %parallel_loop3A_525 = tpu.memref_slice %arg8[%parallel_loop3A_522, %parallel_loop3A_523, %parallel_loop3A_524] : memref<2x512x32xf32, #tpu.memory_space<vmem>> -> memref<1x512x32xf32, #tpu.memory_space<vmem>>
        %parallel_loop3A_526 = tpu.memref_squeeze %parallel_loop3A_525 : memref<1x512x32xf32, #tpu.memory_space<vmem>> -> memref<512x32xf32, #tpu.memory_space<vmem>>
        %parallel_loop3A_527 = tpu.vector_load_idx %parallel_loop3A_526[%parallel_loop3A_262, %parallel_loop3A_521] : memref<512x32xf32, #tpu.memory_space<vmem>>[vector<16xi32>, vector<16xi32>], vector<16xf32>,
        %parallel_loop3A_528 = arith.addf %parallel_loop3A_517, %parallel_loop3A_527 : vector<16xf32>
        %parallel_loop3A_529 = arith.mulf %parallel_loop3A_527, %parallel_loop3A_527 : vector<16xf32>
        %parallel_loop3A_530 = arith.addf %parallel_loop3A_519, %parallel_loop3A_529 : vector<16xf32>
        %parallel_loop3A_531 = arith.constant 24 : i32
        %parallel_loop3A_532 = vector.broadcast %parallel_loop3A_531 : i32 to vector<16xi32>
        %parallel_loop3A_533 = arith.constant 1 : i32
        %parallel_loop3A_534 = arith.constant 0 : i32
        %parallel_loop3A_535 = arith.constant 0 : i32
        %parallel_loop3A_536 = tpu.memref_slice %arg8[%parallel_loop3A_533, %parallel_loop3A_534, %parallel_loop3A_535] : memref<2x512x32xf32, #tpu.memory_space<vmem>> -> memref<1x512x32xf32, #tpu.memory_space<vmem>>
        %parallel_loop3A_537 = tpu.memref_squeeze %parallel_loop3A_536 : memref<1x512x32xf32, #tpu.memory_space<vmem>> -> memref<512x32xf32, #tpu.memory_space<vmem>>
        %parallel_loop3A_538 = tpu.vector_load_idx %parallel_loop3A_537[%parallel_loop3A_262, %parallel_loop3A_532] : memref<512x32xf32, #tpu.memory_space<vmem>>[vector<16xi32>, vector<16xi32>], vector<16xf32>,
        %parallel_loop3A_539 = arith.addf %parallel_loop3A_528, %parallel_loop3A_538 : vector<16xf32>
        %parallel_loop3A_540 = arith.mulf %parallel_loop3A_538, %parallel_loop3A_538 : vector<16xf32>
        %parallel_loop3A_541 = arith.addf %parallel_loop3A_530, %parallel_loop3A_540 : vector<16xf32>
        %parallel_loop3A_542 = arith.constant 25 : i32
        %parallel_loop3A_543 = vector.broadcast %parallel_loop3A_542 : i32 to vector<16xi32>
        %parallel_loop3A_544 = arith.constant 1 : i32
        %parallel_loop3A_545 = arith.constant 0 : i32
        %parallel_loop3A_546 = arith.constant 0 : i32
        %parallel_loop3A_547 = tpu.memref_slice %arg8[%parallel_loop3A_544, %parallel_loop3A_545, %parallel_loop3A_546] : memref<2x512x32xf32, #tpu.memory_space<vmem>> -> memref<1x512x32xf32, #tpu.memory_space<vmem>>
        %parallel_loop3A_548 = tpu.memref_squeeze %parallel_loop3A_547 : memref<1x512x32xf32, #tpu.memory_space<vmem>> -> memref<512x32xf32, #tpu.memory_space<vmem>>
        %parallel_loop3A_549 = tpu.vector_load_idx %parallel_loop3A_548[%parallel_loop3A_262, %parallel_loop3A_543] : memref<512x32xf32, #tpu.memory_space<vmem>>[vector<16xi32>, vector<16xi32>], vector<16xf32>,
        %parallel_loop3A_550 = arith.addf %parallel_loop3A_539, %parallel_loop3A_549 : vector<16xf32>
        %parallel_loop3A_551 = arith.mulf %parallel_loop3A_549, %parallel_loop3A_549 : vector<16xf32>
        %parallel_loop3A_552 = arith.addf %parallel_loop3A_541, %parallel_loop3A_551 : vector<16xf32>
        %parallel_loop3A_553 = arith.constant 26 : i32
        %parallel_loop3A_554 = vector.broadcast %parallel_loop3A_553 : i32 to vector<16xi32>
        %parallel_loop3A_555 = arith.constant 1 : i32
        %parallel_loop3A_556 = arith.constant 0 : i32
        %parallel_loop3A_557 = arith.constant 0 : i32
        %parallel_loop3A_558 = tpu.memref_slice %arg8[%parallel_loop3A_555, %parallel_loop3A_556, %parallel_loop3A_557] : memref<2x512x32xf32, #tpu.memory_space<vmem>> -> memref<1x512x32xf32, #tpu.memory_space<vmem>>
        %parallel_loop3A_559 = tpu.memref_squeeze %parallel_loop3A_558 : memref<1x512x32xf32, #tpu.memory_space<vmem>> -> memref<512x32xf32, #tpu.memory_space<vmem>>
        %parallel_loop3A_560 = tpu.vector_load_idx %parallel_loop3A_559[%parallel_loop3A_262, %parallel_loop3A_554] : memref<512x32xf32, #tpu.memory_space<vmem>>[vector<16xi32>, vector<16xi32>], vector<16xf32>,
        %parallel_loop3A_561 = arith.addf %parallel_loop3A_550, %parallel_loop3A_560 : vector<16xf32>
        %parallel_loop3A_562 = arith.mulf %parallel_loop3A_560, %parallel_loop3A_560 : vector<16xf32>
        %parallel_loop3A_563 = arith.addf %parallel_loop3A_552, %parallel_loop3A_562 : vector<16xf32>
        %parallel_loop3A_564 = arith.constant 27 : i32
        %parallel_loop3A_565 = vector.broadcast %parallel_loop3A_564 : i32 to vector<16xi32>
        %parallel_loop3A_566 = arith.constant 1 : i32
        %parallel_loop3A_567 = arith.constant 0 : i32
        %parallel_loop3A_568 = arith.constant 0 : i32
        %parallel_loop3A_569 = tpu.memref_slice %arg8[%parallel_loop3A_566, %parallel_loop3A_567, %parallel_loop3A_568] : memref<2x512x32xf32, #tpu.memory_space<vmem>> -> memref<1x512x32xf32, #tpu.memory_space<vmem>>
        %parallel_loop3A_570 = tpu.memref_squeeze %parallel_loop3A_569 : memref<1x512x32xf32, #tpu.memory_space<vmem>> -> memref<512x32xf32, #tpu.memory_space<vmem>>
        %parallel_loop3A_571 = tpu.vector_load_idx %parallel_loop3A_570[%parallel_loop3A_262, %parallel_loop3A_565] : memref<512x32xf32, #tpu.memory_space<vmem>>[vector<16xi32>, vector<16xi32>], vector<16xf32>,
        %parallel_loop3A_572 = arith.addf %parallel_loop3A_561, %parallel_loop3A_571 : vector<16xf32>
        %parallel_loop3A_573 = arith.mulf %parallel_loop3A_571, %parallel_loop3A_571 : vector<16xf32>
        %parallel_loop3A_574 = arith.addf %parallel_loop3A_563, %parallel_loop3A_573 : vector<16xf32>
        %parallel_loop3A_575 = arith.constant 28 : i32
        %parallel_loop3A_576 = vector.broadcast %parallel_loop3A_575 : i32 to vector<16xi32>
        %parallel_loop3A_577 = arith.constant 1 : i32
        %parallel_loop3A_578 = arith.constant 0 : i32
        %parallel_loop3A_579 = arith.constant 0 : i32
        %parallel_loop3A_580 = tpu.memref_slice %arg8[%parallel_loop3A_577, %parallel_loop3A_578, %parallel_loop3A_579] : memref<2x512x32xf32, #tpu.memory_space<vmem>> -> memref<1x512x32xf32, #tpu.memory_space<vmem>>
        %parallel_loop3A_581 = tpu.memref_squeeze %parallel_loop3A_580 : memref<1x512x32xf32, #tpu.memory_space<vmem>> -> memref<512x32xf32, #tpu.memory_space<vmem>>
        %parallel_loop3A_582 = tpu.vector_load_idx %parallel_loop3A_581[%parallel_loop3A_262, %parallel_loop3A_576] : memref<512x32xf32, #tpu.memory_space<vmem>>[vector<16xi32>, vector<16xi32>], vector<16xf32>,
        %parallel_loop3A_583 = arith.addf %parallel_loop3A_572, %parallel_loop3A_582 : vector<16xf32>
        %parallel_loop3A_584 = arith.mulf %parallel_loop3A_582, %parallel_loop3A_582 : vector<16xf32>
        %parallel_loop3A_585 = arith.addf %parallel_loop3A_574, %parallel_loop3A_584 : vector<16xf32>
        %parallel_loop3A_586 = arith.constant 29 : i32
        %parallel_loop3A_587 = vector.broadcast %parallel_loop3A_586 : i32 to vector<16xi32>
        %parallel_loop3A_588 = arith.constant 1 : i32
        %parallel_loop3A_589 = arith.constant 0 : i32
        %parallel_loop3A_590 = arith.constant 0 : i32
        %parallel_loop3A_591 = tpu.memref_slice %arg8[%parallel_loop3A_588, %parallel_loop3A_589, %parallel_loop3A_590] : memref<2x512x32xf32, #tpu.memory_space<vmem>> -> memref<1x512x32xf32, #tpu.memory_space<vmem>>
        %parallel_loop3A_592 = tpu.memref_squeeze %parallel_loop3A_591 : memref<1x512x32xf32, #tpu.memory_space<vmem>> -> memref<512x32xf32, #tpu.memory_space<vmem>>
        %parallel_loop3A_593 = tpu.vector_load_idx %parallel_loop3A_592[%parallel_loop3A_262, %parallel_loop3A_587] : memref<512x32xf32, #tpu.memory_space<vmem>>[vector<16xi32>, vector<16xi32>], vector<16xf32>,
        %parallel_loop3A_594 = arith.addf %parallel_loop3A_583, %parallel_loop3A_593 : vector<16xf32>
        %parallel_loop3A_595 = arith.mulf %parallel_loop3A_593, %parallel_loop3A_593 : vector<16xf32>
        %parallel_loop3A_596 = arith.addf %parallel_loop3A_585, %parallel_loop3A_595 : vector<16xf32>
        %parallel_loop3A_597 = arith.constant 30 : i32
        %parallel_loop3A_598 = vector.broadcast %parallel_loop3A_597 : i32 to vector<16xi32>
        %parallel_loop3A_599 = arith.constant 1 : i32
        %parallel_loop3A_600 = arith.constant 0 : i32
        %parallel_loop3A_601 = arith.constant 0 : i32
        %parallel_loop3A_602 = tpu.memref_slice %arg8[%parallel_loop3A_599, %parallel_loop3A_600, %parallel_loop3A_601] : memref<2x512x32xf32, #tpu.memory_space<vmem>> -> memref<1x512x32xf32, #tpu.memory_space<vmem>>
        %parallel_loop3A_603 = tpu.memref_squeeze %parallel_loop3A_602 : memref<1x512x32xf32, #tpu.memory_space<vmem>> -> memref<512x32xf32, #tpu.memory_space<vmem>>
        %parallel_loop3A_604 = tpu.vector_load_idx %parallel_loop3A_603[%parallel_loop3A_262, %parallel_loop3A_598] : memref<512x32xf32, #tpu.memory_space<vmem>>[vector<16xi32>, vector<16xi32>], vector<16xf32>,
        %parallel_loop3A_605 = arith.addf %parallel_loop3A_594, %parallel_loop3A_604 : vector<16xf32>
        %parallel_loop3A_606 = arith.mulf %parallel_loop3A_604, %parallel_loop3A_604 : vector<16xf32>
        %parallel_loop3A_607 = arith.addf %parallel_loop3A_596, %parallel_loop3A_606 : vector<16xf32>
        %parallel_loop3A_608 = arith.constant 31 : i32
        %parallel_loop3A_609 = vector.broadcast %parallel_loop3A_608 : i32 to vector<16xi32>
        %parallel_loop3A_610 = arith.constant 1 : i32
        %parallel_loop3A_611 = arith.constant 0 : i32
        %parallel_loop3A_612 = arith.constant 0 : i32
        %parallel_loop3A_613 = tpu.memref_slice %arg8[%parallel_loop3A_610, %parallel_loop3A_611, %parallel_loop3A_612] : memref<2x512x32xf32, #tpu.memory_space<vmem>> -> memref<1x512x32xf32, #tpu.memory_space<vmem>>
        %parallel_loop3A_614 = tpu.memref_squeeze %parallel_loop3A_613 : memref<1x512x32xf32, #tpu.memory_space<vmem>> -> memref<512x32xf32, #tpu.memory_space<vmem>>
        %parallel_loop3A_615 = tpu.vector_load_idx %parallel_loop3A_614[%parallel_loop3A_262, %parallel_loop3A_609] : memref<512x32xf32, #tpu.memory_space<vmem>>[vector<16xi32>, vector<16xi32>], vector<16xf32>,
        %parallel_loop3A_616 = arith.addf %parallel_loop3A_605, %parallel_loop3A_615 : vector<16xf32>
        %parallel_loop3A_617 = arith.mulf %parallel_loop3A_615, %parallel_loop3A_615 : vector<16xf32>
        %parallel_loop3A_618 = arith.addf %parallel_loop3A_607, %parallel_loop3A_617 : vector<16xf32>
        %parallel_loop3A_619 = arith.constant 3.125000e-02 : f32
        %parallel_loop3A_620 = vector.broadcast %parallel_loop3A_619 : f32 to vector<16xf32>
        %parallel_loop3A_621 = arith.mulf %parallel_loop3A_616, %parallel_loop3A_620 : vector<16xf32>
        %parallel_loop3A_622 = arith.constant 3.125000e-02 : f32
        %parallel_loop3A_623 = vector.broadcast %parallel_loop3A_622 : f32 to vector<16xf32>
        %parallel_loop3A_624 = arith.mulf %parallel_loop3A_618, %parallel_loop3A_623 : vector<16xf32>
        %parallel_loop3A_625 = arith.mulf %parallel_loop3A_621, %parallel_loop3A_621 : vector<16xf32>
        %parallel_loop3A_626 = arith.subf %parallel_loop3A_624, %parallel_loop3A_625 : vector<16xf32>
        %parallel_loop3A_627 = arith.constant 0.000000e+00 : f32
        %parallel_loop3A_628 = vector.broadcast %parallel_loop3A_627 : f32 to vector<16xf32>
        %parallel_loop3A_629 = arith.maximumf %parallel_loop3A_626, %parallel_loop3A_628 : vector<16xf32>
        %parallel_loop3A_630 = arith.constant 9.99999996E-13 : f32
        %parallel_loop3A_631 = vector.broadcast %parallel_loop3A_630 : f32 to vector<16xf32>
        %parallel_loop3A_632 = arith.addf %parallel_loop3A_629, %parallel_loop3A_631 : vector<16xf32>
        %parallel_loop3A_633 = tpu.bitcast %parallel_loop3A_632 : vector<16xf32> -> vector<16xi32>
        %parallel_loop3A_634 = arith.constant 1 : i32
        %parallel_loop3A_635 = vector.broadcast %parallel_loop3A_634 : i32 to vector<16xi32>
        %parallel_loop3A_636 = arith.shrsi %parallel_loop3A_633, %parallel_loop3A_635 : vector<16xi32>
        %parallel_loop3A_637 = arith.constant 1597463007 : i32
        %parallel_loop3A_638 = vector.broadcast %parallel_loop3A_637 : i32 to vector<16xi32>
        %parallel_loop3A_639 = arith.subi %parallel_loop3A_638, %parallel_loop3A_636 : vector<16xi32>
        %parallel_loop3A_640 = tpu.bitcast %parallel_loop3A_639 : vector<16xi32> -> vector<16xf32>
        %parallel_loop3A_641 = arith.constant 5.000000e-01 : f32
        %parallel_loop3A_642 = vector.broadcast %parallel_loop3A_641 : f32 to vector<16xf32>
        %parallel_loop3A_643 = arith.mulf %parallel_loop3A_642, %parallel_loop3A_632 : vector<16xf32>
        %parallel_loop3A_644 = arith.mulf %parallel_loop3A_643, %parallel_loop3A_640 : vector<16xf32>
        %parallel_loop3A_645 = arith.mulf %parallel_loop3A_644, %parallel_loop3A_640 : vector<16xf32>
        %parallel_loop3A_646 = arith.constant 1.500000e+00 : f32
        %parallel_loop3A_647 = vector.broadcast %parallel_loop3A_646 : f32 to vector<16xf32>
        %parallel_loop3A_648 = arith.subf %parallel_loop3A_647, %parallel_loop3A_645 : vector<16xf32>
        %parallel_loop3A_649 = arith.mulf %parallel_loop3A_640, %parallel_loop3A_648 : vector<16xf32>
        %parallel_loop3A_650 = arith.constant 5.000000e-01 : f32
        %parallel_loop3A_651 = vector.broadcast %parallel_loop3A_650 : f32 to vector<16xf32>
        %parallel_loop3A_652 = arith.mulf %parallel_loop3A_651, %parallel_loop3A_632 : vector<16xf32>
        %parallel_loop3A_653 = arith.mulf %parallel_loop3A_652, %parallel_loop3A_649 : vector<16xf32>
        %parallel_loop3A_654 = arith.mulf %parallel_loop3A_653, %parallel_loop3A_649 : vector<16xf32>
        %parallel_loop3A_655 = arith.constant 1.500000e+00 : f32
        %parallel_loop3A_656 = vector.broadcast %parallel_loop3A_655 : f32 to vector<16xf32>
        %parallel_loop3A_657 = arith.subf %parallel_loop3A_656, %parallel_loop3A_654 : vector<16xf32>
        %parallel_loop3A_658 = arith.mulf %parallel_loop3A_649, %parallel_loop3A_657 : vector<16xf32>
        %parallel_loop3A_659 = arith.mulf %parallel_loop3A_621, %parallel_loop3A_658 : vector<16xf32>
        %parallel_loop3A_660 = arith.constant 0 : i32
        %parallel_loop3A_661 = arith.addi %parallel_loop3A_260, %parallel_loop3A_660 : i32
        %parallel_loop3A_662 = arith.constant 0 : i32
        %parallel_loop3A_663 = arith.addi %parallel_loop3A_661, %parallel_loop3A_662 : i32
        %parallel_loop3A_664 = arith.constant 0 : i32
        %parallel_loop3A_665 = arith.addi %parallel_loop3A_260, %parallel_loop3A_664 : i32
        %parallel_loop3A_666 = arith.constant 1 : i32
        %parallel_loop3A_667 = arith.addi %parallel_loop3A_665, %parallel_loop3A_666 : i32
        %parallel_loop3A_668 = arith.constant 0 : i32
        %parallel_loop3A_669 = arith.addi %parallel_loop3A_260, %parallel_loop3A_668 : i32
        %parallel_loop3A_670 = arith.constant 2 : i32
        %parallel_loop3A_671 = arith.addi %parallel_loop3A_669, %parallel_loop3A_670 : i32
        %parallel_loop3A_672 = arith.constant 0 : i32
        %parallel_loop3A_673 = arith.addi %parallel_loop3A_260, %parallel_loop3A_672 : i32
        %parallel_loop3A_674 = arith.constant 3 : i32
        %parallel_loop3A_675 = arith.addi %parallel_loop3A_673, %parallel_loop3A_674 : i32
        %parallel_loop3A_676 = arith.constant 0 : i32
        %parallel_loop3A_677 = arith.addi %parallel_loop3A_260, %parallel_loop3A_676 : i32
        %parallel_loop3A_678 = arith.constant 4 : i32
        %parallel_loop3A_679 = arith.addi %parallel_loop3A_677, %parallel_loop3A_678 : i32
        %parallel_loop3A_680 = arith.constant 0 : i32
        %parallel_loop3A_681 = arith.addi %parallel_loop3A_260, %parallel_loop3A_680 : i32
        %parallel_loop3A_682 = arith.constant 5 : i32
        %parallel_loop3A_683 = arith.addi %parallel_loop3A_681, %parallel_loop3A_682 : i32
        %parallel_loop3A_684 = arith.constant 0 : i32
        %parallel_loop3A_685 = arith.addi %parallel_loop3A_260, %parallel_loop3A_684 : i32
        %parallel_loop3A_686 = arith.constant 6 : i32
        %parallel_loop3A_687 = arith.addi %parallel_loop3A_685, %parallel_loop3A_686 : i32
        %parallel_loop3A_688 = arith.constant 0 : i32
        %parallel_loop3A_689 = arith.addi %parallel_loop3A_260, %parallel_loop3A_688 : i32
        %parallel_loop3A_690 = arith.constant 7 : i32
        %parallel_loop3A_691 = arith.addi %parallel_loop3A_689, %parallel_loop3A_690 : i32
        %parallel_loop3A_692 = arith.constant 1 : i32
        %parallel_loop3A_693 = arith.index_cast %parallel_loop3A_692 : i32 to index
        %parallel_loop3A_694 = arith.index_cast %parallel_loop3A_663 : i32 to index
        %parallel_loop3A_695 = arith.constant 0 : index
        %parallel_loop3A_696 = tpu.vector_load %arg8[%parallel_loop3A_693, %parallel_loop3A_694, %parallel_loop3A_695] {strides = array<i32>} : memref<2x512x32xf32, #tpu.memory_space<vmem>>, vector<16xf32>,
        %parallel_loop3A_697 = arith.constant 1 : i32
        %parallel_loop3A_698 = arith.index_cast %parallel_loop3A_697 : i32 to index
        %parallel_loop3A_699 = arith.index_cast %parallel_loop3A_663 : i32 to index
        %parallel_loop3A_700 = arith.constant 16 : index
        %parallel_loop3A_701 = tpu.vector_load %arg8[%parallel_loop3A_698, %parallel_loop3A_699, %parallel_loop3A_700] {strides = array<i32>} : memref<2x512x32xf32, #tpu.memory_space<vmem>>, vector<16xf32>,
        %parallel_loop3A_702 = arith.constant 1 : i32
        %parallel_loop3A_703 = arith.index_cast %parallel_loop3A_702 : i32 to index
        %parallel_loop3A_704 = arith.index_cast %parallel_loop3A_667 : i32 to index
        %parallel_loop3A_705 = arith.constant 0 : index
        %parallel_loop3A_706 = tpu.vector_load %arg8[%parallel_loop3A_703, %parallel_loop3A_704, %parallel_loop3A_705] {strides = array<i32>} : memref<2x512x32xf32, #tpu.memory_space<vmem>>, vector<16xf32>,
        %parallel_loop3A_707 = arith.constant 1 : i32
        %parallel_loop3A_708 = arith.index_cast %parallel_loop3A_707 : i32 to index
        %parallel_loop3A_709 = arith.index_cast %parallel_loop3A_667 : i32 to index
        %parallel_loop3A_710 = arith.constant 16 : index
        %parallel_loop3A_711 = tpu.vector_load %arg8[%parallel_loop3A_708, %parallel_loop3A_709, %parallel_loop3A_710] {strides = array<i32>} : memref<2x512x32xf32, #tpu.memory_space<vmem>>, vector<16xf32>,
        %parallel_loop3A_712 = arith.constant 1 : i32
        %parallel_loop3A_713 = arith.index_cast %parallel_loop3A_712 : i32 to index
        %parallel_loop3A_714 = arith.index_cast %parallel_loop3A_671 : i32 to index
        %parallel_loop3A_715 = arith.constant 0 : index
        %parallel_loop3A_716 = tpu.vector_load %arg8[%parallel_loop3A_713, %parallel_loop3A_714, %parallel_loop3A_715] {strides = array<i32>} : memref<2x512x32xf32, #tpu.memory_space<vmem>>, vector<16xf32>,
        %parallel_loop3A_717 = arith.constant 1 : i32
        %parallel_loop3A_718 = arith.index_cast %parallel_loop3A_717 : i32 to index
        %parallel_loop3A_719 = arith.index_cast %parallel_loop3A_671 : i32 to index
        %parallel_loop3A_720 = arith.constant 16 : index
        %parallel_loop3A_721 = tpu.vector_load %arg8[%parallel_loop3A_718, %parallel_loop3A_719, %parallel_loop3A_720] {strides = array<i32>} : memref<2x512x32xf32, #tpu.memory_space<vmem>>, vector<16xf32>,
        %parallel_loop3A_722 = arith.constant 1 : i32
        %parallel_loop3A_723 = arith.index_cast %parallel_loop3A_722 : i32 to index
        %parallel_loop3A_724 = arith.index_cast %parallel_loop3A_675 : i32 to index
        %parallel_loop3A_725 = arith.constant 0 : index
        %parallel_loop3A_726 = tpu.vector_load %arg8[%parallel_loop3A_723, %parallel_loop3A_724, %parallel_loop3A_725] {strides = array<i32>} : memref<2x512x32xf32, #tpu.memory_space<vmem>>, vector<16xf32>,
        %parallel_loop3A_727 = arith.constant 1 : i32
        %parallel_loop3A_728 = arith.index_cast %parallel_loop3A_727 : i32 to index
        %parallel_loop3A_729 = arith.index_cast %parallel_loop3A_675 : i32 to index
        %parallel_loop3A_730 = arith.constant 16 : index
        %parallel_loop3A_731 = tpu.vector_load %arg8[%parallel_loop3A_728, %parallel_loop3A_729, %parallel_loop3A_730] {strides = array<i32>} : memref<2x512x32xf32, #tpu.memory_space<vmem>>, vector<16xf32>,
        %parallel_loop3A_732 = arith.constant 1 : i32
        %parallel_loop3A_733 = arith.index_cast %parallel_loop3A_732 : i32 to index
        %parallel_loop3A_734 = arith.index_cast %parallel_loop3A_679 : i32 to index
        %parallel_loop3A_735 = arith.constant 0 : index
        %parallel_loop3A_736 = tpu.vector_load %arg8[%parallel_loop3A_733, %parallel_loop3A_734, %parallel_loop3A_735] {strides = array<i32>} : memref<2x512x32xf32, #tpu.memory_space<vmem>>, vector<16xf32>,
        %parallel_loop3A_737 = arith.constant 1 : i32
        %parallel_loop3A_738 = arith.index_cast %parallel_loop3A_737 : i32 to index
        %parallel_loop3A_739 = arith.index_cast %parallel_loop3A_679 : i32 to index
        %parallel_loop3A_740 = arith.constant 16 : index
        %parallel_loop3A_741 = tpu.vector_load %arg8[%parallel_loop3A_738, %parallel_loop3A_739, %parallel_loop3A_740] {strides = array<i32>} : memref<2x512x32xf32, #tpu.memory_space<vmem>>, vector<16xf32>,
        %parallel_loop3A_742 = arith.constant 1 : i32
        %parallel_loop3A_743 = arith.index_cast %parallel_loop3A_742 : i32 to index
        %parallel_loop3A_744 = arith.index_cast %parallel_loop3A_683 : i32 to index
        %parallel_loop3A_745 = arith.constant 0 : index
        %parallel_loop3A_746 = tpu.vector_load %arg8[%parallel_loop3A_743, %parallel_loop3A_744, %parallel_loop3A_745] {strides = array<i32>} : memref<2x512x32xf32, #tpu.memory_space<vmem>>, vector<16xf32>,
        %parallel_loop3A_747 = arith.constant 1 : i32
        %parallel_loop3A_748 = arith.index_cast %parallel_loop3A_747 : i32 to index
        %parallel_loop3A_749 = arith.index_cast %parallel_loop3A_683 : i32 to index
        %parallel_loop3A_750 = arith.constant 16 : index
        %parallel_loop3A_751 = tpu.vector_load %arg8[%parallel_loop3A_748, %parallel_loop3A_749, %parallel_loop3A_750] {strides = array<i32>} : memref<2x512x32xf32, #tpu.memory_space<vmem>>, vector<16xf32>,
        %parallel_loop3A_752 = arith.constant 1 : i32
        %parallel_loop3A_753 = arith.index_cast %parallel_loop3A_752 : i32 to index
        %parallel_loop3A_754 = arith.index_cast %parallel_loop3A_687 : i32 to index
        %parallel_loop3A_755 = arith.constant 0 : index
        %parallel_loop3A_756 = tpu.vector_load %arg8[%parallel_loop3A_753, %parallel_loop3A_754, %parallel_loop3A_755] {strides = array<i32>} : memref<2x512x32xf32, #tpu.memory_space<vmem>>, vector<16xf32>,
        %parallel_loop3A_757 = arith.constant 1 : i32
        %parallel_loop3A_758 = arith.index_cast %parallel_loop3A_757 : i32 to index
        %parallel_loop3A_759 = arith.index_cast %parallel_loop3A_687 : i32 to index
        %parallel_loop3A_760 = arith.constant 16 : index
        %parallel_loop3A_761 = tpu.vector_load %arg8[%parallel_loop3A_758, %parallel_loop3A_759, %parallel_loop3A_760] {strides = array<i32>} : memref<2x512x32xf32, #tpu.memory_space<vmem>>, vector<16xf32>,
        %parallel_loop3A_762 = arith.constant 1 : i32
        %parallel_loop3A_763 = arith.index_cast %parallel_loop3A_762 : i32 to index
        %parallel_loop3A_764 = arith.index_cast %parallel_loop3A_691 : i32 to index
        %parallel_loop3A_765 = arith.constant 0 : index
        %parallel_loop3A_766 = tpu.vector_load %arg8[%parallel_loop3A_763, %parallel_loop3A_764, %parallel_loop3A_765] {strides = array<i32>} : memref<2x512x32xf32, #tpu.memory_space<vmem>>, vector<16xf32>,
        %parallel_loop3A_767 = arith.constant 1 : i32
        %parallel_loop3A_768 = arith.index_cast %parallel_loop3A_767 : i32 to index
        %parallel_loop3A_769 = arith.index_cast %parallel_loop3A_691 : i32 to index
        %parallel_loop3A_770 = arith.constant 16 : index
        %parallel_loop3A_771 = tpu.vector_load %arg8[%parallel_loop3A_768, %parallel_loop3A_769, %parallel_loop3A_770] {strides = array<i32>} : memref<2x512x32xf32, #tpu.memory_space<vmem>>, vector<16xf32>,
        %parallel_loop3A_772 = arith.constant 0 : i32
        %parallel_loop3A_773 = vector.broadcast %parallel_loop3A_772 : i32 to vector<16x1xi32>
        %parallel_loop3A_774 = vector.shape_cast %parallel_loop3A_773 : vector<16x1xi32> to vector<16xi32>
        %parallel_loop3A_775 = tpu.dynamic_gather %parallel_loop3A_658[%parallel_loop3A_774] in [0] : vector<16xf32>, vector<16xi32> -> vector<16xf32>
        %parallel_loop3A_776 = arith.constant 0 : i32
        %parallel_loop3A_777 = vector.broadcast %parallel_loop3A_776 : i32 to vector<16x1xi32>
        %parallel_loop3A_778 = vector.shape_cast %parallel_loop3A_777 : vector<16x1xi32> to vector<16xi32>
        %parallel_loop3A_779 = tpu.dynamic_gather %parallel_loop3A_659[%parallel_loop3A_778] in [0] : vector<16xf32>, vector<16xi32> -> vector<16xf32>
        %parallel_loop3A_780 = arith.mulf %parallel_loop3A_696, %parallel_loop3A_775 : vector<16xf32>
        %parallel_loop3A_781 = arith.subf %parallel_loop3A_780, %parallel_loop3A_779 : vector<16xf32>
        %parallel_loop3A_782 = arith.mulf %parallel_loop3A_781, %get3A_4 : vector<16xf32>
        %parallel_loop3A_783 = arith.addf %parallel_loop3A_782, %get3A_12 : vector<16xf32>
        %parallel_loop3A_784 = arith.mulf %parallel_loop3A_701, %parallel_loop3A_775 : vector<16xf32>
        %parallel_loop3A_785 = arith.subf %parallel_loop3A_784, %parallel_loop3A_779 : vector<16xf32>
        %parallel_loop3A_786 = arith.mulf %parallel_loop3A_785, %get3A_8 : vector<16xf32>
        %parallel_loop3A_787 = arith.addf %parallel_loop3A_786, %get3A_16 : vector<16xf32>
        %parallel_loop3A_788 = arith.constant 1 : i32
        %parallel_loop3A_789 = vector.broadcast %parallel_loop3A_788 : i32 to vector<16x1xi32>
        %parallel_loop3A_790 = vector.shape_cast %parallel_loop3A_789 : vector<16x1xi32> to vector<16xi32>
        %parallel_loop3A_791 = tpu.dynamic_gather %parallel_loop3A_658[%parallel_loop3A_790] in [0] : vector<16xf32>, vector<16xi32> -> vector<16xf32>
        %parallel_loop3A_792 = arith.constant 1 : i32
        %parallel_loop3A_793 = vector.broadcast %parallel_loop3A_792 : i32 to vector<16x1xi32>
        %parallel_loop3A_794 = vector.shape_cast %parallel_loop3A_793 : vector<16x1xi32> to vector<16xi32>
        %parallel_loop3A_795 = tpu.dynamic_gather %parallel_loop3A_659[%parallel_loop3A_794] in [0] : vector<16xf32>, vector<16xi32> -> vector<16xf32>
        %parallel_loop3A_796 = arith.mulf %parallel_loop3A_706, %parallel_loop3A_791 : vector<16xf32>
        %parallel_loop3A_797 = arith.subf %parallel_loop3A_796, %parallel_loop3A_795 : vector<16xf32>
        %parallel_loop3A_798 = arith.mulf %parallel_loop3A_797, %get3A_4 : vector<16xf32>
        %parallel_loop3A_799 = arith.addf %parallel_loop3A_798, %get3A_12 : vector<16xf32>
        %parallel_loop3A_800 = arith.mulf %parallel_loop3A_711, %parallel_loop3A_791 : vector<16xf32>
        %parallel_loop3A_801 = arith.subf %parallel_loop3A_800, %parallel_loop3A_795 : vector<16xf32>
        %parallel_loop3A_802 = arith.mulf %parallel_loop3A_801, %get3A_8 : vector<16xf32>
        %parallel_loop3A_803 = arith.addf %parallel_loop3A_802, %get3A_16 : vector<16xf32>
        %parallel_loop3A_804 = arith.constant 2 : i32
        %parallel_loop3A_805 = vector.broadcast %parallel_loop3A_804 : i32 to vector<16x1xi32>
        %parallel_loop3A_806 = vector.shape_cast %parallel_loop3A_805 : vector<16x1xi32> to vector<16xi32>
        %parallel_loop3A_807 = tpu.dynamic_gather %parallel_loop3A_658[%parallel_loop3A_806] in [0] : vector<16xf32>, vector<16xi32> -> vector<16xf32>
        %parallel_loop3A_808 = arith.constant 2 : i32
        %parallel_loop3A_809 = vector.broadcast %parallel_loop3A_808 : i32 to vector<16x1xi32>
        %parallel_loop3A_810 = vector.shape_cast %parallel_loop3A_809 : vector<16x1xi32> to vector<16xi32>
        %parallel_loop3A_811 = tpu.dynamic_gather %parallel_loop3A_659[%parallel_loop3A_810] in [0] : vector<16xf32>, vector<16xi32> -> vector<16xf32>
        %parallel_loop3A_812 = arith.mulf %parallel_loop3A_716, %parallel_loop3A_807 : vector<16xf32>
        %parallel_loop3A_813 = arith.subf %parallel_loop3A_812, %parallel_loop3A_811 : vector<16xf32>
        %parallel_loop3A_814 = arith.mulf %parallel_loop3A_813, %get3A_4 : vector<16xf32>
        %parallel_loop3A_815 = arith.addf %parallel_loop3A_814, %get3A_12 : vector<16xf32>
        %parallel_loop3A_816 = arith.mulf %parallel_loop3A_721, %parallel_loop3A_807 : vector<16xf32>
        %parallel_loop3A_817 = arith.subf %parallel_loop3A_816, %parallel_loop3A_811 : vector<16xf32>
        %parallel_loop3A_818 = arith.mulf %parallel_loop3A_817, %get3A_8 : vector<16xf32>
        %parallel_loop3A_819 = arith.addf %parallel_loop3A_818, %get3A_16 : vector<16xf32>
        %parallel_loop3A_820 = arith.constant 3 : i32
        %parallel_loop3A_821 = vector.broadcast %parallel_loop3A_820 : i32 to vector<16x1xi32>
        %parallel_loop3A_822 = vector.shape_cast %parallel_loop3A_821 : vector<16x1xi32> to vector<16xi32>
        %parallel_loop3A_823 = tpu.dynamic_gather %parallel_loop3A_658[%parallel_loop3A_822] in [0] : vector<16xf32>, vector<16xi32> -> vector<16xf32>
        %parallel_loop3A_824 = arith.constant 3 : i32
        %parallel_loop3A_825 = vector.broadcast %parallel_loop3A_824 : i32 to vector<16x1xi32>
        %parallel_loop3A_826 = vector.shape_cast %parallel_loop3A_825 : vector<16x1xi32> to vector<16xi32>
        %parallel_loop3A_827 = tpu.dynamic_gather %parallel_loop3A_659[%parallel_loop3A_826] in [0] : vector<16xf32>, vector<16xi32> -> vector<16xf32>
        %parallel_loop3A_828 = arith.mulf %parallel_loop3A_726, %parallel_loop3A_823 : vector<16xf32>
        %parallel_loop3A_829 = arith.subf %parallel_loop3A_828, %parallel_loop3A_827 : vector<16xf32>
        %parallel_loop3A_830 = arith.mulf %parallel_loop3A_829, %get3A_4 : vector<16xf32>
        %parallel_loop3A_831 = arith.addf %parallel_loop3A_830, %get3A_12 : vector<16xf32>
        %parallel_loop3A_832 = arith.mulf %parallel_loop3A_731, %parallel_loop3A_823 : vector<16xf32>
        %parallel_loop3A_833 = arith.subf %parallel_loop3A_832, %parallel_loop3A_827 : vector<16xf32>
        %parallel_loop3A_834 = arith.mulf %parallel_loop3A_833, %get3A_8 : vector<16xf32>
        %parallel_loop3A_835 = arith.addf %parallel_loop3A_834, %get3A_16 : vector<16xf32>
        %parallel_loop3A_836 = arith.constant 4 : i32
        %parallel_loop3A_837 = vector.broadcast %parallel_loop3A_836 : i32 to vector<16x1xi32>
        %parallel_loop3A_838 = vector.shape_cast %parallel_loop3A_837 : vector<16x1xi32> to vector<16xi32>
        %parallel_loop3A_839 = tpu.dynamic_gather %parallel_loop3A_658[%parallel_loop3A_838] in [0] : vector<16xf32>, vector<16xi32> -> vector<16xf32>
        %parallel_loop3A_840 = arith.constant 4 : i32
        %parallel_loop3A_841 = vector.broadcast %parallel_loop3A_840 : i32 to vector<16x1xi32>
        %parallel_loop3A_842 = vector.shape_cast %parallel_loop3A_841 : vector<16x1xi32> to vector<16xi32>
        %parallel_loop3A_843 = tpu.dynamic_gather %parallel_loop3A_659[%parallel_loop3A_842] in [0] : vector<16xf32>, vector<16xi32> -> vector<16xf32>
        %parallel_loop3A_844 = arith.mulf %parallel_loop3A_736, %parallel_loop3A_839 : vector<16xf32>
        %parallel_loop3A_845 = arith.subf %parallel_loop3A_844, %parallel_loop3A_843 : vector<16xf32>
        %parallel_loop3A_846 = arith.mulf %parallel_loop3A_845, %get3A_4 : vector<16xf32>
        %parallel_loop3A_847 = arith.addf %parallel_loop3A_846, %get3A_12 : vector<16xf32>
        %parallel_loop3A_848 = arith.mulf %parallel_loop3A_741, %parallel_loop3A_839 : vector<16xf32>
        %parallel_loop3A_849 = arith.subf %parallel_loop3A_848, %parallel_loop3A_843 : vector<16xf32>
        %parallel_loop3A_850 = arith.mulf %parallel_loop3A_849, %get3A_8 : vector<16xf32>
        %parallel_loop3A_851 = arith.addf %parallel_loop3A_850, %get3A_16 : vector<16xf32>
        %parallel_loop3A_852 = arith.constant 5 : i32
        %parallel_loop3A_853 = vector.broadcast %parallel_loop3A_852 : i32 to vector<16x1xi32>
        %parallel_loop3A_854 = vector.shape_cast %parallel_loop3A_853 : vector<16x1xi32> to vector<16xi32>
        %parallel_loop3A_855 = tpu.dynamic_gather %parallel_loop3A_658[%parallel_loop3A_854] in [0] : vector<16xf32>, vector<16xi32> -> vector<16xf32>
        %parallel_loop3A_856 = arith.constant 5 : i32
        %parallel_loop3A_857 = vector.broadcast %parallel_loop3A_856 : i32 to vector<16x1xi32>
        %parallel_loop3A_858 = vector.shape_cast %parallel_loop3A_857 : vector<16x1xi32> to vector<16xi32>
        %parallel_loop3A_859 = tpu.dynamic_gather %parallel_loop3A_659[%parallel_loop3A_858] in [0] : vector<16xf32>, vector<16xi32> -> vector<16xf32>
        %parallel_loop3A_860 = arith.mulf %parallel_loop3A_746, %parallel_loop3A_855 : vector<16xf32>
        %parallel_loop3A_861 = arith.subf %parallel_loop3A_860, %parallel_loop3A_859 : vector<16xf32>
        %parallel_loop3A_862 = arith.mulf %parallel_loop3A_861, %get3A_4 : vector<16xf32>
        %parallel_loop3A_863 = arith.addf %parallel_loop3A_862, %get3A_12 : vector<16xf32>
        %parallel_loop3A_864 = arith.mulf %parallel_loop3A_751, %parallel_loop3A_855 : vector<16xf32>
        %parallel_loop3A_865 = arith.subf %parallel_loop3A_864, %parallel_loop3A_859 : vector<16xf32>
        %parallel_loop3A_866 = arith.mulf %parallel_loop3A_865, %get3A_8 : vector<16xf32>
        %parallel_loop3A_867 = arith.addf %parallel_loop3A_866, %get3A_16 : vector<16xf32>
        %parallel_loop3A_868 = arith.constant 6 : i32
        %parallel_loop3A_869 = vector.broadcast %parallel_loop3A_868 : i32 to vector<16x1xi32>
        %parallel_loop3A_870 = vector.shape_cast %parallel_loop3A_869 : vector<16x1xi32> to vector<16xi32>
        %parallel_loop3A_871 = tpu.dynamic_gather %parallel_loop3A_658[%parallel_loop3A_870] in [0] : vector<16xf32>, vector<16xi32> -> vector<16xf32>
        %parallel_loop3A_872 = arith.constant 6 : i32
        %parallel_loop3A_873 = vector.broadcast %parallel_loop3A_872 : i32 to vector<16x1xi32>
        %parallel_loop3A_874 = vector.shape_cast %parallel_loop3A_873 : vector<16x1xi32> to vector<16xi32>
        %parallel_loop3A_875 = tpu.dynamic_gather %parallel_loop3A_659[%parallel_loop3A_874] in [0] : vector<16xf32>, vector<16xi32> -> vector<16xf32>
        %parallel_loop3A_876 = arith.mulf %parallel_loop3A_756, %parallel_loop3A_871 : vector<16xf32>
        %parallel_loop3A_877 = arith.subf %parallel_loop3A_876, %parallel_loop3A_875 : vector<16xf32>
        %parallel_loop3A_878 = arith.mulf %parallel_loop3A_877, %get3A_4 : vector<16xf32>
        %parallel_loop3A_879 = arith.addf %parallel_loop3A_878, %get3A_12 : vector<16xf32>
        %parallel_loop3A_880 = arith.mulf %parallel_loop3A_761, %parallel_loop3A_871 : vector<16xf32>
        %parallel_loop3A_881 = arith.subf %parallel_loop3A_880, %parallel_loop3A_875 : vector<16xf32>
        %parallel_loop3A_882 = arith.mulf %parallel_loop3A_881, %get3A_8 : vector<16xf32>
        %parallel_loop3A_883 = arith.addf %parallel_loop3A_882, %get3A_16 : vector<16xf32>
        %parallel_loop3A_884 = arith.constant 7 : i32
        %parallel_loop3A_885 = vector.broadcast %parallel_loop3A_884 : i32 to vector<16x1xi32>
        %parallel_loop3A_886 = vector.shape_cast %parallel_loop3A_885 : vector<16x1xi32> to vector<16xi32>
        %parallel_loop3A_887 = tpu.dynamic_gather %parallel_loop3A_658[%parallel_loop3A_886] in [0] : vector<16xf32>, vector<16xi32> -> vector<16xf32>
        %parallel_loop3A_888 = arith.constant 7 : i32
        %parallel_loop3A_889 = vector.broadcast %parallel_loop3A_888 : i32 to vector<16x1xi32>
        %parallel_loop3A_890 = vector.shape_cast %parallel_loop3A_889 : vector<16x1xi32> to vector<16xi32>
        %parallel_loop3A_891 = tpu.dynamic_gather %parallel_loop3A_659[%parallel_loop3A_890] in [0] : vector<16xf32>, vector<16xi32> -> vector<16xf32>
        %parallel_loop3A_892 = arith.mulf %parallel_loop3A_766, %parallel_loop3A_887 : vector<16xf32>
        %parallel_loop3A_893 = arith.subf %parallel_loop3A_892, %parallel_loop3A_891 : vector<16xf32>
        %parallel_loop3A_894 = arith.mulf %parallel_loop3A_893, %get3A_4 : vector<16xf32>
        %parallel_loop3A_895 = arith.addf %parallel_loop3A_894, %get3A_12 : vector<16xf32>
        %parallel_loop3A_896 = arith.mulf %parallel_loop3A_771, %parallel_loop3A_887 : vector<16xf32>
        %parallel_loop3A_897 = arith.subf %parallel_loop3A_896, %parallel_loop3A_891 : vector<16xf32>
        %parallel_loop3A_898 = arith.mulf %parallel_loop3A_897, %get3A_8 : vector<16xf32>
        %parallel_loop3A_899 = arith.addf %parallel_loop3A_898, %get3A_16 : vector<16xf32>
        %parallel_loop3A_900 = math.exp %parallel_loop3A_783 : vector<16xf32>
        %parallel_loop3A_901 = math.exp %parallel_loop3A_787 : vector<16xf32>
        %parallel_loop3A_902 = math.exp %parallel_loop3A_799 : vector<16xf32>
        %parallel_loop3A_903 = math.exp %parallel_loop3A_803 : vector<16xf32>
        %parallel_loop3A_904 = math.exp %parallel_loop3A_815 : vector<16xf32>
        %parallel_loop3A_905 = math.exp %parallel_loop3A_819 : vector<16xf32>
        %parallel_loop3A_906 = math.exp %parallel_loop3A_831 : vector<16xf32>
        %parallel_loop3A_907 = math.exp %parallel_loop3A_835 : vector<16xf32>
        %parallel_loop3A_908 = math.exp %parallel_loop3A_847 : vector<16xf32>
        %parallel_loop3A_909 = math.exp %parallel_loop3A_851 : vector<16xf32>
        %parallel_loop3A_910 = math.exp %parallel_loop3A_863 : vector<16xf32>
        %parallel_loop3A_911 = math.exp %parallel_loop3A_867 : vector<16xf32>
        %parallel_loop3A_912 = math.exp %parallel_loop3A_879 : vector<16xf32>
        %parallel_loop3A_913 = math.exp %parallel_loop3A_883 : vector<16xf32>
        %parallel_loop3A_914 = math.exp %parallel_loop3A_895 : vector<16xf32>
        %parallel_loop3A_915 = math.exp %parallel_loop3A_899 : vector<16xf32>
        %parallel_loop3A_916 = arith.constant 0.000000e+00 : f32
        %parallel_loop3A_917 = vector.broadcast %parallel_loop3A_916 : f32 to vector<16xf32>
        %parallel_loop3A_918 = arith.cmpf ogt, %parallel_loop3A_783, %parallel_loop3A_917 : vector<16xf32>
        %parallel_loop3A_919 = arith.constant 1.000000e+00 : f32
        %parallel_loop3A_920 = vector.broadcast %parallel_loop3A_919 : f32 to vector<16xf32>
        %parallel_loop3A_921 = arith.subf %parallel_loop3A_900, %parallel_loop3A_920 : vector<16xf32>
        %parallel_loop3A_922 = arith.select %parallel_loop3A_918, %parallel_loop3A_783, %parallel_loop3A_921 : vector<16xi1>, vector<16xf32>
        %parallel_loop3A_923 = arith.constant 0.000000e+00 : f32
        %parallel_loop3A_924 = vector.broadcast %parallel_loop3A_923 : f32 to vector<16xf32>
        %parallel_loop3A_925 = arith.cmpf ogt, %parallel_loop3A_787, %parallel_loop3A_924 : vector<16xf32>
        %parallel_loop3A_926 = arith.constant 1.000000e+00 : f32
        %parallel_loop3A_927 = vector.broadcast %parallel_loop3A_926 : f32 to vector<16xf32>
        %parallel_loop3A_928 = arith.subf %parallel_loop3A_901, %parallel_loop3A_927 : vector<16xf32>
        %parallel_loop3A_929 = arith.select %parallel_loop3A_925, %parallel_loop3A_787, %parallel_loop3A_928 : vector<16xi1>, vector<16xf32>
        %parallel_loop3A_930 = arith.constant 0.000000e+00 : f32
        %parallel_loop3A_931 = vector.broadcast %parallel_loop3A_930 : f32 to vector<16xf32>
        %parallel_loop3A_932 = arith.cmpf ogt, %parallel_loop3A_799, %parallel_loop3A_931 : vector<16xf32>
        %parallel_loop3A_933 = arith.constant 1.000000e+00 : f32
        %parallel_loop3A_934 = vector.broadcast %parallel_loop3A_933 : f32 to vector<16xf32>
        %parallel_loop3A_935 = arith.subf %parallel_loop3A_902, %parallel_loop3A_934 : vector<16xf32>
        %parallel_loop3A_936 = arith.select %parallel_loop3A_932, %parallel_loop3A_799, %parallel_loop3A_935 : vector<16xi1>, vector<16xf32>
        %parallel_loop3A_937 = arith.constant 0.000000e+00 : f32
        %parallel_loop3A_938 = vector.broadcast %parallel_loop3A_937 : f32 to vector<16xf32>
        %parallel_loop3A_939 = arith.cmpf ogt, %parallel_loop3A_803, %parallel_loop3A_938 : vector<16xf32>
        %parallel_loop3A_940 = arith.constant 1.000000e+00 : f32
        %parallel_loop3A_941 = vector.broadcast %parallel_loop3A_940 : f32 to vector<16xf32>
        %parallel_loop3A_942 = arith.subf %parallel_loop3A_903, %parallel_loop3A_941 : vector<16xf32>
        %parallel_loop3A_943 = arith.select %parallel_loop3A_939, %parallel_loop3A_803, %parallel_loop3A_942 : vector<16xi1>, vector<16xf32>
        %parallel_loop3A_944 = arith.constant 0.000000e+00 : f32
        %parallel_loop3A_945 = vector.broadcast %parallel_loop3A_944 : f32 to vector<16xf32>
        %parallel_loop3A_946 = arith.cmpf ogt, %parallel_loop3A_815, %parallel_loop3A_945 : vector<16xf32>
        %parallel_loop3A_947 = arith.constant 1.000000e+00 : f32
        %parallel_loop3A_948 = vector.broadcast %parallel_loop3A_947 : f32 to vector<16xf32>
        %parallel_loop3A_949 = arith.subf %parallel_loop3A_904, %parallel_loop3A_948 : vector<16xf32>
        %parallel_loop3A_950 = arith.select %parallel_loop3A_946, %parallel_loop3A_815, %parallel_loop3A_949 : vector<16xi1>, vector<16xf32>
        %parallel_loop3A_951 = arith.constant 0.000000e+00 : f32
        %parallel_loop3A_952 = vector.broadcast %parallel_loop3A_951 : f32 to vector<16xf32>
        %parallel_loop3A_953 = arith.cmpf ogt, %parallel_loop3A_819, %parallel_loop3A_952 : vector<16xf32>
        %parallel_loop3A_954 = arith.constant 1.000000e+00 : f32
        %parallel_loop3A_955 = vector.broadcast %parallel_loop3A_954 : f32 to vector<16xf32>
        %parallel_loop3A_956 = arith.subf %parallel_loop3A_905, %parallel_loop3A_955 : vector<16xf32>
        %parallel_loop3A_957 = arith.select %parallel_loop3A_953, %parallel_loop3A_819, %parallel_loop3A_956 : vector<16xi1>, vector<16xf32>
        %parallel_loop3A_958 = arith.constant 0.000000e+00 : f32
        %parallel_loop3A_959 = vector.broadcast %parallel_loop3A_958 : f32 to vector<16xf32>
        %parallel_loop3A_960 = arith.cmpf ogt, %parallel_loop3A_831, %parallel_loop3A_959 : vector<16xf32>
        %parallel_loop3A_961 = arith.constant 1.000000e+00 : f32
        %parallel_loop3A_962 = vector.broadcast %parallel_loop3A_961 : f32 to vector<16xf32>
        %parallel_loop3A_963 = arith.subf %parallel_loop3A_906, %parallel_loop3A_962 : vector<16xf32>
        %parallel_loop3A_964 = arith.select %parallel_loop3A_960, %parallel_loop3A_831, %parallel_loop3A_963 : vector<16xi1>, vector<16xf32>
        %parallel_loop3A_965 = arith.constant 0.000000e+00 : f32
        %parallel_loop3A_966 = vector.broadcast %parallel_loop3A_965 : f32 to vector<16xf32>
        %parallel_loop3A_967 = arith.cmpf ogt, %parallel_loop3A_835, %parallel_loop3A_966 : vector<16xf32>
        %parallel_loop3A_968 = arith.constant 1.000000e+00 : f32
        %parallel_loop3A_969 = vector.broadcast %parallel_loop3A_968 : f32 to vector<16xf32>
        %parallel_loop3A_970 = arith.subf %parallel_loop3A_907, %parallel_loop3A_969 : vector<16xf32>
        %parallel_loop3A_971 = arith.select %parallel_loop3A_967, %parallel_loop3A_835, %parallel_loop3A_970 : vector<16xi1>, vector<16xf32>
        %parallel_loop3A_972 = arith.constant 0.000000e+00 : f32
        %parallel_loop3A_973 = vector.broadcast %parallel_loop3A_972 : f32 to vector<16xf32>
        %parallel_loop3A_974 = arith.cmpf ogt, %parallel_loop3A_847, %parallel_loop3A_973 : vector<16xf32>
        %parallel_loop3A_975 = arith.constant 1.000000e+00 : f32
        %parallel_loop3A_976 = vector.broadcast %parallel_loop3A_975 : f32 to vector<16xf32>
        %parallel_loop3A_977 = arith.subf %parallel_loop3A_908, %parallel_loop3A_976 : vector<16xf32>
        %parallel_loop3A_978 = arith.select %parallel_loop3A_974, %parallel_loop3A_847, %parallel_loop3A_977 : vector<16xi1>, vector<16xf32>
        %parallel_loop3A_979 = arith.constant 0.000000e+00 : f32
        %parallel_loop3A_980 = vector.broadcast %parallel_loop3A_979 : f32 to vector<16xf32>
        %parallel_loop3A_981 = arith.cmpf ogt, %parallel_loop3A_851, %parallel_loop3A_980 : vector<16xf32>
        %parallel_loop3A_982 = arith.constant 1.000000e+00 : f32
        %parallel_loop3A_983 = vector.broadcast %parallel_loop3A_982 : f32 to vector<16xf32>
        %parallel_loop3A_984 = arith.subf %parallel_loop3A_909, %parallel_loop3A_983 : vector<16xf32>
        %parallel_loop3A_985 = arith.select %parallel_loop3A_981, %parallel_loop3A_851, %parallel_loop3A_984 : vector<16xi1>, vector<16xf32>
        %parallel_loop3A_986 = arith.constant 0.000000e+00 : f32
        %parallel_loop3A_987 = vector.broadcast %parallel_loop3A_986 : f32 to vector<16xf32>
        %parallel_loop3A_988 = arith.cmpf ogt, %parallel_loop3A_863, %parallel_loop3A_987 : vector<16xf32>
        %parallel_loop3A_989 = arith.constant 1.000000e+00 : f32
        %parallel_loop3A_990 = vector.broadcast %parallel_loop3A_989 : f32 to vector<16xf32>
        %parallel_loop3A_991 = arith.subf %parallel_loop3A_910, %parallel_loop3A_990 : vector<16xf32>
        %parallel_loop3A_992 = arith.select %parallel_loop3A_988, %parallel_loop3A_863, %parallel_loop3A_991 : vector<16xi1>, vector<16xf32>
        %parallel_loop3A_993 = arith.constant 0.000000e+00 : f32
        %parallel_loop3A_994 = vector.broadcast %parallel_loop3A_993 : f32 to vector<16xf32>
        %parallel_loop3A_995 = arith.cmpf ogt, %parallel_loop3A_867, %parallel_loop3A_994 : vector<16xf32>
        %parallel_loop3A_996 = arith.constant 1.000000e+00 : f32
        %parallel_loop3A_997 = vector.broadcast %parallel_loop3A_996 : f32 to vector<16xf32>
        %parallel_loop3A_998 = arith.subf %parallel_loop3A_911, %parallel_loop3A_997 : vector<16xf32>
        %parallel_loop3A_999 = arith.select %parallel_loop3A_995, %parallel_loop3A_867, %parallel_loop3A_998 : vector<16xi1>, vector<16xf32>
        %parallel_loop3A_1000 = arith.constant 0.000000e+00 : f32
        %parallel_loop3A_1001 = vector.broadcast %parallel_loop3A_1000 : f32 to vector<16xf32>
        %parallel_loop3A_1002 = arith.cmpf ogt, %parallel_loop3A_879, %parallel_loop3A_1001 : vector<16xf32>
        %parallel_loop3A_1003 = arith.constant 1.000000e+00 : f32
        %parallel_loop3A_1004 = vector.broadcast %parallel_loop3A_1003 : f32 to vector<16xf32>
        %parallel_loop3A_1005 = arith.subf %parallel_loop3A_912, %parallel_loop3A_1004 : vector<16xf32>
        %parallel_loop3A_1006 = arith.select %parallel_loop3A_1002, %parallel_loop3A_879, %parallel_loop3A_1005 : vector<16xi1>, vector<16xf32>
        %parallel_loop3A_1007 = arith.constant 0.000000e+00 : f32
        %parallel_loop3A_1008 = vector.broadcast %parallel_loop3A_1007 : f32 to vector<16xf32>
        %parallel_loop3A_1009 = arith.cmpf ogt, %parallel_loop3A_883, %parallel_loop3A_1008 : vector<16xf32>
        %parallel_loop3A_1010 = arith.constant 1.000000e+00 : f32
        %parallel_loop3A_1011 = vector.broadcast %parallel_loop3A_1010 : f32 to vector<16xf32>
        %parallel_loop3A_1012 = arith.subf %parallel_loop3A_913, %parallel_loop3A_1011 : vector<16xf32>
        %parallel_loop3A_1013 = arith.select %parallel_loop3A_1009, %parallel_loop3A_883, %parallel_loop3A_1012 : vector<16xi1>, vector<16xf32>
        %parallel_loop3A_1014 = arith.constant 0.000000e+00 : f32
        %parallel_loop3A_1015 = vector.broadcast %parallel_loop3A_1014 : f32 to vector<16xf32>
        %parallel_loop3A_1016 = arith.cmpf ogt, %parallel_loop3A_895, %parallel_loop3A_1015 : vector<16xf32>
        %parallel_loop3A_1017 = arith.constant 1.000000e+00 : f32
        %parallel_loop3A_1018 = vector.broadcast %parallel_loop3A_1017 : f32 to vector<16xf32>
        %parallel_loop3A_1019 = arith.subf %parallel_loop3A_914, %parallel_loop3A_1018 : vector<16xf32>
        %parallel_loop3A_1020 = arith.select %parallel_loop3A_1016, %parallel_loop3A_895, %parallel_loop3A_1019 : vector<16xi1>, vector<16xf32>
        %parallel_loop3A_1021 = arith.constant 0.000000e+00 : f32
        %parallel_loop3A_1022 = vector.broadcast %parallel_loop3A_1021 : f32 to vector<16xf32>
        %parallel_loop3A_1023 = arith.cmpf ogt, %parallel_loop3A_899, %parallel_loop3A_1022 : vector<16xf32>
        %parallel_loop3A_1024 = arith.constant 1.000000e+00 : f32
        %parallel_loop3A_1025 = vector.broadcast %parallel_loop3A_1024 : f32 to vector<16xf32>
        %parallel_loop3A_1026 = arith.subf %parallel_loop3A_915, %parallel_loop3A_1025 : vector<16xf32>
        %parallel_loop3A_1027 = arith.select %parallel_loop3A_1023, %parallel_loop3A_899, %parallel_loop3A_1026 : vector<16xi1>, vector<16xf32>
        %parallel_loop3A_1028 = arith.constant 1 : i32
        %parallel_loop3A_1029 = arith.index_cast %parallel_loop3A_1028 : i32 to index
        %parallel_loop3A_1030 = arith.index_cast %parallel_loop3A_663 : i32 to index
        %parallel_loop3A_1031 = arith.constant 0 : index
        %parallel_loop3A_1032 = tpu.vector_load %arg9[%parallel_loop3A_1029, %parallel_loop3A_1030, %parallel_loop3A_1031] {strides = array<i32>} : memref<2x512x32xf32, #tpu.memory_space<vmem>>, vector<16xf32>,
        tpu.vector_store %arg9[%parallel_loop3A_1029, %parallel_loop3A_1030, %parallel_loop3A_1031], %parallel_loop3A_922 {strides = array<i32>} : memref<2x512x32xf32, #tpu.memory_space<vmem>>, vector<16xf32>,
        %parallel_loop3A_1033 = arith.constant 1 : i32
        %parallel_loop3A_1034 = arith.index_cast %parallel_loop3A_1033 : i32 to index
        %parallel_loop3A_1035 = arith.index_cast %parallel_loop3A_663 : i32 to index
        %parallel_loop3A_1036 = arith.constant 16 : index
        %parallel_loop3A_1037 = tpu.vector_load %arg9[%parallel_loop3A_1034, %parallel_loop3A_1035, %parallel_loop3A_1036] {strides = array<i32>} : memref<2x512x32xf32, #tpu.memory_space<vmem>>, vector<16xf32>,
        tpu.vector_store %arg9[%parallel_loop3A_1034, %parallel_loop3A_1035, %parallel_loop3A_1036], %parallel_loop3A_929 {strides = array<i32>} : memref<2x512x32xf32, #tpu.memory_space<vmem>>, vector<16xf32>,
        %parallel_loop3A_1038 = arith.constant 1 : i32
        %parallel_loop3A_1039 = arith.index_cast %parallel_loop3A_1038 : i32 to index
        %parallel_loop3A_1040 = arith.index_cast %parallel_loop3A_667 : i32 to index
        %parallel_loop3A_1041 = arith.constant 0 : index
        %parallel_loop3A_1042 = tpu.vector_load %arg9[%parallel_loop3A_1039, %parallel_loop3A_1040, %parallel_loop3A_1041] {strides = array<i32>} : memref<2x512x32xf32, #tpu.memory_space<vmem>>, vector<16xf32>,
        tpu.vector_store %arg9[%parallel_loop3A_1039, %parallel_loop3A_1040, %parallel_loop3A_1041], %parallel_loop3A_936 {strides = array<i32>} : memref<2x512x32xf32, #tpu.memory_space<vmem>>, vector<16xf32>,
        %parallel_loop3A_1043 = arith.constant 1 : i32
        %parallel_loop3A_1044 = arith.index_cast %parallel_loop3A_1043 : i32 to index
        %parallel_loop3A_1045 = arith.index_cast %parallel_loop3A_667 : i32 to index
        %parallel_loop3A_1046 = arith.constant 16 : index
        %parallel_loop3A_1047 = tpu.vector_load %arg9[%parallel_loop3A_1044, %parallel_loop3A_1045, %parallel_loop3A_1046] {strides = array<i32>} : memref<2x512x32xf32, #tpu.memory_space<vmem>>, vector<16xf32>,
        tpu.vector_store %arg9[%parallel_loop3A_1044, %parallel_loop3A_1045, %parallel_loop3A_1046], %parallel_loop3A_943 {strides = array<i32>} : memref<2x512x32xf32, #tpu.memory_space<vmem>>, vector<16xf32>,
        %parallel_loop3A_1048 = arith.constant 1 : i32
        %parallel_loop3A_1049 = arith.index_cast %parallel_loop3A_1048 : i32 to index
        %parallel_loop3A_1050 = arith.index_cast %parallel_loop3A_671 : i32 to index
        %parallel_loop3A_1051 = arith.constant 0 : index
        %parallel_loop3A_1052 = tpu.vector_load %arg9[%parallel_loop3A_1049, %parallel_loop3A_1050, %parallel_loop3A_1051] {strides = array<i32>} : memref<2x512x32xf32, #tpu.memory_space<vmem>>, vector<16xf32>,
        tpu.vector_store %arg9[%parallel_loop3A_1049, %parallel_loop3A_1050, %parallel_loop3A_1051], %parallel_loop3A_950 {strides = array<i32>} : memref<2x512x32xf32, #tpu.memory_space<vmem>>, vector<16xf32>,
        %parallel_loop3A_1053 = arith.constant 1 : i32
        %parallel_loop3A_1054 = arith.index_cast %parallel_loop3A_1053 : i32 to index
        %parallel_loop3A_1055 = arith.index_cast %parallel_loop3A_671 : i32 to index
        %parallel_loop3A_1056 = arith.constant 16 : index
        %parallel_loop3A_1057 = tpu.vector_load %arg9[%parallel_loop3A_1054, %parallel_loop3A_1055, %parallel_loop3A_1056] {strides = array<i32>} : memref<2x512x32xf32, #tpu.memory_space<vmem>>, vector<16xf32>,
        tpu.vector_store %arg9[%parallel_loop3A_1054, %parallel_loop3A_1055, %parallel_loop3A_1056], %parallel_loop3A_957 {strides = array<i32>} : memref<2x512x32xf32, #tpu.memory_space<vmem>>, vector<16xf32>,
        %parallel_loop3A_1058 = arith.constant 1 : i32
        %parallel_loop3A_1059 = arith.index_cast %parallel_loop3A_1058 : i32 to index
        %parallel_loop3A_1060 = arith.index_cast %parallel_loop3A_675 : i32 to index
        %parallel_loop3A_1061 = arith.constant 0 : index
        %parallel_loop3A_1062 = tpu.vector_load %arg9[%parallel_loop3A_1059, %parallel_loop3A_1060, %parallel_loop3A_1061] {strides = array<i32>} : memref<2x512x32xf32, #tpu.memory_space<vmem>>, vector<16xf32>,
        tpu.vector_store %arg9[%parallel_loop3A_1059, %parallel_loop3A_1060, %parallel_loop3A_1061], %parallel_loop3A_964 {strides = array<i32>} : memref<2x512x32xf32, #tpu.memory_space<vmem>>, vector<16xf32>,
        %parallel_loop3A_1063 = arith.constant 1 : i32
        %parallel_loop3A_1064 = arith.index_cast %parallel_loop3A_1063 : i32 to index
        %parallel_loop3A_1065 = arith.index_cast %parallel_loop3A_675 : i32 to index
        %parallel_loop3A_1066 = arith.constant 16 : index
        %parallel_loop3A_1067 = tpu.vector_load %arg9[%parallel_loop3A_1064, %parallel_loop3A_1065, %parallel_loop3A_1066] {strides = array<i32>} : memref<2x512x32xf32, #tpu.memory_space<vmem>>, vector<16xf32>,
        tpu.vector_store %arg9[%parallel_loop3A_1064, %parallel_loop3A_1065, %parallel_loop3A_1066], %parallel_loop3A_971 {strides = array<i32>} : memref<2x512x32xf32, #tpu.memory_space<vmem>>, vector<16xf32>,
        %parallel_loop3A_1068 = arith.constant 1 : i32
        %parallel_loop3A_1069 = arith.index_cast %parallel_loop3A_1068 : i32 to index
        %parallel_loop3A_1070 = arith.index_cast %parallel_loop3A_679 : i32 to index
        %parallel_loop3A_1071 = arith.constant 0 : index
        %parallel_loop3A_1072 = tpu.vector_load %arg9[%parallel_loop3A_1069, %parallel_loop3A_1070, %parallel_loop3A_1071] {strides = array<i32>} : memref<2x512x32xf32, #tpu.memory_space<vmem>>, vector<16xf32>,
        tpu.vector_store %arg9[%parallel_loop3A_1069, %parallel_loop3A_1070, %parallel_loop3A_1071], %parallel_loop3A_978 {strides = array<i32>} : memref<2x512x32xf32, #tpu.memory_space<vmem>>, vector<16xf32>,
        %parallel_loop3A_1073 = arith.constant 1 : i32
        %parallel_loop3A_1074 = arith.index_cast %parallel_loop3A_1073 : i32 to index
        %parallel_loop3A_1075 = arith.index_cast %parallel_loop3A_679 : i32 to index
        %parallel_loop3A_1076 = arith.constant 16 : index
        %parallel_loop3A_1077 = tpu.vector_load %arg9[%parallel_loop3A_1074, %parallel_loop3A_1075, %parallel_loop3A_1076] {strides = array<i32>} : memref<2x512x32xf32, #tpu.memory_space<vmem>>, vector<16xf32>,
        tpu.vector_store %arg9[%parallel_loop3A_1074, %parallel_loop3A_1075, %parallel_loop3A_1076], %parallel_loop3A_985 {strides = array<i32>} : memref<2x512x32xf32, #tpu.memory_space<vmem>>, vector<16xf32>,
        %parallel_loop3A_1078 = arith.constant 1 : i32
        %parallel_loop3A_1079 = arith.index_cast %parallel_loop3A_1078 : i32 to index
        %parallel_loop3A_1080 = arith.index_cast %parallel_loop3A_683 : i32 to index
        %parallel_loop3A_1081 = arith.constant 0 : index
        %parallel_loop3A_1082 = tpu.vector_load %arg9[%parallel_loop3A_1079, %parallel_loop3A_1080, %parallel_loop3A_1081] {strides = array<i32>} : memref<2x512x32xf32, #tpu.memory_space<vmem>>, vector<16xf32>,
        tpu.vector_store %arg9[%parallel_loop3A_1079, %parallel_loop3A_1080, %parallel_loop3A_1081], %parallel_loop3A_992 {strides = array<i32>} : memref<2x512x32xf32, #tpu.memory_space<vmem>>, vector<16xf32>,
        %parallel_loop3A_1083 = arith.constant 1 : i32
        %parallel_loop3A_1084 = arith.index_cast %parallel_loop3A_1083 : i32 to index
        %parallel_loop3A_1085 = arith.index_cast %parallel_loop3A_683 : i32 to index
        %parallel_loop3A_1086 = arith.constant 16 : index
        %parallel_loop3A_1087 = tpu.vector_load %arg9[%parallel_loop3A_1084, %parallel_loop3A_1085, %parallel_loop3A_1086] {strides = array<i32>} : memref<2x512x32xf32, #tpu.memory_space<vmem>>, vector<16xf32>,
        tpu.vector_store %arg9[%parallel_loop3A_1084, %parallel_loop3A_1085, %parallel_loop3A_1086], %parallel_loop3A_999 {strides = array<i32>} : memref<2x512x32xf32, #tpu.memory_space<vmem>>, vector<16xf32>,
        %parallel_loop3A_1088 = arith.constant 1 : i32
        %parallel_loop3A_1089 = arith.index_cast %parallel_loop3A_1088 : i32 to index
        %parallel_loop3A_1090 = arith.index_cast %parallel_loop3A_687 : i32 to index
        %parallel_loop3A_1091 = arith.constant 0 : index
        %parallel_loop3A_1092 = tpu.vector_load %arg9[%parallel_loop3A_1089, %parallel_loop3A_1090, %parallel_loop3A_1091] {strides = array<i32>} : memref<2x512x32xf32, #tpu.memory_space<vmem>>, vector<16xf32>,
        tpu.vector_store %arg9[%parallel_loop3A_1089, %parallel_loop3A_1090, %parallel_loop3A_1091], %parallel_loop3A_1006 {strides = array<i32>} : memref<2x512x32xf32, #tpu.memory_space<vmem>>, vector<16xf32>,
        %parallel_loop3A_1093 = arith.constant 1 : i32
        %parallel_loop3A_1094 = arith.index_cast %parallel_loop3A_1093 : i32 to index
        %parallel_loop3A_1095 = arith.index_cast %parallel_loop3A_687 : i32 to index
        %parallel_loop3A_1096 = arith.constant 16 : index
        %parallel_loop3A_1097 = tpu.vector_load %arg9[%parallel_loop3A_1094, %parallel_loop3A_1095, %parallel_loop3A_1096] {strides = array<i32>} : memref<2x512x32xf32, #tpu.memory_space<vmem>>, vector<16xf32>,
        tpu.vector_store %arg9[%parallel_loop3A_1094, %parallel_loop3A_1095, %parallel_loop3A_1096], %parallel_loop3A_1013 {strides = array<i32>} : memref<2x512x32xf32, #tpu.memory_space<vmem>>, vector<16xf32>,
        %parallel_loop3A_1098 = arith.constant 1 : i32
        %parallel_loop3A_1099 = arith.index_cast %parallel_loop3A_1098 : i32 to index
        %parallel_loop3A_1100 = arith.index_cast %parallel_loop3A_691 : i32 to index
        %parallel_loop3A_1101 = arith.constant 0 : index
        %parallel_loop3A_1102 = tpu.vector_load %arg9[%parallel_loop3A_1099, %parallel_loop3A_1100, %parallel_loop3A_1101] {strides = array<i32>} : memref<2x512x32xf32, #tpu.memory_space<vmem>>, vector<16xf32>,
        tpu.vector_store %arg9[%parallel_loop3A_1099, %parallel_loop3A_1100, %parallel_loop3A_1101], %parallel_loop3A_1020 {strides = array<i32>} : memref<2x512x32xf32, #tpu.memory_space<vmem>>, vector<16xf32>,
        %parallel_loop3A_1103 = arith.constant 1 : i32
        %parallel_loop3A_1104 = arith.index_cast %parallel_loop3A_1103 : i32 to index
        %parallel_loop3A_1105 = arith.index_cast %parallel_loop3A_691 : i32 to index
        %parallel_loop3A_1106 = arith.constant 16 : index
        %parallel_loop3A_1107 = tpu.vector_load %arg9[%parallel_loop3A_1104, %parallel_loop3A_1105, %parallel_loop3A_1106] {strides = array<i32>} : memref<2x512x32xf32, #tpu.memory_space<vmem>>, vector<16xf32>,
        tpu.vector_store %arg9[%parallel_loop3A_1104, %parallel_loop3A_1105, %parallel_loop3A_1106], %parallel_loop3A_1027 {strides = array<i32>} : memref<2x512x32xf32, #tpu.memory_space<vmem>>, vector<16xf32>,
        %parallel_loop3A_1108 = arith.constant 8 : i32
        %parallel_loop3A_1109 = arith.addi %parallel_loop3A_260, %parallel_loop3A_1108 : i32
        %parallel_loop3A_1110 = arith.constant 0 : i32
        %parallel_loop3A_1111 = arith.addi %parallel_loop3A_1109, %parallel_loop3A_1110 : i32
        %parallel_loop3A_1112 = arith.constant 8 : i32
        %parallel_loop3A_1113 = arith.addi %parallel_loop3A_260, %parallel_loop3A_1112 : i32
        %parallel_loop3A_1114 = arith.constant 1 : i32
        %parallel_loop3A_1115 = arith.addi %parallel_loop3A_1113, %parallel_loop3A_1114 : i32
        %parallel_loop3A_1116 = arith.constant 8 : i32
        %parallel_loop3A_1117 = arith.addi %parallel_loop3A_260, %parallel_loop3A_1116 : i32
        %parallel_loop3A_1118 = arith.constant 2 : i32
        %parallel_loop3A_1119 = arith.addi %parallel_loop3A_1117, %parallel_loop3A_1118 : i32
        %parallel_loop3A_1120 = arith.constant 8 : i32
        %parallel_loop3A_1121 = arith.addi %parallel_loop3A_260, %parallel_loop3A_1120 : i32
        %parallel_loop3A_1122 = arith.constant 3 : i32
        %parallel_loop3A_1123 = arith.addi %parallel_loop3A_1121, %parallel_loop3A_1122 : i32
        %parallel_loop3A_1124 = arith.constant 8 : i32
        %parallel_loop3A_1125 = arith.addi %parallel_loop3A_260, %parallel_loop3A_1124 : i32
        %parallel_loop3A_1126 = arith.constant 4 : i32
        %parallel_loop3A_1127 = arith.addi %parallel_loop3A_1125, %parallel_loop3A_1126 : i32
        %parallel_loop3A_1128 = arith.constant 8 : i32
        %parallel_loop3A_1129 = arith.addi %parallel_loop3A_260, %parallel_loop3A_1128 : i32
        %parallel_loop3A_1130 = arith.constant 5 : i32
        %parallel_loop3A_1131 = arith.addi %parallel_loop3A_1129, %parallel_loop3A_1130 : i32
        %parallel_loop3A_1132 = arith.constant 8 : i32
        %parallel_loop3A_1133 = arith.addi %parallel_loop3A_260, %parallel_loop3A_1132 : i32
        %parallel_loop3A_1134 = arith.constant 6 : i32
        %parallel_loop3A_1135 = arith.addi %parallel_loop3A_1133, %parallel_loop3A_1134 : i32
        %parallel_loop3A_1136 = arith.constant 8 : i32
        %parallel_loop3A_1137 = arith.addi %parallel_loop3A_260, %parallel_loop3A_1136 : i32
        %parallel_loop3A_1138 = arith.constant 7 : i32
        %parallel_loop3A_1139 = arith.addi %parallel_loop3A_1137, %parallel_loop3A_1138 : i32
        %parallel_loop3A_1140 = arith.constant 1 : i32
        %parallel_loop3A_1141 = arith.index_cast %parallel_loop3A_1140 : i32 to index
        %parallel_loop3A_1142 = arith.index_cast %parallel_loop3A_1111 : i32 to index
        %parallel_loop3A_1143 = arith.constant 0 : index
        %parallel_loop3A_1144 = tpu.vector_load %arg8[%parallel_loop3A_1141, %parallel_loop3A_1142, %parallel_loop3A_1143] {strides = array<i32>} : memref<2x512x32xf32, #tpu.memory_space<vmem>>, vector<16xf32>,
        %parallel_loop3A_1145 = arith.constant 1 : i32
        %parallel_loop3A_1146 = arith.index_cast %parallel_loop3A_1145 : i32 to index
        %parallel_loop3A_1147 = arith.index_cast %parallel_loop3A_1111 : i32 to index
        %parallel_loop3A_1148 = arith.constant 16 : index
        %parallel_loop3A_1149 = tpu.vector_load %arg8[%parallel_loop3A_1146, %parallel_loop3A_1147, %parallel_loop3A_1148] {strides = array<i32>} : memref<2x512x32xf32, #tpu.memory_space<vmem>>, vector<16xf32>,
        %parallel_loop3A_1150 = arith.constant 1 : i32
        %parallel_loop3A_1151 = arith.index_cast %parallel_loop3A_1150 : i32 to index
        %parallel_loop3A_1152 = arith.index_cast %parallel_loop3A_1115 : i32 to index
        %parallel_loop3A_1153 = arith.constant 0 : index
        %parallel_loop3A_1154 = tpu.vector_load %arg8[%parallel_loop3A_1151, %parallel_loop3A_1152, %parallel_loop3A_1153] {strides = array<i32>} : memref<2x512x32xf32, #tpu.memory_space<vmem>>, vector<16xf32>,
        %parallel_loop3A_1155 = arith.constant 1 : i32
        %parallel_loop3A_1156 = arith.index_cast %parallel_loop3A_1155 : i32 to index
        %parallel_loop3A_1157 = arith.index_cast %parallel_loop3A_1115 : i32 to index
        %parallel_loop3A_1158 = arith.constant 16 : index
        %parallel_loop3A_1159 = tpu.vector_load %arg8[%parallel_loop3A_1156, %parallel_loop3A_1157, %parallel_loop3A_1158] {strides = array<i32>} : memref<2x512x32xf32, #tpu.memory_space<vmem>>, vector<16xf32>,
        %parallel_loop3A_1160 = arith.constant 1 : i32
        %parallel_loop3A_1161 = arith.index_cast %parallel_loop3A_1160 : i32 to index
        %parallel_loop3A_1162 = arith.index_cast %parallel_loop3A_1119 : i32 to index
        %parallel_loop3A_1163 = arith.constant 0 : index
        %parallel_loop3A_1164 = tpu.vector_load %arg8[%parallel_loop3A_1161, %parallel_loop3A_1162, %parallel_loop3A_1163] {strides = array<i32>} : memref<2x512x32xf32, #tpu.memory_space<vmem>>, vector<16xf32>,
        %parallel_loop3A_1165 = arith.constant 1 : i32
        %parallel_loop3A_1166 = arith.index_cast %parallel_loop3A_1165 : i32 to index
        %parallel_loop3A_1167 = arith.index_cast %parallel_loop3A_1119 : i32 to index
        %parallel_loop3A_1168 = arith.constant 16 : index
        %parallel_loop3A_1169 = tpu.vector_load %arg8[%parallel_loop3A_1166, %parallel_loop3A_1167, %parallel_loop3A_1168] {strides = array<i32>} : memref<2x512x32xf32, #tpu.memory_space<vmem>>, vector<16xf32>,
        %parallel_loop3A_1170 = arith.constant 1 : i32
        %parallel_loop3A_1171 = arith.index_cast %parallel_loop3A_1170 : i32 to index
        %parallel_loop3A_1172 = arith.index_cast %parallel_loop3A_1123 : i32 to index
        %parallel_loop3A_1173 = arith.constant 0 : index
        %parallel_loop3A_1174 = tpu.vector_load %arg8[%parallel_loop3A_1171, %parallel_loop3A_1172, %parallel_loop3A_1173] {strides = array<i32>} : memref<2x512x32xf32, #tpu.memory_space<vmem>>, vector<16xf32>,
        %parallel_loop3A_1175 = arith.constant 1 : i32
        %parallel_loop3A_1176 = arith.index_cast %parallel_loop3A_1175 : i32 to index
        %parallel_loop3A_1177 = arith.index_cast %parallel_loop3A_1123 : i32 to index
        %parallel_loop3A_1178 = arith.constant 16 : index
        %parallel_loop3A_1179 = tpu.vector_load %arg8[%parallel_loop3A_1176, %parallel_loop3A_1177, %parallel_loop3A_1178] {strides = array<i32>} : memref<2x512x32xf32, #tpu.memory_space<vmem>>, vector<16xf32>,
        %parallel_loop3A_1180 = arith.constant 1 : i32
        %parallel_loop3A_1181 = arith.index_cast %parallel_loop3A_1180 : i32 to index
        %parallel_loop3A_1182 = arith.index_cast %parallel_loop3A_1127 : i32 to index
        %parallel_loop3A_1183 = arith.constant 0 : index
        %parallel_loop3A_1184 = tpu.vector_load %arg8[%parallel_loop3A_1181, %parallel_loop3A_1182, %parallel_loop3A_1183] {strides = array<i32>} : memref<2x512x32xf32, #tpu.memory_space<vmem>>, vector<16xf32>,
        %parallel_loop3A_1185 = arith.constant 1 : i32
        %parallel_loop3A_1186 = arith.index_cast %parallel_loop3A_1185 : i32 to index
        %parallel_loop3A_1187 = arith.index_cast %parallel_loop3A_1127 : i32 to index
        %parallel_loop3A_1188 = arith.constant 16 : index
        %parallel_loop3A_1189 = tpu.vector_load %arg8[%parallel_loop3A_1186, %parallel_loop3A_1187, %parallel_loop3A_1188] {strides = array<i32>} : memref<2x512x32xf32, #tpu.memory_space<vmem>>, vector<16xf32>,
        %parallel_loop3A_1190 = arith.constant 1 : i32
        %parallel_loop3A_1191 = arith.index_cast %parallel_loop3A_1190 : i32 to index
        %parallel_loop3A_1192 = arith.index_cast %parallel_loop3A_1131 : i32 to index
        %parallel_loop3A_1193 = arith.constant 0 : index
        %parallel_loop3A_1194 = tpu.vector_load %arg8[%parallel_loop3A_1191, %parallel_loop3A_1192, %parallel_loop3A_1193] {strides = array<i32>} : memref<2x512x32xf32, #tpu.memory_space<vmem>>, vector<16xf32>,
        %parallel_loop3A_1195 = arith.constant 1 : i32
        %parallel_loop3A_1196 = arith.index_cast %parallel_loop3A_1195 : i32 to index
        %parallel_loop3A_1197 = arith.index_cast %parallel_loop3A_1131 : i32 to index
        %parallel_loop3A_1198 = arith.constant 16 : index
        %parallel_loop3A_1199 = tpu.vector_load %arg8[%parallel_loop3A_1196, %parallel_loop3A_1197, %parallel_loop3A_1198] {strides = array<i32>} : memref<2x512x32xf32, #tpu.memory_space<vmem>>, vector<16xf32>,
        %parallel_loop3A_1200 = arith.constant 1 : i32
        %parallel_loop3A_1201 = arith.index_cast %parallel_loop3A_1200 : i32 to index
        %parallel_loop3A_1202 = arith.index_cast %parallel_loop3A_1135 : i32 to index
        %parallel_loop3A_1203 = arith.constant 0 : index
        %parallel_loop3A_1204 = tpu.vector_load %arg8[%parallel_loop3A_1201, %parallel_loop3A_1202, %parallel_loop3A_1203] {strides = array<i32>} : memref<2x512x32xf32, #tpu.memory_space<vmem>>, vector<16xf32>,
        %parallel_loop3A_1205 = arith.constant 1 : i32
        %parallel_loop3A_1206 = arith.index_cast %parallel_loop3A_1205 : i32 to index
        %parallel_loop3A_1207 = arith.index_cast %parallel_loop3A_1135 : i32 to index
        %parallel_loop3A_1208 = arith.constant 16 : index
        %parallel_loop3A_1209 = tpu.vector_load %arg8[%parallel_loop3A_1206, %parallel_loop3A_1207, %parallel_loop3A_1208] {strides = array<i32>} : memref<2x512x32xf32, #tpu.memory_space<vmem>>, vector<16xf32>,
        %parallel_loop3A_1210 = arith.constant 1 : i32
        %parallel_loop3A_1211 = arith.index_cast %parallel_loop3A_1210 : i32 to index
        %parallel_loop3A_1212 = arith.index_cast %parallel_loop3A_1139 : i32 to index
        %parallel_loop3A_1213 = arith.constant 0 : index
        %parallel_loop3A_1214 = tpu.vector_load %arg8[%parallel_loop3A_1211, %parallel_loop3A_1212, %parallel_loop3A_1213] {strides = array<i32>} : memref<2x512x32xf32, #tpu.memory_space<vmem>>, vector<16xf32>,
        %parallel_loop3A_1215 = arith.constant 1 : i32
        %parallel_loop3A_1216 = arith.index_cast %parallel_loop3A_1215 : i32 to index
        %parallel_loop3A_1217 = arith.index_cast %parallel_loop3A_1139 : i32 to index
        %parallel_loop3A_1218 = arith.constant 16 : index
        %parallel_loop3A_1219 = tpu.vector_load %arg8[%parallel_loop3A_1216, %parallel_loop3A_1217, %parallel_loop3A_1218] {strides = array<i32>} : memref<2x512x32xf32, #tpu.memory_space<vmem>>, vector<16xf32>,
        %parallel_loop3A_1220 = arith.constant 8 : i32
        %parallel_loop3A_1221 = vector.broadcast %parallel_loop3A_1220 : i32 to vector<16x1xi32>
        %parallel_loop3A_1222 = vector.shape_cast %parallel_loop3A_1221 : vector<16x1xi32> to vector<16xi32>
        %parallel_loop3A_1223 = tpu.dynamic_gather %parallel_loop3A_658[%parallel_loop3A_1222] in [0] : vector<16xf32>, vector<16xi32> -> vector<16xf32>
        %parallel_loop3A_1224 = arith.constant 8 : i32
        %parallel_loop3A_1225 = vector.broadcast %parallel_loop3A_1224 : i32 to vector<16x1xi32>
        %parallel_loop3A_1226 = vector.shape_cast %parallel_loop3A_1225 : vector<16x1xi32> to vector<16xi32>
        %parallel_loop3A_1227 = tpu.dynamic_gather %parallel_loop3A_659[%parallel_loop3A_1226] in [0] : vector<16xf32>, vector<16xi32> -> vector<16xf32>
        %parallel_loop3A_1228 = arith.mulf %parallel_loop3A_1144, %parallel_loop3A_1223 : vector<16xf32>
        %parallel_loop3A_1229 = arith.subf %parallel_loop3A_1228, %parallel_loop3A_1227 : vector<16xf32>
        %parallel_loop3A_1230 = arith.mulf %parallel_loop3A_1229, %get3A_4 : vector<16xf32>
        %parallel_loop3A_1231 = arith.addf %parallel_loop3A_1230, %get3A_12 : vector<16xf32>
        %parallel_loop3A_1232 = arith.mulf %parallel_loop3A_1149, %parallel_loop3A_1223 : vector<16xf32>
        %parallel_loop3A_1233 = arith.subf %parallel_loop3A_1232, %parallel_loop3A_1227 : vector<16xf32>
        %parallel_loop3A_1234 = arith.mulf %parallel_loop3A_1233, %get3A_8 : vector<16xf32>
        %parallel_loop3A_1235 = arith.addf %parallel_loop3A_1234, %get3A_16 : vector<16xf32>
        %parallel_loop3A_1236 = arith.constant 9 : i32
        %parallel_loop3A_1237 = vector.broadcast %parallel_loop3A_1236 : i32 to vector<16x1xi32>
        %parallel_loop3A_1238 = vector.shape_cast %parallel_loop3A_1237 : vector<16x1xi32> to vector<16xi32>
        %parallel_loop3A_1239 = tpu.dynamic_gather %parallel_loop3A_658[%parallel_loop3A_1238] in [0] : vector<16xf32>, vector<16xi32> -> vector<16xf32>
        %parallel_loop3A_1240 = arith.constant 9 : i32
        %parallel_loop3A_1241 = vector.broadcast %parallel_loop3A_1240 : i32 to vector<16x1xi32>
        %parallel_loop3A_1242 = vector.shape_cast %parallel_loop3A_1241 : vector<16x1xi32> to vector<16xi32>
        %parallel_loop3A_1243 = tpu.dynamic_gather %parallel_loop3A_659[%parallel_loop3A_1242] in [0] : vector<16xf32>, vector<16xi32> -> vector<16xf32>
        %parallel_loop3A_1244 = arith.mulf %parallel_loop3A_1154, %parallel_loop3A_1239 : vector<16xf32>
        %parallel_loop3A_1245 = arith.subf %parallel_loop3A_1244, %parallel_loop3A_1243 : vector<16xf32>
        %parallel_loop3A_1246 = arith.mulf %parallel_loop3A_1245, %get3A_4 : vector<16xf32>
        %parallel_loop3A_1247 = arith.addf %parallel_loop3A_1246, %get3A_12 : vector<16xf32>
        %parallel_loop3A_1248 = arith.mulf %parallel_loop3A_1159, %parallel_loop3A_1239 : vector<16xf32>
        %parallel_loop3A_1249 = arith.subf %parallel_loop3A_1248, %parallel_loop3A_1243 : vector<16xf32>
        %parallel_loop3A_1250 = arith.mulf %parallel_loop3A_1249, %get3A_8 : vector<16xf32>
        %parallel_loop3A_1251 = arith.addf %parallel_loop3A_1250, %get3A_16 : vector<16xf32>
        %parallel_loop3A_1252 = arith.constant 10 : i32
        %parallel_loop3A_1253 = vector.broadcast %parallel_loop3A_1252 : i32 to vector<16x1xi32>
        %parallel_loop3A_1254 = vector.shape_cast %parallel_loop3A_1253 : vector<16x1xi32> to vector<16xi32>
        %parallel_loop3A_1255 = tpu.dynamic_gather %parallel_loop3A_658[%parallel_loop3A_1254] in [0] : vector<16xf32>, vector<16xi32> -> vector<16xf32>
        %parallel_loop3A_1256 = arith.constant 10 : i32
        %parallel_loop3A_1257 = vector.broadcast %parallel_loop3A_1256 : i32 to vector<16x1xi32>
        %parallel_loop3A_1258 = vector.shape_cast %parallel_loop3A_1257 : vector<16x1xi32> to vector<16xi32>
        %parallel_loop3A_1259 = tpu.dynamic_gather %parallel_loop3A_659[%parallel_loop3A_1258] in [0] : vector<16xf32>, vector<16xi32> -> vector<16xf32>
        %parallel_loop3A_1260 = arith.mulf %parallel_loop3A_1164, %parallel_loop3A_1255 : vector<16xf32>
        %parallel_loop3A_1261 = arith.subf %parallel_loop3A_1260, %parallel_loop3A_1259 : vector<16xf32>
        %parallel_loop3A_1262 = arith.mulf %parallel_loop3A_1261, %get3A_4 : vector<16xf32>
        %parallel_loop3A_1263 = arith.addf %parallel_loop3A_1262, %get3A_12 : vector<16xf32>
        %parallel_loop3A_1264 = arith.mulf %parallel_loop3A_1169, %parallel_loop3A_1255 : vector<16xf32>
        %parallel_loop3A_1265 = arith.subf %parallel_loop3A_1264, %parallel_loop3A_1259 : vector<16xf32>
        %parallel_loop3A_1266 = arith.mulf %parallel_loop3A_1265, %get3A_8 : vector<16xf32>
        %parallel_loop3A_1267 = arith.addf %parallel_loop3A_1266, %get3A_16 : vector<16xf32>
        %parallel_loop3A_1268 = arith.constant 11 : i32
        %parallel_loop3A_1269 = vector.broadcast %parallel_loop3A_1268 : i32 to vector<16x1xi32>
        %parallel_loop3A_1270 = vector.shape_cast %parallel_loop3A_1269 : vector<16x1xi32> to vector<16xi32>
        %parallel_loop3A_1271 = tpu.dynamic_gather %parallel_loop3A_658[%parallel_loop3A_1270] in [0] : vector<16xf32>, vector<16xi32> -> vector<16xf32>
        %parallel_loop3A_1272 = arith.constant 11 : i32
        %parallel_loop3A_1273 = vector.broadcast %parallel_loop3A_1272 : i32 to vector<16x1xi32>
        %parallel_loop3A_1274 = vector.shape_cast %parallel_loop3A_1273 : vector<16x1xi32> to vector<16xi32>
        %parallel_loop3A_1275 = tpu.dynamic_gather %parallel_loop3A_659[%parallel_loop3A_1274] in [0] : vector<16xf32>, vector<16xi32> -> vector<16xf32>
        %parallel_loop3A_1276 = arith.mulf %parallel_loop3A_1174, %parallel_loop3A_1271 : vector<16xf32>
        %parallel_loop3A_1277 = arith.subf %parallel_loop3A_1276, %parallel_loop3A_1275 : vector<16xf32>
        %parallel_loop3A_1278 = arith.mulf %parallel_loop3A_1277, %get3A_4 : vector<16xf32>
        %parallel_loop3A_1279 = arith.addf %parallel_loop3A_1278, %get3A_12 : vector<16xf32>
        %parallel_loop3A_1280 = arith.mulf %parallel_loop3A_1179, %parallel_loop3A_1271 : vector<16xf32>
        %parallel_loop3A_1281 = arith.subf %parallel_loop3A_1280, %parallel_loop3A_1275 : vector<16xf32>
        %parallel_loop3A_1282 = arith.mulf %parallel_loop3A_1281, %get3A_8 : vector<16xf32>
        %parallel_loop3A_1283 = arith.addf %parallel_loop3A_1282, %get3A_16 : vector<16xf32>
        %parallel_loop3A_1284 = arith.constant 12 : i32
        %parallel_loop3A_1285 = vector.broadcast %parallel_loop3A_1284 : i32 to vector<16x1xi32>
        %parallel_loop3A_1286 = vector.shape_cast %parallel_loop3A_1285 : vector<16x1xi32> to vector<16xi32>
        %parallel_loop3A_1287 = tpu.dynamic_gather %parallel_loop3A_658[%parallel_loop3A_1286] in [0] : vector<16xf32>, vector<16xi32> -> vector<16xf32>
        %parallel_loop3A_1288 = arith.constant 12 : i32
        %parallel_loop3A_1289 = vector.broadcast %parallel_loop3A_1288 : i32 to vector<16x1xi32>
        %parallel_loop3A_1290 = vector.shape_cast %parallel_loop3A_1289 : vector<16x1xi32> to vector<16xi32>
        %parallel_loop3A_1291 = tpu.dynamic_gather %parallel_loop3A_659[%parallel_loop3A_1290] in [0] : vector<16xf32>, vector<16xi32> -> vector<16xf32>
        %parallel_loop3A_1292 = arith.mulf %parallel_loop3A_1184, %parallel_loop3A_1287 : vector<16xf32>
        %parallel_loop3A_1293 = arith.subf %parallel_loop3A_1292, %parallel_loop3A_1291 : vector<16xf32>
        %parallel_loop3A_1294 = arith.mulf %parallel_loop3A_1293, %get3A_4 : vector<16xf32>
        %parallel_loop3A_1295 = arith.addf %parallel_loop3A_1294, %get3A_12 : vector<16xf32>
        %parallel_loop3A_1296 = arith.mulf %parallel_loop3A_1189, %parallel_loop3A_1287 : vector<16xf32>
        %parallel_loop3A_1297 = arith.subf %parallel_loop3A_1296, %parallel_loop3A_1291 : vector<16xf32>
        %parallel_loop3A_1298 = arith.mulf %parallel_loop3A_1297, %get3A_8 : vector<16xf32>
        %parallel_loop3A_1299 = arith.addf %parallel_loop3A_1298, %get3A_16 : vector<16xf32>
        %parallel_loop3A_1300 = arith.constant 13 : i32
        %parallel_loop3A_1301 = vector.broadcast %parallel_loop3A_1300 : i32 to vector<16x1xi32>
        %parallel_loop3A_1302 = vector.shape_cast %parallel_loop3A_1301 : vector<16x1xi32> to vector<16xi32>
        %parallel_loop3A_1303 = tpu.dynamic_gather %parallel_loop3A_658[%parallel_loop3A_1302] in [0] : vector<16xf32>, vector<16xi32> -> vector<16xf32>
        %parallel_loop3A_1304 = arith.constant 13 : i32
        %parallel_loop3A_1305 = vector.broadcast %parallel_loop3A_1304 : i32 to vector<16x1xi32>
        %parallel_loop3A_1306 = vector.shape_cast %parallel_loop3A_1305 : vector<16x1xi32> to vector<16xi32>
        %parallel_loop3A_1307 = tpu.dynamic_gather %parallel_loop3A_659[%parallel_loop3A_1306] in [0] : vector<16xf32>, vector<16xi32> -> vector<16xf32>
        %parallel_loop3A_1308 = arith.mulf %parallel_loop3A_1194, %parallel_loop3A_1303 : vector<16xf32>
        %parallel_loop3A_1309 = arith.subf %parallel_loop3A_1308, %parallel_loop3A_1307 : vector<16xf32>
        %parallel_loop3A_1310 = arith.mulf %parallel_loop3A_1309, %get3A_4 : vector<16xf32>
        %parallel_loop3A_1311 = arith.addf %parallel_loop3A_1310, %get3A_12 : vector<16xf32>
        %parallel_loop3A_1312 = arith.mulf %parallel_loop3A_1199, %parallel_loop3A_1303 : vector<16xf32>
        %parallel_loop3A_1313 = arith.subf %parallel_loop3A_1312, %parallel_loop3A_1307 : vector<16xf32>
        %parallel_loop3A_1314 = arith.mulf %parallel_loop3A_1313, %get3A_8 : vector<16xf32>
        %parallel_loop3A_1315 = arith.addf %parallel_loop3A_1314, %get3A_16 : vector<16xf32>
        %parallel_loop3A_1316 = arith.constant 14 : i32
        %parallel_loop3A_1317 = vector.broadcast %parallel_loop3A_1316 : i32 to vector<16x1xi32>
        %parallel_loop3A_1318 = vector.shape_cast %parallel_loop3A_1317 : vector<16x1xi32> to vector<16xi32>
        %parallel_loop3A_1319 = tpu.dynamic_gather %parallel_loop3A_658[%parallel_loop3A_1318] in [0] : vector<16xf32>, vector<16xi32> -> vector<16xf32>
        %parallel_loop3A_1320 = arith.constant 14 : i32
        %parallel_loop3A_1321 = vector.broadcast %parallel_loop3A_1320 : i32 to vector<16x1xi32>
        %parallel_loop3A_1322 = vector.shape_cast %parallel_loop3A_1321 : vector<16x1xi32> to vector<16xi32>
        %parallel_loop3A_1323 = tpu.dynamic_gather %parallel_loop3A_659[%parallel_loop3A_1322] in [0] : vector<16xf32>, vector<16xi32> -> vector<16xf32>
        %parallel_loop3A_1324 = arith.mulf %parallel_loop3A_1204, %parallel_loop3A_1319 : vector<16xf32>
        %parallel_loop3A_1325 = arith.subf %parallel_loop3A_1324, %parallel_loop3A_1323 : vector<16xf32>
        %parallel_loop3A_1326 = arith.mulf %parallel_loop3A_1325, %get3A_4 : vector<16xf32>
        %parallel_loop3A_1327 = arith.addf %parallel_loop3A_1326, %get3A_12 : vector<16xf32>
        %parallel_loop3A_1328 = arith.mulf %parallel_loop3A_1209, %parallel_loop3A_1319 : vector<16xf32>
        %parallel_loop3A_1329 = arith.subf %parallel_loop3A_1328, %parallel_loop3A_1323 : vector<16xf32>
        %parallel_loop3A_1330 = arith.mulf %parallel_loop3A_1329, %get3A_8 : vector<16xf32>
        %parallel_loop3A_1331 = arith.addf %parallel_loop3A_1330, %get3A_16 : vector<16xf32>
        %parallel_loop3A_1332 = arith.constant 15 : i32
        %parallel_loop3A_1333 = vector.broadcast %parallel_loop3A_1332 : i32 to vector<16x1xi32>
        %parallel_loop3A_1334 = vector.shape_cast %parallel_loop3A_1333 : vector<16x1xi32> to vector<16xi32>
        %parallel_loop3A_1335 = tpu.dynamic_gather %parallel_loop3A_658[%parallel_loop3A_1334] in [0] : vector<16xf32>, vector<16xi32> -> vector<16xf32>
        %parallel_loop3A_1336 = arith.constant 15 : i32
        %parallel_loop3A_1337 = vector.broadcast %parallel_loop3A_1336 : i32 to vector<16x1xi32>
        %parallel_loop3A_1338 = vector.shape_cast %parallel_loop3A_1337 : vector<16x1xi32> to vector<16xi32>
        %parallel_loop3A_1339 = tpu.dynamic_gather %parallel_loop3A_659[%parallel_loop3A_1338] in [0] : vector<16xf32>, vector<16xi32> -> vector<16xf32>
        %parallel_loop3A_1340 = arith.mulf %parallel_loop3A_1214, %parallel_loop3A_1335 : vector<16xf32>
        %parallel_loop3A_1341 = arith.subf %parallel_loop3A_1340, %parallel_loop3A_1339 : vector<16xf32>
        %parallel_loop3A_1342 = arith.mulf %parallel_loop3A_1341, %get3A_4 : vector<16xf32>
        %parallel_loop3A_1343 = arith.addf %parallel_loop3A_1342, %get3A_12 : vector<16xf32>
        %parallel_loop3A_1344 = arith.mulf %parallel_loop3A_1219, %parallel_loop3A_1335 : vector<16xf32>
        %parallel_loop3A_1345 = arith.subf %parallel_loop3A_1344, %parallel_loop3A_1339 : vector<16xf32>
        %parallel_loop3A_1346 = arith.mulf %parallel_loop3A_1345, %get3A_8 : vector<16xf32>
        %parallel_loop3A_1347 = arith.addf %parallel_loop3A_1346, %get3A_16 : vector<16xf32>
        %parallel_loop3A_1348 = math.exp %parallel_loop3A_1231 : vector<16xf32>
        %parallel_loop3A_1349 = math.exp %parallel_loop3A_1235 : vector<16xf32>
        %parallel_loop3A_1350 = math.exp %parallel_loop3A_1247 : vector<16xf32>
        %parallel_loop3A_1351 = math.exp %parallel_loop3A_1251 : vector<16xf32>
        %parallel_loop3A_1352 = math.exp %parallel_loop3A_1263 : vector<16xf32>
        %parallel_loop3A_1353 = math.exp %parallel_loop3A_1267 : vector<16xf32>
        %parallel_loop3A_1354 = math.exp %parallel_loop3A_1279 : vector<16xf32>
        %parallel_loop3A_1355 = math.exp %parallel_loop3A_1283 : vector<16xf32>
        %parallel_loop3A_1356 = math.exp %parallel_loop3A_1295 : vector<16xf32>
        %parallel_loop3A_1357 = math.exp %parallel_loop3A_1299 : vector<16xf32>
        %parallel_loop3A_1358 = math.exp %parallel_loop3A_1311 : vector<16xf32>
        %parallel_loop3A_1359 = math.exp %parallel_loop3A_1315 : vector<16xf32>
        %parallel_loop3A_1360 = math.exp %parallel_loop3A_1327 : vector<16xf32>
        %parallel_loop3A_1361 = math.exp %parallel_loop3A_1331 : vector<16xf32>
        %parallel_loop3A_1362 = math.exp %parallel_loop3A_1343 : vector<16xf32>
        %parallel_loop3A_1363 = math.exp %parallel_loop3A_1347 : vector<16xf32>
        %parallel_loop3A_1364 = arith.constant 0.000000e+00 : f32
        %parallel_loop3A_1365 = vector.broadcast %parallel_loop3A_1364 : f32 to vector<16xf32>
        %parallel_loop3A_1366 = arith.cmpf ogt, %parallel_loop3A_1231, %parallel_loop3A_1365 : vector<16xf32>
        %parallel_loop3A_1367 = arith.constant 1.000000e+00 : f32
        %parallel_loop3A_1368 = vector.broadcast %parallel_loop3A_1367 : f32 to vector<16xf32>
        %parallel_loop3A_1369 = arith.subf %parallel_loop3A_1348, %parallel_loop3A_1368 : vector<16xf32>
        %parallel_loop3A_1370 = arith.select %parallel_loop3A_1366, %parallel_loop3A_1231, %parallel_loop3A_1369 : vector<16xi1>, vector<16xf32>
        %parallel_loop3A_1371 = arith.constant 0.000000e+00 : f32
        %parallel_loop3A_1372 = vector.broadcast %parallel_loop3A_1371 : f32 to vector<16xf32>
        %parallel_loop3A_1373 = arith.cmpf ogt, %parallel_loop3A_1235, %parallel_loop3A_1372 : vector<16xf32>
        %parallel_loop3A_1374 = arith.constant 1.000000e+00 : f32
        %parallel_loop3A_1375 = vector.broadcast %parallel_loop3A_1374 : f32 to vector<16xf32>
        %parallel_loop3A_1376 = arith.subf %parallel_loop3A_1349, %parallel_loop3A_1375 : vector<16xf32>
        %parallel_loop3A_1377 = arith.select %parallel_loop3A_1373, %parallel_loop3A_1235, %parallel_loop3A_1376 : vector<16xi1>, vector<16xf32>
        %parallel_loop3A_1378 = arith.constant 0.000000e+00 : f32
        %parallel_loop3A_1379 = vector.broadcast %parallel_loop3A_1378 : f32 to vector<16xf32>
        %parallel_loop3A_1380 = arith.cmpf ogt, %parallel_loop3A_1247, %parallel_loop3A_1379 : vector<16xf32>
        %parallel_loop3A_1381 = arith.constant 1.000000e+00 : f32
        %parallel_loop3A_1382 = vector.broadcast %parallel_loop3A_1381 : f32 to vector<16xf32>
        %parallel_loop3A_1383 = arith.subf %parallel_loop3A_1350, %parallel_loop3A_1382 : vector<16xf32>
        %parallel_loop3A_1384 = arith.select %parallel_loop3A_1380, %parallel_loop3A_1247, %parallel_loop3A_1383 : vector<16xi1>, vector<16xf32>
        %parallel_loop3A_1385 = arith.constant 0.000000e+00 : f32
        %parallel_loop3A_1386 = vector.broadcast %parallel_loop3A_1385 : f32 to vector<16xf32>
        %parallel_loop3A_1387 = arith.cmpf ogt, %parallel_loop3A_1251, %parallel_loop3A_1386 : vector<16xf32>
        %parallel_loop3A_1388 = arith.constant 1.000000e+00 : f32
        %parallel_loop3A_1389 = vector.broadcast %parallel_loop3A_1388 : f32 to vector<16xf32>
        %parallel_loop3A_1390 = arith.subf %parallel_loop3A_1351, %parallel_loop3A_1389 : vector<16xf32>
        %parallel_loop3A_1391 = arith.select %parallel_loop3A_1387, %parallel_loop3A_1251, %parallel_loop3A_1390 : vector<16xi1>, vector<16xf32>
        %parallel_loop3A_1392 = arith.constant 0.000000e+00 : f32
        %parallel_loop3A_1393 = vector.broadcast %parallel_loop3A_1392 : f32 to vector<16xf32>
        %parallel_loop3A_1394 = arith.cmpf ogt, %parallel_loop3A_1263, %parallel_loop3A_1393 : vector<16xf32>
        %parallel_loop3A_1395 = arith.constant 1.000000e+00 : f32
        %parallel_loop3A_1396 = vector.broadcast %parallel_loop3A_1395 : f32 to vector<16xf32>
        %parallel_loop3A_1397 = arith.subf %parallel_loop3A_1352, %parallel_loop3A_1396 : vector<16xf32>
        %parallel_loop3A_1398 = arith.select %parallel_loop3A_1394, %parallel_loop3A_1263, %parallel_loop3A_1397 : vector<16xi1>, vector<16xf32>
        %parallel_loop3A_1399 = arith.constant 0.000000e+00 : f32
        %parallel_loop3A_1400 = vector.broadcast %parallel_loop3A_1399 : f32 to vector<16xf32>
        %parallel_loop3A_1401 = arith.cmpf ogt, %parallel_loop3A_1267, %parallel_loop3A_1400 : vector<16xf32>
        %parallel_loop3A_1402 = arith.constant 1.000000e+00 : f32
        %parallel_loop3A_1403 = vector.broadcast %parallel_loop3A_1402 : f32 to vector<16xf32>
        %parallel_loop3A_1404 = arith.subf %parallel_loop3A_1353, %parallel_loop3A_1403 : vector<16xf32>
        %parallel_loop3A_1405 = arith.select %parallel_loop3A_1401, %parallel_loop3A_1267, %parallel_loop3A_1404 : vector<16xi1>, vector<16xf32>
        %parallel_loop3A_1406 = arith.constant 0.000000e+00 : f32
        %parallel_loop3A_1407 = vector.broadcast %parallel_loop3A_1406 : f32 to vector<16xf32>
        %parallel_loop3A_1408 = arith.cmpf ogt, %parallel_loop3A_1279, %parallel_loop3A_1407 : vector<16xf32>
        %parallel_loop3A_1409 = arith.constant 1.000000e+00 : f32
        %parallel_loop3A_1410 = vector.broadcast %parallel_loop3A_1409 : f32 to vector<16xf32>
        %parallel_loop3A_1411 = arith.subf %parallel_loop3A_1354, %parallel_loop3A_1410 : vector<16xf32>
        %parallel_loop3A_1412 = arith.select %parallel_loop3A_1408, %parallel_loop3A_1279, %parallel_loop3A_1411 : vector<16xi1>, vector<16xf32>
        %parallel_loop3A_1413 = arith.constant 0.000000e+00 : f32
        %parallel_loop3A_1414 = vector.broadcast %parallel_loop3A_1413 : f32 to vector<16xf32>
        %parallel_loop3A_1415 = arith.cmpf ogt, %parallel_loop3A_1283, %parallel_loop3A_1414 : vector<16xf32>
        %parallel_loop3A_1416 = arith.constant 1.000000e+00 : f32
        %parallel_loop3A_1417 = vector.broadcast %parallel_loop3A_1416 : f32 to vector<16xf32>
        %parallel_loop3A_1418 = arith.subf %parallel_loop3A_1355, %parallel_loop3A_1417 : vector<16xf32>
        %parallel_loop3A_1419 = arith.select %parallel_loop3A_1415, %parallel_loop3A_1283, %parallel_loop3A_1418 : vector<16xi1>, vector<16xf32>
        %parallel_loop3A_1420 = arith.constant 0.000000e+00 : f32
        %parallel_loop3A_1421 = vector.broadcast %parallel_loop3A_1420 : f32 to vector<16xf32>
        %parallel_loop3A_1422 = arith.cmpf ogt, %parallel_loop3A_1295, %parallel_loop3A_1421 : vector<16xf32>
        %parallel_loop3A_1423 = arith.constant 1.000000e+00 : f32
        %parallel_loop3A_1424 = vector.broadcast %parallel_loop3A_1423 : f32 to vector<16xf32>
        %parallel_loop3A_1425 = arith.subf %parallel_loop3A_1356, %parallel_loop3A_1424 : vector<16xf32>
        %parallel_loop3A_1426 = arith.select %parallel_loop3A_1422, %parallel_loop3A_1295, %parallel_loop3A_1425 : vector<16xi1>, vector<16xf32>
        %parallel_loop3A_1427 = arith.constant 0.000000e+00 : f32
        %parallel_loop3A_1428 = vector.broadcast %parallel_loop3A_1427 : f32 to vector<16xf32>
        %parallel_loop3A_1429 = arith.cmpf ogt, %parallel_loop3A_1299, %parallel_loop3A_1428 : vector<16xf32>
        %parallel_loop3A_1430 = arith.constant 1.000000e+00 : f32
        %parallel_loop3A_1431 = vector.broadcast %parallel_loop3A_1430 : f32 to vector<16xf32>
        %parallel_loop3A_1432 = arith.subf %parallel_loop3A_1357, %parallel_loop3A_1431 : vector<16xf32>
        %parallel_loop3A_1433 = arith.select %parallel_loop3A_1429, %parallel_loop3A_1299, %parallel_loop3A_1432 : vector<16xi1>, vector<16xf32>
        %parallel_loop3A_1434 = arith.constant 0.000000e+00 : f32
        %parallel_loop3A_1435 = vector.broadcast %parallel_loop3A_1434 : f32 to vector<16xf32>
        %parallel_loop3A_1436 = arith.cmpf ogt, %parallel_loop3A_1311, %parallel_loop3A_1435 : vector<16xf32>
        %parallel_loop3A_1437 = arith.constant 1.000000e+00 : f32
        %parallel_loop3A_1438 = vector.broadcast %parallel_loop3A_1437 : f32 to vector<16xf32>
        %parallel_loop3A_1439 = arith.subf %parallel_loop3A_1358, %parallel_loop3A_1438 : vector<16xf32>
        %parallel_loop3A_1440 = arith.select %parallel_loop3A_1436, %parallel_loop3A_1311, %parallel_loop3A_1439 : vector<16xi1>, vector<16xf32>
        %parallel_loop3A_1441 = arith.constant 0.000000e+00 : f32
        %parallel_loop3A_1442 = vector.broadcast %parallel_loop3A_1441 : f32 to vector<16xf32>
        %parallel_loop3A_1443 = arith.cmpf ogt, %parallel_loop3A_1315, %parallel_loop3A_1442 : vector<16xf32>
        %parallel_loop3A_1444 = arith.constant 1.000000e+00 : f32
        %parallel_loop3A_1445 = vector.broadcast %parallel_loop3A_1444 : f32 to vector<16xf32>
        %parallel_loop3A_1446 = arith.subf %parallel_loop3A_1359, %parallel_loop3A_1445 : vector<16xf32>
        %parallel_loop3A_1447 = arith.select %parallel_loop3A_1443, %parallel_loop3A_1315, %parallel_loop3A_1446 : vector<16xi1>, vector<16xf32>
        %parallel_loop3A_1448 = arith.constant 0.000000e+00 : f32
        %parallel_loop3A_1449 = vector.broadcast %parallel_loop3A_1448 : f32 to vector<16xf32>
        %parallel_loop3A_1450 = arith.cmpf ogt, %parallel_loop3A_1327, %parallel_loop3A_1449 : vector<16xf32>
        %parallel_loop3A_1451 = arith.constant 1.000000e+00 : f32
        %parallel_loop3A_1452 = vector.broadcast %parallel_loop3A_1451 : f32 to vector<16xf32>
        %parallel_loop3A_1453 = arith.subf %parallel_loop3A_1360, %parallel_loop3A_1452 : vector<16xf32>
        %parallel_loop3A_1454 = arith.select %parallel_loop3A_1450, %parallel_loop3A_1327, %parallel_loop3A_1453 : vector<16xi1>, vector<16xf32>
        %parallel_loop3A_1455 = arith.constant 0.000000e+00 : f32
        %parallel_loop3A_1456 = vector.broadcast %parallel_loop3A_1455 : f32 to vector<16xf32>
        %parallel_loop3A_1457 = arith.cmpf ogt, %parallel_loop3A_1331, %parallel_loop3A_1456 : vector<16xf32>
        %parallel_loop3A_1458 = arith.constant 1.000000e+00 : f32
        %parallel_loop3A_1459 = vector.broadcast %parallel_loop3A_1458 : f32 to vector<16xf32>
        %parallel_loop3A_1460 = arith.subf %parallel_loop3A_1361, %parallel_loop3A_1459 : vector<16xf32>
        %parallel_loop3A_1461 = arith.select %parallel_loop3A_1457, %parallel_loop3A_1331, %parallel_loop3A_1460 : vector<16xi1>, vector<16xf32>
        %parallel_loop3A_1462 = arith.constant 0.000000e+00 : f32
        %parallel_loop3A_1463 = vector.broadcast %parallel_loop3A_1462 : f32 to vector<16xf32>
        %parallel_loop3A_1464 = arith.cmpf ogt, %parallel_loop3A_1343, %parallel_loop3A_1463 : vector<16xf32>
        %parallel_loop3A_1465 = arith.constant 1.000000e+00 : f32
        %parallel_loop3A_1466 = vector.broadcast %parallel_loop3A_1465 : f32 to vector<16xf32>
        %parallel_loop3A_1467 = arith.subf %parallel_loop3A_1362, %parallel_loop3A_1466 : vector<16xf32>
        %parallel_loop3A_1468 = arith.select %parallel_loop3A_1464, %parallel_loop3A_1343, %parallel_loop3A_1467 : vector<16xi1>, vector<16xf32>
        %parallel_loop3A_1469 = arith.constant 0.000000e+00 : f32
        %parallel_loop3A_1470 = vector.broadcast %parallel_loop3A_1469 : f32 to vector<16xf32>
        %parallel_loop3A_1471 = arith.cmpf ogt, %parallel_loop3A_1347, %parallel_loop3A_1470 : vector<16xf32>
        %parallel_loop3A_1472 = arith.constant 1.000000e+00 : f32
        %parallel_loop3A_1473 = vector.broadcast %parallel_loop3A_1472 : f32 to vector<16xf32>
        %parallel_loop3A_1474 = arith.subf %parallel_loop3A_1363, %parallel_loop3A_1473 : vector<16xf32>
        %parallel_loop3A_1475 = arith.select %parallel_loop3A_1471, %parallel_loop3A_1347, %parallel_loop3A_1474 : vector<16xi1>, vector<16xf32>
        %parallel_loop3A_1476 = arith.constant 1 : i32
        %parallel_loop3A_1477 = arith.index_cast %parallel_loop3A_1476 : i32 to index
        %parallel_loop3A_1478 = arith.index_cast %parallel_loop3A_1111 : i32 to index
        %parallel_loop3A_1479 = arith.constant 0 : index
        %parallel_loop3A_1480 = tpu.vector_load %arg9[%parallel_loop3A_1477, %parallel_loop3A_1478, %parallel_loop3A_1479] {strides = array<i32>} : memref<2x512x32xf32, #tpu.memory_space<vmem>>, vector<16xf32>,
        tpu.vector_store %arg9[%parallel_loop3A_1477, %parallel_loop3A_1478, %parallel_loop3A_1479], %parallel_loop3A_1370 {strides = array<i32>} : memref<2x512x32xf32, #tpu.memory_space<vmem>>, vector<16xf32>,
        %parallel_loop3A_1481 = arith.constant 1 : i32
        %parallel_loop3A_1482 = arith.index_cast %parallel_loop3A_1481 : i32 to index
        %parallel_loop3A_1483 = arith.index_cast %parallel_loop3A_1111 : i32 to index
        %parallel_loop3A_1484 = arith.constant 16 : index
        %parallel_loop3A_1485 = tpu.vector_load %arg9[%parallel_loop3A_1482, %parallel_loop3A_1483, %parallel_loop3A_1484] {strides = array<i32>} : memref<2x512x32xf32, #tpu.memory_space<vmem>>, vector<16xf32>,
        tpu.vector_store %arg9[%parallel_loop3A_1482, %parallel_loop3A_1483, %parallel_loop3A_1484], %parallel_loop3A_1377 {strides = array<i32>} : memref<2x512x32xf32, #tpu.memory_space<vmem>>, vector<16xf32>,
        %parallel_loop3A_1486 = arith.constant 1 : i32
        %parallel_loop3A_1487 = arith.index_cast %parallel_loop3A_1486 : i32 to index
        %parallel_loop3A_1488 = arith.index_cast %parallel_loop3A_1115 : i32 to index
        %parallel_loop3A_1489 = arith.constant 0 : index
        %parallel_loop3A_1490 = tpu.vector_load %arg9[%parallel_loop3A_1487, %parallel_loop3A_1488, %parallel_loop3A_1489] {strides = array<i32>} : memref<2x512x32xf32, #tpu.memory_space<vmem>>, vector<16xf32>,
        tpu.vector_store %arg9[%parallel_loop3A_1487, %parallel_loop3A_1488, %parallel_loop3A_1489], %parallel_loop3A_1384 {strides = array<i32>} : memref<2x512x32xf32, #tpu.memory_space<vmem>>, vector<16xf32>,
        %parallel_loop3A_1491 = arith.constant 1 : i32
        %parallel_loop3A_1492 = arith.index_cast %parallel_loop3A_1491 : i32 to index
        %parallel_loop3A_1493 = arith.index_cast %parallel_loop3A_1115 : i32 to index
        %parallel_loop3A_1494 = arith.constant 16 : index
        %parallel_loop3A_1495 = tpu.vector_load %arg9[%parallel_loop3A_1492, %parallel_loop3A_1493, %parallel_loop3A_1494] {strides = array<i32>} : memref<2x512x32xf32, #tpu.memory_space<vmem>>, vector<16xf32>,
        tpu.vector_store %arg9[%parallel_loop3A_1492, %parallel_loop3A_1493, %parallel_loop3A_1494], %parallel_loop3A_1391 {strides = array<i32>} : memref<2x512x32xf32, #tpu.memory_space<vmem>>, vector<16xf32>,
        %parallel_loop3A_1496 = arith.constant 1 : i32
        %parallel_loop3A_1497 = arith.index_cast %parallel_loop3A_1496 : i32 to index
        %parallel_loop3A_1498 = arith.index_cast %parallel_loop3A_1119 : i32 to index
        %parallel_loop3A_1499 = arith.constant 0 : index
        %parallel_loop3A_1500 = tpu.vector_load %arg9[%parallel_loop3A_1497, %parallel_loop3A_1498, %parallel_loop3A_1499] {strides = array<i32>} : memref<2x512x32xf32, #tpu.memory_space<vmem>>, vector<16xf32>,
        tpu.vector_store %arg9[%parallel_loop3A_1497, %parallel_loop3A_1498, %parallel_loop3A_1499], %parallel_loop3A_1398 {strides = array<i32>} : memref<2x512x32xf32, #tpu.memory_space<vmem>>, vector<16xf32>,
        %parallel_loop3A_1501 = arith.constant 1 : i32
        %parallel_loop3A_1502 = arith.index_cast %parallel_loop3A_1501 : i32 to index
        %parallel_loop3A_1503 = arith.index_cast %parallel_loop3A_1119 : i32 to index
        %parallel_loop3A_1504 = arith.constant 16 : index
        %parallel_loop3A_1505 = tpu.vector_load %arg9[%parallel_loop3A_1502, %parallel_loop3A_1503, %parallel_loop3A_1504] {strides = array<i32>} : memref<2x512x32xf32, #tpu.memory_space<vmem>>, vector<16xf32>,
        tpu.vector_store %arg9[%parallel_loop3A_1502, %parallel_loop3A_1503, %parallel_loop3A_1504], %parallel_loop3A_1405 {strides = array<i32>} : memref<2x512x32xf32, #tpu.memory_space<vmem>>, vector<16xf32>,
        %parallel_loop3A_1506 = arith.constant 1 : i32
        %parallel_loop3A_1507 = arith.index_cast %parallel_loop3A_1506 : i32 to index
        %parallel_loop3A_1508 = arith.index_cast %parallel_loop3A_1123 : i32 to index
        %parallel_loop3A_1509 = arith.constant 0 : index
        %parallel_loop3A_1510 = tpu.vector_load %arg9[%parallel_loop3A_1507, %parallel_loop3A_1508, %parallel_loop3A_1509] {strides = array<i32>} : memref<2x512x32xf32, #tpu.memory_space<vmem>>, vector<16xf32>,
        tpu.vector_store %arg9[%parallel_loop3A_1507, %parallel_loop3A_1508, %parallel_loop3A_1509], %parallel_loop3A_1412 {strides = array<i32>} : memref<2x512x32xf32, #tpu.memory_space<vmem>>, vector<16xf32>,
        %parallel_loop3A_1511 = arith.constant 1 : i32
        %parallel_loop3A_1512 = arith.index_cast %parallel_loop3A_1511 : i32 to index
        %parallel_loop3A_1513 = arith.index_cast %parallel_loop3A_1123 : i32 to index
        %parallel_loop3A_1514 = arith.constant 16 : index
        %parallel_loop3A_1515 = tpu.vector_load %arg9[%parallel_loop3A_1512, %parallel_loop3A_1513, %parallel_loop3A_1514] {strides = array<i32>} : memref<2x512x32xf32, #tpu.memory_space<vmem>>, vector<16xf32>,
        tpu.vector_store %arg9[%parallel_loop3A_1512, %parallel_loop3A_1513, %parallel_loop3A_1514], %parallel_loop3A_1419 {strides = array<i32>} : memref<2x512x32xf32, #tpu.memory_space<vmem>>, vector<16xf32>,
        %parallel_loop3A_1516 = arith.constant 1 : i32
        %parallel_loop3A_1517 = arith.index_cast %parallel_loop3A_1516 : i32 to index
        %parallel_loop3A_1518 = arith.index_cast %parallel_loop3A_1127 : i32 to index
        %parallel_loop3A_1519 = arith.constant 0 : index
        %parallel_loop3A_1520 = tpu.vector_load %arg9[%parallel_loop3A_1517, %parallel_loop3A_1518, %parallel_loop3A_1519] {strides = array<i32>} : memref<2x512x32xf32, #tpu.memory_space<vmem>>, vector<16xf32>,
        tpu.vector_store %arg9[%parallel_loop3A_1517, %parallel_loop3A_1518, %parallel_loop3A_1519], %parallel_loop3A_1426 {strides = array<i32>} : memref<2x512x32xf32, #tpu.memory_space<vmem>>, vector<16xf32>,
        %parallel_loop3A_1521 = arith.constant 1 : i32
        %parallel_loop3A_1522 = arith.index_cast %parallel_loop3A_1521 : i32 to index
        %parallel_loop3A_1523 = arith.index_cast %parallel_loop3A_1127 : i32 to index
        %parallel_loop3A_1524 = arith.constant 16 : index
        %parallel_loop3A_1525 = tpu.vector_load %arg9[%parallel_loop3A_1522, %parallel_loop3A_1523, %parallel_loop3A_1524] {strides = array<i32>} : memref<2x512x32xf32, #tpu.memory_space<vmem>>, vector<16xf32>,
        tpu.vector_store %arg9[%parallel_loop3A_1522, %parallel_loop3A_1523, %parallel_loop3A_1524], %parallel_loop3A_1433 {strides = array<i32>} : memref<2x512x32xf32, #tpu.memory_space<vmem>>, vector<16xf32>,
        %parallel_loop3A_1526 = arith.constant 1 : i32
        %parallel_loop3A_1527 = arith.index_cast %parallel_loop3A_1526 : i32 to index
        %parallel_loop3A_1528 = arith.index_cast %parallel_loop3A_1131 : i32 to index
        %parallel_loop3A_1529 = arith.constant 0 : index
        %parallel_loop3A_1530 = tpu.vector_load %arg9[%parallel_loop3A_1527, %parallel_loop3A_1528, %parallel_loop3A_1529] {strides = array<i32>} : memref<2x512x32xf32, #tpu.memory_space<vmem>>, vector<16xf32>,
        tpu.vector_store %arg9[%parallel_loop3A_1527, %parallel_loop3A_1528, %parallel_loop3A_1529], %parallel_loop3A_1440 {strides = array<i32>} : memref<2x512x32xf32, #tpu.memory_space<vmem>>, vector<16xf32>,
        %parallel_loop3A_1531 = arith.constant 1 : i32
        %parallel_loop3A_1532 = arith.index_cast %parallel_loop3A_1531 : i32 to index
        %parallel_loop3A_1533 = arith.index_cast %parallel_loop3A_1131 : i32 to index
        %parallel_loop3A_1534 = arith.constant 16 : index
        %parallel_loop3A_1535 = tpu.vector_load %arg9[%parallel_loop3A_1532, %parallel_loop3A_1533, %parallel_loop3A_1534] {strides = array<i32>} : memref<2x512x32xf32, #tpu.memory_space<vmem>>, vector<16xf32>,
        tpu.vector_store %arg9[%parallel_loop3A_1532, %parallel_loop3A_1533, %parallel_loop3A_1534], %parallel_loop3A_1447 {strides = array<i32>} : memref<2x512x32xf32, #tpu.memory_space<vmem>>, vector<16xf32>,
        %parallel_loop3A_1536 = arith.constant 1 : i32
        %parallel_loop3A_1537 = arith.index_cast %parallel_loop3A_1536 : i32 to index
        %parallel_loop3A_1538 = arith.index_cast %parallel_loop3A_1135 : i32 to index
        %parallel_loop3A_1539 = arith.constant 0 : index
        %parallel_loop3A_1540 = tpu.vector_load %arg9[%parallel_loop3A_1537, %parallel_loop3A_1538, %parallel_loop3A_1539] {strides = array<i32>} : memref<2x512x32xf32, #tpu.memory_space<vmem>>, vector<16xf32>,
        tpu.vector_store %arg9[%parallel_loop3A_1537, %parallel_loop3A_1538, %parallel_loop3A_1539], %parallel_loop3A_1454 {strides = array<i32>} : memref<2x512x32xf32, #tpu.memory_space<vmem>>, vector<16xf32>,
        %parallel_loop3A_1541 = arith.constant 1 : i32
        %parallel_loop3A_1542 = arith.index_cast %parallel_loop3A_1541 : i32 to index
        %parallel_loop3A_1543 = arith.index_cast %parallel_loop3A_1135 : i32 to index
        %parallel_loop3A_1544 = arith.constant 16 : index
        %parallel_loop3A_1545 = tpu.vector_load %arg9[%parallel_loop3A_1542, %parallel_loop3A_1543, %parallel_loop3A_1544] {strides = array<i32>} : memref<2x512x32xf32, #tpu.memory_space<vmem>>, vector<16xf32>,
        tpu.vector_store %arg9[%parallel_loop3A_1542, %parallel_loop3A_1543, %parallel_loop3A_1544], %parallel_loop3A_1461 {strides = array<i32>} : memref<2x512x32xf32, #tpu.memory_space<vmem>>, vector<16xf32>,
        %parallel_loop3A_1546 = arith.constant 1 : i32
        %parallel_loop3A_1547 = arith.index_cast %parallel_loop3A_1546 : i32 to index
        %parallel_loop3A_1548 = arith.index_cast %parallel_loop3A_1139 : i32 to index
        %parallel_loop3A_1549 = arith.constant 0 : index
        %parallel_loop3A_1550 = tpu.vector_load %arg9[%parallel_loop3A_1547, %parallel_loop3A_1548, %parallel_loop3A_1549] {strides = array<i32>} : memref<2x512x32xf32, #tpu.memory_space<vmem>>, vector<16xf32>,
        tpu.vector_store %arg9[%parallel_loop3A_1547, %parallel_loop3A_1548, %parallel_loop3A_1549], %parallel_loop3A_1468 {strides = array<i32>} : memref<2x512x32xf32, #tpu.memory_space<vmem>>, vector<16xf32>,
        %parallel_loop3A_1551 = arith.constant 1 : i32
        %parallel_loop3A_1552 = arith.index_cast %parallel_loop3A_1551 : i32 to index
        %parallel_loop3A_1553 = arith.index_cast %parallel_loop3A_1139 : i32 to index
        %parallel_loop3A_1554 = arith.constant 16 : index
        %parallel_loop3A_1555 = tpu.vector_load %arg9[%parallel_loop3A_1552, %parallel_loop3A_1553, %parallel_loop3A_1554] {strides = array<i32>} : memref<2x512x32xf32, #tpu.memory_space<vmem>>, vector<16xf32>,
        tpu.vector_store %arg9[%parallel_loop3A_1552, %parallel_loop3A_1553, %parallel_loop3A_1554], %parallel_loop3A_1475 {strides = array<i32>} : memref<2x512x32xf32, #tpu.memory_space<vmem>>, vector<16xf32>,
      } {sc.loop_unroll_factor = 2 : i64, sc.parallel_access}
      %mul3A_235 = arith.constant 4 : i32
      %mul3A_236 = arith.muli %add3A_211, %mul3A_235 : i32
      %add3A_237 = arith.addi %mul3A_18, %mul3A_236 : i32
      %mul3A_238 = arith.constant 128 : i32
      %mul3A_239 = arith.muli %add3A_237, %mul3A_238 : i32
      %dma_start3A_240 = arith.constant 1 : i32
      %dma_start3A_241 = arith.constant 0 : i32
      %dma_start3A_242 = arith.constant 0 : i32
      %dma_start3A_243 = tpu.memref_slice %arg9[%dma_start3A_240, %dma_start3A_241, %dma_start3A_242] : memref<2x512x32xf32, #tpu.memory_space<vmem>> -> memref<1x512x32xf32, #tpu.memory_space<vmem>>
      %dma_start3A_244 = tpu.memref_squeeze %dma_start3A_243 : memref<1x512x32xf32, #tpu.memory_space<vmem>> -> memref<512x32xf32, #tpu.memory_space<vmem>>
      %dma_start3A_245 = arith.constant 0 : i32
      %dma_start3A_246 = tpu.memref_slice %arg6[%mul3A_239, %dma_start3A_245] : memref<819200x32xf32, #tpu.memory_space<hbm>> -> memref<512x32xf32, #tpu.memory_space<hbm>>
      %dma_start3A_247 = arith.constant 0 : i32
      %dma_start3A_248 = tpu.memref_slice %arg6[%mul3A_239, %dma_start3A_247] : memref<819200x32xf32, #tpu.memory_space<hbm>> -> memref<512x32xf32, #tpu.memory_space<hbm>>
      %dma_start3A_249 = arith.constant 0 : i32
      %dma_start3A_250 = arith.constant 0 : i32
      %dma_start3A_251 = tpu.memref_slice %arg9[%dma_start3A_240, %dma_start3A_249, %dma_start3A_250] : memref<2x512x32xf32, #tpu.memory_space<vmem>> -> memref<1x512x32xf32, #tpu.memory_space<vmem>>
      %dma_start3A_252 = tpu.memref_squeeze %dma_start3A_251 : memref<1x512x32xf32, #tpu.memory_space<vmem>> -> memref<512x32xf32, #tpu.memory_space<vmem>>
      tpu.enqueue_dma source(%dma_start3A_252 : memref<512x32xf32, #tpu.memory_space<vmem>>) target(%dma_start3A_248 : memref<512x32xf32, #tpu.memory_space<hbm>>) target_semaphore(%arg14 : memref<!tpu.dma_semaphore, #tpu.memory_space<semaphore_mem>>)
      %lt3A_253 = arith.constant 24 : i32
      %lt3A_254 = arith.cmpi slt, %scan3A_162, %lt3A_253 : i32
      %convert_element_type3A_255 = arith.extui %lt3A_254 : i1 to i32
      %cond3A_256 = arith.constant 0 : i32
      %cond3A_257 = arith.cmpi ne, %convert_element_type3A_255, %cond3A_256 : i32
      scf.if %cond3A_257 {
        %add3A_258 = arith.constant 2 : i32
        %add3A_259 = arith.addi %add3A_211, %add3A_258 : i32
        %mul3A_260 = arith.constant 4 : i32
        %mul3A_261 = arith.muli %add3A_259, %mul3A_260 : i32
        %add3A_262 = arith.addi %mul3A_18, %mul3A_261 : i32
        %run_scoped3A_263 = arith.constant 1 : i32
        "tpu.region"() ({
          %run_scoped3A_316 = tpu.sem_alloc : memref<!tpu.dma_semaphore, #tpu.memory_space<semaphore_mem>>
          %dma_start3A_317 = arith.constant 0 : i32
          %dma_start3A_318 = arith.constant 0 : i32
          %dma_start3A_319 = tpu.memref_slice %arg7[%run_scoped3A_263, %dma_start3A_317, %dma_start3A_318] : memref<2x4x128xi32, #tpu.memory_space<vmem>> -> memref<1x4x128xi32, #tpu.memory_space<vmem>>
          %dma_start3A_320 = tpu.memref_squeeze %dma_start3A_319 : memref<1x4x128xi32, #tpu.memory_space<vmem>> -> memref<4x128xi32, #tpu.memory_space<vmem>>
          %dma_start3A_321 = arith.constant 0 : i32
          %dma_start3A_322 = tpu.memref_slice %arg2[%add3A_262, %dma_start3A_321] : memref<6400x128xi32, #tpu.memory_space<hbm>> -> memref<4x128xi32, #tpu.memory_space<hbm>>
          %dma_start3A_323 = arith.constant 0 : i32
          %dma_start3A_324 = arith.constant 0 : i32
          %dma_start3A_325 = tpu.memref_slice %arg7[%run_scoped3A_263, %dma_start3A_323, %dma_start3A_324] : memref<2x4x128xi32, #tpu.memory_space<vmem>> -> memref<1x4x128xi32, #tpu.memory_space<vmem>>
          %dma_start3A_326 = tpu.memref_squeeze %dma_start3A_325 : memref<1x4x128xi32, #tpu.memory_space<vmem>> -> memref<4x128xi32, #tpu.memory_space<vmem>>
          %dma_start3A_327 = arith.constant 0 : i32
          %dma_start3A_328 = tpu.memref_slice %arg2[%add3A_262, %dma_start3A_327] : memref<6400x128xi32, #tpu.memory_space<hbm>> -> memref<4x128xi32, #tpu.memory_space<hbm>>
          tpu.enqueue_dma source(%dma_start3A_328 : memref<4x128xi32, #tpu.memory_space<hbm>>) target(%dma_start3A_326 : memref<4x128xi32, #tpu.memory_space<vmem>>) target_semaphore(%run_scoped3A_316 : memref<!tpu.dma_semaphore, #tpu.memory_space<semaphore_mem>>)
          %dma_wait3A_329 = arith.constant 0 : i32
          %dma_wait3A_330 = arith.constant 0 : i32
          %dma_wait3A_331 = tpu.memref_slice %arg7[%run_scoped3A_263, %dma_wait3A_329, %dma_wait3A_330] : memref<2x4x128xi32, #tpu.memory_space<vmem>> -> memref<1x4x128xi32, #tpu.memory_space<vmem>>
          %dma_wait3A_332 = tpu.memref_squeeze %dma_wait3A_331 : memref<1x4x128xi32, #tpu.memory_space<vmem>> -> memref<4x128xi32, #tpu.memory_space<vmem>>
          %dma_wait3A_333 = arith.constant 0 : i32
          %dma_wait3A_334 = tpu.memref_slice %arg2[%add3A_262, %dma_wait3A_333] : memref<6400x128xi32, #tpu.memory_space<hbm>> -> memref<4x128xi32, #tpu.memory_space<hbm>>
          %dma_wait3A_335 = arith.constant 0 : i32
          %dma_wait3A_336 = arith.constant 0 : i32
          %dma_wait3A_337 = tpu.memref_slice %arg7[%run_scoped3A_263, %dma_wait3A_335, %dma_wait3A_336] : memref<2x4x128xi32, #tpu.memory_space<vmem>> -> memref<1x4x128xi32, #tpu.memory_space<vmem>>
          %dma_wait3A_338 = tpu.memref_squeeze %dma_wait3A_337 : memref<1x4x128xi32, #tpu.memory_space<vmem>> -> memref<4x128xi32, #tpu.memory_space<vmem>>
          %dma_wait3A_339 = arith.constant 0 : i32
          %dma_wait3A_340 = tpu.memref_slice %arg2[%add3A_262, %dma_wait3A_339] : memref<6400x128xi32, #tpu.memory_space<hbm>> -> memref<4x128xi32, #tpu.memory_space<hbm>>
          tpu.wait_dma2 semaphore(%run_scoped3A_316 : memref<!tpu.dma_semaphore, #tpu.memory_space<semaphore_mem>>) src(%dma_wait3A_340 : memref<4x128xi32, #tpu.memory_space<hbm>>) dst(%dma_wait3A_338 : memref<4x128xi32, #tpu.memory_space<vmem>>)
          tpu.yield
        }) : () -> ()
        %dma_start3A_264 = arith.constant 1 : i32
        %dma_start3A_265 = arith.constant 0 : i32
        %dma_start3A_266 = arith.constant 1 : i32
        %dma_start3A_267 = arith.constant 0 : i32
        %dma_start3A_268 = arith.constant 0 : i32
        %dma_start3A_269 = tpu.memref_slice %arg8[%dma_start3A_266, %dma_start3A_267, %dma_start3A_268] : memref<2x512x32xf32, #tpu.memory_space<vmem>> -> memref<1x128x32xf32, #tpu.memory_space<vmem>>
        %dma_start3A_270 = tpu.memref_squeeze %dma_start3A_269 : memref<1x128x32xf32, #tpu.memory_space<vmem>> -> memref<128x32xf32, #tpu.memory_space<vmem>>
        %dma_start3A_271 = arith.constant 0 : i32
        %dma_start3A_272 = tpu.memref_slice %arg7[%dma_start3A_264, %dma_start3A_265, %dma_start3A_271] : memref<2x4x128xi32, #tpu.memory_space<vmem>> -> memref<1x1x128xi32, #tpu.memory_space<vmem>>
        %dma_start3A_273 = tpu.memref_squeeze %dma_start3A_272 : memref<1x1x128xi32, #tpu.memory_space<vmem>> -> memref<128xi32, #tpu.memory_space<vmem>>
        %dma_start3A_274 = arith.constant 0 : i32
        %dma_start3A_275 = arith.constant 0 : i32
        %dma_start3A_276 = tpu.memref_slice %arg3[%dma_start3A_274, %dma_start3A_275] : memref<1000000x32xf32, #tpu.memory_space<hbm>> -> memref<1000000x32xf32, #tpu.memory_space<hbm>>
        tpu.enqueue_indirect_dma source(%dma_start3A_276 : memref<1000000x32xf32, #tpu.memory_space<hbm>>) target(%dma_start3A_270 : memref<128x32xf32, #tpu.memory_space<vmem>>) offsets(%dma_start3A_273 : memref<128xi32, #tpu.memory_space<vmem>>) semaphore(%arg12 : memref<!tpu.dma_semaphore, #tpu.memory_space<semaphore_mem>>)
        %dma_start3A_277 = arith.constant 1 : i32
        %dma_start3A_278 = arith.constant 1 : i32
        %dma_start3A_279 = arith.constant 1 : i32
        %dma_start3A_280 = arith.constant 128 : i32
        %dma_start3A_281 = arith.constant 0 : i32
        %dma_start3A_282 = tpu.memref_slice %arg8[%dma_start3A_279, %dma_start3A_280, %dma_start3A_281] : memref<2x512x32xf32, #tpu.memory_space<vmem>> -> memref<1x128x32xf32, #tpu.memory_space<vmem>>
        %dma_start3A_283 = tpu.memref_squeeze %dma_start3A_282 : memref<1x128x32xf32, #tpu.memory_space<vmem>> -> memref<128x32xf32, #tpu.memory_space<vmem>>
        %dma_start3A_284 = arith.constant 0 : i32
        %dma_start3A_285 = tpu.memref_slice %arg7[%dma_start3A_277, %dma_start3A_278, %dma_start3A_284] : memref<2x4x128xi32, #tpu.memory_space<vmem>> -> memref<1x1x128xi32, #tpu.memory_space<vmem>>
        %dma_start3A_286 = tpu.memref_squeeze %dma_start3A_285 : memref<1x1x128xi32, #tpu.memory_space<vmem>> -> memref<128xi32, #tpu.memory_space<vmem>>
        %dma_start3A_287 = arith.constant 0 : i32
        %dma_start3A_288 = arith.constant 0 : i32
        %dma_start3A_289 = tpu.memref_slice %arg3[%dma_start3A_287, %dma_start3A_288] : memref<1000000x32xf32, #tpu.memory_space<hbm>> -> memref<1000000x32xf32, #tpu.memory_space<hbm>>
        tpu.enqueue_indirect_dma source(%dma_start3A_289 : memref<1000000x32xf32, #tpu.memory_space<hbm>>) target(%dma_start3A_283 : memref<128x32xf32, #tpu.memory_space<vmem>>) offsets(%dma_start3A_286 : memref<128xi32, #tpu.memory_space<vmem>>) semaphore(%arg12 : memref<!tpu.dma_semaphore, #tpu.memory_space<semaphore_mem>>)
        %dma_start3A_290 = arith.constant 1 : i32
        %dma_start3A_291 = arith.constant 2 : i32
        %dma_start3A_292 = arith.constant 1 : i32
        %dma_start3A_293 = arith.constant 256 : i32
        %dma_start3A_294 = arith.constant 0 : i32
        %dma_start3A_295 = tpu.memref_slice %arg8[%dma_start3A_292, %dma_start3A_293, %dma_start3A_294] : memref<2x512x32xf32, #tpu.memory_space<vmem>> -> memref<1x128x32xf32, #tpu.memory_space<vmem>>
        %dma_start3A_296 = tpu.memref_squeeze %dma_start3A_295 : memref<1x128x32xf32, #tpu.memory_space<vmem>> -> memref<128x32xf32, #tpu.memory_space<vmem>>
        %dma_start3A_297 = arith.constant 0 : i32
        %dma_start3A_298 = tpu.memref_slice %arg7[%dma_start3A_290, %dma_start3A_291, %dma_start3A_297] : memref<2x4x128xi32, #tpu.memory_space<vmem>> -> memref<1x1x128xi32, #tpu.memory_space<vmem>>
        %dma_start3A_299 = tpu.memref_squeeze %dma_start3A_298 : memref<1x1x128xi32, #tpu.memory_space<vmem>> -> memref<128xi32, #tpu.memory_space<vmem>>
        %dma_start3A_300 = arith.constant 0 : i32
        %dma_start3A_301 = arith.constant 0 : i32
        %dma_start3A_302 = tpu.memref_slice %arg3[%dma_start3A_300, %dma_start3A_301] : memref<1000000x32xf32, #tpu.memory_space<hbm>> -> memref<1000000x32xf32, #tpu.memory_space<hbm>>
        tpu.enqueue_indirect_dma source(%dma_start3A_302 : memref<1000000x32xf32, #tpu.memory_space<hbm>>) target(%dma_start3A_296 : memref<128x32xf32, #tpu.memory_space<vmem>>) offsets(%dma_start3A_299 : memref<128xi32, #tpu.memory_space<vmem>>) semaphore(%arg12 : memref<!tpu.dma_semaphore, #tpu.memory_space<semaphore_mem>>)
        %dma_start3A_303 = arith.constant 1 : i32
        %dma_start3A_304 = arith.constant 3 : i32
        %dma_start3A_305 = arith.constant 1 : i32
        %dma_start3A_306 = arith.constant 384 : i32
        %dma_start3A_307 = arith.constant 0 : i32
        %dma_start3A_308 = tpu.memref_slice %arg8[%dma_start3A_305, %dma_start3A_306, %dma_start3A_307] : memref<2x512x32xf32, #tpu.memory_space<vmem>> -> memref<1x128x32xf32, #tpu.memory_space<vmem>>
        %dma_start3A_309 = tpu.memref_squeeze %dma_start3A_308 : memref<1x128x32xf32, #tpu.memory_space<vmem>> -> memref<128x32xf32, #tpu.memory_space<vmem>>
        %dma_start3A_310 = arith.constant 0 : i32
        %dma_start3A_311 = tpu.memref_slice %arg7[%dma_start3A_303, %dma_start3A_304, %dma_start3A_310] : memref<2x4x128xi32, #tpu.memory_space<vmem>> -> memref<1x1x128xi32, #tpu.memory_space<vmem>>
        %dma_start3A_312 = tpu.memref_squeeze %dma_start3A_311 : memref<1x1x128xi32, #tpu.memory_space<vmem>> -> memref<128xi32, #tpu.memory_space<vmem>>
        %dma_start3A_313 = arith.constant 0 : i32
        %dma_start3A_314 = arith.constant 0 : i32
        %dma_start3A_315 = tpu.memref_slice %arg3[%dma_start3A_313, %dma_start3A_314] : memref<1000000x32xf32, #tpu.memory_space<hbm>> -> memref<1000000x32xf32, #tpu.memory_space<hbm>>
        tpu.enqueue_indirect_dma source(%dma_start3A_315 : memref<1000000x32xf32, #tpu.memory_space<hbm>>) target(%dma_start3A_309 : memref<128x32xf32, #tpu.memory_space<vmem>>) offsets(%dma_start3A_312 : memref<128xi32, #tpu.memory_space<vmem>>) semaphore(%arg12 : memref<!tpu.dma_semaphore, #tpu.memory_space<semaphore_mem>>)
      } else {
      }
    }
    %scan3A_132 = arith.constant 25 : i32
    %dma_wait3A = arith.constant 0 : i32
    %dma_wait3A_133 = arith.constant 0 : i32
    %dma_wait3A_134 = arith.constant 0 : i32
    %dma_wait3A_135 = tpu.memref_slice %arg9[%dma_wait3A, %dma_wait3A_133, %dma_wait3A_134] : memref<2x512x32xf32, #tpu.memory_space<vmem>> -> memref<1x512x32xf32, #tpu.memory_space<vmem>>
    %dma_wait3A_136 = tpu.memref_squeeze %dma_wait3A_135 : memref<1x512x32xf32, #tpu.memory_space<vmem>> -> memref<512x32xf32, #tpu.memory_space<vmem>>
    %dma_wait3A_137 = arith.constant 0 : i32
    %dma_wait3A_138 = arith.constant 0 : i32
    %dma_wait3A_139 = tpu.memref_slice %arg6[%dma_wait3A_137, %dma_wait3A_138] : memref<819200x32xf32, #tpu.memory_space<hbm>> -> memref<512x32xf32, #tpu.memory_space<hbm>>
    %dma_wait3A_140 = arith.constant 0 : i32
    %dma_wait3A_141 = arith.constant 0 : i32
    %dma_wait3A_142 = tpu.memref_slice %arg6[%dma_wait3A_140, %dma_wait3A_141] : memref<819200x32xf32, #tpu.memory_space<hbm>> -> memref<512x32xf32, #tpu.memory_space<hbm>>
    %dma_wait3A_143 = arith.constant 0 : i32
    %dma_wait3A_144 = arith.constant 0 : i32
    %dma_wait3A_145 = tpu.memref_slice %arg9[%dma_wait3A, %dma_wait3A_143, %dma_wait3A_144] : memref<2x512x32xf32, #tpu.memory_space<vmem>> -> memref<1x512x32xf32, #tpu.memory_space<vmem>>
    %dma_wait3A_146 = tpu.memref_squeeze %dma_wait3A_145 : memref<1x512x32xf32, #tpu.memory_space<vmem>> -> memref<512x32xf32, #tpu.memory_space<vmem>>
    tpu.wait_dma2 semaphore(%arg13 : memref<!tpu.dma_semaphore, #tpu.memory_space<semaphore_mem>>) src(%dma_wait3A_146 : memref<512x32xf32, #tpu.memory_space<vmem>>) dst(%dma_wait3A_142 : memref<512x32xf32, #tpu.memory_space<hbm>>)
    %dma_wait3A_147 = arith.constant 1 : i32
    %dma_wait3A_148 = arith.constant 0 : i32
    %dma_wait3A_149 = arith.constant 0 : i32
    %dma_wait3A_150 = tpu.memref_slice %arg9[%dma_wait3A_147, %dma_wait3A_148, %dma_wait3A_149] : memref<2x512x32xf32, #tpu.memory_space<vmem>> -> memref<1x512x32xf32, #tpu.memory_space<vmem>>
    %dma_wait3A_151 = tpu.memref_squeeze %dma_wait3A_150 : memref<1x512x32xf32, #tpu.memory_space<vmem>> -> memref<512x32xf32, #tpu.memory_space<vmem>>
    %dma_wait3A_152 = arith.constant 0 : i32
    %dma_wait3A_153 = arith.constant 0 : i32
    %dma_wait3A_154 = tpu.memref_slice %arg6[%dma_wait3A_152, %dma_wait3A_153] : memref<819200x32xf32, #tpu.memory_space<hbm>> -> memref<512x32xf32, #tpu.memory_space<hbm>>
    %dma_wait3A_155 = arith.constant 0 : i32
    %dma_wait3A_156 = arith.constant 0 : i32
    %dma_wait3A_157 = tpu.memref_slice %arg6[%dma_wait3A_155, %dma_wait3A_156] : memref<819200x32xf32, #tpu.memory_space<hbm>> -> memref<512x32xf32, #tpu.memory_space<hbm>>
    %dma_wait3A_158 = arith.constant 0 : i32
    %dma_wait3A_159 = arith.constant 0 : i32
    %dma_wait3A_160 = tpu.memref_slice %arg9[%dma_wait3A_147, %dma_wait3A_158, %dma_wait3A_159] : memref<2x512x32xf32, #tpu.memory_space<vmem>> -> memref<1x512x32xf32, #tpu.memory_space<vmem>>
    %dma_wait3A_161 = tpu.memref_squeeze %dma_wait3A_160 : memref<1x512x32xf32, #tpu.memory_space<vmem>> -> memref<512x32xf32, #tpu.memory_space<vmem>>
    tpu.wait_dma2 semaphore(%arg14 : memref<!tpu.dma_semaphore, #tpu.memory_space<semaphore_mem>>) src(%dma_wait3A_161 : memref<512x32xf32, #tpu.memory_space<vmem>>) dst(%dma_wait3A_157 : memref<512x32xf32, #tpu.memory_space<hbm>>)
    return
  }
}

</mosaic_0001>

<sc_bundles>
// kernel: kernel.3.cloned.1.call-start
scs
__scs_entry_jumppad:
0x0: {  	(pc) =	sbr.rel $0x88, $3  }
0x1: {  	(tag) =	ssettag $0x0;
	lr =	simm.s32 $0x1  }
0x2: {  	[smem:$0x3F9D] =	sst lr;
	_ =	strace $0xD0000000  }
0x3: {  	_ = 	snop  }
0x4: {  	_ = 	snop  }
0x5: {  	_ = 	snop  }
0x6: {  	_ = 	snop  }
0x7: {  	_ = 	snop  }
__scs_overlays_trampoline_lowered:
0x8: {  	[smem:$0x3FAC] =	sst s0  }
0x9: {  	[smem:$0x3FAD] =	sst s1  }
0xa: {  	[smem:$0x3FAE] =	sst s2  }
0xb: {  	[smem:$0x3FAF] =	sst s3  }
0xc: {  	[smem:$0x3FB0] =	sst s4  }
0xd: {  	[smem:$0x3FB1] =	sst s5  }
0xe: {  	[smem:$0x3FB2] =	sst s6  }
0xf: {  	[smem:$0x3FB3] =	sst s7  }
0x10: {  	[smem:$0x3FB4] =	sst s8  }
0x11: {  	[smem:$0x3FB5] =	sst s9;
	s0 =	simm.s32 @!p0 $0x0  }
0x12: {  	s1 =	sld [smem:$0x3F9B];
	s0 =	simm.s32 @p0 $0x1  }
0x13: {  	[smem:$0x3FB6] =	sst s0;
	s0 =	simm.s32 @!p1 $0x0  }
0x14: {  	s2 =	sld [smem:$0x3F9A];
	s0 =	simm.s32 @p1 $0x1  }
0x15: {  	[smem:$0x3FB7] =	sst s0;
	s0 =	simm.s32 @!p2 $0x0  }
0x16: {  	s3 =	sld [smem:$0x3FDB];
	s0 =	simm.s32 @p2 $0x1  }
0x17: {  	s4 =	simm.s32 $0x1BF5;
	[smem:$0x3FB9] =	sst s0  }
0x18: {  	s0 =	sld [smem:$0x3F9C];
	_ =	swait.ge [sflag:s4], $0x0  }
0x19: {  	s7 =	sld [smem:$0x3F9D]  }
0x1a: {  	s8 =	sadd.s32 $0xFFFFE003, lr  }
0x1b: {  	s9 =	sadd.s32 $0xFFFFFEF7, lr;
	s5 =	simm.s32 $0xFFFFFFFF;
	p2 =	slt.u32 s8, $0xFFFFF086  }
0x1c: {  	p1 =	slt.u32 s9, $0xF7A;
	s5 =	simm.s32 @!p2 $0x0  }
0x1d: {  	s5 =	simm.s32 @p1 $0x1;
	p0 =	seq.s32 s7, s2  }
0x1e: {  	s7 =	smul.u32 @!p0 $0xF7A, s2;
	p2 =	seq.s32 @!p0 s5, $0x0  }
0x1f: {  	s9 =	smul.u32 $0xF7A, s1;
	s8 =	simm.s32 @!p0 $0x1BF5;
	p2 =	por !p2, p0  }
0x20: {  	[sflag:s8] =	ssyncset.s32 @!p0 $0xFFFFF086;
	s6 =	sadd.s32 @!p0 s3, s7;
	s7 =	simm.s32 @!p0 $0x108  }
0x21: {  	s3 =	sadd.s32 s3, s9;
	s6 =	sadd.s32 @!p0 $0x88, s6;
	s7 =	simm.s32 @p2 $0x1082  }
0x22: {  	[simem:s7], [sflag:s8] =	dma.local @!p0 [hbm:s6], $0xF7A  }
0x23: {  	s9 =	sor.u32 $0xD0000000, s2;
	s6 =	simm.s32 $0x108;
	_ =	swait.ge @!p0 [sflag:s8], $0x0  }
0x24: {  	s3 =	sadd.s32 $0x88, s3;
	s6 =	simm.s32 @!p1 $0x1082;
	[sflag:s4] =	ssyncset.s32 $0xFFFFF086  }
0x25: {  	[simem:s6], [sflag:s4] =	dma.local [hbm:s3], $0xF7A  }
0x26: {  	[smem:$0x3F9D] =	sst s1;
	(tag) =	ssettag s2;
	_ =	strace s9  }
0x27: {  	s1 =	sld [smem:$0x3FAD]  }
0x28: {  	s2 =	sld [smem:$0x3FAE]  }
0x29: {  	s4 =	sld [smem:$0x3FB0]  }
0x2a: {  	p0 =	seq.s32 s5, $0x0;
	s5 =	sld [smem:$0x3FB1]  }
0x2b: {  	s6 =	sld [smem:$0x3FB2]  }
0x2c: {  	s7 =	sld [smem:$0x3FB3]  }
0x2d: {  	s3 =	simm.s32 $0x108;
	s8 =	sld [smem:$0x3FB4]  }
0x2e: {  	s3 =	simm.s32 @!p0 $0x1082;
	s9 =	sld [smem:$0x3FB5]  }
0x2f: {  	lr =	sadd.s32 s0, s3;
	s0 =	sld [smem:$0x3FAC]  }
0x30: {  	s3 =	sld [smem:$0x3FAF]  }
0x31: {  	[smem:$0x3FB8] =	sst s10  }
0x32: {  	s10 =	sld [smem:$0x3FB6];
	_ =	sdelay $0x3  }
0x33: {  	p0 =	seq.s32 s10, $0x1;
	s10 =	sld [smem:$0x3FB8];
	_ =	sdelay $0x3  }
0x34: {  	[smem:$0x3FB8] =	sst s10  }
0x35: {  	s10 =	sld [smem:$0x3FB7];
	_ =	sdelay $0x3  }
0x36: {  	p1 =	seq.s32 s10, $0x1;
	s10 =	sld [smem:$0x3FB8];
	_ =	sdelay $0x3  }
0x37: {  	[smem:$0x3FB8] =	sst s10  }
0x38: {  	s10 =	sld [smem:$0x3FB9]  }
0x39: {  	_ = 	snop;
	(pc) =	sbr.ind lr, $3  }
0x3a: {  	_ = 	snop  }
0x3b: {  	_ = 	snop  }
0x3c: {  	p2 =	seq.s32 s10, $0x1;
	s10 =	sld [smem:$0x3FB8]  }
0x3d: {  	_ =	shalt  }
0x3e: {  	_ =	shalt  }
0x3f: {  	_ =	shalt  }
0x40: {  	_ =	shalt  }
0x41: {  	_ =	shalt  }
0x42: {  	_ =	shalt  }
0x43: {  	_ =	shalt  }
0x44: {  	_ =	shalt  }
0x45: {  	_ =	shalt  }
0x46: {  	_ =	shalt  }
0x47: {  	_ =	shalt  }
0x48: {  	_ =	shalt  }
0x49: {  	_ =	shalt  }
0x4a: {  	_ =	shalt  }
0x4b: {  	_ =	shalt  }
0x4c: {  	_ =	shalt  }
0x4d: {  	_ =	shalt  }
0x4e: {  	_ =	shalt  }
0x4f: {  	_ =	shalt  }
0x50: {  	_ =	shalt  }
0x51: {  	_ =	shalt  }
0x52: {  	_ =	shalt  }
0x53: {  	_ =	shalt  }
0x54: {  	_ =	shalt  }
0x55: {  	_ =	shalt  }
0x56: {  	_ =	shalt  }
0x57: {  	_ =	shalt  }
0x58: {  	_ =	shalt  }
0x59: {  	_ =	shalt  }
0x5a: {  	_ =	shalt  }
0x5b: {  	_ =	shalt  }
0x5c: {  	_ =	shalt  }
0x5d: {  	_ =	shalt  }
0x5e: {  	_ =	shalt  }
0x5f: {  	_ =	shalt  }
0x60: {  	_ =	shalt  }
0x61: {  	_ =	shalt  }
0x62: {  	_ =	shalt  }
0x63: {  	_ =	shalt  }
0x64: {  	_ =	shalt  }
0x65: {  	_ =	shalt  }
0x66: {  	_ =	shalt  }
0x67: {  	_ =	shalt  }
0x68: {  	_ =	shalt  }
0x69: {  	_ =	shalt  }
0x6a: {  	_ =	shalt  }
0x6b: {  	_ =	shalt  }
0x6c: {  	_ =	shalt  }
0x6d: {  	_ =	shalt  }
0x6e: {  	_ =	shalt  }
0x6f: {  	_ =	shalt  }
0x70: {  	_ =	shalt  }
0x71: {  	_ =	shalt  }
0x72: {  	_ =	shalt  }
0x73: {  	_ =	shalt  }
0x74: {  	_ =	shalt  }
0x75: {  	_ =	shalt  }
0x76: {  	_ =	shalt  }
0x77: {  	_ =	shalt  }
0x78: {  	_ =	shalt  }
0x79: {  	_ =	shalt  }
0x7a: {  	_ =	shalt  }
0x7b: {  	_ =	shalt  }
0x7c: {  	_ =	shalt  }
0x7d: {  	_ =	shalt  }
0x7e: {  	_ =	shalt  }
0x7f: {  	_ =	shalt  }
0x80: {  	_ =	shalt  }
0x81: {  	_ =	shalt  }
0x82: {  	_ =	shalt  }
0x83: {  	_ =	shalt  }
0x84: {  	_ =	shalt  }
0x85: {  	_ =	shalt  }
0x86: {  	_ =	shalt  }
0x87: {  	_ =	shalt  }
.Lfunc_end0:
.L_simem_size_0:
called_computation.1_lowered:
.L_overlay_start_0:
0x88: {  	s2 =	sld [smem:$0x3FD9]  }
0x89: {  	s3 =	sld [smem:$0x3FFE];
	_ =	sdelay $0x1  }
0x8a: {  	s1 =	srdreg.scid  }
0x8b: {  	s0 =	sand.u32 $0x1, s1  }
0x8c: {  	s17 =	sshll.u32 s0, $0xA;
	s2 =	sadd.s32 s3, s2  }
0x8d: {  	s2 =	sadd.s32 s2, s17  }
0x8e: {  	[smem:$0x3FC4] =	sst s2  }
0x8f: {  	_ = 	snop  }
0x90: {  	s2 =	sld [smem:$0x3FC7]  }
0x91: {  	s18 =	sld [smem:$0x3FC6]  }
0x92: {  	s4 =	sld [smem:$0x3FD0];
	(tm) =	ssettm $0x1  }
0x93: {  	s5 =	sld [smem:$0x3FFB];
	_ =	sdelay $0x3  }
0x94: {  	_ =	strace s5  }
0x95: {  	s5 =	sld [smem:$0x3FFC];
	_ =	sdelay $0x3  }
0x96: {  	_ =	strace s5  }
0x97: {  	s5 =	sld [smem:$0x3FFD];
	_ =	sdelay $0x3  }
0x98: {  	_ =	strace s5  }
0x99: {  	_ =	strace $0x8FFFFFFF  }
0x9a: {  	s19 =	sld [smem:$0x3FDB];
	_ =	sdelay $0x1  }
0x9b: {  	s6 =	simm.s32 $_scs_section_size  }
0x9c: {  	s7 =	simm.s32 $_size__tile_overlayer_lowered;
	s8 =	simm.s32 $_tile_overlayer_lowered  }
0x9d: {  	s22 =	simm.s32 $0x1BFF;
	s21 =	sshll.u32 s8, $0x1;
	s5 =	sadd.s32 s6, s19  }
0x9e: {  	s9 =	simm.s32 $0x0;
	s20 =	sshll.u32 s7, $0x1;
	s7 =	sadd.s32 s21, s5  }
0x9f: {  	[timem:s9], [sflag:s22] =	dma.local [hbm:s7], s20  }
0xa0: {  	_ =	swait.ge [sflag:s22], s20  }
0xa1: {  	s6 =	ssub.s32 $0x0, s20;
	[sflag:s22] =	ssyncset.done $0x0  }
0xa2: {  	[sflag:s22] =	ssyncadd.s32 s6;
	_ =	sdelay $0x1  }
0xa3: {  	s23 =	simm.s32 $0x1B8B  }
0xa4: {  	_ =	swait.ge [sflag:s23], $0x1  }
0xa5: {  	[sflag:s23] =	ssyncset.done $0x0  }
0xa6: {  	s25 =	simm.s32 $0x1B8E;
	s24 =	sld [smem:$0x3FFE];
	[sflag:s23] =	ssyncadd.s32 $0xFFFFFFFF  }
0xa7: {  	s26 =	simm.s32 $execute0_lowered;
	[smem:$0x3FD2] =	sst s25  }
0xa8: {  	s7 =	sshll.u32 s26, $0x1;
	_ =	strace $0x80000046;
	[dreg:$0x1] =	wrdreg $0xFFFFFFFF  }
0xa9: {  	s28 =	simm.s32 $_size_execute0_lowered;
	s5 =	sadd.s32 s5, s7;
	[dreg:$0x0] =	wrdreg $0x0  }
0xaa: {  	s7 =	sshll.u32 s28, $0x1;
	[dreg:$0x2] =	wrdreg s5  }
0xab: {  	[dreg:$0x3] =	wrdreg s7  }
0xac: {  	[dreg:$0x4] =	wrdreg $0xC0  }
0xad: {  	_ =	task [dreg:s9], $0x5FFFF  }
0xae: {  	[dreg:$0x1] =	wrdreg $0xFFFFFFFF  }
0xaf: {  	[dreg:$0x0] =	wrdreg $0x60  }
0xb0: {  	[dreg:$0x2] =	wrdreg s24  }
0xb1: {  	[dreg:$0x3] =	wrdreg s2  }
0xb2: {  	[dreg:$0x4] =	wrdreg s18  }
0xb3: {  	[dreg:$0x5] =	wrdreg s4  }
0xb4: {  	[dreg:$0x6] =	wrdreg $0x9  }
0xb5: {  	_ =	task.clear_ibuf [dreg:s9], $0x7FFFF;
	_ =	strace $0x90000046  }
0xb6: {  	s29 =	simm.s32 $0x9;
	_ =	strace $0x80000048  }
0xb7: {  	_ =	swait.ge [sflag:s29], $0x1  }
0xb8: {  	[sflag:s29] =	ssyncadd.s32 $0xFFFFFFFF  }
0xb9: {  	_ =	strace $0x90000048  }
0xba: {  	_ =	sfence  }
0xbb: {  	s30 =	sld [smem:$0x0];
	_ =	sdelay $0x2  }
0xbc: {  	s31 =	sshll.u32 s1, $0xD;
	s1 =	sshrl.u32 s1, $0x2  }
0xbd: {  	s3 =	sand.u32 $0x4000, s31;
	s1 =	sadd.s32 s1, s30  }
0xbe: {  	s0 =	sor.u32 s3, s0;
	s1 =	sshll.u32 s1, $0x11  }
0xbf: {  	s0 =	sor.u32 s1, s0  }
0xc0: {  	s0 =	sadd.s32 $0x8F2B, s0  }
0xc1: {  	[sflag:s0] =	ssyncadd.remote.s32 $0x1  }
0xc2: {  	_ =	sfence.sel $0xFFFF  }
0xc3: {  	[dreg:$0x0] =	wrdreg $0xFFFFFFFF;
	(pc) =	sbr.abs _section_cstart, $3  }
0xc4: {  	[dreg:$0x1] =	wrdreg $0xFFFFFFFF  }
0xc5: {  	_ =	task.clear_ibuf [dreg:s9], $0x2FFFF;
	_ =	strace $0x9FFFFFFF  }
0xc6: {  	(tm) =	ssettm $0x7FFFFFFF  }
0xc7: {  	_ =	shalt  }
tec
execute0_lowered:
.L_overlay_start_1:
0x0: {  	(tag) =	ssettag $0x1  }
0x1: {  	s0 =	rddreg [dreg:$0x0]  }
0x2: {  	s1 =	srdreg.scid;
	s2 =	stileid.u32  }
0x3: {  	s4 =	rddreg [dreg:$0x3];
	s5 =	simm.s32 $0x0;
	s16 =	simm.s32 $0x5  }
0x4: {  	s18 =	simm.s32 $0x80;
	s19 =	simm.s32 $0x400;
	s28 =	simm.s32 $0x280  }
0x5: {  	s29 =	simm.s32 $0x5400;
	s30 =	simm.s32 $0x300;
	s31 =	simm.s32 $0x6400  }
0x6: {  	s15 =	simm.s32 $0x2;
	s1 =	sand.u32 $0x1, s1;
	s2 =	sshll.u32 s2, $0x1  }
0x7: {  	s17 =	simm.s32 $0xC400;
	s21 =	simm.s32 $0x4;
	s2 =	sor.u32 s1, s2  }
0x8: {  	[smem:$0x7FF] =	sst s5;
	s6 =	sadd.s32 $0xA00, s0;
	s3 =	smul.u32 $0xC80, s2  }
0x9: {  	s8 =	sadd.s32 $0xF42E00, s0;
	s1 =	ssub.s32 $0x2, s1;
	s9 =	smul.u32 $0xC8, s2  }
0xa: {  	_ =	strace $0x80000047;
	s7 =	sshrl.u32 s1, $0x1;
	s10 =	smul.u32 $0xC8000, s2  }
0xb: {  	v0 =	vlaneseq.u32;
	v10 =	vimm.s32 $0x5;
	s2 =	simm.s32 $0x380;
	s25 =	ssub.s32 s1, s7;
	s1 =	simm.s32 $0x1  }
.Ltmp0:
0xc: {  	v9 =	vimm.s32 $0x1;
	v11 =	vimm.s32 $0x2;
	v12 =	vimm.s32 $0x3;
	s3 =	sadd.s32 s6, s3;
	s11 =	sadd.s32 $0x8, s9;
	(pc) =	sbr.rel .LBB2_1-.Ltmp0, $4  }
0xd: {  	v13 =	vimm.s32 $0x4;
	v14 =	vimm.s32 $0x6;
	v15 =	vimm.s32 $0x7;
	s12 =	sor.u32 $0x4, s9;
	s13 =	sadd.s32 $0xC, s9;
	s0 =	smax.u32 s25, $0x1  }
0xe: {  	v63 =	vimm.s32 $0x8;
	v50 =	vimm.s32 $0x9;
	v51 =	vimm.s32 $0xB;
	s25 =	simm.s32 $0x200;
	s9 =	simm.s32 $0x0;
	[dreg:$0x5] =	wrdreg s3  }
0xf: {  	v52 =	vimm.s32 $0xC;
	v53 =	vimm.s32 $0xD;
	v54 =	vimm.s32 $0xE;
	s26 =	sadd.s32 $0x40, s3;
	[dreg:$0x7] =	wrdreg s0;
	s0 =	simm.s32 $0x7400  }
0x10: {  	v48 =	vimm.s32 $0xF;
	v56 =	vimm.s32 $0x0;
	v8 =	vmul.u32 $0x20, v0;
	s3 =	simm.s32 $0x8400;
	[dreg:$0x6] =	wrdreg s26;
	s26 =	simm.s32 $0x4400  }
.LBB2_8:
0x11: {  	s7 =	simm.s32 $0x3  }
0x12: {  	_ =	swait.ge [sflag:s7], $0x4000  }
0x13: {  	[sflag:s7] =	ssyncset.done $0x0  }
0x14: {  	[sflag:s7] =	ssyncadd.s32 $0xFFFFC000  }
0x15: {  	_ =	swait.ge [sflag:s21], $0x4000  }
0x16: {  	s9 =	rddreg [dreg:$0x8]  }
0x17: {  	s24 =	rddreg [dreg:$0x7];
	s9 =	sadd.s32 $0x1, s9  }
0x18: {  	p0 =	sne.s32 s9, s24  }
.Ltmp1:
0x19: {  	_ = 	snop;
	(pc) =	sbr.rel @!p0 .LBB2_9-.Ltmp1, $3  }
0x1a: {  	_ =	sdelay $0x1  }
0x1b: {  	[sflag:s21] =	ssyncset.done $0x0  }
0x1c: {  	v53 =	vimm.s32 $0xD;
	v54 =	vimm.s32 $0xE;
	v48 =	vimm.s32 $0xF;
	[sflag:s21] =	ssyncadd.s32 $0xFFFFC000  }
.LBB2_1:
0x1d: {  	[dreg:$0x8] =	wrdreg s9  }
0x1e: {  	s7 =	rddreg [dreg:$0x1];
	s20 =	simm.s32 $0x10400  }
0x1f: {  	[tilespmem:s20], [sflag:$0x5] =	stream.linear.gather [hbm4b:s7+s5], $0x20, $0x38;
	[tilespmem:$0x10440] =	vst v63  }
0x20: {  	_ =	swait.ge [sflag:s16], $0x20  }
0x21: {  	[sflag:s16] =	ssyncset.done $0x0  }
0x22: {  	[sflag:s16] =	ssyncadd.s32 $0xFFFFFFE0  }
0x23: {  	s23 =	simm.s32 $0x10420;
	s22 =	rddreg [dreg:$0x2]  }
0x24: {  	[tilespmem:s23], [sflag:$0x5] =	stream.linear.gather [hbm4b:s22+s5], $0x20, $0x38;
	[tilespmem:$0x10440] =	vst v63  }
0x25: {  	_ =	swait.ge [sflag:s16], $0x20  }
0x26: {  	[sflag:s16] =	ssyncset.done $0x0  }
0x27: {  	[sflag:s16] =	ssyncadd.s32 $0xFFFFFFE0  }
0x28: {  	v17 =	vld [tilespmem:$0x10400]  }
0x29: {  	v18 =	vld [tilespmem:$0x10410]  }
0x2a: {  	s24 =	rddreg [dreg:$0x5];
	v19 =	vld [tilespmem:$0x10420]  }
0x2b: {  	v20 =	vld [tilespmem:$0x10430];
	[tilespmem:s5], [sflag:$0x5] =	stream.linear.gather [hbm4b:s24+s5], $0x200, $0x38  }
0x2c: {  	_ =	swait.ge [sflag:s16], $0x200  }
0x2d: {  	[sflag:s16] =	ssyncset.done $0x0  }
0x2e: {  	[sflag:s16] =	ssyncadd.s32 $0xFFFFFE00  }
0x2f: {  	[tilespmem:s19], [sflag:$0x1] =	stream.indirect.gather [hbm4b:s8+s18], $0x20, s5, s18, $0xb8;
	[tilespmem:$0x10440] =	vst v63  }
0x30: {  	s9 =	simm.s32 $0x1400  }
0x31: {  	[tilespmem:s9], [sflag:$0x1] =	stream.indirect.gather [hbm4b:s8+s18], $0x20, s18, s18, $0xb8;
	[tilespmem:$0x10440] =	vst v63  }
0x32: {  	s14 =	simm.s32 $0x100;
	s20 =	simm.s32 $0x2400  }
0x33: {  	[tilespmem:s20], [sflag:$0x1] =	stream.indirect.gather [hbm4b:s8+s18], $0x20, s14, s18, $0xb8;
	[tilespmem:$0x10440] =	vst v63  }
0x34: {  	s22 =	simm.s32 $0x180;
	s23 =	simm.s32 $0x3400  }
0x35: {  	[tilespmem:s23], [sflag:$0x1] =	stream.indirect.gather [hbm4b:s8+s18], $0x20, s22, s18, $0xb8;
	[tilespmem:$0x10440] =	vst v63  }
0x36: {  	s24 =	rddreg [dreg:$0x6]  }
0x37: {  	[tilespmem:s25], [sflag:$0x5] =	stream.linear.gather [hbm4b:s24+s5], $0x200, $0x38;
	[tilespmem:$0x10440] =	vst v63  }
0x38: {  	_ =	swait.ge [sflag:s16], $0x200  }
0x39: {  	[sflag:s16] =	ssyncset.done $0x0  }
0x3a: {  	[sflag:s16] =	ssyncadd.s32 $0xFFFFFE00  }
0x3b: {  	[tilespmem:s26], [sflag:$0x2] =	stream.indirect.gather [hbm4b:s8+s18], $0x20, s25, s18, $0xb8;
	[tilespmem:$0x10440] =	vst v63  }
0x3c: {  	_ = 	snop  }
0x3d: {  	[tilespmem:s29], [sflag:$0x2] =	stream.indirect.gather [hbm4b:s8+s18], $0x20, s28, s18, $0xb8;
	[tilespmem:$0x10440] =	vst v63  }
0x3e: {  	_ = 	snop  }
0x3f: {  	[tilespmem:s31], [sflag:$0x2] =	stream.indirect.gather [hbm4b:s8+s18], $0x20, s30, s18, $0xb8;
	[tilespmem:$0x10440] =	vst v63  }
0x40: {  	s23 =	simm.s32 $0x0  }
0x41: {  	[tilespmem:s0], [sflag:$0x2] =	stream.indirect.gather [hbm4b:s8+s18], $0x20, s2, s18, $0xb8;
	[tilespmem:$0x10440] =	vst v63  }
.LBB2_2:
0x42: {  	p0 =	seq.s32 s23, $0x0  }
0x43: {  	s7 =	simm.s32 @!p0 $0x3  }
0x44: {  	_ =	swait.ge @!p0 [sflag:s7], $0x4000  }
0x45: {  	[sflag:s7] =	ssyncset.done @!p0 $0x0  }
0x46: {  	[sflag:s7] =	ssyncadd.s32 @!p0 $0xFFFFC000  }
0x47: {  	s24 =	sshll.u32 s23, $0x3;
	_ =	swait.ge [sflag:s1], $0x4000  }
0x48: {  	s9 =	simm.s32 $0xFFFFFFFE;
	s14 =	simm.s32 $0x0;
	[sflag:s1] =	ssyncset.done $0x0  }
0x49: {  	s20 =	simm.s32 $0x600;
	s7 =	simm.s32 $0x8600;
	[sflag:s1] =	ssyncadd.s32 $0xFFFFC000  }
.LBB2_3:
0x4a: {  	v21 =	vmov s14  }
0x4b: {  	v21 =	vshll.u32 v21, $0x5  }
0x4c: {  	v21 =	vor.u32 v8, v21  }
0x4d: {  	v22 =	vor.u32 $0x1, v21;
	_ =	sdelay $0x1  }
0x4e: {  	v23 =	vor.u32 $0x2, v21;
	_ =	sdelay $0x1  }
0x4f: {  	v25 =	vor.u32 $0x3, v21;
	v24 =	vld.idx.msk [tilespmem:v21+s19+$0x0], $0xffff  }
0x50: {  	v22 =	vld.idx.msk [tilespmem:v22+s19+$0x0], $0xffff  }
0x51: {  	v26 =	vor.u32 $0x4, v21  }
0x52: {  	v23 =	vld.idx.msk [tilespmem:v23+s19+$0x0], $0xffff  }
0x53: {  	v27 =	vor.u32 $0x5, v21  }
0x54: {  	v25 =	vld.idx.msk [tilespmem:v25+s19+$0x0], $0xffff;
	v28 =	vadd.f32 $0.0e+00, v24  }
0x55: {  	v30 =	vor.u32 $0x6, v21;
	v24 =	vmul.f32 v24, v24;
	v29 =	vmul.f32 v22, v22  }
0x56: {  	v26 =	vld.idx.msk [tilespmem:v26+s19+$0x0], $0xffff;
	v22 =	vadd.f32 v22, v28  }
0x57: {  	v39 =	vor.u32 $0x7, v21;
	v38 =	vmul.f32 v23, v23;
	v24 =	vadd.f32 v29, v24  }
0x58: {  	v22 =	vadd.f32 v23, v22;
	v23 =	vld.idx.msk [tilespmem:v27+s19+$0x0], $0xffff  }
0x59: {  	v41 =	vor.u32 $0x8, v21;
	v40 =	vmul.f32 v25, v25;
	v24 =	vadd.f32 v38, v24  }
0x5a: {  	v42 =	vld.idx.msk [tilespmem:v30+s19+$0x0], $0xffff;
	v22 =	vadd.f32 v25, v22  }
0x5b: {  	v44 =	vor.u32 $0x9, v21;
	v43 =	vmul.f32 v26, v26;
	v24 =	vadd.f32 v40, v24  }
0x5c: {  	v45 =	vld.idx.msk [tilespmem:v39+s19+$0x0], $0xffff;
	v22 =	vadd.f32 v26, v22  }
0x5d: {  	v47 =	vor.u32 $0xA, v21;
	v24 =	vadd.f32 v43, v24;
	v46 =	vmul.f32 v23, v23  }
0x5e: {  	v22 =	vadd.f32 v23, v22;
	v23 =	vld.idx.msk [tilespmem:v41+s19+$0x0], $0xffff  }
0x5f: {  	v55 =	vor.u32 $0xB, v21;
	v49 =	vmul.f32 v42, v42;
	v24 =	vadd.f32 v46, v24  }
0x60: {  	v57 =	vld.idx.msk [tilespmem:v44+s19+$0x0], $0xffff;
	v22 =	vadd.f32 v42, v22  }
0x61: {  	v59 =	vor.u32 $0xC, v21;
	v58 =	vmul.f32 v45, v45;
	v24 =	vadd.f32 v49, v24  }
0x62: {  	v60 =	vld.idx.msk [tilespmem:v47+s19+$0x0], $0xffff;
	v22 =	vadd.f32 v45, v22  }
0x63: {  	v62 =	vor.u32 $0xD, v21;
	v24 =	vadd.f32 v58, v24;
	v61 =	vmul.f32 v23, v23  }
0x64: {  	v22 =	vadd.f32 v23, v22;
	v23 =	vld.idx.msk [tilespmem:v55+s19+$0x0], $0xffff  }
0x65: {  	v1 =	vor.u32 $0xE, v21;
	v0 =	vmul.f32 v57, v57;
	v24 =	vadd.f32 v61, v24  }
0x66: {  	v2 =	vld.idx.msk [tilespmem:v59+s19+$0x0], $0xffff;
	v22 =	vadd.f32 v57, v22  }
0x67: {  	v4 =	vor.u32 $0xF, v21;
	v3 =	vmul.f32 v60, v60;
	v24 =	vadd.f32 v0, v24  }
0x68: {  	v5 =	vld.idx.msk [tilespmem:v62+s19+$0x0], $0xffff;
	v22 =	vadd.f32 v60, v22  }
0x69: {  	v33 =	vor.u32 $0x10, v21;
	v24 =	vadd.f32 v3, v24;
	v32 =	vmul.f32 v23, v23  }
0x6a: {  	v22 =	vadd.f32 v23, v22;
	v23 =	vld.idx.msk [tilespmem:v1+s19+$0x0], $0xffff  }
0x6b: {  	v35 =	vor.u32 $0x11, v21;
	v34 =	vmul.f32 v2, v2;
	v24 =	vadd.f32 v32, v24  }
0x6c: {  	v36 =	vld.idx.msk [tilespmem:v4+s19+$0x0], $0xffff;
	v22 =	vadd.f32 v2, v22  }
0x6d: {  	v37 =	vmul.f32 v5, v5;
	v38 =	vor.u32 $0x12, v21;
	v24 =	vadd.f32 v34, v24  }
0x6e: {  	v39 =	vld.idx.msk [tilespmem:v33+s19+$0x0], $0xffff;
	v22 =	vadd.f32 v5, v22  }
0x6f: {  	v41 =	vor.u32 $0x13, v21;
	v24 =	vadd.f32 v37, v24;
	v40 =	vmul.f32 v23, v23  }
0x70: {  	v22 =	vadd.f32 v23, v22;
	v23 =	vld.idx.msk [tilespmem:v35+s19+$0x0], $0xffff  }
0x71: {  	v43 =	vor.u32 $0x14, v21;
	v42 =	vmul.f32 v36, v36;
	v24 =	vadd.f32 v40, v24  }
0x72: {  	v44 =	vld.idx.msk [tilespmem:v38+s19+$0x0], $0xffff;
	v22 =	vadd.f32 v36, v22  }
0x73: {  	v46 =	vor.u32 $0x15, v21;
	v45 =	vmul.f32 v39, v39;
	v24 =	vadd.f32 v42, v24  }
0x74: {  	v47 =	vld.idx.msk [tilespmem:v41+s19+$0x0], $0xffff;
	v22 =	vadd.f32 v39, v22  }
0x75: {  	v55 =	vor.u32 $0x16, v21;
	v24 =	vadd.f32 v45, v24;
	v49 =	vmul.f32 v23, v23  }
0x76: {  	v22 =	vadd.f32 v23, v22;
	v23 =	vld.idx.msk [tilespmem:v43+s19+$0x0], $0xffff  }
0x77: {  	v57 =	vmul.f32 v44, v44;
	v24 =	vadd.f32 v49, v24  }
0x78: {  	v58 =	vor.u32 $0x17, v21;
	v59 =	vld.idx.msk [tilespmem:v46+s19+$0x0], $0xffff;
	v22 =	vadd.f32 v44, v22  }
0x79: {  	v61 =	vor.u32 $0x18, v21;
	v60 =	vmul.f32 v47, v47;
	v24 =	vadd.f32 v57, v24  }
0x7a: {  	v62 =	vld.idx.msk [tilespmem:v55+s19+$0x0], $0xffff;
	v22 =	vadd.f32 v47, v22  }
0x7b: {  	v24 =	vadd.f32 v60, v24;
	v0 =	vmul.f32 v23, v23  }
0x7c: {  	v1 =	vor.u32 $0x19, v21;
	v22 =	vadd.f32 v23, v22  }
0x7d: {  	v4 =	vor.u32 $0x1A, v21;
	v2 =	vmul.f32 v59, v59;
	v23 =	vld.idx.msk [tilespmem:v58+s19+$0x0], $0xffff;
	v24 =	vadd.f32 v0, v24  }
0x7e: {  	v3 =	vld.idx.msk [tilespmem:v61+s19+$0x0], $0xffff;
	v22 =	vadd.f32 v59, v22  }
0x7f: {  	v5 =	vmul.f32 v62, v62;
	v24 =	vadd.f32 v2, v24  }
0x80: {  	v33 =	vor.u32 $0x1B, v21;
	v22 =	vadd.f32 v62, v22  }
0x81: {  	v32 =	vld.idx.msk [tilespmem:v1+s19+$0x0], $0xffff;
	v24 =	vadd.f32 v5, v24  }
0x82: {  	v28 =	vld.idx.msk [tilespmem:v4+s19+$0x0], $0xffff;
	v34 =	vmul.f32 v23, v23;
	v22 =	vadd.f32 v23, v22;
	v23 =	vor.u32 $0x1C, v21  }
0x83: {  	v35 =	vmul.f32 v3, v3  }
0x84: {  	v36 =	vor.u32 $0x1D, v21;
	v24 =	vadd.f32 v34, v24;
	v22 =	vadd.f32 v3, v22  }
0x85: {  	v29 =	vld.idx.msk [tilespmem:v33+s19+$0x0], $0xffff;
	v38 =	vor.u32 $0x1E, v21  }
0x86: {  	v37 =	vmul.f32 v32, v32;
	v24 =	vadd.f32 v35, v24;
	v22 =	vadd.f32 v32, v22  }
0x87: {  	v39 =	vmul.f32 v28, v28;
	v23 =	vld.idx.msk [tilespmem:v23+s19+$0x0], $0xffff  }
0x88: {  	v21 =	vor.u32 $0x1F, v21;
	v24 =	vadd.f32 v37, v24;
	v22 =	vadd.f32 v28, v22  }
0x89: {  	v25 =	vld.idx.msk [tilespmem:v36+s19+$0x0], $0xffff  }
0x8a: {  	v40 =	vmul.f32 v29, v29;
	v24 =	vadd.f32 v39, v24;
	v22 =	vadd.f32 v29, v22  }
0x8b: {  	v26 =	vld.idx.msk [tilespmem:v38+s19+$0x0], $0xffff  }
0x8c: {  	v24 =	vadd.f32 v40, v24;
	v22 =	vadd.f32 v23, v22;
	v23 =	vmul.f32 v23, v23  }
0x8d: {  	v21 =	vld.idx.msk [tilespmem:v21+s19+$0x0], $0xffff  }
0x8e: {  	v41 =	vmul.f32 v25, v25;
	v23 =	vadd.f32 v23, v24;
	v22 =	vadd.f32 v25, v22;
	_ =	sdelay $0x1  }
0x8f: {  	v42 =	vmul.f32 v26, v26;
	v23 =	vadd.f32 v41, v23;
	v22 =	vadd.f32 v26, v22;
	_ =	sdelay $0x1  }
0x90: {  	v23 =	vadd.f32 v42, v23;
	v22 =	vadd.f32 v21, v22;
	v21 =	vmul.f32 v21, v21;
	_ =	sdelay $0x1  }
0x91: {  	v21 =	vadd.f32 v21, v23;
	v23 =	vmul.f32 $3.125000000e-02, v22;
	_ =	sdelay $0x1  }
0x92: {  	v21 =	vmul.f32 $3.125000000e-02, v21;
	v22 =	vmul.f32 v23, v23;
	_ =	sdelay $0x1  }
0x93: {  	v21 =	vsub.f32 v21, v22;
	_ =	sdelay $0x1  }
0x94: {  	v21 =	vmax.f32 v21, $0.0e+00  }
0x95: {  	v21 =	vadd.f32 $9.999999960e-13, v21;
	_ =	sdelay $0x1  }
0x96: {  	v22 =	vshra.s32 v21, $0x1;
	v21 =	vmul.f32 $5.000000000e-01, v21  }
0x97: {  	v22 =	vsub.s32 $0x5F3759DF, v22  }
0x98: {  	v43 =	vmul.f32 v22, v21;
	_ =	sdelay $0x1  }
0x99: {  	v24 =	vmul.f32 v22, v43;
	_ =	sdelay $0x1  }
0x9a: {  	v24 =	vsub.f32 $1.500000000e+00, v24;
	_ =	sdelay $0x1  }
0x9b: {  	v22 =	vmul.f32 v22, v24;
	_ =	sdelay $0x1  }
0x9c: {  	v21 =	vmul.f32 v22, v21;
	_ =	sdelay $0x1  }
0x9d: {  	v21 =	vmul.f32 v21, v22;
	_ =	sdelay $0x1  }
0x9e: {  	v21 =	vsub.f32 $1.500000000e+00, v21;
	_ =	sdelay $0x1  }
0x9f: {  	v31 =	vld [tilespmem:s20+$0xFFFFFE50];
	v22 =	vmul.f32 v21, v22  }
0xa0: {  	v33 =	vld [tilespmem:s20+$0xFFFFFE90]  }
0xa1: {  	v44 =	vld [tilespmem:s20+$0xFFFFFE00];
	v21 =	vmul.f32 v22, v23  }
0xa2: {  	v45 =	vld [tilespmem:s20+$0xFFFFFE10];
	v47 =	vperm.xlane v22, v56;
	v55 =	vperm.xlane v22, v9  }
0xa3: {  	v46 =	vld [tilespmem:s20+$0xFFFFFE20];
	v32 =	vperm.xlane v22, v11;
	v35 =	vperm.xlane v22, v12  }
0xa4: {  	v57 =	vld [tilespmem:s20+$0xFFFFFE40];
	v36 =	vperm.xlane v22, v13;
	v37 =	vperm.xlane v22, v10  }
0xa5: {  	v59 =	vld [tilespmem:s20+$0xFFFFFE60];
	v5 =	vperm.xlane v22, v14;
	v42 =	vperm.xlane v22, v15  }
0xa6: {  	v60 =	vld [tilespmem:s20+$0xFFFFFE70];
	v49 =	vperm.xlane v21, v56;
	v24 =	vmul.f32 v47, v44  }
0xa7: {  	v61 =	vld [tilespmem:s20+$0xFFFFFE80];
	v25 =	vmul.f32 v47, v45;
	v58 =	vperm.xlane v21, v9  }
0xa8: {  	v1 =	vld [tilespmem:s20+$0xFFFFFEA0];
	v26 =	vmul.f32 v55, v46;
	v34 =	vperm.xlane v21, v11  }
0xa9: {  	v2 =	vld [tilespmem:s20+$0xFFFFFEB0];
	v27 =	vmul.f32 v32, v57;
	v31 =	vmul.f32 v32, v31  }
0xaa: {  	v3 =	vld [tilespmem:s20+$0xFFFFFEC0];
	v62 =	vperm.xlane v21, v12;
	v28 =	vmul.f32 v35, v59  }
0xab: {  	v4 =	vld [tilespmem:s20+$0xFFFFFED0];
	v29 =	vmul.f32 v35, v60;
	v0 =	vperm.xlane v21, v13  }
0xac: {  	v38 =	vld [tilespmem:s20+$0xFFFFFEE0];
	v30 =	vmul.f32 v36, v61;
	v33 =	vmul.f32 v36, v33  }
0xad: {  	v39 =	vld [tilespmem:s20+$0xFFFFFEF0];
	v40 =	vperm.xlane v21, v10;
	v35 =	vmul.f32 v37, v1  }
0xae: {  	v23 =	vld [tilespmem:s20+$0xFFFFFE30];
	v36 =	vmul.f32 v37, v2;
	v41 =	vperm.xlane v21, v14;
	v24 =	vsub.f32 v24, v49  }
0xaf: {  	v32 =	vmul.f32 v5, v3;
	v25 =	vsub.f32 v25, v49;
	v26 =	vsub.f32 v26, v58  }
0xb0: {  	v44 =	vperm.xlane v21, v15;
	v27 =	vsub.f32 v27, v34;
	v31 =	vsub.f32 v31, v34  }
0xb1: {  	v38 =	vmul.f32 v42, v38;
	v28 =	vsub.f32 v28, v62;
	v29 =	vsub.f32 v29, v62  }
0xb2: {  	v39 =	vmul.f32 v42, v39;
	v30 =	vsub.f32 v30, v0;
	v33 =	vsub.f32 v33, v0  }
0xb3: {  	v35 =	vsub.f32 v35, v40;
	v34 =	vmul.f32 v5, v4;
	v23 =	vmul.f32 v55, v23  }
0xb4: {  	v36 =	vsub.f32 v36, v40;
	v24 =	vmul.f32 v24, v17;
	v25 =	vmul.f32 v25, v18  }
0xb5: {  	v32 =	vsub.f32 v32, v41;
	v26 =	vmul.f32 v26, v17;
	v27 =	vmul.f32 v27, v17  }
0xb6: {  	v38 =	vsub.f32 v38, v44;
	v31 =	vmul.f32 v31, v18;
	v28 =	vmul.f32 v28, v17  }
0xb7: {  	v37 =	vsub.f32 v39, v44;
	v29 =	vmul.f32 v29, v18;
	v30 =	vmul.f32 v30, v17  }
0xb8: {  	v33 =	vmul.f32 v33, v18;
	v34 =	vsub.f32 v34, v41;
	v35 =	vmul.f32 v35, v17  }
0xb9: {  	v36 =	vmul.f32 v36, v18;
	v32 =	vmul.f32 v32, v17;
	v23 =	vsub.f32 v23, v58  }
0xba: {  	v38 =	vmul.f32 v38, v17;
	v24 =	vadd.f32 v24, v19;
	v25 =	vadd.f32 v25, v20  }
0xbb: {  	v37 =	vmul.f32 v37, v18;
	v26 =	vadd.f32 v26, v19;
	v27 =	vadd.f32 v27, v19  }
0xbc: {  	v34 =	vmul.f32 v34, v18;
	v31 =	vadd.f32 v31, v20;
	v28 =	vadd.f32 v28, v19  }
0xbd: {  	v29 =	vadd.f32 v29, v20;
	v30 =	vadd.f32 v30, v19;
	v23 =	vmul.f32 v23, v18  }
0xbe: {  	v33 =	vadd.f32 v33, v20;
	v45 =	vmul.f32 $1.442695020e+00, v24;
	v46 =	vmul.f32 $1.442695020e+00, v25  }
0xbf: {  	v35 =	vadd.f32 v35, v19;
	v47 =	vmul.f32 $1.442695020e+00, v26;
	v55 =	vmul.f32 $1.442695020e+00, v27  }
0xc0: {  	v57 =	vmul.f32 $1.442695020e+00, v31;
	v58 =	vmul.f32 $1.442695020e+00, v28;
	v23 =	vadd.f32 v23, v20  }
0xc1: {  	v36 =	vadd.f32 v36, v20;
	v59 =	vmul.f32 $1.442695020e+00, v29;
	(erf) = vpow2.f32 v45  }
0xc2: {  	v32 =	vadd.f32 v32, v19;
	(erf) = vpow2.f32 v46;
	v49 =	vmul.f32 $1.442695020e+00, v23  }
0xc3: {  	v38 =	vadd.f32 v38, v19;
	v60 =	vmul.f32 $1.442695020e+00, v30;
	(erf) = vpow2.f32 v47  }
0xc4: {  	v37 =	vadd.f32 v37, v20;
	v61 =	vmul.f32 $1.442695020e+00, v33;
	(erf) = vpow2.f32 v49  }
0xc5: {  	v62 =	vmul.f32 $1.442695020e+00, v35;
	v34 =	vadd.f32 v34, v20;
	v0 =	vmul.f32 $1.442695020e+00, v36  }
0xc6: {  	v1 =	vmul.f32 $1.442695020e+00, v32;
	v5 =	vmul.f32 $1.442695020e+00, v38;
	vm0 =	vgt.f32 v24, $0.0e+00  }
0xc7: {  	vm14 =	vgt.f32 v25, $0.0e+00;
	vm15 =	vgt.f32 v26, $0.0e+00;
	vm5 =	vgt.f32 v27, $0.0e+00  }
0xc8: {  	vm6 =	vgt.f32 v31, $0.0e+00;
	vm7 =	vgt.f32 v28, $0.0e+00;
	(erf) = vpow2.f32 v55  }
0xc9: {  	vm1 =	vgt.f32 v29, $0.0e+00;
	vm8 =	vgt.f32 v30, $0.0e+00;
	(erf) = vpow2.f32 v57  }
0xca: {  	vm9 =	vgt.f32 v33, $0.0e+00;
	vm10 =	vgt.f32 v35, $0.0e+00;
	(erf) = vpow2.f32 v58;
	v2 =	vpop (erf)  }
0xcb: {  	vm11 =	vgt.f32 v36, $0.0e+00;
	vm12 =	vgt.f32 v32, $0.0e+00;
	(erf) = vpow2.f32 v59;
	v4 =	vpop (erf)  }
0xcc: {  	v3 =	vmul.f32 $1.442695020e+00, v34;
	vm13 =	vgt.f32 v34, $0.0e+00;
	(erf) = vpow2.f32 v60;
	v43 =	vpop (erf)  }
0xcd: {  	s22 =	sadd.s32 $0x10, s14;
	vm4 =	vgt.f32 v23, $0.0e+00;
	v49 =	vmul.f32 $1.442695020e+00, v37;
	(erf) = vpow2.f32 v61;
	v44 =	vpop (erf)  }
0xce: {  	v61 =	vmov s22;
	(erf) = vpow2.f32 v62;
	v59 =	vadd.f32 $-1.000000000e+00, v44  }
0xcf: {  	v55 =	vadd.f32 $-1.000000000e+00, v2;
	(erf) = vpow2.f32 v0;
	v57 =	vadd.f32 $-1.000000000e+00, v4  }
0xd0: {  	(erf) = vpow2.f32 v1;
	v40 =	vsel vm4, v23, v59;
	v23 =	vshll.u32 v61, $0x5  }
0xd1: {  	v24 =	vsel vm0, v24, v55;
	v58 =	vadd.f32 $-1.000000000e+00, v43;
	v23 =	vor.u32 v8, v23  }
0xd2: {  	(erf) = vpow2.f32 v3;
	v25 =	vsel vm14, v25, v57;
	v60 =	vpop (erf);
	v2 =	vor.u32 $0x1, v23  }
0xd3: {  	vm14 =	vgt.f32 v38, $0.0e+00;
	(erf) = vpow2.f32 v5;
	v62 =	vpop (erf);
	v41 =	vadd.f32 $-1.000000000e+00, v60  }
0xd4: {  	v26 =	vsel vm15, v26, v58;
	v0 =	vpop (erf);
	v42 =	vadd.f32 $-1.000000000e+00, v62;
	v5 =	vor.u32 $0x2, v23  }
0xd5: {  	[tilespmem:s7+$0xFFFFFE00] =	vst v24;
	vm15 =	vgt.f32 v37, $0.0e+00;
	(erf) = vpow2.f32 v49;
	v1 =	vpop (erf);
	v27 =	vsel vm5, v27, v41  }
0xd6: {  	[tilespmem:s7+$0xFFFFFE10] =	vst v25;
	v39 =	vadd.f32 $-1.000000000e+00, v0;
	v31 =	vsel vm6, v31, v42;
	v4 =	vpop (erf);
	v46 =	vor.u32 $0x3, v23;
	v58 =	vld.idx.msk [tilespmem:v23+s19+$0x0], $0xffff  }
0xd7: {  	[tilespmem:s7+$0xFFFFFE20] =	vst v26;
	v3 =	vadd.f32 $-1.000000000e+00, v1;
	v61 =	vor.u32 $0x4, v23;
	v45 =	vpop (erf);
	v49 =	vadd.f32 $-1.000000000e+00, v4;
	v41 =	vld.idx.msk [tilespmem:v2+s19+$0x0], $0xffff  }
0xd8: {  	[tilespmem:s7+$0xFFFFFE30] =	vst v40;
	v0 =	vor.u32 $0x5, v23;
	v28 =	vsel vm7, v28, v39;
	v55 =	vpop (erf);
	v57 =	vadd.f32 $-1.000000000e+00, v45  }
0xd9: {  	[tilespmem:s7+$0xFFFFFE40] =	vst v27;
	v29 =	vsel vm1, v29, v3;
	v47 =	vpop (erf);
	v30 =	vsel vm8, v30, v49;
	v59 =	vadd.f32 $-1.000000000e+00, v55;
	v44 =	vld.idx.msk [tilespmem:v5+s19+$0x0], $0xffff  }
0xda: {  	[tilespmem:s7+$0xFFFFFE50] =	vst v31;
	v49 =	vor.u32 $0x6, v23;
	v60 =	vpop (erf);
	v33 =	vsel vm9, v33, v57;
	v62 =	vadd.f32 $-1.000000000e+00, v47  }
0xdb: {  	[tilespmem:s7+$0xFFFFFE60] =	vst v28;
	v35 =	vsel vm10, v35, v59;
	v42 =	vadd.f32 $-1.000000000e+00, v60;
	v2 =	vld.idx.msk [tilespmem:v46+s19+$0x0], $0xffff;
	v1 =	vadd.f32 $0.0e+00, v58  }
0xdc: {  	[tilespmem:s7+$0xFFFFFE70] =	vst v29;
	v3 =	vpop (erf);
	v55 =	vld.idx.msk [tilespmem:v61+s19+$0x0], $0xffff;
	v61 =	vor.u32 $0x8, v23;
	v4 =	vmul.f32 v58, v58;
	v5 =	vmul.f32 v41, v41  }
0xdd: {  	[tilespmem:s7+$0xFFFFFE80] =	vst v30;
	v32 =	vsel vm12, v32, v42;
	v42 =	vadd.f32 $-1.000000000e+00, v3;
	v25 =	vadd.f32 v41, v1  }
0xde: {  	v24 =	vld.idx.msk [tilespmem:v0+s19+$0x0], $0xffff;
	[tilespmem:s7+$0xFFFFFE90] =	vst v33;
	v59 =	vpop (erf);
	v58 =	vor.u32 $0x7, v23;
	v57 =	vmul.f32 v44, v44;
	v26 =	vadd.f32 v5, v4  }
0xdf: {  	v36 =	vsel vm11, v36, v62;
	[tilespmem:s7+$0xFFFFFEA0] =	vst v35;
	v31 =	vadd.f32 $-1.000000000e+00, v59;
	v25 =	vadd.f32 v44, v25  }
0xe0: {  	[tilespmem:s7+$0xFFFFFEB0] =	vst v36;
	v34 =	vsel vm13, v34, v42;
	v60 =	vmul.f32 v2, v2;
	v26 =	vadd.f32 v57, v26  }
0xe1: {  	v62 =	vld.idx.msk [tilespmem:v49+s19+$0x0], $0xffff;
	v3 =	vpop (erf);
	v0 =	vmul.f32 v55, v55;
	v31 =	vsel vm14, v38, v31;
	v25 =	vadd.f32 v2, v25  }
0xe2: {  	[tilespmem:s7+$0xFFFFFEC0] =	vst v32;
	v38 =	vadd.f32 $-1.000000000e+00, v3;
	v1 =	vor.u32 $0x9, v23;
	v26 =	vadd.f32 v60, v26  }
0xe3: {  	v42 =	vor.u32 $0xB, v23;
	[tilespmem:s7+$0xFFFFFED0] =	vst v34;
	v4 =	vmul.f32 v24, v24;
	v2 =	vld.idx.msk [tilespmem:v58+s19+$0x0], $0xffff;
	v25 =	vadd.f32 v55, v25  }
0xe4: {  	[tilespmem:s7+$0xFFFFFEE0] =	vst v31;
	v5 =	vor.u32 $0xA, v23;
	v43 =	vsel vm15, v37, v38;
	v26 =	vadd.f32 v0, v26  }
0xe5: {  	v40 =	vld.idx.msk [tilespmem:v61+s19+$0x0], $0xffff;
	[tilespmem:s7+$0xFFFFFEF0] =	vst v43;
	v24 =	vadd.f32 v24, v25  }
0xe6: {  	v46 =	vor.u32 $0xC, v23;
	v41 =	vmul.f32 v62, v62;
	v32 =	vld [tilespmem:s20+$0xFFFFFF00];
	v26 =	vadd.f32 v4, v26  }
0xe7: {  	v44 =	vld.idx.msk [tilespmem:v1+s19+$0x0], $0xffff;
	v24 =	vadd.f32 v62, v24  }
0xe8: {  	v57 =	vld.idx.msk [tilespmem:v42+s19+$0x0], $0xffff;
	v42 =	vor.u32 $0x11, v23;
	v45 =	vmul.f32 v2, v2;
	v26 =	vadd.f32 v41, v26  }
0xe9: {  	v47 =	vld.idx.msk [tilespmem:v5+s19+$0x0], $0xffff;
	v55 =	vor.u32 $0xD, v23;
	v24 =	vadd.f32 v2, v24  }
0xea: {  	v3 =	vld [tilespmem:s20+$0xFFFFFF10];
	v49 =	vmul.f32 v40, v40;
	v0 =	vor.u32 $0xF, v23;
	v26 =	vadd.f32 v45, v26  }
0xeb: {  	v59 =	vor.u32 $0xE, v23;
	v61 =	vld.idx.msk [tilespmem:v46+s19+$0x0], $0xffff;
	v60 =	vperm.xlane v22, v63;
	v24 =	vadd.f32 v40, v24  }
0xec: {  	v16 =	vimm.s32 $0xA;
	v43 =	vld [tilespmem:s20+$0xFFFFFF20];
	v58 =	vmul.f32 v44, v44;
	v26 =	vadd.f32 v49, v26  }
0xed: {  	v1 =	vperm.xlane v21, v63;
	v32 =	vmul.f32 v60, v32;
	v28 =	vld.idx.msk [tilespmem:v42+s19+$0x0], $0xffff;
	v24 =	vadd.f32 v44, v24  }
0xee: {  	v5 =	vor.u32 $0x10, v23;
	v62 =	vmul.f32 v47, v47;
	v2 =	vld.idx.msk [tilespmem:v55+s19+$0x0], $0xffff;
	v26 =	vadd.f32 v58, v26  }
0xef: {  	v46 =	vmul.f32 v60, v3;
	v32 =	vsub.f32 v32, v1;
	v30 =	vld.idx.msk [tilespmem:v0+s19+$0x0], $0xffff;
	v24 =	vadd.f32 v47, v24  }
0xf0: {  	v60 =	vor.u32 $0x14, v23;
	v4 =	vmul.f32 v57, v57;
	v40 =	vld.idx.msk [tilespmem:v59+s19+$0x0], $0xffff;
	v26 =	vadd.f32 v62, v26  }
0xf1: {  	v41 =	vmul.f32 v61, v61;
	v32 =	vmul.f32 v32, v17;
	v49 =	vld [tilespmem:s20+$0xFFFFFF30];
	v24 =	vadd.f32 v57, v24  }
0xf2: {  	v63 =	vld [tilespmem:s20+$0xFFFFFF40];
	v45 =	vor.u32 $0x12, v23;
	v3 =	vmul.f32 v28, v28;
	v26 =	vadd.f32 v4, v26  }
0xf3: {  	v44 =	vmul.f32 v2, v2;
	v58 =	vperm.xlane v22, v50;
	v29 =	vadd.f32 v61, v24  }
0xf4: {  	v59 =	vmul.f32 v30, v30;
	v47 =	vld.idx.msk [tilespmem:v5+s19+$0x0], $0xffff;
	v5 =	vperm.xlane v22, v16;
	v26 =	vadd.f32 v41, v26  }
0xf5: {  	v55 =	vmul.f32 v40, v40;
	v57 =	vor.u32 $0x13, v23;
	v29 =	vadd.f32 v2, v29  }
0xf6: {  	v37 =	vmul.f32 v58, v43;
	v33 =	vmul.f32 v58, v49;
	v26 =	vadd.f32 v44, v26  }
0xf7: {  	v62 =	vld.idx.msk [tilespmem:v45+s19+$0x0], $0xffff;
	v38 =	vmul.f32 v5, v63;
	v4 =	vor.u32 $0x16, v23;
	v25 =	vadd.f32 v40, v29  }
0xf8: {  	v24 =	vadd.f32 v32, v19;
	v61 =	vperm.xlane v21, v50;
	v26 =	vadd.f32 v55, v26  }
0xf9: {  	v32 =	vsub.f32 v46, v1;
	v1 =	vor.u32 $0x15, v23;
	v50 =	vld [tilespmem:s20+$0xFFFFFF50];
	v25 =	vadd.f32 v30, v25  }
0xfa: {  	v0 =	vmul.f32 v47, v47;
	v37 =	vsub.f32 v37, v61;
	v2 =	vld.idx.msk [tilespmem:v57+s19+$0x0], $0xffff;
	v26 =	vadd.f32 v59, v26  }
0xfb: {  	v46 =	vor.u32 $0x17, v23;
	v33 =	vsub.f32 v33, v61;
	v44 =	vld.idx.msk [tilespmem:v60+s19+$0x0], $0xffff;
	v25 =	vadd.f32 v47, v25  }
0xfc: {  	v45 =	vmul.f32 v62, v62;
	v57 =	vor.u32 $0x18, v23;
	v26 =	vadd.f32 v0, v26  }
0xfd: {  	v32 =	vmul.f32 v32, v18;
	v61 =	vor.u32 $0x19, v23;
	v25 =	vadd.f32 v28, v25  }
0xfe: {  	v58 =	vld.idx.msk [tilespmem:v4+s19+$0x0], $0xffff;
	v37 =	vmul.f32 v37, v17;
	v33 =	vmul.f32 v33, v18;
	v26 =	vadd.f32 v3, v26  }
0xff: {  	v49 =	vld.idx.msk [tilespmem:v1+s19+$0x0], $0xffff;
	v47 =	vperm.xlane v21, v16;
	v55 =	vmul.f32 v2, v2;
	v25 =	vadd.f32 v62, v25  }
0x100: {  	v59 =	vld [tilespmem:s20+$0xFFFFFF60];
	v60 =	vmul.f32 v44, v44;
	v0 =	vmul.f32 v5, v50;
	v26 =	vadd.f32 v45, v26  }
0x101: {  	v1 =	vld.idx.msk [tilespmem:v57+s19+$0x0], $0xffff;
	v5 =	vperm.xlane v21, v51;
	v25 =	vadd.f32 v2, v25;
	v2 =	vor.u32 $0x1A, v23  }
0x102: {  	v50 =	vor.u32 $0x1B, v23;
	v3 =	vperm.xlane v22, v51;
	v51 =	vld [tilespmem:s20+$0xFFFFFF70];
	v26 =	vadd.f32 v55, v26  }
0x103: {  	v4 =	vmul.f32 v58, v58;
	v38 =	vsub.f32 v38, v47;
	v62 =	vld.idx.msk [tilespmem:v46+s19+$0x0], $0xffff;
	v25 =	vadd.f32 v44, v25  }
0x104: {  	v63 =	vmul.f32 v49, v49;
	v29 =	vsub.f32 v0, v47;
	v26 =	vadd.f32 v60, v26  }
0x105: {  	v0 =	vor.u32 $0x1E, v23;
	v34 =	vmul.f32 v3, v59;
	v25 =	vadd.f32 v49, v25;
	v49 =	vld.idx.msk [tilespmem:v61+s19+$0x0], $0xffff  }
0x106: {  	v42 =	vmul.f32 v38, v17;
	v59 =	vmul.f32 v1, v1;
	v26 =	vadd.f32 v63, v26;
	v35 =	vld.idx.msk [tilespmem:v2+s19+$0x0], $0xffff  }
0x107: {  	v34 =	vsub.f32 v34, v5;
	v44 =	vmul.f32 v29, v18;
	v63 =	vld.idx.msk [tilespmem:v50+s19+$0x0], $0xffff;
	v25 =	vadd.f32 v58, v25  }
0x108: {  	v38 =	vmul.f32 v3, v51;
	v55 =	vmul.f32 v62, v62;
	v26 =	vadd.f32 v4, v26  }
0x109: {  	v34 =	vmul.f32 v34, v17;
	v58 =	vor.u32 $0x1C, v23;
	v25 =	vadd.f32 v62, v25  }
0x10a: {  	v57 =	vld [tilespmem:s20+$0xFFFFFF80];
	v61 =	vor.u32 $0x1D, v23;
	v2 =	vperm.xlane v21, v52;
	v26 =	vadd.f32 v55, v26  }
0x10b: {  	v60 =	vld [tilespmem:s20+$0xFFFFFF90];
	v62 =	vmul.f32 v49, v49;
	v25 =	vadd.f32 v1, v25;
	v1 =	vperm.xlane v22, v52  }
0x10c: {  	v39 =	vadd.f32 v42, v19;
	v50 =	vld [tilespmem:s20+$0xFFFFFFB0];
	v4 =	vmul.f32 v35, v35;
	v46 =	vmul.f32 v63, v63  }
0x10d: {  	v52 =	vperm.xlane v22, v53;
	v26 =	vadd.f32 v59, v26;
	v25 =	vadd.f32 v49, v25  }
0x10e: {  	v23 =	vor.u32 $0x1F, v23;
	v53 =	vperm.xlane v21, v53;
	v3 =	vld.idx.msk [tilespmem:v58+s19+$0x0], $0xffff;
	v58 =	vperm.xlane v22, v54  }
0x10f: {  	v51 =	vld [tilespmem:s20+$0xFFFFFFC0];
	v22 =	vperm.xlane v22, v48;
	v26 =	vadd.f32 v62, v26;
	v25 =	vadd.f32 v35, v25  }
0x110: {  	v5 =	vsub.f32 v38, v5;
	v29 =	vld.idx.msk [tilespmem:v61+s19+$0x0], $0xffff;
	v45 =	vmul.f32 v1, v57;
	v36 =	vmul.f32 v1, v60  }
0x111: {  	v55 =	vld [tilespmem:s20+$0xFFFFFFD0];
	v30 =	vmul.f32 v52, v50;
	v26 =	vadd.f32 v4, v26;
	v25 =	vadd.f32 v63, v25  }
0x112: {  	v31 =	vld.idx.msk [tilespmem:v0+s19+$0x0], $0xffff;
	v38 =	vadd.f32 v32, v20;
	v60 =	vperm.xlane v21, v54;
	v21 =	vperm.xlane v21, v48  }
0x113: {  	v27 =	vmul.f32 v3, v3;
	v26 =	vadd.f32 v46, v26;
	v25 =	vadd.f32 v3, v25  }
0x114: {  	v23 =	vld.idx.msk [tilespmem:v23+s19+$0x0], $0xffff;
	v32 =	vmul.f32 v58, v51;
	v35 =	vmul.f32 v5, v18;
	v47 =	vsub.f32 v45, v2  }
0x115: {  	v59 =	vld [tilespmem:s20+$0xFFFFFFE0];
	v27 =	vadd.f32 v27, v26;
	v25 =	vadd.f32 v29, v25;
	v29 =	vmul.f32 v29, v29  }
0x116: {  	v36 =	vsub.f32 v36, v2;
	v62 =	vmul.f32 v58, v55;
	v55 =	vmul.f32 $1.442695020e+00, v39  }
0x117: {  	v49 =	vld [tilespmem:s20+$0xFFFFFFA0];
	v27 =	vadd.f32 v29, v27;
	v25 =	vadd.f32 v31, v25;
	v31 =	vmul.f32 v31, v31  }
0x118: {  	v30 =	vsub.f32 v30, v53;
	v28 =	vmul.f32 v47, v17;
	v36 =	vmul.f32 v36, v18  }
0x119: {  	v27 =	vadd.f32 v31, v27;
	v25 =	vadd.f32 v23, v25;
	v23 =	vmul.f32 v23, v23  }
0x11a: {  	v32 =	vsub.f32 v32, v60;
	v1 =	vmul.f32 v22, v59;
	v2 =	vmul.f32 v30, v18  }
0x11b: {  	v47 =	vmul.f32 $1.442695020e+00, v24;
	v23 =	vadd.f32 v23, v27;
	v25 =	vmul.f32 $3.125000000e-02, v25  }
0x11c: {  	v63 =	vld [tilespmem:s20+$0xFFFFFFF0];
	v30 =	vadd.f32 v44, v20;
	v57 =	vmul.f32 v52, v49;
	v49 =	vmul.f32 $1.442695020e+00, v38  }
0x11d: {  	v4 =	vsub.f32 v1, v21;
	v23 =	vmul.f32 $3.125000000e-02, v23;
	v0 =	vmul.f32 v25, v25  }
0x11e: {  	v3 =	vmul.f32 v32, v17;
	v32 =	vadd.f32 v34, v19;
	v26 =	vadd.f32 v37, v19  }
0x11f: {  	(erf) = vpow2.f32 v47;
	v61 =	vsub.f32 v57, v53;
	v23 =	vsub.f32 v23, v0  }
0x120: {  	(erf) = vpow2.f32 v49;
	v37 =	vadd.f32 v2, v20;
	v48 =	vmul.f32 v4, v17  }
0x121: {  	v22 =	vmul.f32 v22, v63;
	v50 =	vmul.f32 $1.442695020e+00, v26;
	v23 =	vmax.f32 v23, $0.0e+00  }
0x122: {  	v57 =	vmul.f32 $1.442695020e+00, v32;
	v29 =	vadd.f32 v33, v20;
	v23 =	vadd.f32 $9.999999960e-13, v23  }
0x123: {  	v33 =	vadd.f32 v3, v19;
	(erf) = vpow2.f32 v50;
	v21 =	vsub.f32 v22, v21  }
0x124: {  	v22 =	vmul.f32 $1.442695020e+00, v30;
	v51 =	vshra.s32 v23, $0x1;
	v23 =	vmul.f32 $5.000000000e-01, v23  }
0x125: {  	v31 =	vsub.f32 v62, v60;
	v52 =	vmul.f32 $1.442695020e+00, v29;
	v53 =	vsub.s32 $0x5F3759DF, v51  }
0x126: {  	v62 =	vmul.f32 $1.442695020e+00, v37;
	v54 =	vmul.f32 v53, v23  }
0x127: {  	v63 =	vmul.f32 $1.442695020e+00, v33;
	v5 =	vmul.f32 v31, v18  }
0x128: {  	v31 =	vadd.f32 v35, v20;
	(erf) = vpow2.f32 v52;
	v34 =	vmul.f32 v53, v54  }
0x129: {  	v27 =	vmul.f32 v61, v17;
	v35 =	vadd.f32 v28, v19;
	(erf) = vpow2.f32 v55  }
0x12a: {  	(erf) = vpow2.f32 v22;
	v58 =	vmul.f32 $1.442695020e+00, v31;
	v22 =	vsub.f32 $1.500000000e+00, v34  }
0x12b: {  	v59 =	vmul.f32 $1.442695020e+00, v35;
	(erf) = vpow2.f32 v57;
	v34 =	vadd.f32 v36, v20  }
0x12c: {  	(erf) = vpow2.f32 v58;
	v36 =	vadd.f32 v27, v19;
	v22 =	vmul.f32 v53, v22  }
0x12d: {  	(erf) = vpow2.f32 v59;
	v60 =	vmul.f32 $1.442695020e+00, v34  }
0x12e: {  	v61 =	vmul.f32 $1.442695020e+00, v36;
	v23 =	vmul.f32 v22, v23  }
0x12f: {  	v21 =	vmul.f32 v21, v18;
	v28 =	vadd.f32 v5, v20;
	(erf) = vpow2.f32 v60  }
0x130: {  	v27 =	vadd.f32 v48, v19;
	(erf) = vpow2.f32 v61;
	v23 =	vmul.f32 v23, v22  }
0x131: {  	v21 =	vadd.f32 v21, v20;
	v1 =	vmul.f32 $1.442695020e+00, v28;
	(erf) = vpow2.f32 v62  }
0x132: {  	v2 =	vld [tilespmem:s20+$0x0];
	v0 =	vpop (erf);
	v4 =	vmul.f32 $1.442695020e+00, v27;
	(erf) = vpow2.f32 v63;
	v23 =	vsub.f32 $1.500000000e+00, v23  }
0x133: {  	v55 =	vld [tilespmem:s20+$0x20];
	v3 =	vpop (erf);
	v54 =	vmul.f32 $1.442695020e+00, v21;
	(erf) = vpow2.f32 v1  }
0x134: {  	v57 =	vld [tilespmem:s20+$0x30];
	v5 =	vpop (erf);
	(erf) = vpow2.f32 v4;
	v23 =	vmul.f32 v23, v22  }
0x135: {  	v47 =	vpop (erf);
	v61 =	vld [tilespmem:s20+$0x40];
	(erf) = vpow2.f32 v54  }
0x136: {  	vm4 =	vgt.f32 v24, $0.0e+00;
	v63 =	vld [tilespmem:s20+$0x50];
	v25 =	vmul.f32 v23, v25;
	v58 =	vperm.xlane v23, v56  }
0x137: {  	vm5 =	vgt.f32 v38, $0.0e+00;
	v22 =	vld [tilespmem:s20+$0x10];
	v49 =	vperm.xlane v23, v9;
	v4 =	vperm.xlane v23, v11  }
0x138: {  	vm6 =	vgt.f32 v26, $0.0e+00;
	v59 =	vperm.xlane v25, v56;
	v41 =	vmul.f32 v58, v2  }
0x139: {  	v42 =	vadd.f32 $-1.000000000e+00, v0;
	v0 =	vld [tilespmem:s20+$0x60];
	v62 =	vperm.xlane v25, v9;
	v46 =	vmul.f32 v49, v55  }
0x13a: {  	v45 =	vadd.f32 $-1.000000000e+00, v5;
	v44 =	vmul.f32 v49, v57;
	v56 =	vperm.xlane v25, v11  }
0x13b: {  	v60 =	vadd.f32 $-1.000000000e+00, v3;
	v43 =	vmul.f32 v4, v61;
	v57 =	vperm.xlane v23, v12  }
0x13c: {  	v49 =	vmul.f32 v4, v63;
	v22 =	vmul.f32 v58, v22;
	v41 =	vsub.f32 v41, v59  }
0x13d: {  	v5 =	vld [tilespmem:s20+$0x90];
	v58 =	vperm.xlane v25, v12;
	v1 =	vsub.f32 v46, v62;
	v44 =	vsub.f32 v44, v62  }
0x13e: {  	v2 =	vld [tilespmem:s20+$0x70];
	v48 =	vsub.f32 v22, v59;
	v22 =	vsel vm5, v38, v60;
	v38 =	vmul.f32 v57, v0  }
0x13f: {  	v3 =	vld [tilespmem:s20+$0x80];
	v43 =	vsub.f32 v43, v56;
	v59 =	vperm.xlane v23, v13;
	v60 =	vperm.xlane v25, v13  }
0x140: {  	v49 =	vsub.f32 v49, v56;
	v41 =	vmul.f32 v41, v17;
	v40 =	vmul.f32 v1, v17  }
0x141: {  	vm7 =	vgt.f32 v29, $0.0e+00;
	v61 =	vld [tilespmem:s20+$0xA0];
	v44 =	vmul.f32 v44, v18;
	v43 =	vmul.f32 v43, v17  }
0x142: {  	v24 =	vsel vm4, v24, v42;
	v49 =	vmul.f32 v49, v18;
	v1 =	vperm.xlane v23, v10  }
0x143: {  	v47 =	vadd.f32 $-1.000000000e+00, v47;
	v62 =	vld [tilespmem:s20+$0xB0];
	v46 =	vmul.f32 v48, v18;
	v42 =	vmul.f32 v57, v2  }
0x144: {  	v26 =	vsel vm6, v26, v45;
	v63 =	vld [tilespmem:s20+$0xC0];
	v48 =	vmul.f32 v59, v3;
	v50 =	vmul.f32 v59, v5  }
0x145: {  	v0 =	vld [tilespmem:s20+$0xD0];
	v38 =	vsub.f32 v38, v58;
	v3 =	vperm.xlane v25, v10;
	v5 =	vperm.xlane v23, v14  }
0x146: {  	v52 =	vmul.f32 v1, v61;
	v57 =	vadd.f32 v41, v19;
	v61 =	vperm.xlane v25, v15  }
0x147: {  	v49 =	vadd.f32 v49, v20;
	v38 =	vmul.f32 v38, v17;
	v48 =	vsub.f32 v48, v60  }
0x148: {  	v55 =	vld [tilespmem:s20+$0xF0];
	v45 =	vsub.f32 v50, v60;
	v4 =	vmul.f32 v1, v62;
	v60 =	vperm.xlane v25, v14  }
0x149: {  	v2 =	vld [tilespmem:s20+$0xE0];
	v42 =	vsub.f32 v42, v58;
	v58 =	vperm.xlane v23, v15;
	v51 =	vmul.f32 v5, v63  }
0x14a: {  	v29 =	vsel vm7, v29, v47;
	v50 =	vmul.f32 v5, v0;
	v0 =	vmul.f32 $1.442695020e+00, v57  }
0x14b: {  	v54 =	vadd.f32 v46, v20;
	v5 =	vmul.f32 $1.442695020e+00, v49;
	v42 =	vmul.f32 v42, v18  }
0x14c: {  	v52 =	vsub.f32 v52, v3;
	v48 =	vmul.f32 v48, v17;
	v45 =	vmul.f32 v45, v18  }
0x14d: {  	v41 =	vsub.f32 v4, v3;
	v51 =	vsub.f32 v51, v60;
	v62 =	vmul.f32 v58, v55  }
0x14e: {  	v1 =	vmul.f32 $1.442695020e+00, v54;
	v47 =	vmul.f32 v58, v2;
	v46 =	vsub.f32 v50, v60  }
0x14f: {  	v56 =	vpop (erf);
	v52 =	vmul.f32 v52, v17;
	v50 =	vadd.f32 v40, v19;
	(erf) = vpow2.f32 v0  }
0x150: {  	v58 =	vadd.f32 v44, v20;
	v41 =	vmul.f32 v41, v18;
	v51 =	vmul.f32 v51, v17  }
0x151: {  	v63 =	vsub.f32 v62, v61;
	v60 =	vpop (erf);
	(erf) = vpow2.f32 v1;
	v47 =	vsub.f32 v47, v61  }
0x152: {  	v55 =	vmul.f32 v46, v18;
	v61 =	vadd.f32 v43, v19;
	v2 =	vmul.f32 $1.442695020e+00, v50  }
0x153: {  	v43 =	vpop (erf);
	v3 =	vmul.f32 $1.442695020e+00, v58;
	v59 =	vmul.f32 v63, v18  }
0x154: {  	v62 =	vadd.f32 v38, v19;
	v44 =	vpop (erf);
	(erf) = vpow2.f32 v2;
	v4 =	vmul.f32 $1.442695020e+00, v61  }
0x155: {  	v42 =	vadd.f32 v42, v20;
	v53 =	vmul.f32 v47, v17;
	v63 =	vpop (erf);
	(erf) = vpow2.f32 v3  }
0x156: {  	v48 =	vadd.f32 v48, v19;
	v46 =	vpop (erf);
	(erf) = vpow2.f32 v4;
	v4 =	vmul.f32 $1.442695020e+00, v62  }
0x157: {  	v0 =	vadd.f32 v45, v20;
	v47 =	vpop (erf);
	(erf) = vpow2.f32 v5;
	v5 =	vmul.f32 $1.442695020e+00, v42  }
0x158: {  	v52 =	vadd.f32 v52, v19;
	v38 =	vmul.f32 $1.442695020e+00, v48;
	v1 =	vpop (erf);
	(erf) = vpow2.f32 v4  }
0x159: {  	v2 =	vadd.f32 v41, v20;
	v3 =	vmul.f32 $1.442695020e+00, v0;
	v45 =	vpop (erf);
	(erf) = vpow2.f32 v5  }
0x15a: {  	v51 =	vadd.f32 v51, v19;
	v4 =	vmul.f32 $1.442695020e+00, v52;
	v41 =	vpop (erf);
	(erf) = vpow2.f32 v38  }
0x15b: {  	v55 =	vadd.f32 v55, v20;
	v40 =	vpop (erf);
	(erf) = vpow2.f32 v3;
	v3 =	vmul.f32 $1.442695020e+00, v2  }
0x15c: {  	v53 =	vadd.f32 v53, v19;
	v38 =	vpop (erf);
	(erf) = vpow2.f32 v4;
	v4 =	vmul.f32 $1.442695020e+00, v51  }
0x15d: {  	v5 =	vpop (erf);
	(erf) = vpow2.f32 v3;
	v3 =	vmul.f32 $1.442695020e+00, v55  }
0x15e: {  	v59 =	vadd.f32 v59, v20;
	v6 =	vpop (erf);
	(erf) = vpow2.f32 v4;
	v4 =	vmul.f32 $1.442695020e+00, v53;
	_ =	sdelay $0x1  }
0x15f: {  	v5 =	vadd.f32 $-1.000000000e+00, v5;
	(erf) = vpow2.f32 v3;
	v3 =	vmul.f32 $1.442695020e+00, v59  }
0x160: {  	vm9 =	vgt.f32 v57, $0.0e+00;
	v7 =	vpop (erf);
	(erf) = vpow2.f32 v4  }
0x161: {  	v4 =	vpop (erf);
	(erf) = vpow2.f32 v3;
	v3 =	vsel vm9, v57, v5;
	v57 =	vadd.f32 $-1.000000000e+00, v6  }
0x162: {  	vm8 =	vgt.f32 v39, $0.0e+00;
	v7 =	vadd.f32 $-1.000000000e+00, v7  }
0x163: {  	v56 =	vadd.f32 $-1.000000000e+00, v56;
	vm10 =	vgt.f32 v54, $0.0e+00;
	vm11 =	vgt.f32 v50, $0.0e+00;
	v6 =	vpop (erf)  }
0x164: {  	v7 =	vsel vm11, v50, v7;
	v4 =	vadd.f32 $-1.000000000e+00, v4;
	v6 =	vadd.f32 $-1.000000000e+00, v6  }
0x165: {  	vm12 =	vgt.f32 v58, $0.0e+00;
	vm13 =	vgt.f32 v61, $0.0e+00;
	v5 =	vsel vm10, v54, v57;
	v57 =	vpop (erf)  }
0x166: {  	v39 =	vsel vm8, v39, v56;
	[tilespmem:s7+$0x0] =	vst v3;
	v4 =	vsel vm12, v58, v4;
	v6 =	vsel vm13, v61, v6;
	v58 =	vpop (erf)  }
0x167: {  	vm14 =	vgt.f32 v49, $0.0e+00;
	v60 =	vadd.f32 $-1.000000000e+00, v60;
	vm15 =	vgt.f32 v62, $0.0e+00;
	[tilespmem:s7+$0x20] =	vst v7;
	v7 =	vpop (erf)  }
0x168: {  	vm4 =	vgt.f32 v42, $0.0e+00;
	vm5 =	vgt.f32 v48, $0.0e+00;
	[tilespmem:s7+$0x10] =	vst v5;
	v3 =	vadd.f32 $-1.000000000e+00, v57;
	v61 =	vpop (erf)  }
0x169: {  	vm6 =	vgt.f32 v0, $0.0e+00;
	vm7 =	vgt.f32 v52, $0.0e+00;
	[tilespmem:s7+$0x40] =	vst v6;
	v5 =	vadd.f32 $-1.000000000e+00, v58;
	v6 =	vpop (erf)  }
0x16a: {  	[tilespmem:s7+$0x30] =	vst v4;
	v3 =	vsel vm14, v49, v3;
	v7 =	vadd.f32 $-1.000000000e+00, v7;
	v6 =	vadd.f32 $-1.000000000e+00, v6  }
0x16b: {  	vm8 =	vgt.f32 v2, $0.0e+00;
	v5 =	vsel vm15, v62, v5;
	[tilespmem:s7+$0x50] =	vst v3;
	v4 =	vadd.f32 $-1.000000000e+00, v61  }
0x16c: {  	v1 =	vadd.f32 $-1.000000000e+00, v1;
	v50 =	vimm.s32 $0x9;
	v57 =	vpop (erf);
	v7 =	vsel vm4, v42, v7;
	[tilespmem:s7+$0x60] =	vst v5  }
0x16d: {  	vm9 =	vgt.f32 v51, $0.0e+00;
	v58 =	vpop (erf);
	v4 =	vsel vm5, v48, v4;
	[tilespmem:s7+$0x70] =	vst v7;
	v3 =	vadd.f32 $-1.000000000e+00, v57  }
0x16e: {  	vm11 =	vgt.f32 v53, $0.0e+00;
	v0 =	vsel vm6, v0, v6;
	[tilespmem:s7+$0x80] =	vst v4;
	v61 =	vadd.f32 $-1.000000000e+00, v58;
	v6 =	vpop (erf)  }
0x16f: {  	v54 =	vimm.s32 $0xE;
	v3 =	vsel vm7, v52, v3;
	[tilespmem:s7+$0x90] =	vst v0;
	v62 =	vadd.f32 $-1.000000000e+00, v6;
	v42 =	vpop (erf)  }
0x170: {  	vm10 =	vgt.f32 v55, $0.0e+00;
	v2 =	vsel vm8, v2, v61;
	[tilespmem:s7+$0xA0] =	vst v3;
	v58 =	vpop (erf);
	v0 =	vadd.f32 $-1.000000000e+00, v42  }
0x171: {  	vm12 =	vgt.f32 v30, $0.0e+00;
	[tilespmem:s7+$0xB0] =	vst v2;
	v57 =	vsel vm9, v51, v62;
	v6 =	vpop (erf);
	v61 =	vadd.f32 $-1.000000000e+00, v58  }
0x172: {  	vm13 =	vgt.f32 v59, $0.0e+00;
	v0 =	vsel vm10, v55, v0;
	v62 =	vadd.f32 $-1.000000000e+00, v6;
	[tilespmem:s7+$0xC0] =	vst v57  }
0x173: {  	vm14 =	vgt.f32 v32, $0.0e+00;
	vm15 =	vgt.f32 v31, $0.0e+00;
	v2 =	vsel vm11, v53, v61;
	[tilespmem:s7+$0xD0] =	vst v0  }
0x174: {  	vm4 =	vgt.f32 v35, $0.0e+00;
	v48 =	vadd.f32 $-1.000000000e+00, v43;
	v49 =	vsel vm13, v59, v62;
	[tilespmem:s7+$0xE0] =	vst v2  }
0x175: {  	vm5 =	vgt.f32 v34, $0.0e+00;
	v7 =	vperm.xlane v23, v50;
	vm6 =	vgt.f32 v36, $0.0e+00;
	[tilespmem:s7+$0xF0] =	vst v49  }
0x176: {  	v52 =	vimm.s32 $0xC;
	v43 =	vsel vm14, v32, v48;
	vm7 =	vgt.f32 v37, $0.0e+00;
	v58 =	vld [tilespmem:s20+$0x100]  }
0x177: {  	vm8 =	vgt.f32 v33, $0.0e+00;
	v42 =	vsel vm12, v30, v60;
	v60 =	vadd.f32 $-1.000000000e+00, v47;
	v3 =	vld [tilespmem:s20+$0x110]  }
0x178: {  	v30 =	vsel vm7, v37, v1;
	v47 =	vadd.f32 $-1.000000000e+00, v45;
	v55 =	vadd.f32 $-1.000000000e+00, v44;
	v61 =	vld [tilespmem:s20+$0x120]  }
0x179: {  	v51 =	vimm.s32 $0xB;
	v57 =	vadd.f32 $-1.000000000e+00, v63;
	v63 =	vimm.s32 $0x8;
	v62 =	vld [tilespmem:s20+$0x130]  }
0x17a: {  	vm9 =	vgt.f32 v28, $0.0e+00;
	v6 =	vperm.xlane v25, v63;
	v44 =	vsel vm15, v31, v55;
	v48 =	vld [tilespmem:s20+$0x140]  }
0x17b: {  	v31 =	vsel vm4, v35, v57;
	v59 =	vadd.f32 $-1.000000000e+00, v46;
	v46 =	vperm.xlane v23, v63  }
0x17c: {  	v35 =	vsel vm6, v36, v60;
	v57 =	vperm.xlane v23, v16;
	v60 =	vperm.xlane v25, v16  }
0x17d: {  	vm10 =	vgt.f32 v27, $0.0e+00;
	v49 =	vperm.xlane v25, v50;
	v36 =	vld [tilespmem:s20+$0x170];
	v0 =	vmul.f32 v46, v58  }
0x17e: {  	v53 =	vimm.s32 $0xD;
	v1 =	vmul.f32 v46, v3;
	v5 =	vmul.f32 v7, v61  }
0x17f: {  	v2 =	vmul.f32 v7, v62;
	v58 =	vadd.f32 $-1.000000000e+00, v40;
	v3 =	vmul.f32 v57, v48  }
0x180: {  	v55 =	vld [tilespmem:s20+$0x150];
	v61 =	vperm.xlane v23, v51;
	v0 =	vsub.f32 v0, v6;
	v1 =	vsub.f32 v1, v6  }
0x181: {  	v45 =	vld [tilespmem:s20+$0x1A0];
	v62 =	vperm.xlane v25, v51;
	v5 =	vsub.f32 v5, v49;
	v2 =	vsub.f32 v2, v49  }
0x182: {  	v37 =	vld [tilespmem:s20+$0x1B0];
	v27 =	vsel vm10, v27, v58;
	v36 =	vmul.f32 v61, v36;
	v58 =	vperm.xlane v23, v53  }
0x183: {  	v7 =	vld [tilespmem:s20+$0x160];
	v6 =	vadd.f32 $-1.000000000e+00, v41;
	v0 =	vmul.f32 v0, v17;
	v1 =	vmul.f32 v1, v18  }
0x184: {  	v34 =	vsel vm5, v34, v59;
	v5 =	vmul.f32 v5, v17;
	v2 =	vmul.f32 v2, v18  }
0x185: {  	v59 =	vld [tilespmem:s20+$0x190];
	v4 =	vsel vm9, v28, v6;
	v28 =	vmul.f32 v57, v55;
	v55 =	vperm.xlane v23, v52  }
0x186: {  	v3 =	vsub.f32 v3, v60;
	v57 =	vperm.xlane v25, v52;
	v45 =	vmul.f32 v58, v45  }
0x187: {  	v32 =	vsel vm8, v33, v47;
	v37 =	vmul.f32 v58, v37;
	v58 =	vperm.xlane v25, v54  }
0x188: {  	v48 =	vimm.s32 $0xF;
	v49 =	vld [tilespmem:s20+$0x1D0];
	v3 =	vmul.f32 v3, v17;
	v7 =	vmul.f32 v61, v7  }
0x189: {  	v33 =	vsub.f32 v36, v62;
	v61 =	vperm.xlane v25, v53;
	v25 =	vperm.xlane v25, v48  }
0x18a: {  	v6 =	vld [tilespmem:s20+$0x180];
	v28 =	vsub.f32 v28, v60;
	v59 =	vmul.f32 v55, v59;
	v0 =	vadd.f32 v0, v19  }
0x18b: {  	v47 =	vld [tilespmem:s20+$0x1C0];
	v60 =	vperm.xlane v23, v54;
	v1 =	vadd.f32 v1, v20;
	v2 =	vadd.f32 v2, v20  }
0x18c: {  	v33 =	vmul.f32 v33, v18;
	v3 =	vadd.f32 v3, v19;
	v7 =	vsub.f32 v7, v62  }
0x18d: {  	v45 =	vsub.f32 v45, v61;
	v40 =	vmul.f32 v60, v49;
	v28 =	vmul.f32 v28, v18  }
0x18e: {  	v37 =	vsub.f32 v37, v61;
	v61 =	vmul.f32 $1.442695020e+00, v1;
	v49 =	vmul.f32 $1.442695020e+00, v2  }
0x18f: {  	[tilespmem:s7+$0xFFFFFF10] =	vst v22;
	v62 =	vld [tilespmem:s20+$0x1E0];
	v36 =	vsub.f32 v59, v57;
	v22 =	vmul.f32 $1.442695020e+00, v3;
	v6 =	vmul.f32 v55, v6  }
0x190: {  	v59 =	vimm.s32 $0xF;
	v55 =	vmul.f32 v60, v47;
	v7 =	vmul.f32 v7, v17  }
0x191: {  	v23 =	vperm.xlane v23, v59;
	v45 =	vmul.f32 v45, v17  }
0x192: {  	v5 =	vadd.f32 v5, v19;
	v37 =	vmul.f32 v37, v18;
	v60 =	vmul.f32 $1.442695020e+00, v0  }
0x193: {  	[tilespmem:s7+$0xFFFFFF00] =	vst v24;
	v40 =	vsub.f32 v40, v58;
	v36 =	vmul.f32 v36, v18;
	v24 =	vadd.f32 v28, v20  }
0x194: {  	v6 =	vsub.f32 v6, v57;
	v57 =	vld [tilespmem:s20+$0x1F0];
	(erf) = vpow2.f32 v60;
	v41 =	vmul.f32 v23, v62  }
0x195: {  	v46 =	vsub.f32 v55, v58;
	v40 =	vmul.f32 v40, v18;
	v62 =	vmul.f32 $1.442695020e+00, v5  }
0x196: {  	[tilespmem:s7+$0xFFFFFF30] =	vst v29;
	(erf) = vpow2.f32 v61;
	v55 =	vmul.f32 $1.442695020e+00, v24;
	v29 =	vadd.f32 v36, v20  }
0x197: {  	[tilespmem:s7+$0xFFFFFF20] =	vst v26;
	v26 =	vadd.f32 v33, v20;
	v6 =	vmul.f32 v6, v17;
	v46 =	vmul.f32 v46, v17  }
0x198: {  	v7 =	vadd.f32 v7, v19;
	(erf) = vpow2.f32 v62;
	v58 =	vmul.f32 $1.442695020e+00, v29  }
0x199: {  	v33 =	vadd.f32 v45, v19;
	(erf) = vpow2.f32 v49;
	v23 =	vmul.f32 v23, v57  }
0x19a: {  	v6 =	vadd.f32 v6, v19;
	(erf) = vpow2.f32 v22;
	v22 =	vmul.f32 $1.442695020e+00, v7  }
0x19b: {  	v41 =	vsub.f32 v41, v25;
	v57 =	vmul.f32 $1.442695020e+00, v26;
	(erf) = vpow2.f32 v55  }
0x19c: {  	[tilespmem:s7+$0xFFFFFF40] =	vst v39;
	v36 =	vadd.f32 v37, v20;
	(erf) = vpow2.f32 v22;
	v22 =	vmul.f32 $1.442695020e+00, v6  }
0x19d: {  	[tilespmem:s7+$0xFFFFFF60] =	vst v43;
	v23 =	vsub.f32 v23, v25;
	v25 =	vmul.f32 v41, v17;
	(erf) = vpow2.f32 v57  }
0x19e: {  	[tilespmem:s7+$0xFFFFFF50] =	vst v42;
	v37 =	vadd.f32 v46, v19;
	(erf) = vpow2.f32 v22;
	v22 =	vmul.f32 $1.442695020e+00, v33  }
0x19f: {  	[tilespmem:s7+$0xFFFFFF80] =	vst v31;
	v31 =	vadd.f32 v40, v20;
	v59 =	vmul.f32 $1.442695020e+00, v36;
	(erf) = vpow2.f32 v58  }
0x1a0: {  	[tilespmem:s7+$0xFFFFFFB0] =	vst v30;
	v25 =	vadd.f32 v25, v19;
	(erf) = vpow2.f32 v22;
	v22 =	vmul.f32 $1.442695020e+00, v37  }
0x1a1: {  	[tilespmem:s7+$0xFFFFFFC0] =	vst v32;
	v61 =	vmul.f32 $1.442695020e+00, v31;
	v60 =	vpop (erf);
	(erf) = vpow2.f32 v59  }
0x1a2: {  	[tilespmem:s7+$0xFFFFFF70] =	vst v44;
	v62 =	vadd.f32 $-1.000000000e+00, v38;
	v38 =	vpop (erf);
	(erf) = vpow2.f32 v22;
	v22 =	vmul.f32 $1.442695020e+00, v25  }
0x1a3: {  	[tilespmem:s7+$0xFFFFFFA0] =	vst v35;
	v23 =	vmul.f32 v23, v18;
	v39 =	vpop (erf);
	(erf) = vpow2.f32 v61  }
0x1a4: {  	vm11 =	vgt.f32 v21, $0.0e+00;
	[tilespmem:s7+$0xFFFFFF90] =	vst v34;
	v41 =	vpop (erf);
	(erf) = vpow2.f32 v22;
	v22 =	vadd.f32 $-1.000000000e+00, v60  }
0x1a5: {  	[tilespmem:s7+$0xFFFFFFE0] =	vst v27;
	v21 =	vsel vm11, v21, v62;
	v23 =	vadd.f32 v23, v20;
	v42 =	vadd.f32 $-1.000000000e+00, v38  }
0x1a6: {  	vm12 =	vgt.f32 v0, $0.0e+00;
	vm13 =	vgt.f32 v1, $0.0e+00;
	[tilespmem:s7+$0xFFFFFFF0] =	vst v21;
	v21 =	vadd.f32 $-1.000000000e+00, v39  }
0x1a7: {  	[tilespmem:s7+$0xFFFFFFD0] =	vst v4;
	vm14 =	vgt.f32 v5, $0.0e+00;
	v40 =	vmul.f32 $1.442695020e+00, v23;
	v1 =	vsel vm13, v1, v42  }
0x1a8: {  	v4 =	vadd.f32 $-1.000000000e+00, v41;
	[tilespmem:s7+$0x110] =	vst v1;
	v5 =	vsel vm14, v5, v21;
	v0 =	vsel vm12, v0, v22;
	v22 =	vpop (erf)  }
0x1a9: {  	vm15 =	vgt.f32 v2, $0.0e+00;
	vm4 =	vgt.f32 v3, $0.0e+00;
	[tilespmem:s7+$0x120] =	vst v5;
	v43 =	vpop (erf);
	v21 =	vadd.f32 $-1.000000000e+00, v22  }
0x1aa: {  	(erf) = vpow2.f32 v40;
	v2 =	vsel vm15, v2, v4;
	[tilespmem:s7+$0x100] =	vst v0;
	v44 =	vpop (erf);
	v0 =	vadd.f32 $-1.000000000e+00, v43  }
0x1ab: {  	vm5 =	vgt.f32 v24, $0.0e+00;
	[tilespmem:s7+$0x130] =	vst v2;
	v45 =	vpop (erf);
	v3 =	vsel vm4, v3, v21;
	v1 =	vadd.f32 $-1.000000000e+00, v44  }
0x1ac: {  	vm6 =	vgt.f32 v7, $0.0e+00;
	v46 =	vpop (erf);
	v0 =	vsel vm5, v24, v0;
	v4 =	vadd.f32 $-1.000000000e+00, v45;
	[tilespmem:s7+$0x140] =	vst v3  }
0x1ad: {  	vm7 =	vgt.f32 v26, $0.0e+00;
	v47 =	vpop (erf);
	v1 =	vsel vm6, v7, v1;
	v2 =	vadd.f32 $-1.000000000e+00, v46;
	[tilespmem:s7+$0x150] =	vst v0  }
0x1ae: {  	vm8 =	vgt.f32 v6, $0.0e+00;
	v49 =	vpop (erf);
	v4 =	vsel vm7, v26, v4;
	v3 =	vadd.f32 $-1.000000000e+00, v47;
	[tilespmem:s7+$0x160] =	vst v1  }
0x1af: {  	vm9 =	vgt.f32 v29, $0.0e+00;
	v55 =	vpop (erf);
	v2 =	vsel vm8, v6, v2;
	v0 =	vadd.f32 $-1.000000000e+00, v49;
	[tilespmem:s7+$0x170] =	vst v4  }
0x1b0: {  	vm10 =	vgt.f32 v33, $0.0e+00;
	v57 =	vpop (erf);
	v3 =	vsel vm9, v29, v3;
	v1 =	vadd.f32 $-1.000000000e+00, v55;
	[tilespmem:s7+$0x180] =	vst v2  }
0x1b1: {  	s9 =	sadd.s32 $0x2, s9;
	vm11 =	vgt.f32 v36, $0.0e+00;
	v58 =	vpop (erf);
	v0 =	vsel vm10, v33, v0;
	v4 =	vadd.f32 $-1.000000000e+00, v57;
	[tilespmem:s7+$0x190] =	vst v3  }
0x1b2: {  	p0 =	slt.u32 s9, $0x1E;
	vm12 =	vgt.f32 v37, $0.0e+00;
	v59 =	vpop (erf);
	v1 =	vsel vm11, v36, v1;
	v2 =	vadd.f32 $-1.000000000e+00, v58;
	[tilespmem:s7+$0x1A0] =	vst v0  }
.Ltmp2:
0x1b3: {  	vm13 =	vgt.f32 v31, $0.0e+00;
	v60 =	vpop (erf);
	v4 =	vsel vm12, v37, v4;
	v3 =	vadd.f32 $-1.000000000e+00, v59;
	[tilespmem:s7+$0x1B0] =	vst v1;
	(pc) =	sbr.rel @p0 .LBB2_3-.Ltmp2, $4  }
0x1b4: {  	vm14 =	vgt.f32 v25, $0.0e+00;
	v61 =	vsel vm13, v31, v2;
	v0 =	vadd.f32 $-1.000000000e+00, v60;
	[tilespmem:s7+$0x1C0] =	vst v4  }
0x1b5: {  	vm15 =	vgt.f32 v23, $0.0e+00;
	v62 =	vsel vm14, v25, v3;
	[tilespmem:s7+$0x1D0] =	vst v61  }
0x1b6: {  	v0 =	vsel vm15, v23, v0;
	[tilespmem:s7+$0x1E0] =	vst v62  }
0x1b7: {  	s14 =	sadd.s32 $0x20, s14;
	v56 =	vimm.s32 $0x0;
	s20 =	sadd.s32 $0x400, s20;
	[tilespmem:s7+$0x1F0] =	vst v0;
	s7 =	sadd.s32 $0x400, s7  }
0x1b8: {  	s7 =	sshll.u32 s23, $0xF  }
0x1b9: {  	s7 =	sadd.s32 s10, s7  }
0x1ba: {  	s7 =	sshrl.u32 s7, $0x3  }
0x1bb: {  	p0 =	seq.s32 s23, $0x18;
	s7 =	sadd.s32 s4, s7  }
0x1bc: {  	[hbm4b:s7+s5] =	stream.linear.scatter [tilespmem:s3], [sflag:$0x3], $0x4000, $0x38;
	[tilespmem:$0x10440] =	vst v63  }
0x1bd: {  	s7 =	sadd.s32 @!p0 s24, s11  }
0x1be: {  	s7 =	sshll.u32 @!p0 s7, $0x4  }
0x1bf: {  	s7 =	sand.u32 @!p0 $0x1FFFFF80, s7  }
0x1c0: {  	s9 =	simm.s32 @!p0 $0x0;
	s7 =	sadd.s32 @!p0 s6, s7  }
0x1c1: {  	[tilespmem:s9], [sflag:$0x5] =	stream.linear.gather @!p0 [hbm4b:s7+s9], $0x200, $0x38;
	[tilespmem:$0x10440] =	vst v63  }
0x1c2: {  	s7 =	simm.s32 @!p0 $0x5  }
0x1c3: {  	_ =	swait.ge @!p0 [sflag:s7], $0x200  }
0x1c4: {  	[sflag:s7] =	ssyncset.done @!p0 $0x0  }
0x1c5: {  	s14 =	simm.s32 @!p0 $0x400;
	[sflag:s7] =	ssyncadd.s32 @!p0 $0xFFFFFE00;
	s7 =	simm.s32 @!p0 $0x80  }
0x1c6: {  	[tilespmem:s14], [sflag:$0x1] =	stream.indirect.gather @!p0 [hbm4b:s8+s7], $0x20, s9, s7, $0xb8;
	[tilespmem:$0x10440] =	vst v63  }
0x1c7: {  	s9 =	simm.s32 @!p0 $0x1400  }
0x1c8: {  	[tilespmem:s9], [sflag:$0x1] =	stream.indirect.gather @!p0 [hbm4b:s8+s7], $0x20, s7, s7, $0xb8;
	[tilespmem:$0x10440] =	vst v63  }
0x1c9: {  	p1 =	seq.s32 @!p0 s23, $0x0;
	s14 =	simm.s32 @!p0 $0x2400;
	s9 =	simm.s32 @!p0 $0x100  }
0x1ca: {  	[tilespmem:s14], [sflag:$0x1] =	stream.indirect.gather @!p0 [hbm4b:s8+s7], $0x20, s9, s7, $0xb8;
	[tilespmem:$0x10440] =	vst v63  }
0x1cb: {  	p1 =	por p0, !p1;
	s9 =	simm.s32 @!p0 $0x180;
	s14 =	simm.s32 @!p0 $0x3400  }
0x1cc: {  	[tilespmem:s14], [sflag:$0x1] =	stream.indirect.gather @!p0 [hbm4b:s8+s7], $0x20, s9, s7, $0xb8;
	[tilespmem:$0x10440] =	vst v63  }
0x1cd: {  	_ =	swait.ge @p1 [sflag:s21], $0x4000  }
0x1ce: {  	[sflag:s21] =	ssyncset.done @p1 $0x0  }
0x1cf: {  	[sflag:s21] =	ssyncadd.s32 @p1 $0xFFFFC000  }
0x1d0: {  	_ =	swait.ge [sflag:s15], $0x4000  }
0x1d1: {  	s9 =	simm.s32 $0xFFFFFFFE;
	[sflag:s15] =	ssyncset.done $0x0  }
0x1d2: {  	s7 =	simm.s32 $0x0;
	s14 =	simm.s32 $0x10;
	[sflag:s15] =	ssyncadd.s32 $0xFFFFC000  }
.LBB2_5:
0x1d3: {  	s20 =	sadd.s32 $0xFFFFFFF0, s14  }
0x1d4: {  	v0 =	vmov s20  }
0x1d5: {  	v0 =	vshll.u32 v0, $0x5  }
0x1d6: {  	v21 =	vor.u32 v8, v0;
	_ =	sdelay $0x1  }
0x1d7: {  	v0 =	vor.u32 $0x1, v21  }
0x1d8: {  	v1 =	vor.u32 $0x2, v21;
	_ =	sdelay $0x1  }
0x1d9: {  	v3 =	vor.u32 $0x3, v21;
	v2 =	vld.idx.msk [tilespmem:v21+s26+$0x0], $0xffff;
	_ =	sdelay $0x1  }
0x1da: {  	v0 =	vld.idx.msk [tilespmem:v0+s26+$0x0], $0xffff  }
0x1db: {  	v4 =	vor.u32 $0x4, v21;
	v1 =	vld.idx.msk [tilespmem:v1+s26+$0x0], $0xffff  }
0x1dc: {  	v5 =	vor.u32 $0x5, v21  }
0x1dd: {  	v3 =	vld.idx.msk [tilespmem:v3+s26+$0x0], $0xffff;
	v6 =	vadd.f32 $0.0e+00, v2  }
0x1de: {  	v22 =	vor.u32 $0x6, v21  }
0x1df: {  	v2 =	vmul.f32 v2, v2;
	v7 =	vmul.f32 v0, v0;
	v0 =	vadd.f32 v0, v6  }
0x1e0: {  	v4 =	vld.idx.msk [tilespmem:v4+s26+$0x0], $0xffff;
	v6 =	vmul.f32 v1, v1  }
0x1e1: {  	v47 =	vld.idx.msk [tilespmem:v5+s26+$0x0], $0xffff;
	v2 =	vadd.f32 v7, v2;
	v7 =	vor.u32 $0x7, v21;
	v0 =	vadd.f32 v1, v0  }
0x1e2: {  	v48 =	vmul.f32 v3, v3  }
0x1e3: {  	v49 =	vld.idx.msk [tilespmem:v22+s26+$0x0], $0xffff;
	v2 =	vadd.f32 v6, v2;
	v6 =	vor.u32 $0x8, v21;
	v0 =	vadd.f32 v3, v0  }
0x1e4: {  	v22 =	vor.u32 $0x9, v21  }
0x1e5: {  	v53 =	vmul.f32 v4, v4;
	v2 =	vadd.f32 v48, v2;
	v0 =	vadd.f32 v4, v0  }
0x1e6: {  	v55 =	vmul.f32 v47, v47;
	v54 =	vld.idx.msk [tilespmem:v7+s26+$0x0], $0xffff  }
0x1e7: {  	v7 =	vor.u32 $0xA, v21;
	v2 =	vadd.f32 v53, v2;
	v0 =	vadd.f32 v47, v0  }
0x1e8: {  	v58 =	vmul.f32 v49, v49;
	v57 =	vld.idx.msk [tilespmem:v6+s26+$0x0], $0xffff  }
0x1e9: {  	v59 =	vld.idx.msk [tilespmem:v22+s26+$0x0], $0xffff;
	v6 =	vor.u32 $0xB, v21;
	v2 =	vadd.f32 v55, v2;
	v0 =	vadd.f32 v49, v0  }
0x1ea: {  	v22 =	vor.u32 $0xC, v21  }
0x1eb: {  	v2 =	vadd.f32 v58, v2;
	v60 =	vmul.f32 v54, v54;
	v0 =	vadd.f32 v54, v0  }
0x1ec: {  	v61 =	vld.idx.msk [tilespmem:v7+s26+$0x0], $0xffff;
	v7 =	vor.u32 $0xD, v21  }
0x1ed: {  	v2 =	vadd.f32 v60, v2;
	v62 =	vmul.f32 v57, v57;
	v0 =	vadd.f32 v57, v0  }
0x1ee: {  	v25 =	vmul.f32 v59, v59;
	v24 =	vld.idx.msk [tilespmem:v6+s26+$0x0], $0xffff  }
0x1ef: {  	v26 =	vld.idx.msk [tilespmem:v22+s26+$0x0], $0xffff;
	v6 =	vor.u32 $0xE, v21;
	v2 =	vadd.f32 v62, v2;
	v0 =	vadd.f32 v59, v0  }
0x1f0: {  	v22 =	vor.u32 $0xF, v21  }
0x1f1: {  	v27 =	vmul.f32 v61, v61;
	v2 =	vadd.f32 v25, v2;
	v0 =	vadd.f32 v61, v0  }
0x1f2: {  	v28 =	vld.idx.msk [tilespmem:v7+s26+$0x0], $0xffff;
	v7 =	vor.u32 $0x10, v21  }
0x1f3: {  	v29 =	vmul.f32 v24, v24;
	v2 =	vadd.f32 v27, v2;
	v0 =	vadd.f32 v24, v0  }
0x1f4: {  	v31 =	vmul.f32 v26, v26;
	v30 =	vld.idx.msk [tilespmem:v6+s26+$0x0], $0xffff  }
0x1f5: {  	v32 =	vld.idx.msk [tilespmem:v22+s26+$0x0], $0xffff;
	v6 =	vor.u32 $0x11, v21;
	v2 =	vadd.f32 v29, v2;
	v0 =	vadd.f32 v26, v0  }
0x1f6: {  	v22 =	vor.u32 $0x12, v21  }
0x1f7: {  	v33 =	vmul.f32 v28, v28;
	v2 =	vadd.f32 v31, v2;
	v0 =	vadd.f32 v28, v0  }
0x1f8: {  	v34 =	vld.idx.msk [tilespmem:v7+s26+$0x0], $0xffff;
	v7 =	vor.u32 $0x13, v21  }
0x1f9: {  	v35 =	vmul.f32 v30, v30;
	v2 =	vadd.f32 v33, v2;
	v0 =	vadd.f32 v30, v0  }
0x1fa: {  	v37 =	vmul.f32 v32, v32;
	v36 =	vld.idx.msk [tilespmem:v6+s26+$0x0], $0xffff  }
0x1fb: {  	v38 =	vld.idx.msk [tilespmem:v22+s26+$0x0], $0xffff;
	v6 =	vor.u32 $0x14, v21;
	v2 =	vadd.f32 v35, v2;
	v0 =	vadd.f32 v32, v0  }
0x1fc: {  	v22 =	vor.u32 $0x15, v21  }
0x1fd: {  	v39 =	vmul.f32 v34, v34;
	v2 =	vadd.f32 v37, v2;
	v0 =	vadd.f32 v34, v0  }
0x1fe: {  	v40 =	vld.idx.msk [tilespmem:v7+s26+$0x0], $0xffff;
	v7 =	vor.u32 $0x16, v21  }
0x1ff: {  	v41 =	vmul.f32 v36, v36;
	v2 =	vadd.f32 v39, v2;
	v0 =	vadd.f32 v36, v0  }
0x200: {  	v43 =	vmul.f32 v38, v38;
	v42 =	vld.idx.msk [tilespmem:v6+s26+$0x0], $0xffff  }
0x201: {  	v6 =	vor.u32 $0x17, v21;
	v2 =	vadd.f32 v41, v2;
	v0 =	vadd.f32 v38, v0  }
0x202: {  	v44 =	vld.idx.msk [tilespmem:v22+s26+$0x0], $0xffff;
	v22 =	vor.u32 $0x18, v21  }
0x203: {  	v45 =	vmul.f32 v40, v40;
	v46 =	vld.idx.msk [tilespmem:v7+s26+$0x0], $0xffff;
	v2 =	vadd.f32 v43, v2;
	v0 =	vadd.f32 v40, v0  }
0x204: {  	v7 =	vor.u32 $0x19, v21  }
0x205: {  	v47 =	vmul.f32 v42, v42;
	v2 =	vadd.f32 v45, v2;
	v0 =	vadd.f32 v42, v0  }
0x206: {  	v48 =	vld.idx.msk [tilespmem:v6+s26+$0x0], $0xffff;
	v6 =	vor.u32 $0x1A, v21  }
0x207: {  	v49 =	vmul.f32 v44, v44;
	v2 =	vadd.f32 v47, v2;
	v0 =	vadd.f32 v44, v0  }
0x208: {  	v53 =	vld.idx.msk [tilespmem:v22+s26+$0x0], $0xffff;
	v54 =	vmul.f32 v46, v46  }
0x209: {  	v55 =	vld.idx.msk [tilespmem:v7+s26+$0x0], $0xffff;
	v7 =	vor.u32 $0x1B, v21;
	v2 =	vadd.f32 v49, v2;
	v0 =	vadd.f32 v46, v0  }
0x20a: {  	v58 =	vor.u32 $0x1C, v21  }
0x20b: {  	v57 =	vmul.f32 v48, v48;
	v6 =	vld.idx.msk [tilespmem:v6+s26+$0x0], $0xffff;
	v2 =	vadd.f32 v54, v2;
	v0 =	vadd.f32 v48, v0  }
0x20c: {  	v60 =	vor.u32 $0x1D, v21  }
0x20d: {  	v59 =	vmul.f32 v53, v53;
	v2 =	vadd.f32 v57, v2;
	v0 =	vadd.f32 v53, v0  }
0x20e: {  	v62 =	vor.u32 $0x1E, v21;
	v7 =	vld.idx.msk [tilespmem:v7+s26+$0x0], $0xffff  }
0x20f: {  	v61 =	vmul.f32 v55, v55;
	v2 =	vadd.f32 v59, v2;
	v0 =	vadd.f32 v55, v0  }
0x210: {  	v1 =	vld.idx.msk [tilespmem:v58+s26+$0x0], $0xffff;
	v24 =	vmul.f32 v6, v6  }
0x211: {  	v2 =	vadd.f32 v61, v2;
	v0 =	vadd.f32 v6, v0;
	v6 =	vor.u32 $0x1F, v21  }
0x212: {  	v3 =	vld.idx.msk [tilespmem:v60+s26+$0x0], $0xffff  }
0x213: {  	v25 =	vmul.f32 v7, v7;
	v2 =	vadd.f32 v24, v2;
	v0 =	vadd.f32 v7, v0  }
0x214: {  	v4 =	vld.idx.msk [tilespmem:v62+s26+$0x0], $0xffff  }
0x215: {  	v2 =	vadd.f32 v25, v2;
	v0 =	vadd.f32 v1, v0;
	v1 =	vmul.f32 v1, v1  }
0x216: {  	v26 =	vld.idx.msk [tilespmem:v6+s26+$0x0], $0xffff  }
0x217: {  	v27 =	vmul.f32 v3, v3;
	v1 =	vadd.f32 v1, v2;
	v0 =	vadd.f32 v3, v0;
	_ =	sdelay $0x1  }
0x218: {  	v28 =	vmul.f32 v4, v4;
	v1 =	vadd.f32 v27, v1;
	v0 =	vadd.f32 v4, v0;
	_ =	sdelay $0x1  }
0x219: {  	v1 =	vadd.f32 v28, v1;
	v0 =	vadd.f32 v26, v0;
	v29 =	vmul.f32 v26, v26;
	_ =	sdelay $0x1  }
0x21a: {  	v1 =	vadd.f32 v29, v1;
	v0 =	vmul.f32 $3.125000000e-02, v0;
	_ =	sdelay $0x1  }
0x21b: {  	v1 =	vmul.f32 $3.125000000e-02, v1;
	v30 =	vmul.f32 v0, v0;
	_ =	sdelay $0x1  }
0x21c: {  	v1 =	vsub.f32 v1, v30;
	_ =	sdelay $0x1  }
0x21d: {  	v1 =	vmax.f32 v1, $0.0e+00  }
0x21e: {  	v1 =	vadd.f32 $9.999999960e-13, v1;
	_ =	sdelay $0x1  }
0x21f: {  	v31 =	vshra.s32 v1, $0x1;
	v1 =	vmul.f32 $5.000000000e-01, v1  }
0x220: {  	v2 =	vsub.s32 $0x5F3759DF, v31  }
0x221: {  	v32 =	vmul.f32 v2, v1;
	_ =	sdelay $0x1  }
0x222: {  	v3 =	vmul.f32 v2, v32;
	_ =	sdelay $0x1  }
0x223: {  	v3 =	vsub.f32 $1.500000000e+00, v3;
	_ =	sdelay $0x1  }
0x224: {  	v2 =	vmul.f32 v2, v3;
	_ =	sdelay $0x1  }
0x225: {  	v1 =	vmul.f32 v2, v1;
	_ =	sdelay $0x1  }
0x226: {  	v1 =	vmul.f32 v1, v2;
	_ =	sdelay $0x1  }
0x227: {  	v1 =	vsub.f32 $1.500000000e+00, v1  }
0x228: {  	s22 =	sshra.s32 s7, $0x2  }
0x229: {  	v33 =	vld [tilespmem:s22+$0x4400];
	v36 =	vmul.f32 v1, v2  }
0x22a: {  	v35 =	vld [tilespmem:s22+$0x4420]  }
0x22b: {  	v34 =	vld [tilespmem:s22+$0x4410];
	v37 =	vmul.f32 v36, v0;
	v41 =	vperm.xlane v36, v56  }
0x22c: {  	v43 =	vld [tilespmem:s22+$0x4440];
	v6 =	vperm.xlane v36, v9;
	v22 =	vperm.xlane v36, v11  }
0x22d: {  	v40 =	vld [tilespmem:s22+$0x4430];
	v25 =	vperm.xlane v36, v12;
	v26 =	vperm.xlane v36, v13  }
0x22e: {  	v21 =	vld [tilespmem:s22+$0x4450];
	v27 =	vperm.xlane v36, v10;
	v49 =	vperm.xlane v36, v14  }
0x22f: {  	v44 =	vld [tilespmem:s22+$0x4460];
	v32 =	vperm.xlane v36, v15;
	v42 =	vperm.xlane v37, v56  }
0x230: {  	v23 =	vld [tilespmem:s22+$0x4490];
	v3 =	vmul.f32 v41, v33;
	v1 =	vmul.f32 v41, v34  }
0x231: {  	v7 =	vperm.xlane v37, v9;
	v2 =	vmul.f32 v6, v35  }
0x232: {  	v28 =	vld [tilespmem:s22+$0x44E0];
	v0 =	vmul.f32 v6, v40;
	v24 =	vperm.xlane v37, v11  }
0x233: {  	v29 =	vld [tilespmem:s22+$0x44F0];
	v4 =	vmul.f32 v22, v43;
	v21 =	vmul.f32 v22, v21  }
0x234: {  	v22 =	vperm.xlane v37, v12;
	v5 =	vmul.f32 v25, v44  }
0x235: {  	v48 =	vld [tilespmem:s22+$0x44D0];
	v45 =	vperm.xlane v37, v13;
	v23 =	vmul.f32 v26, v23  }
0x236: {  	v30 =	vperm.xlane v37, v10;
	v31 =	vperm.xlane v37, v14  }
0x237: {  	v16 =	vimm.s32 $0xE;
	v53 =	vperm.xlane v37, v15;
	v28 =	vmul.f32 v32, v28  }
0x238: {  	v29 =	vmul.f32 v32, v29;
	v3 =	vsub.f32 v3, v42;
	v1 =	vsub.f32 v1, v42  }
0x239: {  	v32 =	vperm.xlane v37, v50;
	v2 =	vsub.f32 v2, v7;
	v0 =	vsub.f32 v0, v7  }
0x23a: {  	v4 =	vsub.f32 v4, v24;
	v21 =	vsub.f32 v21, v24;
	v24 =	vmul.f32 v49, v48  }
0x23b: {  	v6 =	vld [tilespmem:s22+$0x4470];
	v5 =	vsub.f32 v5, v22;
	v3 =	vmul.f32 v3, v17;
	v1 =	vmul.f32 v1, v18  }
0x23c: {  	v46 =	vld [tilespmem:s22+$0x44A0];
	v23 =	vsub.f32 v23, v45;
	v2 =	vmul.f32 v2, v17;
	v0 =	vmul.f32 v0, v18  }
0x23d: {  	v28 =	vsub.f32 v28, v53;
	v4 =	vmul.f32 v4, v17;
	v21 =	vmul.f32 v21, v18  }
0x23e: {  	v15 =	vimm.s32 $0xA;
	v7 =	vld [tilespmem:s22+$0x4480];
	v5 =	vmul.f32 v5, v17;
	v23 =	vmul.f32 v23, v18  }
0x23f: {  	v47 =	vld [tilespmem:s22+$0x44B0];
	v24 =	vsub.f32 v24, v31;
	v28 =	vmul.f32 v28, v17;
	v3 =	vadd.f32 v3, v19  }
0x240: {  	v6 =	vmul.f32 v25, v6;
	v1 =	vadd.f32 v1, v20;
	v2 =	vadd.f32 v2, v19  }
0x241: {  	v25 =	vmul.f32 v27, v46;
	v0 =	vadd.f32 v0, v20;
	v4 =	vadd.f32 v4, v19  }
0x242: {  	v24 =	vmul.f32 v24, v18;
	v21 =	vadd.f32 v21, v20;
	v5 =	vadd.f32 v5, v19  }
0x243: {  	v62 =	vadd.f32 v23, v20;
	v41 =	vadd.f32 v28, v19;
	v7 =	vmul.f32 v26, v7  }
0x244: {  	v6 =	vsub.f32 v6, v22;
	v26 =	vmul.f32 v27, v47;
	v54 =	vmul.f32 $1.442695020e+00, v3  }
0x245: {  	v25 =	vsub.f32 v25, v30;
	v55 =	vmul.f32 $1.442695020e+00, v1;
	v57 =	vmul.f32 $1.442695020e+00, v2  }
0x246: {  	v27 =	vsub.f32 v29, v53;
	v58 =	vmul.f32 $1.442695020e+00, v0;
	v59 =	vmul.f32 $1.442695020e+00, v4  }
0x247: {  	v60 =	vmul.f32 $1.442695020e+00, v21;
	v61 =	vmul.f32 $1.442695020e+00, v5;
	v40 =	vadd.f32 v24, v20  }
0x248: {  	vm0 =	vgt.f32 v3, $0.0e+00;
	vm1 =	vgt.f32 v1, $0.0e+00;
	vm14 =	vgt.f32 v2, $0.0e+00  }
0x249: {  	v22 =	vld [tilespmem:s22+$0x44C0];
	vm15 =	vgt.f32 v0, $0.0e+00;
	vm4 =	vgt.f32 v4, $0.0e+00;
	vm5 =	vgt.f32 v21, $0.0e+00  }
0x24a: {  	vm6 =	vgt.f32 v5, $0.0e+00;
	v7 =	vsub.f32 v7, v45;
	v6 =	vmul.f32 v6, v18  }
0x24b: {  	v26 =	vsub.f32 v26, v30;
	v25 =	vmul.f32 v25, v17;
	v27 =	vmul.f32 v27, v18  }
0x24c: {  	vm9 =	vgt.f32 v62, $0.0e+00;
	(erf) = vpow2.f32 v54;
	v7 =	vmul.f32 v7, v17  }
0x24d: {  	v26 =	vmul.f32 v26, v18;
	(erf) = vpow2.f32 v55;
	v6 =	vadd.f32 v6, v20  }
0x24e: {  	v38 =	vadd.f32 v27, v20;
	v22 =	vmul.f32 v49, v22;
	(erf) = vpow2.f32 v57  }
0x24f: {  	(erf) = vpow2.f32 v58;
	v7 =	vadd.f32 v7, v19;
	v23 =	vmul.f32 $1.442695020e+00, v6  }
0x250: {  	v27 =	vmul.f32 $1.442695020e+00, v38;
	v22 =	vsub.f32 v22, v31;
	(erf) = vpow2.f32 v59  }
0x251: {  	vm13 =	vgt.f32 v40, $0.0e+00;
	(erf) = vpow2.f32 v60;
	v31 =	vmul.f32 $1.442695020e+00, v7  }
0x252: {  	v30 =	vadd.f32 v25, v19;
	v22 =	vmul.f32 v22, v17;
	(erf) = vpow2.f32 v61  }
0x253: {  	v34 =	vadd.f32 v26, v20;
	(erf) = vpow2.f32 v23;
	v23 =	vmul.f32 $1.442695020e+00, v62  }
0x254: {  	v39 =	vadd.f32 v22, v19;
	(erf) = vpow2.f32 v31;
	v22 =	vmul.f32 $1.442695020e+00, v30  }
0x255: {  	vm7 =	vgt.f32 v6, $0.0e+00;
	(erf) = vpow2.f32 v23;
	v23 =	vmul.f32 $1.442695020e+00, v34  }
0x256: {  	vm10 =	vgt.f32 v30, $0.0e+00;
	v33 =	vpop (erf);
	(erf) = vpow2.f32 v22;
	v22 =	vmul.f32 $1.442695020e+00, v39  }
0x257: {  	v59 =	vmov s14;
	v35 =	vpop (erf);
	(erf) = vpow2.f32 v23;
	v23 =	vmul.f32 $1.442695020e+00, v40  }
0x258: {  	vm8 =	vgt.f32 v7, $0.0e+00;
	v42 =	vpop (erf);
	(erf) = vpow2.f32 v22;
	v22 =	vmul.f32 $1.442695020e+00, v41  }
0x259: {  	vm11 =	vgt.f32 v34, $0.0e+00;
	v43 =	vpop (erf);
	v45 =	vadd.f32 $-1.000000000e+00, v42;
	(erf) = vpow2.f32 v23  }
0x25a: {  	vm12 =	vgt.f32 v39, $0.0e+00;
	v23 =	vadd.f32 $-1.000000000e+00, v35;
	v44 =	vpop (erf);
	(erf) = vpow2.f32 v22  }
0x25b: {  	v22 =	vadd.f32 $-1.000000000e+00, v33;
	v46 =	vpop (erf);
	v33 =	vsel vm14, v2, v45;
	vm14 =	vgt.f32 v41, $0.0e+00  }
0x25c: {  	v31 =	vsel vm1, v1, v23;
	v23 =	vadd.f32 $-1.000000000e+00, v44;
	v49 =	vadd.f32 $-1.000000000e+00, v46  }
0x25d: {  	v47 =	vpop (erf);
	(erf) = vpow2.f32 v27;
	v35 =	vsel vm0, v3, v22;
	v22 =	vadd.f32 $-1.000000000e+00, v43  }
0x25e: {  	v48 =	vpop (erf);
	v53 =	vadd.f32 $-1.000000000e+00, v47;
	v3 =	vshll.u32 v59, $0x5;
	v24 =	vsel vm4, v4, v23  }
0x25f: {  	v1 =	vadd.f32 $-1.000000000e+00, v48;
	v54 =	vpop (erf);
	v25 =	vsel vm5, v21, v49;
	v42 =	vor.u32 v8, v3  }
0x260: {  	v29 =	vsel vm15, v0, v22;
	v26 =	vsel vm6, v5, v53;
	v57 =	vadd.f32 $-1.000000000e+00, v54  }
0x261: {  	v55 =	vpop (erf);
	v3 =	vor.u32 $0x1, v42;
	v48 =	vor.u32 $0x2, v42;
	v43 =	vor.u32 $0x3, v42  }
0x262: {  	v58 =	vld [tilespmem:s22+$0x4500];
	v45 =	vor.u32 $0x4, v42;
	v46 =	vor.u32 $0x7, v42;
	v0 =	vadd.f32 $-1.000000000e+00, v55;
	v60 =	vpop (erf)  }
0x263: {  	vm15 =	vgt.f32 v38, $0.0e+00;
	v22 =	vsel vm7, v6, v1;
	v4 =	vadd.f32 $-1.000000000e+00, v60  }
0x264: {  	v6 =	vld [tilespmem:s22+$0x4510];
	v1 =	vsel vm8, v7, v57;
	v61 =	vpop (erf);
	v7 =	vperm.xlane v37, v63;
	v0 =	vsel vm9, v62, v0  }
0x265: {  	v44 =	vld [tilespmem:s22+$0x4520];
	v62 =	vperm.xlane v36, v63;
	v47 =	vpop (erf);
	[tilespmem:$0x1FFE0] =	vst v0;
	v0 =	vadd.f32 $-1.000000000e+00, v61;
	v21 =	vsel vm10, v30, v4  }
0x266: {  	v49 =	vadd.f32 $-1.000000000e+00, v47;
	v53 =	vpop (erf);
	v54 =	vld.idx.msk [tilespmem:v42+s26+$0x0], $0xffff;
	v61 =	vor.u32 $0x5, v42;
	v30 =	vor.u32 $0x6, v42  }
0x267: {  	v47 =	vor.u32 $0x8, v42;
	v2 =	vmul.f32 v62, v58;
	v57 =	vadd.f32 $-1.000000000e+00, v53;
	v3 =	vld.idx.msk [tilespmem:v3+s26+$0x0], $0xffff  }
0x268: {  	v55 =	vpop (erf);
	v60 =	vld.idx.msk [tilespmem:v48+s26+$0x0], $0xffff;
	v48 =	vor.u32 $0x9, v42;
	v0 =	vsel vm11, v34, v0;
	v28 =	vsel vm12, v39, v49  }
0x269: {  	v58 =	vadd.f32 $-1.000000000e+00, v55;
	v59 =	vmul.f32 v62, v6;
	v62 =	vperm.xlane v36, v50  }
0x26a: {  	v49 =	vor.u32 $0xC, v42;
	v2 =	vsub.f32 v2, v7;
	v23 =	vsel vm13, v40, v57  }
0x26b: {  	v34 =	vld [tilespmem:s22+$0x4530];
	[tilespmem:$0x1FFF0] =	vst v0;
	v27 =	vsel vm14, v41, v58;
	v0 =	vsub.f32 v59, v7;
	v44 =	vmul.f32 v62, v44  }
0x26c: {  	v7 =	vld.idx.msk [tilespmem:v43+s26+$0x0], $0xffff;
	v2 =	vmul.f32 v2, v17;
	v6 =	vadd.f32 $0.0e+00, v54;
	v5 =	vmul.f32 v54, v54  }
0x26d: {  	[tilespmem:$0x1FFD0] =	vst v1;
	v58 =	vld [tilespmem:s22+$0x4540];
	v63 =	vmul.f32 v3, v3;
	v0 =	vmul.f32 v0, v18;
	v44 =	vsub.f32 v44, v32  }
0x26e: {  	v53 =	vmul.f32 v60, v60;
	v39 =	vadd.f32 v2, v19;
	v3 =	vadd.f32 v3, v6;
	v6 =	vld.idx.msk [tilespmem:v45+s26+$0x0], $0xffff  }
0x26f: {  	v2 =	vld.idx.msk [tilespmem:v61+s26+$0x0], $0xffff;
	v45 =	vperm.xlane v36, v15;
	v5 =	vadd.f32 v63, v5;
	v40 =	vadd.f32 v0, v20  }
0x270: {  	v57 =	vmul.f32 v44, v17;
	v63 =	vld.idx.msk [tilespmem:v47+s26+$0x0], $0xffff;
	v47 =	vperm.xlane v37, v15;
	v1 =	vadd.f32 v60, v3  }
0x271: {  	v15 =	vimm.s32 $0xF;
	v55 =	vmul.f32 v7, v7;
	v54 =	vadd.f32 v53, v5  }
0x272: {  	v60 =	vmul.f32 v62, v34;
	v34 =	vmul.f32 v45, v58;
	v1 =	vadd.f32 v7, v1;
	v7 =	vld.idx.msk [tilespmem:v30+s26+$0x0], $0xffff  }
0x273: {  	v61 =	vld.idx.msk [tilespmem:v46+s26+$0x0], $0xffff;
	vm4 =	vgt.f32 v39, $0.0e+00;
	v3 =	vadd.f32 v55, v54;
	v59 =	vmul.f32 v6, v6  }
0x274: {  	v41 =	vadd.f32 v57, v19;
	vm5 =	vgt.f32 v40, $0.0e+00;
	v1 =	vadd.f32 v6, v1  }
0x275: {  	v62 =	vmul.f32 v2, v2;
	v6 =	vor.u32 $0xA, v42;
	v3 =	vadd.f32 v59, v3  }
0x276: {  	v0 =	vsub.f32 v60, v32;
	v32 =	vor.u32 $0xB, v42;
	v1 =	vadd.f32 v2, v1  }
0x277: {  	v44 =	vsub.f32 v34, v47;
	v3 =	vadd.f32 v62, v3;
	v30 =	vmul.f32 v7, v7  }
0x278: {  	v34 =	vperm.xlane v36, v51;
	v54 =	vmul.f32 v61, v61;
	v1 =	vadd.f32 v7, v1;
	v7 =	vld.idx.msk [tilespmem:v48+s26+$0x0], $0xffff  }
0x279: {  	v60 =	vld [tilespmem:s22+$0x4560];
	vm6 =	vgt.f32 v41, $0.0e+00;
	v0 =	vmul.f32 v0, v18;
	v3 =	vadd.f32 v30, v3  }
0x27a: {  	v57 =	vmul.f32 v63, v63;
	v58 =	vmul.f32 v44, v17;
	v55 =	vld.idx.msk [tilespmem:v6+s26+$0x0], $0xffff;
	v1 =	vadd.f32 v61, v1  }
0x27b: {  	v43 =	vadd.f32 v0, v20;
	v6 =	vor.u32 $0xD, v42;
	v3 =	vadd.f32 v54, v3  }
0x27c: {  	v44 =	vadd.f32 v58, v19;
	v58 =	vperm.xlane v37, v51;
	v59 =	vld.idx.msk [tilespmem:v32+s26+$0x0], $0xffff;
	v1 =	vadd.f32 v63, v1  }
0x27d: {  	v53 =	vld [tilespmem:s22+$0x4550];
	v62 =	vor.u32 $0xE, v42;
	v3 =	vadd.f32 v57, v3;
	v61 =	vmul.f32 v7, v7  }
0x27e: {  	v32 =	vor.u32 $0xF, v42;
	v46 =	vmul.f32 v34, v60;
	v1 =	vadd.f32 v7, v1;
	v7 =	vld.idx.msk [tilespmem:v49+s26+$0x0], $0xffff  }
0x27f: {  	v48 =	vperm.xlane v36, v52;
	v30 =	vmul.f32 v55, v55;
	v3 =	vadd.f32 v61, v3  }
0x280: {  	vm7 =	vgt.f32 v43, $0.0e+00;
	vm8 =	vgt.f32 v44, $0.0e+00;
	v54 =	vld.idx.msk [tilespmem:v6+s26+$0x0], $0xffff;
	v1 =	vadd.f32 v55, v1  }
0x281: {  	v57 =	vor.u32 $0x10, v42;
	v6 =	vld [tilespmem:s22+$0x4570];
	v55 =	vmul.f32 v59, v59;
	v3 =	vadd.f32 v30, v3  }
0x282: {  	v46 =	vsub.f32 v46, v58;
	v63 =	vmul.f32 v45, v53;
	v1 =	vadd.f32 v59, v1;
	v59 =	vld.idx.msk [tilespmem:v62+s26+$0x0], $0xffff  }
0x283: {  	v61 =	vor.u32 $0x11, v42;
	v3 =	vadd.f32 v55, v3;
	v60 =	vmul.f32 v7, v7  }
0x284: {  	v46 =	vmul.f32 v46, v17;
	v0 =	vsub.f32 v63, v47;
	v1 =	vadd.f32 v7, v1;
	v7 =	vld.idx.msk [tilespmem:v32+s26+$0x0], $0xffff  }
0x285: {  	v63 =	vor.u32 $0x12, v42;
	v62 =	vmul.f32 v54, v54;
	v3 =	vadd.f32 v60, v3  }
0x286: {  	v46 =	vadd.f32 v46, v19;
	v4 =	vld.idx.msk [tilespmem:v57+s26+$0x0], $0xffff;
	v6 =	vmul.f32 v34, v6;
	v1 =	vadd.f32 v54, v1  }
0x287: {  	v45 =	vld [tilespmem:s22+$0x4580];
	v57 =	vor.u32 $0x13, v42;
	v3 =	vadd.f32 v62, v3;
	v55 =	vmul.f32 v59, v59  }
0x288: {  	v53 =	vor.u32 $0x16, v42;
	v30 =	vld.idx.msk [tilespmem:v61+s26+$0x0], $0xffff;
	v6 =	vsub.f32 v6, v58;
	v1 =	vadd.f32 v59, v1  }
0x289: {  	v58 =	vld [tilespmem:s22+$0x4590];
	v60 =	vor.u32 $0x14, v42;
	v3 =	vadd.f32 v55, v3;
	v59 =	vmul.f32 v7, v7  }
0x28a: {  	vm10 =	vgt.f32 v46, $0.0e+00;
	v0 =	vmul.f32 v0, v18;
	v1 =	vadd.f32 v7, v1;
	v7 =	vld.idx.msk [tilespmem:v63+s26+$0x0], $0xffff  }
0x28b: {  	v62 =	vmul.f32 v4, v4;
	v63 =	vor.u32 $0x15, v42;
	v3 =	vadd.f32 v59, v3  }
0x28c: {  	v45 =	vmul.f32 v48, v45;
	v34 =	vimm.s32 $0xC;
	v1 =	vadd.f32 v4, v1;
	v4 =	vld.idx.msk [tilespmem:v57+s26+$0x0], $0xffff  }
0x28d: {  	v61 =	vperm.xlane v37, v34;
	v57 =	vmul.f32 v30, v30;
	v3 =	vadd.f32 v62, v3  }
0x28e: {  	v32 =	vimm.s32 $0xD;
	v48 =	vmul.f32 v48, v58;
	v58 =	vld.idx.msk [tilespmem:v60+s26+$0x0], $0xffff;
	v1 =	vadd.f32 v30, v1  }
0x28f: {  	v47 =	vld [tilespmem:s22+$0x45A0];
	v60 =	vor.u32 $0x17, v42;
	v3 =	vadd.f32 v57, v3;
	v59 =	vmul.f32 v7, v7  }
0x290: {  	v45 =	vsub.f32 v45, v61;
	v54 =	vperm.xlane v37, v32;
	v1 =	vadd.f32 v7, v1;
	v7 =	vld.idx.msk [tilespmem:v63+s26+$0x0], $0xffff  }
0x291: {  	v49 =	vld [tilespmem:s22+$0x45B0];
	v55 =	vor.u32 $0x19, v42;
	v3 =	vadd.f32 v59, v3;
	v62 =	vmul.f32 v4, v4  }
0x292: {  	v48 =	vsub.f32 v48, v61;
	v30 =	vld.idx.msk [tilespmem:v53+s26+$0x0], $0xffff;
	v63 =	vor.u32 $0x18, v42;
	v1 =	vadd.f32 v4, v1  }
0x293: {  	v61 =	vperm.xlane v36, v32;
	v57 =	vmul.f32 v58, v58;
	v3 =	vadd.f32 v62, v3  }
0x294: {  	v6 =	vmul.f32 v6, v18;
	v45 =	vmul.f32 v45, v17;
	v1 =	vadd.f32 v58, v1;
	v58 =	vld.idx.msk [tilespmem:v60+s26+$0x0], $0xffff  }
0x295: {  	v47 =	vmul.f32 v61, v47;
	v53 =	vld [tilespmem:s22+$0x45C0];
	v3 =	vadd.f32 v57, v3;
	v59 =	vmul.f32 v7, v7  }
0x296: {  	v50 =	vld [tilespmem:s22+$0x45D0];
	v48 =	vmul.f32 v48, v18;
	v60 =	vor.u32 $0x1A, v42;
	v1 =	vadd.f32 v7, v1  }
0x297: {  	v49 =	vmul.f32 v61, v49;
	v61 =	vmul.f32 v30, v30;
	v7 =	vld.idx.msk [tilespmem:v63+s26+$0x0], $0xffff;
	v3 =	vadd.f32 v59, v3  }
0x298: {  	v4 =	vld.idx.msk [tilespmem:v55+s26+$0x0], $0xffff;
	v62 =	vperm.xlane v36, v16;
	v63 =	vor.u32 $0x1B, v42;
	v1 =	vadd.f32 v30, v1  }
0x299: {  	v47 =	vsub.f32 v47, v54;
	v3 =	vadd.f32 v61, v3;
	v57 =	vmul.f32 v58, v58  }
0x29a: {  	v53 =	vmul.f32 v62, v53;
	v1 =	vadd.f32 v58, v1;
	v58 =	vor.u32 $0x1C, v42  }
0x29b: {  	v50 =	vmul.f32 v62, v50;
	v30 =	vperm.xlane v37, v16;
	v51 =	vld.idx.msk [tilespmem:v60+s26+$0x0], $0xffff;
	v3 =	vadd.f32 v57, v3  }
0x29c: {  	v59 =	vmul.f32 v7, v7;
	v1 =	vadd.f32 v7, v1;
	v7 =	vor.u32 $0x1D, v42  }
0x29d: {  	v61 =	vmul.f32 v4, v4;
	v60 =	vsub.f32 v53, v30;
	v50 =	vsub.f32 v50, v30;
	v62 =	vld.idx.msk [tilespmem:v63+s26+$0x0], $0xffff  }
0x29e: {  	v30 =	vor.u32 $0x1E, v42;
	v3 =	vadd.f32 v59, v3;
	v1 =	vadd.f32 v4, v1  }
0x29f: {  	v49 =	vsub.f32 v49, v54;
	v47 =	vmul.f32 v47, v17;
	v42 =	vor.u32 $0x1F, v42;
	v2 =	vld.idx.msk [tilespmem:v58+s26+$0x0], $0xffff  }
0x2a0: {  	v57 =	vmul.f32 v51, v51;
	v3 =	vadd.f32 v61, v3;
	v1 =	vadd.f32 v51, v1  }
0x2a1: {  	v0 =	vadd.f32 v0, v20;
	v49 =	vmul.f32 v49, v18;
	v55 =	vmul.f32 $1.442695020e+00, v43;
	v7 =	vld.idx.msk [tilespmem:v7+s26+$0x0], $0xffff  }
0x2a2: {  	v63 =	vld [tilespmem:s22+$0x45E0];
	v58 =	vmul.f32 v62, v62;
	v3 =	vadd.f32 v57, v3;
	v1 =	vadd.f32 v62, v1  }
0x2a3: {  	vm9 =	vgt.f32 v0, $0.0e+00;
	v36 =	vperm.xlane v36, v15;
	v37 =	vperm.xlane v37, v15;
	v4 =	vld.idx.msk [tilespmem:v30+s26+$0x0], $0xffff  }
0x2a4: {  	v3 =	vadd.f32 v58, v3;
	v1 =	vadd.f32 v2, v1;
	v2 =	vmul.f32 v2, v2  }
0x2a5: {  	v6 =	vadd.f32 v6, v20;
	v52 =	vmul.f32 v60, v17;
	v50 =	vmul.f32 v50, v18;
	v42 =	vld.idx.msk [tilespmem:v42+s26+$0x0], $0xffff  }
0x2a6: {  	v2 =	vadd.f32 v2, v3;
	v1 =	vadd.f32 v7, v1;
	v30 =	vmul.f32 v7, v7  }
0x2a7: {  	vm11 =	vgt.f32 v6, $0.0e+00;
	v60 =	vmul.f32 $1.442695020e+00, v39;
	v59 =	vmul.f32 v36, v63  }
0x2a8: {  	v54 =	vmul.f32 v4, v4;
	v2 =	vadd.f32 v30, v2;
	v1 =	vadd.f32 v4, v1  }
0x2a9: {  	(erf) = vpow2.f32 v60;
	v60 =	vmul.f32 $1.442695020e+00, v6;
	v61 =	vsub.f32 v59, v37  }
0x2aa: {  	v63 =	vld [tilespmem:s22+$0x45F0];
	v57 =	vmul.f32 v42, v42;
	v2 =	vadd.f32 v54, v2;
	v1 =	vadd.f32 v42, v1  }
0x2ab: {  	v51 =	vadd.f32 v48, v20;
	v62 =	vmul.f32 $1.442695020e+00, v40;
	v58 =	vmul.f32 $1.442695020e+00, v0  }
0x2ac: {  	v5 =	vmul.f32 v61, v17;
	v2 =	vadd.f32 v57, v2;
	v1 =	vmul.f32 $3.125000000e-02, v1  }
0x2ad: {  	v49 =	vadd.f32 v49, v20;
	(erf) = vpow2.f32 v62;
	v61 =	vmul.f32 $1.442695020e+00, v51  }
0x2ae: {  	v52 =	vadd.f32 v52, v19;
	v2 =	vmul.f32 $3.125000000e-02, v2;
	v59 =	vmul.f32 v1, v1  }
0x2af: {  	vm13 =	vgt.f32 v51, $0.0e+00;
	v36 =	vmul.f32 v36, v63;
	v7 =	vmul.f32 $1.442695020e+00, v41  }
0x2b0: {  	v63 =	vmul.f32 $1.442695020e+00, v49;
	v3 =	vadd.f32 v47, v19;
	v2 =	vsub.f32 v2, v59  }
0x2b1: {  	v53 =	vadd.f32 v5, v19;
	v36 =	vsub.f32 v36, v37;
	(erf) = vpow2.f32 v7  }
0x2b2: {  	v7 =	vmul.f32 $1.442695020e+00, v44;
	v62 =	vmul.f32 $1.442695020e+00, v3;
	v2 =	vmax.f32 v2, $0.0e+00  }
0x2b3: {  	(erf) = vpow2.f32 v55;
	v36 =	vmul.f32 v36, v18;
	v2 =	vadd.f32 $9.999999960e-13, v2  }
0x2b4: {  	v4 =	vadd.f32 v45, v19;
	(erf) = vpow2.f32 v7;
	v7 =	vmul.f32 $1.442695020e+00, v46  }
0x2b5: {  	(erf) = vpow2.f32 v58;
	v30 =	vshra.s32 v2, $0x1;
	v2 =	vmul.f32 $5.000000000e-01, v2  }
0x2b6: {  	v48 =	vpop (erf);
	(erf) = vpow2.f32 v7;
	v7 =	vmul.f32 $1.442695020e+00, v4;
	v45 =	vsub.s32 $0x5F3759DF, v30  }
0x2b7: {  	v5 =	vpop (erf);
	vm14 =	vgt.f32 v3, $0.0e+00;
	(erf) = vpow2.f32 v60;
	v57 =	vmul.f32 v45, v2  }
0x2b8: {  	v5 =	vadd.f32 $-1.000000000e+00, v5;
	vm12 =	vgt.f32 v4, $0.0e+00;
	(erf) = vpow2.f32 v7  }
0x2b9: {  	v60 =	vpop (erf);
	v7 =	vadd.f32 v50, v20;
	v50 =	vmul.f32 $1.442695020e+00, v52;
	v42 =	vmul.f32 v45, v57  }
0x2ba: {  	v47 =	vadd.f32 $-1.000000000e+00, v60;
	(erf) = vpow2.f32 v61;
	v61 =	vmul.f32 $1.442695020e+00, v53  }
0x2bb: {  	(erf) = vpow2.f32 v62;
	v59 =	vadd.f32 $-1.000000000e+00, v48;
	v48 =	vsub.f32 $1.500000000e+00, v42  }
0x2bc: {  	v54 =	vadd.f32 v36, v20;
	v58 =	vmul.f32 $1.442695020e+00, v7;
	(erf) = vpow2.f32 v63;
	v62 =	vpop (erf)  }
0x2bd: {  	v37 =	vsel vm5, v40, v47;
	(erf) = vpow2.f32 v50;
	v30 =	vpop (erf);
	v45 =	vmul.f32 v45, v48  }
0x2be: {  	vm5 =	vgt.f32 v7, $0.0e+00;
	v63 =	vmul.f32 $1.442695020e+00, v54;
	(erf) = vpow2.f32 v58;
	v55 =	vpop (erf)  }
0x2bf: {  	v36 =	vsel vm15, v38, v59;
	(erf) = vpow2.f32 v61;
	v57 =	vpop (erf);
	v2 =	vmul.f32 v45, v2  }
0x2c0: {  	v50 =	vadd.f32 $-1.000000000e+00, v62;
	vm15 =	vgt.f32 v49, $0.0e+00;
	(erf) = vpow2.f32 v63;
	v59 =	vpop (erf)  }
0x2c1: {  	v38 =	vadd.f32 $-1.000000000e+00, v30;
	v58 =	vadd.f32 $-1.000000000e+00, v55;
	v61 =	vpop (erf);
	v2 =	vmul.f32 v2, v45  }
0x2c2: {  	v42 =	vsel vm4, v39, v5;
	v39 =	vsel vm6, v41, v50;
	v60 =	vadd.f32 $-1.000000000e+00, v57;
	v62 =	vpop (erf)  }
0x2c3: {  	v40 =	vsel vm7, v43, v38;
	vm4 =	vgt.f32 v52, $0.0e+00;
	v55 =	vpop (erf);
	v2 =	vsub.f32 $1.500000000e+00, v2  }
0x2c4: {  	v30 =	vld [tilespmem:s22+$0x4600];
	v41 =	vadd.f32 $-1.000000000e+00, v59;
	v43 =	vsel vm9, v0, v60;
	v63 =	vadd.f32 $-1.000000000e+00, v61;
	v59 =	vpop (erf)  }
0x2c5: {  	v57 =	vld [tilespmem:s22+$0x4610];
	v47 =	vadd.f32 $-1.000000000e+00, v62;
	v60 =	vadd.f32 $-1.000000000e+00, v59;
	v50 =	vmul.f32 v2, v45  }
0x2c6: {  	v38 =	vsel vm8, v44, v58;
	v41 =	vsel vm10, v46, v41;
	v44 =	vsel vm11, v6, v63;
	v6 =	vld [tilespmem:s22+$0x4620]  }
0x2c7: {  	v46 =	vsel vm12, v4, v47;
	v47 =	vsel vm14, v3, v60;
	v60 =	vld [tilespmem:s22+$0x4630];
	v48 =	vmul.f32 v50, v1  }
0x2c8: {  	v58 =	vadd.f32 $-1.000000000e+00, v55;
	v61 =	vperm.xlane v50, v56;
	v55 =	vperm.xlane v50, v9  }
0x2c9: {  	vm6 =	vgt.f32 v53, $0.0e+00;
	v2 =	vld [tilespmem:s22+$0x4670];
	v59 =	vperm.xlane v50, v11;
	v4 =	vperm.xlane v48, v56  }
0x2ca: {  	v62 =	vpop (erf);
	v45 =	vsel vm13, v51, v58;
	v63 =	vmul.f32 v61, v30;
	v1 =	vmul.f32 v61, v57  }
0x2cb: {  	v30 =	vadd.f32 $-1.000000000e+00, v62;
	v5 =	vperm.xlane v48, v9;
	v6 =	vmul.f32 v55, v6;
	v62 =	vld [tilespmem:s22+$0x4640]  }
0x2cc: {  	v57 =	vld [tilespmem:s22+$0x4660];
	v3 =	vmul.f32 v55, v60;
	v60 =	vperm.xlane v50, v12;
	v0 =	vsub.f32 v63, v4  }
0x2cd: {  	v61 =	vpop (erf);
	v1 =	vsub.f32 v1, v4;
	v49 =	vsel vm15, v49, v30;
	v4 =	vld [tilespmem:s22+$0x4650];
	v6 =	vsub.f32 v6, v5  }
0x2ce: {  	v30 =	vperm.xlane v48, v11;
	v2 =	vmul.f32 v60, v2;
	v63 =	vadd.f32 $-1.000000000e+00, v61  }
0x2cf: {  	v3 =	vsub.f32 v3, v5;
	v58 =	vpop (erf);
	v0 =	vmul.f32 v0, v17;
	v1 =	vmul.f32 v1, v18  }
0x2d0: {  	v6 =	vmul.f32 v6, v17;
	v51 =	vsel vm4, v52, v63;
	v52 =	vadd.f32 $-1.000000000e+00, v58;
	v58 =	vld [tilespmem:s22+$0x4680]  }
0x2d1: {  	v11 =	vimm.s32 $0x7;
	v56 =	vmul.f32 v59, v62;
	v61 =	vmul.f32 v60, v57  }
0x2d2: {  	v55 =	vld [tilespmem:s22+$0x46A0];
	v52 =	vsel vm5, v7, v52;
	v4 =	vmul.f32 v59, v4;
	v7 =	vperm.xlane v48, v12  }
0x2d3: {  	v3 =	vmul.f32 v3, v18;
	v57 =	vperm.xlane v50, v13;
	v59 =	vld [tilespmem:s22+$0x4690];
	v56 =	vsub.f32 v56, v30  }
0x2d4: {  	v60 =	vperm.xlane v48, v13;
	v4 =	vsub.f32 v4, v30;
	v5 =	vsub.f32 v61, v7  }
0x2d5: {  	v61 =	vld [tilespmem:s22+$0x46B0];
	v56 =	vmul.f32 v56, v17;
	v2 =	vsub.f32 v2, v7;
	v58 =	vmul.f32 v57, v58  }
0x2d6: {  	v62 =	vld [tilespmem:s22+$0x46C0];
	v0 =	vadd.f32 v0, v19;
	v30 =	vmovc v8;
	v8 =	vperm.xlane v50, v10;
	v4 =	vmul.f32 v4, v18  }
0x2d7: {  	v63 =	vld [tilespmem:s22+$0x46D0];
	v7 =	vpop (erf);
	v5 =	vmul.f32 v5, v17;
	v2 =	vmul.f32 v2, v18;
	v58 =	vsub.f32 v58, v60  }
0x2d8: {  	v55 =	vmul.f32 v8, v55;
	v7 =	vadd.f32 $-1.000000000e+00, v7;
	v57 =	vmul.f32 v57, v59  }
0x2d9: {  	v9 =	vld [tilespmem:s22+$0x46E0];
	v6 =	vadd.f32 v6, v19;
	v59 =	vperm.xlane v50, v14;
	v58 =	vmul.f32 v58, v17  }
0x2da: {  	v53 =	vsel vm6, v53, v7;
	v7 =	vperm.xlane v48, v10;
	v8 =	vmul.f32 v8, v61  }
0x2db: {  	v57 =	vsub.f32 v57, v60;
	v60 =	vperm.xlane v48, v14;
	v61 =	vperm.xlane v50, v11  }
0x2dc: {  	v62 =	vmul.f32 v59, v62;
	v59 =	vmul.f32 v59, v63;
	v63 =	vld [tilespmem:s22+$0x46F0];
	v10 =	vadd.f32 v56, v19  }
0x2dd: {  	v56 =	vmul.f32 $1.442695020e+00, v6;
	v55 =	vsub.f32 v55, v7;
	v7 =	vsub.f32 v8, v7  }
0x2de: {  	v8 =	vperm.xlane v48, v11;
	v9 =	vmul.f32 v61, v9;
	v62 =	vsub.f32 v62, v60  }
0x2df: {  	v1 =	vadd.f32 v1, v20;
	v57 =	vmul.f32 v57, v18;
	v55 =	vmul.f32 v55, v17  }
0x2e0: {  	v59 =	vsub.f32 v59, v60;
	v60 =	vmul.f32 v62, v17;
	v62 =	vmul.f32 $1.442695020e+00, v0  }
0x2e1: {  	v3 =	vadd.f32 v3, v20;
	v61 =	vmul.f32 v61, v63;
	v63 =	vmul.f32 $1.442695020e+00, v1  }
0x2e2: {  	v4 =	vadd.f32 v4, v20;
	v7 =	vmul.f32 v7, v18;
	(erf) = vpow2.f32 v62  }
0x2e3: {  	v5 =	vadd.f32 v5, v19;
	v62 =	vmul.f32 $1.442695020e+00, v3;
	(erf) = vpow2.f32 v63  }
0x2e4: {  	v2 =	vadd.f32 v2, v20;
	(erf) = vpow2.f32 v56;
	v56 =	vmul.f32 $1.442695020e+00, v10  }
0x2e5: {  	v9 =	vsub.f32 v9, v8;
	(erf) = vpow2.f32 v62;
	v62 =	vmul.f32 $1.442695020e+00, v4  }
0x2e6: {  	v63 =	vadd.f32 v58, v19;
	(erf) = vpow2.f32 v56;
	v56 =	vmul.f32 $1.442695020e+00, v5  }
0x2e7: {  	v11 =	vadd.f32 v57, v20;
	(erf) = vpow2.f32 v62;
	v62 =	vmul.f32 $1.442695020e+00, v2  }
0x2e8: {  	v12 =	vadd.f32 v55, v19;
	v55 =	vmul.f32 $1.442695020e+00, v63;
	(erf) = vpow2.f32 v56  }
0x2e9: {  	(erf) = vpow2.f32 v62;
	v62 =	vmul.f32 $1.442695020e+00, v11  }
0x2ea: {  	v59 =	vmul.f32 v59, v18;
	v9 =	vmul.f32 v9, v17;
	v7 =	vadd.f32 v7, v20  }
0x2eb: {  	v13 =	vadd.f32 v60, v19;
	v60 =	vmul.f32 $1.442695020e+00, v12;
	(erf) = vpow2.f32 v55  }
0x2ec: {  	v56 =	vmul.f32 $1.442695020e+00, v7;
	(erf) = vpow2.f32 v62  }
0x2ed: {  	v9 =	vadd.f32 v9, v19;
	(erf) = vpow2.f32 v60;
	v60 =	vmul.f32 $1.442695020e+00, v13;
	v62 =	vpop (erf)  }
0x2ee: {  	v14 =	vadd.f32 v59, v20;
	v58 =	vpop (erf);
	(erf) = vpow2.f32 v56  }
0x2ef: {  	(erf) = vpow2.f32 v60;
	v60 =	vmul.f32 $1.442695020e+00, v9  }
0x2f0: {  	v8 =	vsub.f32 v61, v8;
	v56 =	vmul.f32 $1.442695020e+00, v14  }
0x2f1: {  	vm7 =	vgt.f32 v54, $0.0e+00;
	v57 =	vadd.f32 $-1.000000000e+00, v62;
	v59 =	vpop (erf)  }
0x2f2: {  	v8 =	vmul.f32 v8, v18;
	v62 =	vadd.f32 $-1.000000000e+00, v58;
	(erf) = vpow2.f32 v56;
	v61 =	vpop (erf)  }
0x2f3: {  	vm8 =	vgt.f32 v0, $0.0e+00;
	v55 =	vsel vm7, v54, v57;
	(erf) = vpow2.f32 v60;
	v60 =	vpop (erf)  }
0x2f4: {  	v54 =	vadd.f32 v8, v20;
	v56 =	vsel vm8, v0, v62;
	v0 =	vadd.f32 $-1.000000000e+00, v60  }
0x2f5: {  	v8 =	vadd.f32 $-1.000000000e+00, v59;
	v61 =	vadd.f32 $-1.000000000e+00, v61  }
0x2f6: {  	[tilespmem:s22+$0xC500] =	vst v42;
	vm9 =	vgt.f32 v1, $0.0e+00;
	vm10 =	vgt.f32 v6, $0.0e+00;
	vm11 =	vgt.f32 v3, $0.0e+00;
	v62 =	vpop (erf)  }
0x2f7: {  	[tilespmem:s22+$0xC550] =	vst v43;
	v57 =	vsel vm9, v1, v8;
	v58 =	vsel vm10, v6, v61;
	v6 =	vpop (erf);
	v1 =	vadd.f32 $-1.000000000e+00, v62  }
0x2f8: {  	[tilespmem:s22+$0xC570] =	vst v44;
	v42 =	vperm.xlane v48, v32;
	v59 =	vsel vm11, v3, v0;
	v3 =	vadd.f32 $-1.000000000e+00, v6;
	v0 =	vpop (erf)  }
0x2f9: {  	v43 =	vperm.xlane v48, v16;
	v44 =	vperm.xlane v48, v15;
	[tilespmem:s22+$0xC5C0] =	vst v51;
	v0 =	vadd.f32 $-1.000000000e+00, v0  }
0x2fa: {  	v51 =	vimm.s32 $0xB;
	[tilespmem:s22+$0xC5D0] =	vst v52;
	v52 =	vimm.s32 $0xC;
	vm12 =	vgt.f32 v10, $0.0e+00  }
0x2fb: {  	vm13 =	vgt.f32 v4, $0.0e+00;
	vm14 =	vgt.f32 v5, $0.0e+00;
	v60 =	vsel vm12, v10, v1;
	v1 =	vpop (erf)  }
0x2fc: {  	vm15 =	vgt.f32 v2, $0.0e+00;
	vm5 =	vgt.f32 v11, $0.0e+00;
	v61 =	vsel vm13, v4, v3;
	v3 =	vpop (erf)  }
0x2fd: {  	vm6 =	vgt.f32 v12, $0.0e+00;
	v1 =	vadd.f32 $-1.000000000e+00, v1;
	v62 =	vsel vm14, v5, v0;
	v0 =	vpop (erf)  }
0x2fe: {  	[tilespmem:s22+$0xC460] =	vst v26;
	v26 =	vld [tilespmem:s22+$0x4750];
	vm4 =	vgt.f32 v63, $0.0e+00;
	v3 =	vadd.f32 $-1.000000000e+00, v3;
	v0 =	vadd.f32 $-1.000000000e+00, v0  }
0x2ff: {  	[tilespmem:s22+$0xC400] =	vst v35;
	vm7 =	vgt.f32 v7, $0.0e+00;
	v5 =	vld [tilespmem:s22+$0x4710];
	v35 =	vsel vm15, v2, v1;
	v1 =	vmul.f32 $1.442695020e+00, v54;
	v4 =	vpop (erf)  }
0x300: {  	[tilespmem:s22+$0xC410] =	vst v31;
	vm8 =	vgt.f32 v13, $0.0e+00;
	v31 =	vsel vm4, v63, v3;
	v2 =	vpop (erf);
	v3 =	vadd.f32 $-1.000000000e+00, v4;
	v4 =	vld [tilespmem:s22+$0x4700]  }
0x301: {  	[tilespmem:s22+$0xC420] =	vst v33;
	vm9 =	vgt.f32 v14, $0.0e+00;
	(erf) = vpow2.f32 v1;
	v1 =	vld [tilespmem:s22+$0x4730];
	v2 =	vadd.f32 $-1.000000000e+00, v2  }
0x302: {  	[tilespmem:s22+$0xC430] =	vst v29;
	v63 =	vimm.s32 $0x8;
	v33 =	vsel vm5, v11, v0;
	v29 =	vsel vm6, v12, v3;
	v3 =	vld [tilespmem:s22+$0x4720];
	v0 =	vpop (erf)  }
0x303: {  	[tilespmem:s22+$0xC440] =	vst v24;
	v8 =	vimm.s32 $0x9;
	v12 =	vld [tilespmem:$0x1FFE0];
	v24 =	vsel vm7, v7, v2;
	v7 =	vperm.xlane v50, v63;
	v6 =	vpop (erf)  }
0x304: {  	v8 =	vperm.xlane v50, v8;
	v11 =	vimm.s32 $0xA;
	v2 =	vadd.f32 $-1.000000000e+00, v6;
	v6 =	vld [tilespmem:s22+$0x4740]  }
0x305: {  	v0 =	vadd.f32 $-1.000000000e+00, v0;
	v4 =	vmul.f32 v7, v4;
	v5 =	vmul.f32 v7, v5;
	v7 =	vld [tilespmem:$0x1FFD0]  }
0x306: {  	[tilespmem:s22+$0xC600] =	vst v56;
	v56 =	vimm.s32 $0x0;
	v11 =	vperm.xlane v50, v11;
	v1 =	vmul.f32 v8, v1  }
0x307: {  	[tilespmem:s22+$0xC450] =	vst v25;
	v25 =	vsel vm8, v13, v0;
	v13 =	vld [tilespmem:$0x1FFF0];
	v3 =	vmul.f32 v8, v3;
	v8 =	vperm.xlane v48, v63  }
0x308: {  	[tilespmem:s22+$0xC470] =	vst v22;
	vm10 =	vgt.f32 v9, $0.0e+00;
	v0 =	vmul.f32 v11, v26;
	v22 =	vsel vm9, v14, v2;
	v2 =	vld [tilespmem:s22+$0x4760]  }
0x309: {  	v10 =	vpop (erf);
	[tilespmem:s22+$0xC490] =	vst v12;
	v12 =	vld [tilespmem:s22+$0x4780];
	v4 =	vsub.f32 v4, v8;
	v5 =	vsub.f32 v5, v8;
	v8 =	vperm.xlane v50, v34  }
0x30a: {  	[tilespmem:s22+$0xC480] =	vst v7;
	v7 =	vadd.f32 $-1.000000000e+00, v10;
	v10 =	vld [tilespmem:s22+$0x4770];
	v6 =	vmul.f32 v11, v6;
	v11 =	vimm.s32 $0x9  }
0x30b: {  	v26 =	vimm.s32 $0xA;
	v11 =	vperm.xlane v48, v11;
	v4 =	vmul.f32 v4, v17  }
0x30c: {  	[tilespmem:s22+$0xC4A0] =	vst v21;
	v5 =	vmul.f32 v5, v18;
	v21 =	vsel vm10, v9, v7;
	v9 =	vimm.s32 $0xB  }
0x30d: {  	v7 =	vld [tilespmem:s22+$0x4790];
	v9 =	vperm.xlane v50, v9;
	v3 =	vsub.f32 v3, v11;
	v1 =	vsub.f32 v1, v11  }
0x30e: {  	[tilespmem:s22+$0xC4B0] =	vst v13;
	v13 =	vld [tilespmem:s22+$0x47A0];
	v11 =	vmul.f32 v8, v12;
	v12 =	vperm.xlane v50, v32;
	v4 =	vadd.f32 v4, v19  }
0x30f: {  	v14 =	vld [tilespmem:s22+$0x47B0];
	v5 =	vadd.f32 v5, v20;
	v2 =	vmul.f32 v9, v2;
	v9 =	vmul.f32 v9, v10  }
0x310: {  	vm11 =	vgt.f32 v54, $0.0e+00;
	v10 =	vperm.xlane v48, v26;
	v3 =	vmul.f32 v3, v17  }
0x311: {  	[tilespmem:s22+$0xC5B0] =	vst v49;
	v1 =	vmul.f32 v1, v18;
	v49 =	vmul.f32 $1.442695020e+00, v5;
	vm12 =	vgt.f32 v4, $0.0e+00  }
0x312: {  	vm13 =	vgt.f32 v5, $0.0e+00;
	v6 =	vsub.f32 v6, v10;
	v7 =	vmul.f32 v8, v7  }
0x313: {  	[tilespmem:s22+$0xC4C0] =	vst v28;
	v0 =	vsub.f32 v0, v10;
	v10 =	vmul.f32 v12, v13;
	v13 =	vperm.xlane v50, v16  }
0x314: {  	[tilespmem:s22+$0xC4D0] =	vst v23;
	v8 =	vimm.s32 $0xB;
	v12 =	vmul.f32 v12, v14;
	v14 =	vperm.xlane v48, v34  }
0x315: {  	v23 =	vld [tilespmem:s22+$0x47C0];
	[tilespmem:s22+$0xC4E0] =	vst v27;
	v3 =	vadd.f32 v3, v19;
	v1 =	vadd.f32 v1, v20;
	v8 =	vperm.xlane v48, v8  }
0x316: {  	[tilespmem:s22+$0xC510] =	vst v37;
	v26 =	vld [tilespmem:s22+$0x47D0];
	v48 =	vmul.f32 $1.442695020e+00, v4;
	v11 =	vsub.f32 v11, v14;
	v7 =	vsub.f32 v7, v14  }
0x317: {  	[tilespmem:s22+$0xC5E0] =	vst v53;
	v10 =	vsub.f32 v10, v42;
	v6 =	vmul.f32 v6, v17;
	v0 =	vmul.f32 v0, v18  }
0x318: {  	[tilespmem:s22+$0xC5F0] =	vst v55;
	v12 =	vsub.f32 v12, v42;
	v53 =	vmul.f32 $1.442695020e+00, v3;
	v55 =	vmul.f32 $1.442695020e+00, v1  }
0x319: {  	v27 =	vld [tilespmem:s22+$0x47E0];
	[tilespmem:s22+$0xC4F0] =	vst v36;
	vm14 =	vgt.f32 v3, $0.0e+00;
	vm15 =	vgt.f32 v1, $0.0e+00;
	v2 =	vsub.f32 v2, v8  }
0x31a: {  	v36 =	vld [tilespmem:s22+$0x47F0];
	[tilespmem:s22+$0xC520] =	vst v39;
	v8 =	vsub.f32 v9, v8;
	v9 =	vmul.f32 v13, v23;
	v23 =	vperm.xlane v50, v15  }
0x31b: {  	[tilespmem:s22+$0xC530] =	vst v40;
	v50 =	vimm.s32 $0x9;
	v13 =	vmul.f32 v13, v26;
	(erf) = vpow2.f32 v48  }
0x31c: {  	[tilespmem:s22+$0xC540] =	vst v38;
	v15 =	vimm.s32 $0x7;
	v11 =	vmul.f32 v11, v17;
	v7 =	vmul.f32 v7, v18  }
0x31d: {  	[tilespmem:s22+$0xC560] =	vst v41;
	v10 =	vmul.f32 v10, v17;
	v12 =	vmul.f32 v12, v18;
	v6 =	vadd.f32 v6, v19  }
0x31e: {  	[tilespmem:s22+$0xC580] =	vst v46;
	v0 =	vadd.f32 v0, v20;
	(erf) = vpow2.f32 v49;
	v14 =	vmul.f32 v23, v27  }
0x31f: {  	[tilespmem:s22+$0xC5A0] =	vst v47;
	v23 =	vmul.f32 v23, v36;
	v9 =	vsub.f32 v9, v43;
	v2 =	vmul.f32 v2, v17  }
0x320: {  	[tilespmem:s22+$0xC590] =	vst v45;
	v13 =	vsub.f32 v13, v43;
	v8 =	vmul.f32 v8, v18;
	(erf) = vpow2.f32 v53  }
0x321: {  	[tilespmem:s22+$0xC610] =	vst v57;
	v57 =	vmul.f32 $1.442695020e+00, v6;
	(erf) = vpow2.f32 v55;
	v11 =	vadd.f32 v11, v19  }
0x322: {  	[tilespmem:s22+$0xC620] =	vst v58;
	v36 =	vpop (erf);
	v58 =	vmul.f32 $1.442695020e+00, v0;
	v7 =	vadd.f32 v7, v20;
	v10 =	vadd.f32 v10, v19  }
0x323: {  	[tilespmem:s22+$0xC630] =	vst v59;
	v12 =	vadd.f32 v12, v20;
	v28 =	vadd.f32 $-1.000000000e+00, v36;
	vm4 =	vgt.f32 v6, $0.0e+00  }
0x324: {  	[tilespmem:s22+$0xC640] =	vst v60;
	v14 =	vsub.f32 v14, v44;
	v9 =	vmul.f32 v9, v17;
	v13 =	vmul.f32 v13, v18  }
0x325: {  	[tilespmem:s22+$0xC650] =	vst v61;
	v2 =	vadd.f32 v2, v19;
	(erf) = vpow2.f32 v57;
	v61 =	vmul.f32 $1.442695020e+00, v11  }
0x326: {  	[tilespmem:s22+$0xC660] =	vst v62;
	v8 =	vadd.f32 v8, v20;
	v32 =	vmul.f32 $1.442695020e+00, v7;
	v34 =	vmul.f32 $1.442695020e+00, v10  }
0x327: {  	[tilespmem:s22+$0xC670] =	vst v35;
	v23 =	vsub.f32 v23, v44;
	v35 =	vmul.f32 $1.442695020e+00, v12;
	v59 =	vmul.f32 $1.442695020e+00, v2  }
0x328: {  	[tilespmem:s22+$0xC680] =	vst v31;
	v28 =	vsel vm11, v54, v28;
	(erf) = vpow2.f32 v58;
	v60 =	vmul.f32 $1.442695020e+00, v8  }
0x329: {  	[tilespmem:s22+$0xC690] =	vst v33;
	v14 =	vmul.f32 v14, v17;
	v9 =	vadd.f32 v9, v19;
	(erf) = vpow2.f32 v59  }
0x32a: {  	[tilespmem:s22+$0xC6A0] =	vst v29;
	v23 =	vmul.f32 v23, v18;
	v13 =	vadd.f32 v13, v20;
	(erf) = vpow2.f32 v60  }
0x32b: {  	[tilespmem:s22+$0xC6B0] =	vst v24;
	v14 =	vadd.f32 v14, v19;
	v37 =	vmul.f32 $1.442695020e+00, v9;
	(erf) = vpow2.f32 v61  }
0x32c: {  	[tilespmem:s22+$0xC6C0] =	vst v25;
	v23 =	vadd.f32 v23, v20;
	v39 =	vmul.f32 $1.442695020e+00, v13;
	v38 =	vpop (erf);
	(erf) = vpow2.f32 v32  }
0x32d: {  	[tilespmem:s22+$0xC6D0] =	vst v22;
	v40 =	vpop (erf);
	v41 =	vmul.f32 $1.442695020e+00, v14;
	v44 =	vadd.f32 $-1.000000000e+00, v38;
	(erf) = vpow2.f32 v34  }
0x32e: {  	[tilespmem:s22+$0xC6E0] =	vst v21;
	v43 =	vmul.f32 $1.442695020e+00, v23;
	v42 =	vpop (erf);
	v21 =	vadd.f32 $-1.000000000e+00, v40;
	(erf) = vpow2.f32 v35  }
0x32f: {  	[tilespmem:s22+$0xC6F0] =	vst v28;
	v22 =	vpop (erf);
	v4 =	vsel vm12, v4, v44;
	v45 =	vadd.f32 $-1.000000000e+00, v42;
	(erf) = vpow2.f32 v37  }
0x330: {  	v5 =	vsel vm13, v5, v21;
	v21 =	vadd.f32 $-1.000000000e+00, v22;
	[tilespmem:s22+$0xC700] =	vst v4;
	v46 =	vpop (erf);
	(erf) = vpow2.f32 v39  }
0x331: {  	v3 =	vsel vm14, v3, v45;
	[tilespmem:s22+$0xC710] =	vst v5;
	v47 =	vpop (erf);
	v22 =	vadd.f32 $-1.000000000e+00, v46;
	(erf) = vpow2.f32 v41  }
0x332: {  	v1 =	vsel vm15, v1, v21;
	[tilespmem:s22+$0xC720] =	vst v3;
	v4 =	vadd.f32 $-1.000000000e+00, v47;
	(erf) = vpow2.f32 v43;
	v48 =	vpop (erf)  }
0x333: {  	vm5 =	vgt.f32 v0, $0.0e+00;
	[tilespmem:s22+$0xC730] =	vst v1;
	v6 =	vsel vm4, v6, v22;
	v49 =	vpop (erf);
	v5 =	vadd.f32 $-1.000000000e+00, v48  }
0x334: {  	vm6 =	vgt.f32 v2, $0.0e+00;
	v0 =	vsel vm5, v0, v4;
	[tilespmem:s22+$0xC740] =	vst v6;
	v53 =	vpop (erf);
	v3 =	vadd.f32 $-1.000000000e+00, v49  }
0x335: {  	vm7 =	vgt.f32 v8, $0.0e+00;
	[tilespmem:s22+$0xC750] =	vst v0;
	v54 =	vpop (erf);
	v2 =	vsel vm6, v2, v5;
	v1 =	vadd.f32 $-1.000000000e+00, v53  }
0x336: {  	vm8 =	vgt.f32 v11, $0.0e+00;
	v55 =	vpop (erf);
	v3 =	vsel vm7, v8, v3;
	v4 =	vadd.f32 $-1.000000000e+00, v54;
	[tilespmem:s22+$0xC760] =	vst v2  }
0x337: {  	vm9 =	vgt.f32 v7, $0.0e+00;
	v57 =	vpop (erf);
	v1 =	vsel vm8, v11, v1;
	v0 =	vadd.f32 $-1.000000000e+00, v55;
	[tilespmem:s22+$0xC770] =	vst v3  }
0x338: {  	vm10 =	vgt.f32 v10, $0.0e+00;
	v58 =	vpop (erf);
	v4 =	vsel vm9, v7, v4;
	v2 =	vadd.f32 $-1.000000000e+00, v57;
	[tilespmem:s22+$0xC780] =	vst v1  }
0x339: {  	s9 =	sadd.s32 $0x2, s9;
	vm11 =	vgt.f32 v12, $0.0e+00;
	v59 =	vpop (erf);
	v0 =	vsel vm10, v10, v0;
	v3 =	vadd.f32 $-1.000000000e+00, v58;
	[tilespmem:s22+$0xC790] =	vst v4  }
0x33a: {  	p1 =	slt.u32 s9, $0x1E;
	vm12 =	vgt.f32 v9, $0.0e+00;
	v60 =	vpop (erf);
	v2 =	vsel vm11, v12, v2;
	v1 =	vadd.f32 $-1.000000000e+00, v59;
	[tilespmem:s22+$0xC7A0] =	vst v0  }
.Ltmp3:
0x33b: {  	vm13 =	vgt.f32 v13, $0.0e+00;
	v61 =	vpop (erf);
	v3 =	vsel vm12, v9, v3;
	v4 =	vadd.f32 $-1.000000000e+00, v60;
	[tilespmem:s22+$0xC7B0] =	vst v2;
	(pc) =	sbr.rel @p1 .LBB2_5-.Ltmp3, $4  }
0x33c: {  	vm14 =	vgt.f32 v14, $0.0e+00;
	v1 =	vsel vm13, v13, v1;
	v0 =	vadd.f32 $-1.000000000e+00, v61;
	[tilespmem:s22+$0xC7C0] =	vst v3  }
0x33d: {  	vm15 =	vgt.f32 v23, $0.0e+00;
	v11 =	vimm.s32 $0x2;
	v62 =	vsel vm14, v14, v4;
	[tilespmem:s22+$0xC7D0] =	vst v1  }
0x33e: {  	v10 =	vimm.s32 $0x5;
	v12 =	vimm.s32 $0x3;
	v0 =	vsel vm15, v23, v0;
	[tilespmem:s22+$0xC7E0] =	vst v62  }
0x33f: {  	s7 =	sadd.s32 $0x1000, s7;
	s14 =	sadd.s32 $0x20, s14;
	v8 =	vmovc v30;
	v9 =	vimm.s32 $0x1;
	v13 =	vimm.s32 $0x4;
	v14 =	vimm.s32 $0x6;
	[tilespmem:s22+$0xC7F0] =	vst v0  }
.Ltmp4:
0x340: {  	s7 =	sadd.s32 s24, s12;
	(pc) =	sbr.rel @p0 .LBB2_8-.Ltmp4, $4  }
0x341: {  	s7 =	sshll.u32 s7, $0x9  }
0x342: {  	s7 =	sand.u32 $0x1FFFF800, s7  }
0x343: {  	s7 =	sadd.s32 s4, s7  }
0x344: {  	[hbm4b:s7+s5] =	stream.linear.scatter [tilespmem:s17], [sflag:$0x4], $0x4000, $0x38;
	[tilespmem:$0x10440] =	vst v63  }
0x345: {  	s7 =	sadd.s32 s24, s13  }
0x346: {  	s7 =	sshll.u32 s7, $0x4  }
0x347: {  	s7 =	sand.u32 $0x1FFFFFC0, s7  }
0x348: {  	s7 =	sadd.s32 s6, s7  }
0x349: {  	[tilespmem:s25], [sflag:$0x5] =	stream.linear.gather [hbm4b:s7+s5], $0x200, $0x38;
	[tilespmem:$0x10440] =	vst v63  }
0x34a: {  	_ =	swait.ge [sflag:s16], $0x200  }
0x34b: {  	[sflag:s16] =	ssyncset.done $0x0  }
0x34c: {  	[sflag:s16] =	ssyncadd.s32 $0xFFFFFE00  }
0x34d: {  	[tilespmem:s26], [sflag:$0x2] =	stream.indirect.gather [hbm4b:s8+s18], $0x20, s25, s18, $0xb8;
	[tilespmem:$0x10440] =	vst v63  }
0x34e: {  	_ = 	snop  }
0x34f: {  	[tilespmem:s29], [sflag:$0x2] =	stream.indirect.gather [hbm4b:s8+s18], $0x20, s28, s18, $0xb8;
	[tilespmem:$0x10440] =	vst v63  }
.Ltmp5:
0x350: {  	_ = 	snop;
	(pc) =	sbr.rel .LBB2_2-.Ltmp5, $4  }
0x351: {  	_ = 	snop  }
0x352: {  	[tilespmem:s31], [sflag:$0x2] =	stream.indirect.gather [hbm4b:s8+s18], $0x20, s30, s18, $0xb8;
	[tilespmem:$0x10440] =	vst v63  }
0x353: {  	s23 =	sadd.s32 $0x1, s23  }
0x354: {  	v53 =	vimm.s32 $0xD;
	v54 =	vimm.s32 $0xE;
	v48 =	vimm.s32 $0xF;
	[tilespmem:s0], [sflag:$0x2] =	stream.indirect.gather [hbm4b:s8+s18], $0x20, s2, s18, $0xb8;
	[tilespmem:$0x10440] =	vst v63  }
.LBB2_9:
0x355: {  	_ =	sfence.sel $0x180000  }
0x356: {  	[bflag:$0x0] =	sbarrier.arrive $0xFFFF  }
0x357: {  	_ =	strace $0x90000047  }
0x358: {  	s0 =	stileid.u32;
	[bflag:$0x2] =	sbarrier.arrive $0xFFFF  }
0x359: {  	p0 =	sne.s32 s0, $0x0;
	s0 =	rddreg [dreg:$0x4]  }
0x35a: {  	s0 =	sadd.s32 @!p0 $0x100000, s0  }
0x35b: {  	[sflag:s0] =	ssyncadd.tile.s32 @!p0 $0x1;
	_ =	shalt  }
.Lfunc_end2:
_tile_overlayer_lowered:
.L_overlay_start_2:
0x35c: {  	(tag) =	ssettag $0x2  }
0x35d: {  	s0 =	rddreg [dreg:$0x0];
	s2 =	stileid.u32  }
0x35e: {  	s1 =	rddreg [dreg:$0x1];
	p0 =	sne.s32 s2, $0x0  }
0x35f: {  	s3 =	rddreg [dreg:$0x2];
	[bflag:$0x3] =	sbarrier.arrive $0xFFFF;
	s2 =	simm.s32 @!p0 $0x1C05  }
0x360: {  	[timem:s3], [sflag:s2] =	dma.local @!p0 [hbm:s0], s1  }
0x361: {  	s0 =	simm.s32 @!p0 $0x5  }
0x362: {  	_ =	swait.ge @!p0 [sflag:s0], s1  }
0x363: {  	s1 =	ssub.s32 @!p0 $0x0, s1;
	[sflag:s0] =	ssyncset.done @!p0 $0x0  }
0x364: {  	[sflag:s0] =	ssyncadd.s32 @!p0 s1  }
0x365: {  	[bflag:$0x3] =	sbarrier.arrive $0xFFFF  }
0x366: {  	_ =	shalt  }

// kernel: sparse-core-data-format-call.cloned.1.call-start
scs
called_computation_lowered:
.L_overlay_start_0:
0x0: {  	s2 =	sld [smem:$0x3FD9]  }
0x1: {  	s3 =	sld [smem:$0x3FFE];
	_ =	sdelay $0x1  }
0x2: {  	s1 =	srdreg.scid  }
0x3: {  	s0 =	sand.u32 $0x1, s1  }
0x4: {  	s18 =	sshll.u32 s0, $0xA;
	s2 =	sadd.s32 s3, s2  }
0x5: {  	s2 =	sadd.s32 s2, s18  }
0x6: {  	[smem:$0x3FC4] =	sst s2  }
0x7: {  	_ = 	snop  }
0x8: {  	s2 =	sld [smem:$0x3FD0];
	(tm) =	ssettm $0x1  }
0x9: {  	s19 =	sld [smem:$0x3FFB];
	_ =	sdelay $0x3  }
0xa: {  	_ =	strace s19  }
0xb: {  	s3 =	sld [smem:$0x3FFC];
	_ =	sdelay $0x3  }
0xc: {  	_ =	strace s3  }
0xd: {  	s3 =	sld [smem:$0x3FFD];
	_ =	sdelay $0x3  }
0xe: {  	_ =	strace s3  }
0xf: {  	_ =	strace $0x8FFFFFFF  }
0x10: {  	s20 =	sld [smem:$0x3FDB];
	_ =	sdelay $0x1  }
0x11: {  	s4 =	simm.s32 $_scs_section_size  }
0x12: {  	s5 =	simm.s32 $_size__tile_overlayer_lowered;
	s6 =	simm.s32 $_tile_overlayer_lowered  }
0x13: {  	s23 =	simm.s32 $0x1BFF;
	s22 =	sshll.u32 s6, $0x1;
	s3 =	sadd.s32 s4, s20  }
0x14: {  	s7 =	simm.s32 $0x0;
	s21 =	sshll.u32 s5, $0x1;
	s5 =	sadd.s32 s22, s3  }
0x15: {  	[timem:s7], [sflag:s23] =	dma.local [hbm:s5], s21  }
0x16: {  	_ =	swait.ge [sflag:s23], s21  }
0x17: {  	s4 =	ssub.s32 $0x0, s21;
	[sflag:s23] =	ssyncset.done $0x0  }
0x18: {  	[sflag:s23] =	ssyncadd.s32 s4;
	_ =	sdelay $0x1  }
0x19: {  	s24 =	simm.s32 $0x1B8B  }
0x1a: {  	_ =	swait.ge [sflag:s24], $0x1  }
0x1b: {  	[sflag:s24] =	ssyncset.done $0x0  }
0x1c: {  	s26 =	simm.s32 $0x1B8E;
	s25 =	sld [smem:$0x3FFE];
	[sflag:s24] =	ssyncadd.s32 $0xFFFFFFFF  }
0x1d: {  	s27 =	simm.s32 $execute0_lowered;
	[smem:$0x3FD2] =	sst s26  }
0x1e: {  	s5 =	sshll.u32 s27, $0x1;
	_ =	strace $0x80000049;
	[dreg:$0x1] =	wrdreg $0xFFFFFFFF  }
0x1f: {  	s28 =	simm.s32 $_size_execute0_lowered;
	s3 =	sadd.s32 s3, s5;
	[dreg:$0x0] =	wrdreg $0x0  }
0x20: {  	s5 =	sshll.u32 s28, $0x1;
	[dreg:$0x2] =	wrdreg s3  }
0x21: {  	[dreg:$0x3] =	wrdreg s5  }
0x22: {  	[dreg:$0x4] =	wrdreg $0xC0  }
0x23: {  	_ =	task [dreg:s7], $0x5FFFF  }
0x24: {  	[dreg:$0x1] =	wrdreg $0xFFFFFFFF  }
0x25: {  	[dreg:$0x0] =	wrdreg $0x60  }
0x26: {  	[dreg:$0x2] =	wrdreg s25  }
0x27: {  	[dreg:$0x3] =	wrdreg s2  }
0x28: {  	[dreg:$0x4] =	wrdreg $0x9  }
0x29: {  	_ =	task.clear_ibuf [dreg:s7], $0x5FFFF;
	_ =	strace $0x90000049  }
0x2a: {  	s29 =	simm.s32 $0x9;
	_ =	strace $0x8000004B  }
0x2b: {  	_ =	swait.ge [sflag:s29], $0x1  }
0x2c: {  	[sflag:s29] =	ssyncadd.s32 $0xFFFFFFFF  }
0x2d: {  	_ =	strace $0x9000004B  }
0x2e: {  	_ =	sfence  }
0x2f: {  	s30 =	sld [smem:$0x0];
	_ =	sdelay $0x2  }
0x30: {  	s31 =	sshll.u32 s1, $0xD;
	s1 =	sshrl.u32 s1, $0x2  }
0x31: {  	s3 =	sand.u32 $0x4000, s31;
	s1 =	sadd.s32 s1, s30  }
0x32: {  	s0 =	sor.u32 s3, s0;
	s1 =	sshll.u32 s1, $0x11  }
0x33: {  	s0 =	sor.u32 s1, s0  }
0x34: {  	s0 =	sadd.s32 $0x8F2B, s0  }
0x35: {  	[sflag:s0] =	ssyncadd.remote.s32 $0x1  }
0x36: {  	_ =	sfence.sel $0xFFFF  }
0x37: {  	[dreg:$0x0] =	wrdreg $0xFFFFFFFF;
	(pc) =	sbr.abs _section_cstart, $3  }
0x38: {  	[dreg:$0x1] =	wrdreg $0xFFFFFFFF  }
0x39: {  	_ =	task.clear_ibuf [dreg:s7], $0x2FFFF;
	_ =	strace $0x9FFFFFFF  }
0x3a: {  	(tm) =	ssettm $0x7FFFFFFF  }
0x3b: {  	_ =	shalt  }
tec
execute0_lowered:
.L_overlay_start_1:
0x0: {  	(tag) =	ssettag $0x1  }
0x1: {  	s0 =	srdreg.scid  }
0x2: {  	s1 =	sshll.u32 s0, $0x4  }
0x3: {  	s0 =	stileid.u32;
	s1 =	sand.u32 $0x10, s1  }
0x4: {  	s1 =	sor.u32 s0, s1  }
0x5: {  	s6 =	rddreg [dreg:$0x0];
	s4 =	simm.s32 $0x1;
	s2 =	sshll.u32 s1, $0x7  }
0x6: {  	s7 =	simm.s32 $0x2;
	s12 =	simm.s32 $0x0;
	s1 =	ssub.s32 $0x1000, s2  }
0x7: {  	s8 =	simm.s32 $0x8000;
	s13 =	simm.s32 $0x0;
	s3 =	sand.u32 $0xF80, s1  }
0x8: {  	s9 =	simm.s32 $0x0;
	s5 =	sshrl.u32 s1, $0xC;
	p0 =	sne.s32 s3, $0x0  }
.Ltmp0:
0x9: {  	s1 =	rddreg [dreg:$0x2];
	s4 =	simm.s32 @!p0 $0x0;
	(pc) =	sbr.rel .LBB1_1-.Ltmp0, $4  }
0xa: {  	s11 =	simm.s32 $0x0;
	s3 =	rddreg [dreg:$0x1];
	s5 =	sadd.s32 s4, s5  }
0xb: {  	_ =	strace $0x8000004A;
	s4 =	simm.s32 $0x1;
	s5 =	smul.u32 $0xC8, s5  }
0xc: {  	s6 =	sadd.s32 $0xA00, s6;
	s10 =	smov.u32 s2;
	[sflag:s4] =	ssyncpa.u1 $0x0  }
0xd: {  	p0 =	por $0x0, $0x0;
	[sflag:s7] =	ssyncpa.u1 $0x0;
	s7 =	sor.u32 $0x1, s5  }
.LBB1_4:
0xe: {  	s16 =	sshll.u32 s13, $0x3;
	s17 =	sand.u32 $0x78, s13  }
0xf: {  	s30 =	sand.u32 $0x3E00, s13;
	s12 =	sshll.u32 s12, $0xE;
	s16 =	sand.u32 $0xC00, s16  }
0x10: {  	s31 =	sand.u32 $0x7, s13;
	s16 =	sor.u32 s17, s16;
	s17 =	sadd.s32 s3, s30  }
0x11: {  	s13 =	sshll.u32 s31, $0x12;
	s16 =	sshrl.u32 s16, $0x3;
	s12 =	sadd.s32 s12, s17  }
0x12: {  	[tilespmem:s15+$0x0 ss:$0x81] =	vst.msk $0xffff, v0;
	s13 =	sor.u32 $0x400, s13;
	s12 =	sadd.s32 s16, s12  }
0x13: {  	[hbm4b:s12+s13] =	stream.strided.scatter [tilespmem:s14], [sflag:$0x2], $0x1000, s8, s13, $0x20;
	[tilespmem:$0x4040] =	vst v63  }
.LBB1_5:
0x14: {  	s14 =	sadd.s32 $0x1, s9  }
0x15: {  	s12 =	sadd.s32 $0x1000, s10;
	s16 =	smov.u32 s10;
	p2 =	sgt.s32 s14, $0xC7  }
0x16: {  	s16 =	smov.u32 @p2 s12  }
0x17: {  	s14 =	simm.s32 @p2 $0x0;
	p2 =	sgt.s32 s16, $0xFFF  }
0x18: {  	s16 =	smov.u32 @p2 s2;
	p2 =	sne.s32 s11, s7  }
.Ltmp1:
0x19: {  	p1 =	slt.u32 s11, $0x2;
	(pc) =	sbr.rel @!p2 .LBB1_6-.Ltmp1, $4  }
0x1a: {  	s15 =	simm.s32 @!p1 $0x2  }
0x1b: {  	s13 =	smov.u32 s10;
	p0 =	por !p0, !p0;
	_ =	swait.ge @!p1 [sflag:s15], $0x1000  }
0x1c: {  	s12 =	smov.u32 s9;
	[sflag:s15] =	ssyncset.done @!p1 $0x0;
	s9 =	smov.u32 s14  }
0x1d: {  	s11 =	sadd.s32 $0x1, s11;
	[sflag:s15] =	ssyncadd.s32 @!p1 $0xFFFFF000;
	s10 =	smov.u32 s16  }
.LBB1_1:
0x1e: {  	p1 =	sge.u32 s11, s5  }
0x1f: {  	s14 =	sand.u32 @!p1 $0x1FFFFFF, s9  }
0x20: {  	s15 =	smulhi.u32 @!p1 $0x147AE15, s14;
	_ =	sdelay $0x1  }
0x21: {  	s15 =	smul.u32 @!p1 $0xC8, s15  }
0x22: {  	s16 =	sxor.u32 @!p1 $0xFFFFFFFF, s11;
	s17 =	smul.u32 @!p1 $0xC80, s10  }
0x23: {  	s31 =	sadd.s32 $0xFFFFFFFF, s11;
	s16 =	sshll.u32 @!p1 s16, $0xC;
	s14 =	ssub.s32 @!p1 s14, s15  }
0x24: {  	s15 =	sand.u32 @!p1 $0x1000, s16;
	s16 =	sadd.s32 @!p1 s6, s17;
	s14 =	sshll.u32 @!p1 s14, $0x4  }
0x25: {  	s17 =	simm.s32 @!p1 $0x6400;
	s14 =	sadd.s32 @!p1 s14, s16;
	s16 =	simm.s32 @!p1 $0x20  }
0x26: {  	[tilespmem:s15], [sflag:$0x1] =	stream.strided.gather @!p1 [hbm4b:s14+s16], $0x1000, s17, s16, $0x38;
	[tilespmem:$0x4040] =	vst v63  }
0x27: {  	p1 =	sge.u32 s31, s5  }
.Ltmp2:
0x28: {  	_ = 	snop;
	(pc) =	sbr.rel @p1 .LBB1_5-.Ltmp2, $1  }
0x29: {  	_ =	sdelay $0x3  }
0x2a: {  	s14 =	simm.s32 $0x1  }
0x2b: {  	_ =	swait.ge [sflag:s4], $0x1000;
	s14 =	simm.s32 @!p0 $0x0  }
0x2c: {  	[sflag:s4] =	ssyncset.done $0x0;
	s15 =	sshll.u32 s14, $0xC  }
0x2d: {  	[sflag:s4] =	ssyncadd.s32 $0xFFFFF000;
	s18 =	sor.u32 $0x10, s15  }
0x2e: {  	s14 =	smul.u32 $0x4080, s14;
	v1 =	vld [tilespmem:s18+$0x0]  }
0x2f: {  	s30 =	sand.u32 $0x1, s11;
	v0 =	vld [tilespmem:s18+$0xFFFFFFF0]  }
0x30: {  	s15 =	smul.u32 $0x4080, s30;
	s14 =	sshrl.u32 s14, $0x2  }
0x31: {  	s16 =	sor.u32 $0x2000, s14  }
0x32: {  	s31 =	sshrl.u32 s15, $0x2;
	s15 =	sadd.s32 $0x0, s16  }
0x33: {  	s17 =	simm.s32 $0x4;
	s18 =	sadd.s32 $0x20, s18;
	s14 =	sor.u32 $0x2000, s31;
	[tilespmem:s15+$0x810 ss:$0x81] =	vst.msk $0xffff, v1  }
.LBB1_3:
0x34: {  	v1 =	vld [tilespmem:s18+$0x0];
	p1 =	sne.s32 s17, $0x1FC;
	[tilespmem:s15+$0x0 ss:$0x81] =	vst.msk $0xffff, v0;
	s15 =	smov.u32 s17;
	s17 =	sadd.s32 $0x4, s17  }
.Ltmp3:
0x35: {  	v0 =	vld [tilespmem:s18+$0xFFFFFFF0];
	(pc) =	sbr.rel @p1 .LBB1_3-.Ltmp3, $4  }
0x36: {  	_ = 	snop  }
0x37: {  	s15 =	sshra.s32 s15, $0x2  }
0x38: {  	s15 =	sadd.s32 s15, s16  }
0x39: {  	s18 =	sadd.s32 $0x20, s18;
	[tilespmem:s15+$0x810 ss:$0x81] =	vst.msk $0xffff, v1  }
.Ltmp4:
0x3a: {  	_ = 	snop;
	(pc) =	sbr.rel .LBB1_4-.Ltmp4, $1  }
0x3b: {  	_ =	sdelay $0x3  }
.LBB1_6:
0x3c: {  	_ =	sfence.sel $0x180000  }
0x3d: {  	s2 =	simm.s32 $0x1;
	[bflag:$0x0] =	sbarrier.arrive $0xFFFF  }
0x3e: {  	s31 =	simm.s32 $0x2;
	[sflag:s2] =	ssyncpa.u1 $0x1  }
0x3f: {  	[sflag:s31] =	ssyncpa.u1 $0x1  }
0x40: {  	p0 =	sne.s32 s0, $0x0;
	_ =	strace $0x9000004A  }
0x41: {  	s0 =	sadd.s32 @!p0 $0x100000, s1;
	[bflag:$0x2] =	sbarrier.arrive $0xFFFF  }
0x42: {  	[sflag:s0] =	ssyncadd.tile.s32 @!p0 $0x1;
	_ =	shalt  }
.Lfunc_end1:
_tile_overlayer_lowered:
.L_overlay_start_2:
0x43: {  	(tag) =	ssettag $0x2  }
0x44: {  	s0 =	rddreg [dreg:$0x0];
	s2 =	stileid.u32  }
0x45: {  	s1 =	rddreg [dreg:$0x1];
	p0 =	sne.s32 s2, $0x0  }
0x46: {  	s3 =	rddreg [dreg:$0x2];
	[bflag:$0x3] =	sbarrier.arrive $0xFFFF;
	s2 =	simm.s32 @!p0 $0x1C01  }
0x47: {  	[timem:s3], [sflag:s2] =	dma.local @!p0 [hbm:s0], s1  }
0x48: {  	s0 =	simm.s32 @!p0 $0x1  }
0x49: {  	_ =	swait.ge @!p0 [sflag:s0], s1  }
0x4a: {  	s1 =	ssub.s32 @!p0 $0x0, s1;
	[sflag:s0] =	ssyncset.done @!p0 $0x0  }
0x4b: {  	[sflag:s0] =	ssyncadd.s32 @!p0 s1  }
0x4c: {  	[bflag:$0x3] =	sbarrier.arrive $0xFFFF  }
0x4d: {  	_ =	shalt  }

</sc_bundles>
